<compile_context>
chip_gen: v7x
topology: tpu7x:2x2x1
jax: 0.10.2.dev20260603
libtpu: 0.0.44.dev20260713+nightly
codegen_flags: <defaults>
</compile_context>

<pallas_src>
import functools

import jax
import jax.numpy as jnp
from jax import lax
from jax.experimental import pallas as pl
from jax.experimental.pallas import tpu as pltpu
from jax.experimental.pallas import tpu_sc as plsc

EPS = 1e-05
AVG_D = 32.0

N = 100000
NUM_FEAT = 100000
D = 16
NUM_CAT = 8
NUM_CON = 4
NW = 32
WSTRIDE = 3200
CH = 64

_mesh = plsc.VectorSubcoreMesh(core_axis_name="c", subcore_axis_name="s")


def _k1_body(cat_ref, con_ref, w128_ref, cw_ref, hflat_out, hh2_out,
             catv, idx_v, sub_v, rows_v, con_v, cw_v,
             h_buf, hh2_buf, sem):
    wid = lax.axis_index("s") * 2 + lax.axis_index("c")
    pltpu.sync_copy(cw_ref, cw_v)
    nrows = jnp.minimum(WSTRIDE, N - wid * WSTRIDE)
    nchunks = lax.div(nrows + CH - 1, CH)
    G = CH * NUM_CAT

    def chunk(k, carry):
        base = jnp.minimum(wid * WSTRIDE + k * CH, N - CH)
        pltpu.sync_copy(cat_ref.at[pl.ds(base * NUM_CAT, G)], catv)

        def mk_idx(i, c):
            v = catv[pl.ds(i * 16, 16)]
            idx_v[pl.ds(i * 16, 16)] = lax.shift_right_logical(v, 3)
            sub_v[pl.ds(i * 16, 16)] = (v & 7) * D
            return c

        lax.fori_loop(0, G // 16, mk_idx, 0)
        pltpu.async_copy(w128_ref.at[idx_v], rows_v, sem).wait()
        pltpu.sync_copy(con_ref.at[pl.ds(base * NUM_CON, CH * NUM_CON)],
                        con_v.at[pl.ds(0, CH * NUM_CON)])

        def node(n, c):
            subs = sub_v[pl.ds(NUM_CAT * n, 16)]
            cons = con_v[pl.ds(NUM_CON * n, 16)]
            acc = jnp.zeros((D,), jnp.float32)
            for j in range(NUM_CAT):
                acc = acc + rows_v[NUM_CAT * n + j, pl.ds(subs[j], D)]
            for kk in range(NUM_CON):
                acc = acc + cons[kk] * cw_v[kk]
            hrow = acc * (1.0 / 12.0)
            sqrow = hrow * hrow
            h_buf[pl.ds(n * D, D)] = hrow
            for r in range(4):
                hh2_buf[pl.ds(n * 128 + r * 2 * D, D)] = hrow
                hh2_buf[pl.ds(n * 128 + r * 2 * D + D, D)] = sqrow
            return c

        lax.fori_loop(0, CH, node, 0)
        pltpu.sync_copy(h_buf, hflat_out.at[pl.ds(base * D, CH * D)])
        pltpu.sync_copy(hh2_buf, hh2_out.at[pl.ds(base * 128, CH * 128)])
        return carry

    lax.fori_loop(0, nchunks, chunk, 0)


def _k1(cat_flat, con_flat, w128, con_w):
    G = CH * NUM_CAT
    f = pl.kernel(
        _k1_body,
        out_type=(
            jax.ShapeDtypeStruct((N * D,), jnp.float32),
            jax.ShapeDtypeStruct((N * 128,), jnp.float32),
        ),
        mesh=_mesh,
        scratch_types=[
            pltpu.VMEM((G,), jnp.int32),
            pltpu.VMEM((G,), jnp.int32),
            pltpu.VMEM((G + 16,), jnp.int32),
            pltpu.VMEM((G, 128), jnp.float32),
            pltpu.VMEM((CH * NUM_CON + 16,), jnp.float32),
            pltpu.VMEM((NUM_CON, D), jnp.float32),
            pltpu.VMEM((CH * D,), jnp.float32),
            pltpu.VMEM((CH * 128,), jnp.float32),
            pltpu.SemaphoreType.DMA,
        ],
    )
    return f(cat_flat, con_flat, w128, con_w)


def _tail_body(mean_ref, mx_ref, s2_ref, h_ref, deg_ref, Wa_ref, ba_ref, Wo_ref, out_ref):
    mean = mean_ref[...]
    mx = mx_ref[...]
    s2 = s2_ref[...]
    h = h_ref[...]
    deg = deg_ref[...]
    std = jnp.sqrt(jax.nn.relu(s2 - mean * mean) + EPS)
    agg = (
        mean @ Wa_ref[0:16, :]
        + mx @ Wa_ref[16:32, :]
        + std @ Wa_ref[32:48, :]
        + ba_ref[...]
    )
    scaler = jnp.log(deg + 1.0) / jnp.log(AVG_D + 1.0)
    agg = agg * scaler
    out_ref[...] = h @ Wo_ref[0:16, :] + agg @ Wo_ref[16:32, :]


def kernel(con, w, con_w, W_agg, b_agg, W_out, cat, edge_index):
    cat_flat = cat.reshape(N * NUM_CAT)
    con_flat = con.reshape(N * NUM_CON)
    w128 = w.reshape(NUM_FEAT * D // 128, 128)
    hflat, hh2_flat = _k1(cat_flat, con_flat, w128, con_w)
    h = hflat.reshape(N, D)
    tab128 = hh2_flat.reshape(N, 128)

    ssum = None
    E = edge_index.shape[1]
    src = edge_index[0]
    dst = edge_index[1]
    m = jnp.take(h, src, axis=0)
    deg = jax.ops.segment_sum(jnp.ones((E,), jnp.float32), dst, num_segments=N)
    deg_c = jnp.maximum(deg, 1.0)
    mean_agg = jax.ops.segment_sum(m, dst, num_segments=N) / deg_c[:, None]
    s2 = jax.ops.segment_sum(m * m, dst, num_segments=N) / deg_c[:, None]
    max_agg = jax.ops.segment_max(m, dst, num_segments=N)
    max_agg = jnp.where(jnp.isfinite(max_agg), max_agg, 0.0)

    BN = 1000
    out = pl.pallas_call(
        _tail_body,
        grid=(N // BN,),
        in_specs=[
            pl.BlockSpec((BN, D), lambda i: (i, 0)),
            pl.BlockSpec((BN, D), lambda i: (i, 0)),
            pl.BlockSpec((BN, D), lambda i: (i, 0)),
            pl.BlockSpec((BN, D), lambda i: (i, 0)),
            pl.BlockSpec((BN, 1), lambda i: (i, 0)),
            pl.BlockSpec((3 * D, D), lambda i: (0, 0)),
            pl.BlockSpec((1, D), lambda i: (0, 0)),
            pl.BlockSpec((2 * D, 1), lambda i: (0, 0)),
        ],
        out_specs=pl.BlockSpec((BN, 1), lambda i: (i, 0)),
        out_shape=jax.ShapeDtypeStruct((N, 1), jnp.float32),
    )(mean_agg, max_agg, s2, h, deg[:, None], W_agg, b_agg[None, :], W_out)
    return out

# --- scband reference (transcript-rebuilt; emitter-appended) ---
"""Pipeline reference for scband-gfs-84284438217444 (READ-ONLY COPY).

The authoritative reference and input builder live on the scoring server;
editing this copy changes nothing except your own understanding.
"""

import jax, jax.numpy as jnp
import numpy as np

EPS = 1e-05
N = 100000
E = 3200000
D = 16
NUM_FEAT = 100000
NUM_CAT = 8
NUM_CON = 4
AVG_D = 32.0


def setup_inputs(seed: int = 0) -> dict:
    key = jax.random.key(seed)
    ks = jax.random.split(key, 8)
    con = jax.random.normal(ks[0], (N, NUM_CON), dtype=jnp.float32)
    cat = jax.random.randint(ks[1], (N, NUM_CAT), 0, NUM_FEAT)
    edge_index = jax.random.randint(ks[2], (2, E), 0, N)
    # learned params
    w = jax.random.normal(ks[3], (NUM_FEAT, D), dtype=jnp.float32) * 0.02      # nn.Embedding(num_feat, embedding_size)
    con_w = jax.random.normal(ks[4], (NUM_CON, D), dtype=jnp.float32) * 0.02   # Con_mod per-column embedding weights
    W_agg = jax.random.normal(ks[5], (3 * D, D), dtype=jnp.float32) * 0.05     # Agg_func MLP over [mean|max|std]
    b_agg = jnp.zeros((D,), jnp.float32)
    W_out = jax.random.normal(ks[6], (2 * D, 1), dtype=jnp.float32) * 0.05     # predictor head (simplified)
    return {"con": con, "w": w, "con_w": con_w, "W_agg": W_agg, "b_agg": b_agg,
            "W_out": W_out, "cat": cat, "edge_index": edge_index}


def reference(con, w, con_w, W_agg, b_agg, W_out, cat, edge_index):
    # --- node feature embedding (Cat via embedding gather, Con via per-column scaling) ---
    cat_feat = jnp.take(w, cat, axis=0)                 # [N, NUM_CAT, D]
    con_feat = con[:, :, None] * con_w[None, :, :]      # [N, NUM_CON, D]
    fields = jnp.concatenate([cat_feat, con_feat], axis=1)
    h = jnp.mean(fields, axis=1)                        # RowEmb_mod mean-mode -> [N, D]

    # --- heterogeneous multi-aggregator message passing (mean, max, std) ---
    src = edge_index[0]
    dst = edge_index[1]
    m = jnp.take(h, src, axis=0)                        # gather src features per edge [E, D]
    ones = jnp.ones((E,), jnp.float32)
    deg = jax.ops.segment_sum(ones, dst, num_segments=N)
    deg_c = jnp.maximum(deg, 1.0)
    s = jax.ops.segment_sum(m, dst, num_segments=N)
    mean_agg = s / deg_c[:, None]
    max_agg = jax.ops.segment_max(m, dst, num_segments=N)
    max_agg = jnp.where(jnp.isfinite(max_agg), max_agg, 0.0)
    s2 = jax.ops.segment_sum(m * m, dst, num_segments=N) / deg_c[:, None]   # fn.copy_u('h2') + mean
    std_agg = jnp.sqrt(jax.nn.relu(s2 - mean_agg * mean_agg) + EPS)

    agg = jnp.concatenate([mean_agg, max_agg, std_agg], axis=1)             # [N, 3D]
    agg = agg @ W_agg + b_agg                                               # Agg_func MLP
    # degree 'amplification' scaler (PNA-style, avg_d from meta_nodes)
    scaler = (jnp.log(deg + 1.0) / jnp.log(AVG_D + 1.0))[:, None]
    agg = agg * scaler

    # --- final concat of raw node embedding + aggregated messages -> predictor head ---
    out = jnp.concatenate([h, agg], axis=1) @ W_out                         # [N, 1]
    return out


if False:  # reference __main__ guard neutralized (emitter)
    inp = setup_inputs()
    o = reference(**inp)
    print(o.shape)

if __name__ == "__main__":
    import jax
    _d = setup_inputs()
    print(jax.jit(kernel)(*tuple(_d.values())))

</pallas_src>

<mosaic_0001>
#map = affine_map<(d0, d1) -> (0)>
#map1 = affine_map<(d0, d1) -> (0, 0)>
module attributes {stable_mosaic.version = 14 : i64} {
  func.func @_k1_body(%arg0: i32, %arg1: i32, %arg2: memref<800000xi32, #tpu.memory_space<hbm>>, %arg3: memref<400000xf32, #tpu.memory_space<hbm>>, %arg4: memref<12500x128xf32, #tpu.memory_space<hbm>>, %arg5: memref<4x16xf32, #tpu.memory_space<hbm>>, %arg6: memref<1600000xf32, #tpu.memory_space<hbm>>, %arg7: memref<12800000xf32, #tpu.memory_space<hbm>>, %arg8: memref<512xi32, #tpu.memory_space<vmem>>, %arg9: memref<512xi32, #tpu.memory_space<vmem>>, %arg10: memref<528xi32, #tpu.memory_space<vmem>>, %arg11: memref<512x128xf32, #tpu.memory_space<vmem>>, %arg12: memref<272xf32, #tpu.memory_space<vmem>>, %arg13: memref<4x16xf32, #tpu.memory_space<vmem>>, %arg14: memref<1024xf32, #tpu.memory_space<vmem>>, %arg15: memref<8192xf32, #tpu.memory_space<vmem>>, %arg16: memref<!tpu.dma_semaphore, #tpu.memory_space<semaphore_mem>>) attributes {dimension_semantics = [#tpu.dimension_semantics<core_parallel>, #tpu.dimension_semantics<subcore_parallel>], iteration_bounds = array<i64: 2, 16>, scalar_prefetch = 0 : i64, scratch_operands = 9 : i64, tpu.core_type = #tpu.core_type<sc_vector_subcore>, window_params = [{transform_indices = #map}, {transform_indices = #map}, {transform_indices = #map1}, {transform_indices = #map1}, {transform_indices = #map}, {transform_indices = #map}]} {
    %mul3A = arith.constant 2 : i32
    %mul3A_0 = arith.muli %arg1, %mul3A : i32
    %add3A = arith.addi %mul3A_0, %arg0 : i32
    "tpu.region"() ({
      %run_scoped3A = tpu.sem_alloc : memref<!tpu.dma_semaphore, #tpu.memory_space<semaphore_mem>>
      tpu.enqueue_dma source(%arg5 : memref<4x16xf32, #tpu.memory_space<hbm>>) target(%arg13 : memref<4x16xf32, #tpu.memory_space<vmem>>) target_semaphore(%run_scoped3A : memref<!tpu.dma_semaphore, #tpu.memory_space<semaphore_mem>>)
      tpu.wait_dma2 semaphore(%run_scoped3A : memref<!tpu.dma_semaphore, #tpu.memory_space<semaphore_mem>>) src(%arg5 : memref<4x16xf32, #tpu.memory_space<hbm>>) dst(%arg13 : memref<4x16xf32, #tpu.memory_space<vmem>>)
      tpu.yield
    }) : () -> ()
    %mul3A_1 = arith.constant 3200 : i32
    %mul3A_2 = arith.muli %add3A, %mul3A_1 : i32
    %sub3A = arith.constant 100000 : i32
    %sub3A_3 = arith.subi %sub3A, %mul3A_2 : i32
    %min3A = arith.constant 3200 : i32
    %min3A_4 = arith.minsi %min3A, %sub3A_3 : i32
    %add3A_5 = arith.constant 64 : i32
    %add3A_6 = arith.addi %min3A_4, %add3A_5 : i32
    %sub3A_7 = arith.constant 1 : i32
    %sub3A_8 = arith.subi %add3A_6, %sub3A_7 : i32
    %div3A = arith.constant 64 : i32
    %div3A_9 = arith.divsi %sub3A_8, %div3A : i32
    %while3A = arith.constant 0 : i32
    %while3A_10 = arith.constant 0 : i32
    %while3A_11 = arith.subi %div3A_9, %while3A_10 : i32
    %while3A_12 = arith.addi %while3A_10, %while3A_11 : i32
    %while3A_13 = arith.constant 1 : i32
    %while3A_14 = arith.divsi %while3A_11, %while3A_13 : i32
    %while3A_15 = arith.muli %while3A_14, %while3A_13 : i32
    %while3A_16 = arith.addi %while3A_10, %while3A_15 : i32
    %while3A_17 = arith.constant 1 : i32
    scf.for %while3A_19 = %while3A_10 to %while3A_16 step %while3A_17  : i32 {
      %mul3A_20 = arith.constant 3200 : i32
      %mul3A_21 = arith.muli %add3A, %mul3A_20 : i32
      %mul3A_22 = arith.constant 64 : i32
      %mul3A_23 = arith.muli %while3A_19, %mul3A_22 : i32
      %add3A_24 = arith.addi %mul3A_21, %mul3A_23 : i32
      %min3A_25 = arith.constant 99936 : i32
      %min3A_26 = arith.minsi %add3A_24, %min3A_25 : i32
      %mul3A_27 = arith.constant 8 : i32
      %mul3A_28 = arith.muli %min3A_26, %mul3A_27 : i32
      "tpu.region"() ({
        %run_scoped3A = tpu.sem_alloc : memref<!tpu.dma_semaphore, #tpu.memory_space<semaphore_mem>>
        %dma_start3A_50 = tpu.memref_slice %arg2[%mul3A_28] : memref<800000xi32, #tpu.memory_space<hbm>> -> memref<512xi32, #tpu.memory_space<hbm>>
        %dma_start3A_51 = tpu.memref_slice %arg2[%mul3A_28] : memref<800000xi32, #tpu.memory_space<hbm>> -> memref<512xi32, #tpu.memory_space<hbm>>
        tpu.enqueue_dma source(%dma_start3A_51 : memref<512xi32, #tpu.memory_space<hbm>>) target(%arg8 : memref<512xi32, #tpu.memory_space<vmem>>) target_semaphore(%run_scoped3A : memref<!tpu.dma_semaphore, #tpu.memory_space<semaphore_mem>>)
        %dma_wait3A_52 = tpu.memref_slice %arg2[%mul3A_28] : memref<800000xi32, #tpu.memory_space<hbm>> -> memref<512xi32, #tpu.memory_space<hbm>>
        %dma_wait3A_53 = tpu.memref_slice %arg2[%mul3A_28] : memref<800000xi32, #tpu.memory_space<hbm>> -> memref<512xi32, #tpu.memory_space<hbm>>
        tpu.wait_dma2 semaphore(%run_scoped3A : memref<!tpu.dma_semaphore, #tpu.memory_space<semaphore_mem>>) src(%dma_wait3A_53 : memref<512xi32, #tpu.memory_space<hbm>>) dst(%arg8 : memref<512xi32, #tpu.memory_space<vmem>>)
        tpu.yield
      }) : () -> ()
      %scan3A = arith.constant 0 : i32
      %scan3A_29 = arith.constant 0 : i32
      %scan3A_30 = arith.constant 32 : i32
      %scan3A_31 = arith.addi %scan3A_29, %scan3A_30 : i32
      %scan3A_32 = arith.constant 1 : i32
      scf.for %scan3A_50 = %scan3A_29 to %scan3A_31 step %scan3A_32  : i32 {
        %mul3A_51 = arith.constant 16 : i32
        %mul3A_52 = arith.muli %scan3A_50, %mul3A_51 : i32
        %get3A = arith.index_cast %mul3A_52 : i32 to index
        %get3A_53 = tpu.vector_load %arg8[%get3A] {strides = array<i32>} : memref<512xi32, #tpu.memory_space<vmem>>, vector<16xi32>,
        %get3A_54 = vector.shape_cast %get3A_53 : vector<16xi32> to vector<16xi32>
        %shift_right_logical3A = arith.constant 3 : i32
        %shift_right_logical3A_55 = vector.broadcast %shift_right_logical3A : i32 to vector<16xi32>
        %shift_right_logical3A_56 = arith.shrui %get3A_54, %shift_right_logical3A_55 : vector<16xi32>
        %mul3A_57 = arith.constant 16 : i32
        %mul3A_58 = arith.muli %scan3A_50, %mul3A_57 : i32
        %swap3A = arith.index_cast %mul3A_58 : i32 to index
        %swap3A_59 = tpu.vector_load %arg9[%swap3A] {strides = array<i32>} : memref<512xi32, #tpu.memory_space<vmem>>, vector<16xi32>,
        %swap3A_60 = vector.shape_cast %swap3A_59 : vector<16xi32> to vector<16xi32>
        %swap3A_61 = vector.shape_cast %shift_right_logical3A_56 : vector<16xi32> to vector<16xi32>
        tpu.vector_store %arg9[%swap3A], %swap3A_61 {strides = array<i32>} : memref<512xi32, #tpu.memory_space<vmem>>, vector<16xi32>,
        %and3A = arith.constant 7 : i32
        %and3A_62 = vector.broadcast %and3A : i32 to vector<16xi32>
        %and3A_63 = arith.andi %get3A_54, %and3A_62 : vector<16xi32>
        %mul3A_64 = arith.constant 16 : i32
        %mul3A_65 = vector.broadcast %mul3A_64 : i32 to vector<16xi32>
        %mul3A_66 = arith.muli %and3A_63, %mul3A_65 : vector<16xi32>
        %mul3A_67 = arith.constant 16 : i32
        %mul3A_68 = arith.muli %scan3A_50, %mul3A_67 : i32
        %swap3A_69 = arith.index_cast %mul3A_68 : i32 to index
        %swap3A_70 = tpu.vector_load %arg10[%swap3A_69] {strides = array<i32>} : memref<528xi32, #tpu.memory_space<vmem>>, vector<16xi32>,
        %swap3A_71 = vector.shape_cast %swap3A_70 : vector<16xi32> to vector<16xi32>
        %swap3A_72 = vector.shape_cast %mul3A_66 : vector<16xi32> to vector<16xi32>
        tpu.vector_store %arg10[%swap3A_69], %swap3A_72 {strides = array<i32>} : memref<528xi32, #tpu.memory_space<vmem>>, vector<16xi32>,
      }
      %scan3A_33 = arith.constant 32 : i32
      %dma_start3A = arith.constant 0 : i32
      %dma_start3A_34 = arith.constant 0 : i32
      %dma_start3A_35 = tpu.memref_slice %arg4[%dma_start3A, %dma_start3A_34] : memref<12500x128xf32, #tpu.memory_space<hbm>> -> memref<12500x128xf32, #tpu.memory_space<hbm>>
      tpu.enqueue_indirect_dma source(%dma_start3A_35 : memref<12500x128xf32, #tpu.memory_space<hbm>>) target(%arg11 : memref<512x128xf32, #tpu.memory_space<vmem>>) offsets(%arg9 : memref<512xi32, #tpu.memory_space<vmem>>) semaphore(%arg16 : memref<!tpu.dma_semaphore, #tpu.memory_space<semaphore_mem>>)
      %dma_wait3A = arith.constant 0 : i32
      %dma_wait3A_36 = arith.constant 0 : i32
      %dma_wait3A_37 = tpu.memref_slice %arg4[%dma_wait3A, %dma_wait3A_36] : memref<12500x128xf32, #tpu.memory_space<hbm>> -> memref<12500x128xf32, #tpu.memory_space<hbm>>
      tpu.wait_indirect_dma semaphore(%arg16 : memref<!tpu.dma_semaphore, #tpu.memory_space<semaphore_mem>>) src(%dma_wait3A_37 : memref<12500x128xf32, #tpu.memory_space<hbm>>) dst(%arg11 : memref<512x128xf32, #tpu.memory_space<vmem>>)
      %mul3A_38 = arith.constant 4 : i32
      %mul3A_39 = arith.muli %min3A_26, %mul3A_38 : i32
      "tpu.region"() ({
        %run_scoped3A = tpu.sem_alloc : memref<!tpu.dma_semaphore, #tpu.memory_space<semaphore_mem>>
        %dma_start3A_50 = arith.constant 0 : i32
        %dma_start3A_51 = tpu.memref_slice %arg12[%dma_start3A_50] : memref<272xf32, #tpu.memory_space<vmem>> -> memref<256xf32, #tpu.memory_space<vmem>>
        %dma_start3A_52 = tpu.memref_slice %arg3[%mul3A_39] : memref<400000xf32, #tpu.memory_space<hbm>> -> memref<256xf32, #tpu.memory_space<hbm>>
        %dma_start3A_53 = arith.constant 0 : i32
        %dma_start3A_54 = tpu.memref_slice %arg12[%dma_start3A_53] : memref<272xf32, #tpu.memory_space<vmem>> -> memref<256xf32, #tpu.memory_space<vmem>>
        %dma_start3A_55 = tpu.memref_slice %arg3[%mul3A_39] : memref<400000xf32, #tpu.memory_space<hbm>> -> memref<256xf32, #tpu.memory_space<hbm>>
        tpu.enqueue_dma source(%dma_start3A_55 : memref<256xf32, #tpu.memory_space<hbm>>) target(%dma_start3A_54 : memref<256xf32, #tpu.memory_space<vmem>>) target_semaphore(%run_scoped3A : memref<!tpu.dma_semaphore, #tpu.memory_space<semaphore_mem>>)
        %dma_wait3A_56 = arith.constant 0 : i32
        %dma_wait3A_57 = tpu.memref_slice %arg12[%dma_wait3A_56] : memref<272xf32, #tpu.memory_space<vmem>> -> memref<256xf32, #tpu.memory_space<vmem>>
        %dma_wait3A_58 = tpu.memref_slice %arg3[%mul3A_39] : memref<400000xf32, #tpu.memory_space<hbm>> -> memref<256xf32, #tpu.memory_space<hbm>>
        %dma_wait3A_59 = arith.constant 0 : i32
        %dma_wait3A_60 = tpu.memref_slice %arg12[%dma_wait3A_59] : memref<272xf32, #tpu.memory_space<vmem>> -> memref<256xf32, #tpu.memory_space<vmem>>
        %dma_wait3A_61 = tpu.memref_slice %arg3[%mul3A_39] : memref<400000xf32, #tpu.memory_space<hbm>> -> memref<256xf32, #tpu.memory_space<hbm>>
        tpu.wait_dma2 semaphore(%run_scoped3A : memref<!tpu.dma_semaphore, #tpu.memory_space<semaphore_mem>>) src(%dma_wait3A_61 : memref<256xf32, #tpu.memory_space<hbm>>) dst(%dma_wait3A_60 : memref<256xf32, #tpu.memory_space<vmem>>)
        tpu.yield
      }) : () -> ()
      %scan3A_40 = arith.constant 0 : i32
      %scan3A_41 = arith.constant 0 : i32
      %scan3A_42 = arith.constant 64 : i32
      %scan3A_43 = arith.addi %scan3A_41, %scan3A_42 : i32
      %scan3A_44 = arith.constant 1 : i32
      scf.for %scan3A_50 = %scan3A_41 to %scan3A_43 step %scan3A_44  : i32 {
        %mul3A_51 = arith.constant 8 : i32
        %mul3A_52 = arith.muli %mul3A_51, %scan3A_50 : i32
        %get3A = arith.index_cast %mul3A_52 : i32 to index
        %get3A_53 = tpu.vector_load %arg10[%get3A] {strides = array<i32>} : memref<528xi32, #tpu.memory_space<vmem>>, vector<16xi32>,
        %get3A_54 = vector.shape_cast %get3A_53 : vector<16xi32> to vector<16xi32>
        %mul3A_55 = arith.constant 4 : i32
        %mul3A_56 = arith.muli %mul3A_55, %scan3A_50 : i32
        %get3A_57 = arith.index_cast %mul3A_56 : i32 to index
        %get3A_58 = tpu.vector_load %arg12[%get3A_57] {strides = array<i32>} : memref<272xf32, #tpu.memory_space<vmem>>, vector<16xf32>,
        %get3A_59 = vector.shape_cast %get3A_58 : vector<16xf32> to vector<16xf32>
        %broadcast_in_dim3A = arith.constant 0.000000e+00 : f32
        %broadcast_in_dim3A_60 = vector.broadcast %broadcast_in_dim3A : f32 to vector<16xf32>
        %mul3A_61 = arith.constant 8 : i32
        %mul3A_62 = arith.muli %mul3A_61, %scan3A_50 : i32
        %add3A_63 = arith.constant 0 : i32
        %add3A_64 = arith.addi %mul3A_62, %add3A_63 : i32
        %slice3A = vector.extract_strided_slice %get3A_54 {offsets = [0], sizes = [1], strides = [1]} : vector<16xi32> to vector<1xi32>
        %squeeze3A = vector.extract %slice3A[0] : i32 from vector<1xi32>
        %get3A_65 = arith.index_cast %add3A_64 : i32 to index
        %get3A_66 = arith.index_cast %squeeze3A : i32 to index
        %get3A_67 = tpu.vector_load %arg11[%get3A_65, %get3A_66] {strides = array<i32>} : memref<512x128xf32, #tpu.memory_space<vmem>>, vector<1x16xf32>,
        %get3A_68 = vector.shape_cast %get3A_67 : vector<1x16xf32> to vector<16xf32>
        %add3A_69 = arith.addf %broadcast_in_dim3A_60, %get3A_68 : vector<16xf32>
        %mul3A_70 = arith.constant 8 : i32
        %mul3A_71 = arith.muli %mul3A_70, %scan3A_50 : i32
        %add3A_72 = arith.constant 1 : i32
        %add3A_73 = arith.addi %mul3A_71, %add3A_72 : i32
        %slice3A_74 = vector.extract_strided_slice %get3A_54 {offsets = [1], sizes = [1], strides = [1]} : vector<16xi32> to vector<1xi32>
        %squeeze3A_75 = vector.extract %slice3A_74[0] : i32 from vector<1xi32>
        %get3A_76 = arith.index_cast %add3A_73 : i32 to index
        %get3A_77 = arith.index_cast %squeeze3A_75 : i32 to index
        %get3A_78 = tpu.vector_load %arg11[%get3A_76, %get3A_77] {strides = array<i32>} : memref<512x128xf32, #tpu.memory_space<vmem>>, vector<1x16xf32>,
        %get3A_79 = vector.shape_cast %get3A_78 : vector<1x16xf32> to vector<16xf32>
        %add3A_80 = arith.addf %add3A_69, %get3A_79 : vector<16xf32>
        %mul3A_81 = arith.constant 8 : i32
        %mul3A_82 = arith.muli %mul3A_81, %scan3A_50 : i32
        %add3A_83 = arith.constant 2 : i32
        %add3A_84 = arith.addi %mul3A_82, %add3A_83 : i32
        %slice3A_85 = vector.extract_strided_slice %get3A_54 {offsets = [2], sizes = [1], strides = [1]} : vector<16xi32> to vector<1xi32>
        %squeeze3A_86 = vector.extract %slice3A_85[0] : i32 from vector<1xi32>
        %get3A_87 = arith.index_cast %add3A_84 : i32 to index
        %get3A_88 = arith.index_cast %squeeze3A_86 : i32 to index
        %get3A_89 = tpu.vector_load %arg11[%get3A_87, %get3A_88] {strides = array<i32>} : memref<512x128xf32, #tpu.memory_space<vmem>>, vector<1x16xf32>,
        %get3A_90 = vector.shape_cast %get3A_89 : vector<1x16xf32> to vector<16xf32>
        %add3A_91 = arith.addf %add3A_80, %get3A_90 : vector<16xf32>
        %mul3A_92 = arith.constant 8 : i32
        %mul3A_93 = arith.muli %mul3A_92, %scan3A_50 : i32
        %add3A_94 = arith.constant 3 : i32
        %add3A_95 = arith.addi %mul3A_93, %add3A_94 : i32
        %slice3A_96 = vector.extract_strided_slice %get3A_54 {offsets = [3], sizes = [1], strides = [1]} : vector<16xi32> to vector<1xi32>
        %squeeze3A_97 = vector.extract %slice3A_96[0] : i32 from vector<1xi32>
        %get3A_98 = arith.index_cast %add3A_95 : i32 to index
        %get3A_99 = arith.index_cast %squeeze3A_97 : i32 to index
        %get3A_100 = tpu.vector_load %arg11[%get3A_98, %get3A_99] {strides = array<i32>} : memref<512x128xf32, #tpu.memory_space<vmem>>, vector<1x16xf32>,
        %get3A_101 = vector.shape_cast %get3A_100 : vector<1x16xf32> to vector<16xf32>
        %add3A_102 = arith.addf %add3A_91, %get3A_101 : vector<16xf32>
        %mul3A_103 = arith.constant 8 : i32
        %mul3A_104 = arith.muli %mul3A_103, %scan3A_50 : i32
        %add3A_105 = arith.constant 4 : i32
        %add3A_106 = arith.addi %mul3A_104, %add3A_105 : i32
        %slice3A_107 = vector.extract_strided_slice %get3A_54 {offsets = [4], sizes = [1], strides = [1]} : vector<16xi32> to vector<1xi32>
        %squeeze3A_108 = vector.extract %slice3A_107[0] : i32 from vector<1xi32>
        %get3A_109 = arith.index_cast %add3A_106 : i32 to index
        %get3A_110 = arith.index_cast %squeeze3A_108 : i32 to index
        %get3A_111 = tpu.vector_load %arg11[%get3A_109, %get3A_110] {strides = array<i32>} : memref<512x128xf32, #tpu.memory_space<vmem>>, vector<1x16xf32>,
        %get3A_112 = vector.shape_cast %get3A_111 : vector<1x16xf32> to vector<16xf32>
        %add3A_113 = arith.addf %add3A_102, %get3A_112 : vector<16xf32>
        %mul3A_114 = arith.constant 8 : i32
        %mul3A_115 = arith.muli %mul3A_114, %scan3A_50 : i32
        %add3A_116 = arith.constant 5 : i32
        %add3A_117 = arith.addi %mul3A_115, %add3A_116 : i32
        %slice3A_118 = vector.extract_strided_slice %get3A_54 {offsets = [5], sizes = [1], strides = [1]} : vector<16xi32> to vector<1xi32>
        %squeeze3A_119 = vector.extract %slice3A_118[0] : i32 from vector<1xi32>
        %get3A_120 = arith.index_cast %add3A_117 : i32 to index
        %get3A_121 = arith.index_cast %squeeze3A_119 : i32 to index
        %get3A_122 = tpu.vector_load %arg11[%get3A_120, %get3A_121] {strides = array<i32>} : memref<512x128xf32, #tpu.memory_space<vmem>>, vector<1x16xf32>,
        %get3A_123 = vector.shape_cast %get3A_122 : vector<1x16xf32> to vector<16xf32>
        %add3A_124 = arith.addf %add3A_113, %get3A_123 : vector<16xf32>
        %mul3A_125 = arith.constant 8 : i32
        %mul3A_126 = arith.muli %mul3A_125, %scan3A_50 : i32
        %add3A_127 = arith.constant 6 : i32
        %add3A_128 = arith.addi %mul3A_126, %add3A_127 : i32
        %slice3A_129 = vector.extract_strided_slice %get3A_54 {offsets = [6], sizes = [1], strides = [1]} : vector<16xi32> to vector<1xi32>
        %squeeze3A_130 = vector.extract %slice3A_129[0] : i32 from vector<1xi32>
        %get3A_131 = arith.index_cast %add3A_128 : i32 to index
        %get3A_132 = arith.index_cast %squeeze3A_130 : i32 to index
        %get3A_133 = tpu.vector_load %arg11[%get3A_131, %get3A_132] {strides = array<i32>} : memref<512x128xf32, #tpu.memory_space<vmem>>, vector<1x16xf32>,
        %get3A_134 = vector.shape_cast %get3A_133 : vector<1x16xf32> to vector<16xf32>
        %add3A_135 = arith.addf %add3A_124, %get3A_134 : vector<16xf32>
        %mul3A_136 = arith.constant 8 : i32
        %mul3A_137 = arith.muli %mul3A_136, %scan3A_50 : i32
        %add3A_138 = arith.constant 7 : i32
        %add3A_139 = arith.addi %mul3A_137, %add3A_138 : i32
        %slice3A_140 = vector.extract_strided_slice %get3A_54 {offsets = [7], sizes = [1], strides = [1]} : vector<16xi32> to vector<1xi32>
        %squeeze3A_141 = vector.extract %slice3A_140[0] : i32 from vector<1xi32>
        %get3A_142 = arith.index_cast %add3A_139 : i32 to index
        %get3A_143 = arith.index_cast %squeeze3A_141 : i32 to index
        %get3A_144 = tpu.vector_load %arg11[%get3A_142, %get3A_143] {strides = array<i32>} : memref<512x128xf32, #tpu.memory_space<vmem>>, vector<1x16xf32>,
        %get3A_145 = vector.shape_cast %get3A_144 : vector<1x16xf32> to vector<16xf32>
        %add3A_146 = arith.addf %add3A_135, %get3A_145 : vector<16xf32>
        %slice3A_147 = vector.extract_strided_slice %get3A_59 {offsets = [0], sizes = [1], strides = [1]} : vector<16xf32> to vector<1xf32>
        %squeeze3A_148 = vector.extract %slice3A_147[0] : f32 from vector<1xf32>
        %get3A_149 = arith.constant 0 : i32
        %get3A_150 = arith.index_cast %get3A_149 : i32 to index
        %get3A_151 = arith.constant 0 : index
        %get3A_152 = tpu.vector_load %arg13[%get3A_150, %get3A_151] {strides = array<i32>} : memref<4x16xf32, #tpu.memory_space<vmem>>, vector<1x16xf32>,
        %get3A_153 = vector.shape_cast %get3A_152 : vector<1x16xf32> to vector<16xf32>
        %mul3A_154 = vector.broadcast %squeeze3A_148 : f32 to vector<16xf32>
        %mul3A_155 = arith.mulf %mul3A_154, %get3A_153 : vector<16xf32>
        %add3A_156 = arith.addf %add3A_146, %mul3A_155 : vector<16xf32>
        %slice3A_157 = vector.extract_strided_slice %get3A_59 {offsets = [1], sizes = [1], strides = [1]} : vector<16xf32> to vector<1xf32>
        %squeeze3A_158 = vector.extract %slice3A_157[0] : f32 from vector<1xf32>
        %get3A_159 = arith.constant 1 : i32
        %get3A_160 = arith.index_cast %get3A_159 : i32 to index
        %get3A_161 = arith.constant 0 : index
        %get3A_162 = tpu.vector_load %arg13[%get3A_160, %get3A_161] {strides = array<i32>} : memref<4x16xf32, #tpu.memory_space<vmem>>, vector<1x16xf32>,
        %get3A_163 = vector.shape_cast %get3A_162 : vector<1x16xf32> to vector<16xf32>
        %mul3A_164 = vector.broadcast %squeeze3A_158 : f32 to vector<16xf32>
        %mul3A_165 = arith.mulf %mul3A_164, %get3A_163 : vector<16xf32>
        %add3A_166 = arith.addf %add3A_156, %mul3A_165 : vector<16xf32>
        %slice3A_167 = vector.extract_strided_slice %get3A_59 {offsets = [2], sizes = [1], strides = [1]} : vector<16xf32> to vector<1xf32>
        %squeeze3A_168 = vector.extract %slice3A_167[0] : f32 from vector<1xf32>
        %get3A_169 = arith.constant 2 : i32
        %get3A_170 = arith.index_cast %get3A_169 : i32 to index
        %get3A_171 = arith.constant 0 : index
        %get3A_172 = tpu.vector_load %arg13[%get3A_170, %get3A_171] {strides = array<i32>} : memref<4x16xf32, #tpu.memory_space<vmem>>, vector<1x16xf32>,
        %get3A_173 = vector.shape_cast %get3A_172 : vector<1x16xf32> to vector<16xf32>
        %mul3A_174 = vector.broadcast %squeeze3A_168 : f32 to vector<16xf32>
        %mul3A_175 = arith.mulf %mul3A_174, %get3A_173 : vector<16xf32>
        %add3A_176 = arith.addf %add3A_166, %mul3A_175 : vector<16xf32>
        %slice3A_177 = vector.extract_strided_slice %get3A_59 {offsets = [3], sizes = [1], strides = [1]} : vector<16xf32> to vector<1xf32>
        %squeeze3A_178 = vector.extract %slice3A_177[0] : f32 from vector<1xf32>
        %get3A_179 = arith.constant 3 : i32
        %get3A_180 = arith.index_cast %get3A_179 : i32 to index
        %get3A_181 = arith.constant 0 : index
        %get3A_182 = tpu.vector_load %arg13[%get3A_180, %get3A_181] {strides = array<i32>} : memref<4x16xf32, #tpu.memory_space<vmem>>, vector<1x16xf32>,
        %get3A_183 = vector.shape_cast %get3A_182 : vector<1x16xf32> to vector<16xf32>
        %mul3A_184 = vector.broadcast %squeeze3A_178 : f32 to vector<16xf32>
        %mul3A_185 = arith.mulf %mul3A_184, %get3A_183 : vector<16xf32>
        %add3A_186 = arith.addf %add3A_176, %mul3A_185 : vector<16xf32>
        %mul3A_187 = arith.constant 0.0833333358 : f32
        %mul3A_188 = vector.broadcast %mul3A_187 : f32 to vector<16xf32>
        %mul3A_189 = arith.mulf %add3A_186, %mul3A_188 : vector<16xf32>
        %mul3A_190 = arith.mulf %mul3A_189, %mul3A_189 : vector<16xf32>
        %mul3A_191 = arith.constant 16 : i32
        %mul3A_192 = arith.muli %scan3A_50, %mul3A_191 : i32
        %swap3A = arith.index_cast %mul3A_192 : i32 to index
        %swap3A_193 = tpu.vector_load %arg14[%swap3A] {strides = array<i32>} : memref<1024xf32, #tpu.memory_space<vmem>>, vector<16xf32>,
        %swap3A_194 = vector.shape_cast %swap3A_193 : vector<16xf32> to vector<16xf32>
        %swap3A_195 = vector.shape_cast %mul3A_189 : vector<16xf32> to vector<16xf32>
        tpu.vector_store %arg14[%swap3A], %swap3A_195 {strides = array<i32>} : memref<1024xf32, #tpu.memory_space<vmem>>, vector<16xf32>,
        %mul3A_196 = arith.constant 128 : i32
        %mul3A_197 = arith.muli %scan3A_50, %mul3A_196 : i32
        %add3A_198 = arith.constant 0 : i32
        %add3A_199 = arith.addi %mul3A_197, %add3A_198 : i32
        %swap3A_200 = arith.index_cast %add3A_199 : i32 to index
        %swap3A_201 = tpu.vector_load %arg15[%swap3A_200] {strides = array<i32>} : memref<8192xf32, #tpu.memory_space<vmem>>, vector<16xf32>,
        %swap3A_202 = vector.shape_cast %swap3A_201 : vector<16xf32> to vector<16xf32>
        %swap3A_203 = vector.shape_cast %mul3A_189 : vector<16xf32> to vector<16xf32>
        tpu.vector_store %arg15[%swap3A_200], %swap3A_203 {strides = array<i32>} : memref<8192xf32, #tpu.memory_space<vmem>>, vector<16xf32>,
        %mul3A_204 = arith.constant 128 : i32
        %mul3A_205 = arith.muli %scan3A_50, %mul3A_204 : i32
        %add3A_206 = arith.constant 0 : i32
        %add3A_207 = arith.addi %mul3A_205, %add3A_206 : i32
        %add3A_208 = arith.constant 16 : i32
        %add3A_209 = arith.addi %add3A_207, %add3A_208 : i32
        %swap3A_210 = arith.index_cast %add3A_209 : i32 to index
        %swap3A_211 = tpu.vector_load %arg15[%swap3A_210] {strides = array<i32>} : memref<8192xf32, #tpu.memory_space<vmem>>, vector<16xf32>,
        %swap3A_212 = vector.shape_cast %swap3A_211 : vector<16xf32> to vector<16xf32>
        %swap3A_213 = vector.shape_cast %mul3A_190 : vector<16xf32> to vector<16xf32>
        tpu.vector_store %arg15[%swap3A_210], %swap3A_213 {strides = array<i32>} : memref<8192xf32, #tpu.memory_space<vmem>>, vector<16xf32>,
        %mul3A_214 = arith.constant 128 : i32
        %mul3A_215 = arith.muli %scan3A_50, %mul3A_214 : i32
        %add3A_216 = arith.constant 32 : i32
        %add3A_217 = arith.addi %mul3A_215, %add3A_216 : i32
        %swap3A_218 = arith.index_cast %add3A_217 : i32 to index
        %swap3A_219 = tpu.vector_load %arg15[%swap3A_218] {strides = array<i32>} : memref<8192xf32, #tpu.memory_space<vmem>>, vector<16xf32>,
        %swap3A_220 = vector.shape_cast %swap3A_219 : vector<16xf32> to vector<16xf32>
        %swap3A_221 = vector.shape_cast %mul3A_189 : vector<16xf32> to vector<16xf32>
        tpu.vector_store %arg15[%swap3A_218], %swap3A_221 {strides = array<i32>} : memref<8192xf32, #tpu.memory_space<vmem>>, vector<16xf32>,
        %mul3A_222 = arith.constant 128 : i32
        %mul3A_223 = arith.muli %scan3A_50, %mul3A_222 : i32
        %add3A_224 = arith.constant 32 : i32
        %add3A_225 = arith.addi %mul3A_223, %add3A_224 : i32
        %add3A_226 = arith.constant 16 : i32
        %add3A_227 = arith.addi %add3A_225, %add3A_226 : i32
        %swap3A_228 = arith.index_cast %add3A_227 : i32 to index
        %swap3A_229 = tpu.vector_load %arg15[%swap3A_228] {strides = array<i32>} : memref<8192xf32, #tpu.memory_space<vmem>>, vector<16xf32>,
        %swap3A_230 = vector.shape_cast %swap3A_229 : vector<16xf32> to vector<16xf32>
        %swap3A_231 = vector.shape_cast %mul3A_190 : vector<16xf32> to vector<16xf32>
        tpu.vector_store %arg15[%swap3A_228], %swap3A_231 {strides = array<i32>} : memref<8192xf32, #tpu.memory_space<vmem>>, vector<16xf32>,
        %mul3A_232 = arith.constant 128 : i32
        %mul3A_233 = arith.muli %scan3A_50, %mul3A_232 : i32
        %add3A_234 = arith.constant 64 : i32
        %add3A_235 = arith.addi %mul3A_233, %add3A_234 : i32
        %swap3A_236 = arith.index_cast %add3A_235 : i32 to index
        %swap3A_237 = tpu.vector_load %arg15[%swap3A_236] {strides = array<i32>} : memref<8192xf32, #tpu.memory_space<vmem>>, vector<16xf32>,
        %swap3A_238 = vector.shape_cast %swap3A_237 : vector<16xf32> to vector<16xf32>
        %swap3A_239 = vector.shape_cast %mul3A_189 : vector<16xf32> to vector<16xf32>
        tpu.vector_store %arg15[%swap3A_236], %swap3A_239 {strides = array<i32>} : memref<8192xf32, #tpu.memory_space<vmem>>, vector<16xf32>,
        %mul3A_240 = arith.constant 128 : i32
        %mul3A_241 = arith.muli %scan3A_50, %mul3A_240 : i32
        %add3A_242 = arith.constant 64 : i32
        %add3A_243 = arith.addi %mul3A_241, %add3A_242 : i32
        %add3A_244 = arith.constant 16 : i32
        %add3A_245 = arith.addi %add3A_243, %add3A_244 : i32
        %swap3A_246 = arith.index_cast %add3A_245 : i32 to index
        %swap3A_247 = tpu.vector_load %arg15[%swap3A_246] {strides = array<i32>} : memref<8192xf32, #tpu.memory_space<vmem>>, vector<16xf32>,
        %swap3A_248 = vector.shape_cast %swap3A_247 : vector<16xf32> to vector<16xf32>
        %swap3A_249 = vector.shape_cast %mul3A_190 : vector<16xf32> to vector<16xf32>
        tpu.vector_store %arg15[%swap3A_246], %swap3A_249 {strides = array<i32>} : memref<8192xf32, #tpu.memory_space<vmem>>, vector<16xf32>,
        %mul3A_250 = arith.constant 128 : i32
        %mul3A_251 = arith.muli %scan3A_50, %mul3A_250 : i32
        %add3A_252 = arith.constant 96 : i32
        %add3A_253 = arith.addi %mul3A_251, %add3A_252 : i32
        %swap3A_254 = arith.index_cast %add3A_253 : i32 to index
        %swap3A_255 = tpu.vector_load %arg15[%swap3A_254] {strides = array<i32>} : memref<8192xf32, #tpu.memory_space<vmem>>, vector<16xf32>,
        %swap3A_256 = vector.shape_cast %swap3A_255 : vector<16xf32> to vector<16xf32>
        %swap3A_257 = vector.shape_cast %mul3A_189 : vector<16xf32> to vector<16xf32>
        tpu.vector_store %arg15[%swap3A_254], %swap3A_257 {strides = array<i32>} : memref<8192xf32, #tpu.memory_space<vmem>>, vector<16xf32>,
        %mul3A_258 = arith.constant 128 : i32
        %mul3A_259 = arith.muli %scan3A_50, %mul3A_258 : i32
        %add3A_260 = arith.constant 96 : i32
        %add3A_261 = arith.addi %mul3A_259, %add3A_260 : i32
        %add3A_262 = arith.constant 16 : i32
        %add3A_263 = arith.addi %add3A_261, %add3A_262 : i32
        %swap3A_264 = arith.index_cast %add3A_263 : i32 to index
        %swap3A_265 = tpu.vector_load %arg15[%swap3A_264] {strides = array<i32>} : memref<8192xf32, #tpu.memory_space<vmem>>, vector<16xf32>,
        %swap3A_266 = vector.shape_cast %swap3A_265 : vector<16xf32> to vector<16xf32>
        %swap3A_267 = vector.shape_cast %mul3A_190 : vector<16xf32> to vector<16xf32>
        tpu.vector_store %arg15[%swap3A_264], %swap3A_267 {strides = array<i32>} : memref<8192xf32, #tpu.memory_space<vmem>>, vector<16xf32>,
      }
      %scan3A_45 = arith.constant 64 : i32
      %mul3A_46 = arith.constant 16 : i32
      %mul3A_47 = arith.muli %min3A_26, %mul3A_46 : i32
      "tpu.region"() ({
        %run_scoped3A = tpu.sem_alloc : memref<!tpu.dma_semaphore, #tpu.memory_space<semaphore_mem>>
        %dma_start3A_50 = tpu.memref_slice %arg6[%mul3A_47] : memref<1600000xf32, #tpu.memory_space<hbm>> -> memref<1024xf32, #tpu.memory_space<hbm>>
        %dma_start3A_51 = tpu.memref_slice %arg6[%mul3A_47] : memref<1600000xf32, #tpu.memory_space<hbm>> -> memref<1024xf32, #tpu.memory_space<hbm>>
        tpu.enqueue_dma source(%arg14 : memref<1024xf32, #tpu.memory_space<vmem>>) target(%dma_start3A_51 : memref<1024xf32, #tpu.memory_space<hbm>>) target_semaphore(%run_scoped3A : memref<!tpu.dma_semaphore, #tpu.memory_space<semaphore_mem>>)
        %dma_wait3A_52 = tpu.memref_slice %arg6[%mul3A_47] : memref<1600000xf32, #tpu.memory_space<hbm>> -> memref<1024xf32, #tpu.memory_space<hbm>>
        %dma_wait3A_53 = tpu.memref_slice %arg6[%mul3A_47] : memref<1600000xf32, #tpu.memory_space<hbm>> -> memref<1024xf32, #tpu.memory_space<hbm>>
        tpu.wait_dma2 semaphore(%run_scoped3A : memref<!tpu.dma_semaphore, #tpu.memory_space<semaphore_mem>>) src(%arg14 : memref<1024xf32, #tpu.memory_space<vmem>>) dst(%dma_wait3A_53 : memref<1024xf32, #tpu.memory_space<hbm>>)
        tpu.yield
      }) : () -> ()
      %mul3A_48 = arith.constant 128 : i32
      %mul3A_49 = arith.muli %min3A_26, %mul3A_48 : i32
      "tpu.region"() ({
        %run_scoped3A = tpu.sem_alloc : memref<!tpu.dma_semaphore, #tpu.memory_space<semaphore_mem>>
        %dma_start3A_50 = tpu.memref_slice %arg7[%mul3A_49] : memref<12800000xf32, #tpu.memory_space<hbm>> -> memref<8192xf32, #tpu.memory_space<hbm>>
        %dma_start3A_51 = tpu.memref_slice %arg7[%mul3A_49] : memref<12800000xf32, #tpu.memory_space<hbm>> -> memref<8192xf32, #tpu.memory_space<hbm>>
        tpu.enqueue_dma source(%arg15 : memref<8192xf32, #tpu.memory_space<vmem>>) target(%dma_start3A_51 : memref<8192xf32, #tpu.memory_space<hbm>>) target_semaphore(%run_scoped3A : memref<!tpu.dma_semaphore, #tpu.memory_space<semaphore_mem>>)
        %dma_wait3A_52 = tpu.memref_slice %arg7[%mul3A_49] : memref<12800000xf32, #tpu.memory_space<hbm>> -> memref<8192xf32, #tpu.memory_space<hbm>>
        %dma_wait3A_53 = tpu.memref_slice %arg7[%mul3A_49] : memref<12800000xf32, #tpu.memory_space<hbm>> -> memref<8192xf32, #tpu.memory_space<hbm>>
        tpu.wait_dma2 semaphore(%run_scoped3A : memref<!tpu.dma_semaphore, #tpu.memory_space<semaphore_mem>>) src(%arg15 : memref<8192xf32, #tpu.memory_space<vmem>>) dst(%dma_wait3A_53 : memref<8192xf32, #tpu.memory_space<hbm>>)
        tpu.yield
      }) : () -> ()
    }
    %while3A_18 = arith.constant 1 : i32
    scf.for %while3A_19 = %while3A_16 to %while3A_12 step %while3A_18  : i32 {
      %mul3A_20 = arith.constant 3200 : i32
      %mul3A_21 = arith.muli %add3A, %mul3A_20 : i32
      %mul3A_22 = arith.constant 64 : i32
      %mul3A_23 = arith.muli %while3A_19, %mul3A_22 : i32
      %add3A_24 = arith.addi %mul3A_21, %mul3A_23 : i32
      %min3A_25 = arith.constant 99936 : i32
      %min3A_26 = arith.minsi %add3A_24, %min3A_25 : i32
      %mul3A_27 = arith.constant 8 : i32
      %mul3A_28 = arith.muli %min3A_26, %mul3A_27 : i32
      "tpu.region"() ({
        %run_scoped3A = tpu.sem_alloc : memref<!tpu.dma_semaphore, #tpu.memory_space<semaphore_mem>>
        %dma_start3A_50 = tpu.memref_slice %arg2[%mul3A_28] : memref<800000xi32, #tpu.memory_space<hbm>> -> memref<512xi32, #tpu.memory_space<hbm>>
        %dma_start3A_51 = tpu.memref_slice %arg2[%mul3A_28] : memref<800000xi32, #tpu.memory_space<hbm>> -> memref<512xi32, #tpu.memory_space<hbm>>
        tpu.enqueue_dma source(%dma_start3A_51 : memref<512xi32, #tpu.memory_space<hbm>>) target(%arg8 : memref<512xi32, #tpu.memory_space<vmem>>) target_semaphore(%run_scoped3A : memref<!tpu.dma_semaphore, #tpu.memory_space<semaphore_mem>>)
        %dma_wait3A_52 = tpu.memref_slice %arg2[%mul3A_28] : memref<800000xi32, #tpu.memory_space<hbm>> -> memref<512xi32, #tpu.memory_space<hbm>>
        %dma_wait3A_53 = tpu.memref_slice %arg2[%mul3A_28] : memref<800000xi32, #tpu.memory_space<hbm>> -> memref<512xi32, #tpu.memory_space<hbm>>
        tpu.wait_dma2 semaphore(%run_scoped3A : memref<!tpu.dma_semaphore, #tpu.memory_space<semaphore_mem>>) src(%dma_wait3A_53 : memref<512xi32, #tpu.memory_space<hbm>>) dst(%arg8 : memref<512xi32, #tpu.memory_space<vmem>>)
        tpu.yield
      }) : () -> ()
      %scan3A = arith.constant 0 : i32
      %scan3A_29 = arith.constant 0 : i32
      %scan3A_30 = arith.constant 32 : i32
      %scan3A_31 = arith.addi %scan3A_29, %scan3A_30 : i32
      %scan3A_32 = arith.constant 1 : i32
      scf.for %scan3A_50 = %scan3A_29 to %scan3A_31 step %scan3A_32  : i32 {
        %mul3A_51 = arith.constant 16 : i32
        %mul3A_52 = arith.muli %scan3A_50, %mul3A_51 : i32
        %get3A = arith.index_cast %mul3A_52 : i32 to index
        %get3A_53 = tpu.vector_load %arg8[%get3A] {strides = array<i32>} : memref<512xi32, #tpu.memory_space<vmem>>, vector<16xi32>,
        %get3A_54 = vector.shape_cast %get3A_53 : vector<16xi32> to vector<16xi32>
        %shift_right_logical3A = arith.constant 3 : i32
        %shift_right_logical3A_55 = vector.broadcast %shift_right_logical3A : i32 to vector<16xi32>
        %shift_right_logical3A_56 = arith.shrui %get3A_54, %shift_right_logical3A_55 : vector<16xi32>
        %mul3A_57 = arith.constant 16 : i32
        %mul3A_58 = arith.muli %scan3A_50, %mul3A_57 : i32
        %swap3A = arith.index_cast %mul3A_58 : i32 to index
        %swap3A_59 = tpu.vector_load %arg9[%swap3A] {strides = array<i32>} : memref<512xi32, #tpu.memory_space<vmem>>, vector<16xi32>,
        %swap3A_60 = vector.shape_cast %swap3A_59 : vector<16xi32> to vector<16xi32>
        %swap3A_61 = vector.shape_cast %shift_right_logical3A_56 : vector<16xi32> to vector<16xi32>
        tpu.vector_store %arg9[%swap3A], %swap3A_61 {strides = array<i32>} : memref<512xi32, #tpu.memory_space<vmem>>, vector<16xi32>,
        %and3A = arith.constant 7 : i32
        %and3A_62 = vector.broadcast %and3A : i32 to vector<16xi32>
        %and3A_63 = arith.andi %get3A_54, %and3A_62 : vector<16xi32>
        %mul3A_64 = arith.constant 16 : i32
        %mul3A_65 = vector.broadcast %mul3A_64 : i32 to vector<16xi32>
        %mul3A_66 = arith.muli %and3A_63, %mul3A_65 : vector<16xi32>
        %mul3A_67 = arith.constant 16 : i32
        %mul3A_68 = arith.muli %scan3A_50, %mul3A_67 : i32
        %swap3A_69 = arith.index_cast %mul3A_68 : i32 to index
        %swap3A_70 = tpu.vector_load %arg10[%swap3A_69] {strides = array<i32>} : memref<528xi32, #tpu.memory_space<vmem>>, vector<16xi32>,
        %swap3A_71 = vector.shape_cast %swap3A_70 : vector<16xi32> to vector<16xi32>
        %swap3A_72 = vector.shape_cast %mul3A_66 : vector<16xi32> to vector<16xi32>
        tpu.vector_store %arg10[%swap3A_69], %swap3A_72 {strides = array<i32>} : memref<528xi32, #tpu.memory_space<vmem>>, vector<16xi32>,
      }
      %scan3A_33 = arith.constant 32 : i32
      %dma_start3A = arith.constant 0 : i32
      %dma_start3A_34 = arith.constant 0 : i32
      %dma_start3A_35 = tpu.memref_slice %arg4[%dma_start3A, %dma_start3A_34] : memref<12500x128xf32, #tpu.memory_space<hbm>> -> memref<12500x128xf32, #tpu.memory_space<hbm>>
      tpu.enqueue_indirect_dma source(%dma_start3A_35 : memref<12500x128xf32, #tpu.memory_space<hbm>>) target(%arg11 : memref<512x128xf32, #tpu.memory_space<vmem>>) offsets(%arg9 : memref<512xi32, #tpu.memory_space<vmem>>) semaphore(%arg16 : memref<!tpu.dma_semaphore, #tpu.memory_space<semaphore_mem>>)
      %dma_wait3A = arith.constant 0 : i32
      %dma_wait3A_36 = arith.constant 0 : i32
      %dma_wait3A_37 = tpu.memref_slice %arg4[%dma_wait3A, %dma_wait3A_36] : memref<12500x128xf32, #tpu.memory_space<hbm>> -> memref<12500x128xf32, #tpu.memory_space<hbm>>
      tpu.wait_indirect_dma semaphore(%arg16 : memref<!tpu.dma_semaphore, #tpu.memory_space<semaphore_mem>>) src(%dma_wait3A_37 : memref<12500x128xf32, #tpu.memory_space<hbm>>) dst(%arg11 : memref<512x128xf32, #tpu.memory_space<vmem>>)
      %mul3A_38 = arith.constant 4 : i32
      %mul3A_39 = arith.muli %min3A_26, %mul3A_38 : i32
      "tpu.region"() ({
        %run_scoped3A = tpu.sem_alloc : memref<!tpu.dma_semaphore, #tpu.memory_space<semaphore_mem>>
        %dma_start3A_50 = arith.constant 0 : i32
        %dma_start3A_51 = tpu.memref_slice %arg12[%dma_start3A_50] : memref<272xf32, #tpu.memory_space<vmem>> -> memref<256xf32, #tpu.memory_space<vmem>>
        %dma_start3A_52 = tpu.memref_slice %arg3[%mul3A_39] : memref<400000xf32, #tpu.memory_space<hbm>> -> memref<256xf32, #tpu.memory_space<hbm>>
        %dma_start3A_53 = arith.constant 0 : i32
        %dma_start3A_54 = tpu.memref_slice %arg12[%dma_start3A_53] : memref<272xf32, #tpu.memory_space<vmem>> -> memref<256xf32, #tpu.memory_space<vmem>>
        %dma_start3A_55 = tpu.memref_slice %arg3[%mul3A_39] : memref<400000xf32, #tpu.memory_space<hbm>> -> memref<256xf32, #tpu.memory_space<hbm>>
        tpu.enqueue_dma source(%dma_start3A_55 : memref<256xf32, #tpu.memory_space<hbm>>) target(%dma_start3A_54 : memref<256xf32, #tpu.memory_space<vmem>>) target_semaphore(%run_scoped3A : memref<!tpu.dma_semaphore, #tpu.memory_space<semaphore_mem>>)
        %dma_wait3A_56 = arith.constant 0 : i32
        %dma_wait3A_57 = tpu.memref_slice %arg12[%dma_wait3A_56] : memref<272xf32, #tpu.memory_space<vmem>> -> memref<256xf32, #tpu.memory_space<vmem>>
        %dma_wait3A_58 = tpu.memref_slice %arg3[%mul3A_39] : memref<400000xf32, #tpu.memory_space<hbm>> -> memref<256xf32, #tpu.memory_space<hbm>>
        %dma_wait3A_59 = arith.constant 0 : i32
        %dma_wait3A_60 = tpu.memref_slice %arg12[%dma_wait3A_59] : memref<272xf32, #tpu.memory_space<vmem>> -> memref<256xf32, #tpu.memory_space<vmem>>
        %dma_wait3A_61 = tpu.memref_slice %arg3[%mul3A_39] : memref<400000xf32, #tpu.memory_space<hbm>> -> memref<256xf32, #tpu.memory_space<hbm>>
        tpu.wait_dma2 semaphore(%run_scoped3A : memref<!tpu.dma_semaphore, #tpu.memory_space<semaphore_mem>>) src(%dma_wait3A_61 : memref<256xf32, #tpu.memory_space<hbm>>) dst(%dma_wait3A_60 : memref<256xf32, #tpu.memory_space<vmem>>)
        tpu.yield
      }) : () -> ()
      %scan3A_40 = arith.constant 0 : i32
      %scan3A_41 = arith.constant 0 : i32
      %scan3A_42 = arith.constant 64 : i32
      %scan3A_43 = arith.addi %scan3A_41, %scan3A_42 : i32
      %scan3A_44 = arith.constant 1 : i32
      scf.for %scan3A_50 = %scan3A_41 to %scan3A_43 step %scan3A_44  : i32 {
        %mul3A_51 = arith.constant 8 : i32
        %mul3A_52 = arith.muli %mul3A_51, %scan3A_50 : i32
        %get3A = arith.index_cast %mul3A_52 : i32 to index
        %get3A_53 = tpu.vector_load %arg10[%get3A] {strides = array<i32>} : memref<528xi32, #tpu.memory_space<vmem>>, vector<16xi32>,
        %get3A_54 = vector.shape_cast %get3A_53 : vector<16xi32> to vector<16xi32>
        %mul3A_55 = arith.constant 4 : i32
        %mul3A_56 = arith.muli %mul3A_55, %scan3A_50 : i32
        %get3A_57 = arith.index_cast %mul3A_56 : i32 to index
        %get3A_58 = tpu.vector_load %arg12[%get3A_57] {strides = array<i32>} : memref<272xf32, #tpu.memory_space<vmem>>, vector<16xf32>,
        %get3A_59 = vector.shape_cast %get3A_58 : vector<16xf32> to vector<16xf32>
        %broadcast_in_dim3A = arith.constant 0.000000e+00 : f32
        %broadcast_in_dim3A_60 = vector.broadcast %broadcast_in_dim3A : f32 to vector<16xf32>
        %mul3A_61 = arith.constant 8 : i32
        %mul3A_62 = arith.muli %mul3A_61, %scan3A_50 : i32
        %add3A_63 = arith.constant 0 : i32
        %add3A_64 = arith.addi %mul3A_62, %add3A_63 : i32
        %slice3A = vector.extract_strided_slice %get3A_54 {offsets = [0], sizes = [1], strides = [1]} : vector<16xi32> to vector<1xi32>
        %squeeze3A = vector.extract %slice3A[0] : i32 from vector<1xi32>
        %get3A_65 = arith.index_cast %add3A_64 : i32 to index
        %get3A_66 = arith.index_cast %squeeze3A : i32 to index
        %get3A_67 = tpu.vector_load %arg11[%get3A_65, %get3A_66] {strides = array<i32>} : memref<512x128xf32, #tpu.memory_space<vmem>>, vector<1x16xf32>,
        %get3A_68 = vector.shape_cast %get3A_67 : vector<1x16xf32> to vector<16xf32>
        %add3A_69 = arith.addf %broadcast_in_dim3A_60, %get3A_68 : vector<16xf32>
        %mul3A_70 = arith.constant 8 : i32
        %mul3A_71 = arith.muli %mul3A_70, %scan3A_50 : i32
        %add3A_72 = arith.constant 1 : i32
        %add3A_73 = arith.addi %mul3A_71, %add3A_72 : i32
        %slice3A_74 = vector.extract_strided_slice %get3A_54 {offsets = [1], sizes = [1], strides = [1]} : vector<16xi32> to vector<1xi32>
        %squeeze3A_75 = vector.extract %slice3A_74[0] : i32 from vector<1xi32>
        %get3A_76 = arith.index_cast %add3A_73 : i32 to index
        %get3A_77 = arith.index_cast %squeeze3A_75 : i32 to index
        %get3A_78 = tpu.vector_load %arg11[%get3A_76, %get3A_77] {strides = array<i32>} : memref<512x128xf32, #tpu.memory_space<vmem>>, vector<1x16xf32>,
        %get3A_79 = vector.shape_cast %get3A_78 : vector<1x16xf32> to vector<16xf32>
        %add3A_80 = arith.addf %add3A_69, %get3A_79 : vector<16xf32>
        %mul3A_81 = arith.constant 8 : i32
        %mul3A_82 = arith.muli %mul3A_81, %scan3A_50 : i32
        %add3A_83 = arith.constant 2 : i32
        %add3A_84 = arith.addi %mul3A_82, %add3A_83 : i32
        %slice3A_85 = vector.extract_strided_slice %get3A_54 {offsets = [2], sizes = [1], strides = [1]} : vector<16xi32> to vector<1xi32>
        %squeeze3A_86 = vector.extract %slice3A_85[0] : i32 from vector<1xi32>
        %get3A_87 = arith.index_cast %add3A_84 : i32 to index
        %get3A_88 = arith.index_cast %squeeze3A_86 : i32 to index
        %get3A_89 = tpu.vector_load %arg11[%get3A_87, %get3A_88] {strides = array<i32>} : memref<512x128xf32, #tpu.memory_space<vmem>>, vector<1x16xf32>,
        %get3A_90 = vector.shape_cast %get3A_89 : vector<1x16xf32> to vector<16xf32>
        %add3A_91 = arith.addf %add3A_80, %get3A_90 : vector<16xf32>
        %mul3A_92 = arith.constant 8 : i32
        %mul3A_93 = arith.muli %mul3A_92, %scan3A_50 : i32
        %add3A_94 = arith.constant 3 : i32
        %add3A_95 = arith.addi %mul3A_93, %add3A_94 : i32
        %slice3A_96 = vector.extract_strided_slice %get3A_54 {offsets = [3], sizes = [1], strides = [1]} : vector<16xi32> to vector<1xi32>
        %squeeze3A_97 = vector.extract %slice3A_96[0] : i32 from vector<1xi32>
        %get3A_98 = arith.index_cast %add3A_95 : i32 to index
        %get3A_99 = arith.index_cast %squeeze3A_97 : i32 to index
        %get3A_100 = tpu.vector_load %arg11[%get3A_98, %get3A_99] {strides = array<i32>} : memref<512x128xf32, #tpu.memory_space<vmem>>, vector<1x16xf32>,
        %get3A_101 = vector.shape_cast %get3A_100 : vector<1x16xf32> to vector<16xf32>
        %add3A_102 = arith.addf %add3A_91, %get3A_101 : vector<16xf32>
        %mul3A_103 = arith.constant 8 : i32
        %mul3A_104 = arith.muli %mul3A_103, %scan3A_50 : i32
        %add3A_105 = arith.constant 4 : i32
        %add3A_106 = arith.addi %mul3A_104, %add3A_105 : i32
        %slice3A_107 = vector.extract_strided_slice %get3A_54 {offsets = [4], sizes = [1], strides = [1]} : vector<16xi32> to vector<1xi32>
        %squeeze3A_108 = vector.extract %slice3A_107[0] : i32 from vector<1xi32>
        %get3A_109 = arith.index_cast %add3A_106 : i32 to index
        %get3A_110 = arith.index_cast %squeeze3A_108 : i32 to index
        %get3A_111 = tpu.vector_load %arg11[%get3A_109, %get3A_110] {strides = array<i32>} : memref<512x128xf32, #tpu.memory_space<vmem>>, vector<1x16xf32>,
        %get3A_112 = vector.shape_cast %get3A_111 : vector<1x16xf32> to vector<16xf32>
        %add3A_113 = arith.addf %add3A_102, %get3A_112 : vector<16xf32>
        %mul3A_114 = arith.constant 8 : i32
        %mul3A_115 = arith.muli %mul3A_114, %scan3A_50 : i32
        %add3A_116 = arith.constant 5 : i32
        %add3A_117 = arith.addi %mul3A_115, %add3A_116 : i32
        %slice3A_118 = vector.extract_strided_slice %get3A_54 {offsets = [5], sizes = [1], strides = [1]} : vector<16xi32> to vector<1xi32>
        %squeeze3A_119 = vector.extract %slice3A_118[0] : i32 from vector<1xi32>
        %get3A_120 = arith.index_cast %add3A_117 : i32 to index
        %get3A_121 = arith.index_cast %squeeze3A_119 : i32 to index
        %get3A_122 = tpu.vector_load %arg11[%get3A_120, %get3A_121] {strides = array<i32>} : memref<512x128xf32, #tpu.memory_space<vmem>>, vector<1x16xf32>,
        %get3A_123 = vector.shape_cast %get3A_122 : vector<1x16xf32> to vector<16xf32>
        %add3A_124 = arith.addf %add3A_113, %get3A_123 : vector<16xf32>
        %mul3A_125 = arith.constant 8 : i32
        %mul3A_126 = arith.muli %mul3A_125, %scan3A_50 : i32
        %add3A_127 = arith.constant 6 : i32
        %add3A_128 = arith.addi %mul3A_126, %add3A_127 : i32
        %slice3A_129 = vector.extract_strided_slice %get3A_54 {offsets = [6], sizes = [1], strides = [1]} : vector<16xi32> to vector<1xi32>
        %squeeze3A_130 = vector.extract %slice3A_129[0] : i32 from vector<1xi32>
        %get3A_131 = arith.index_cast %add3A_128 : i32 to index
        %get3A_132 = arith.index_cast %squeeze3A_130 : i32 to index
        %get3A_133 = tpu.vector_load %arg11[%get3A_131, %get3A_132] {strides = array<i32>} : memref<512x128xf32, #tpu.memory_space<vmem>>, vector<1x16xf32>,
        %get3A_134 = vector.shape_cast %get3A_133 : vector<1x16xf32> to vector<16xf32>
        %add3A_135 = arith.addf %add3A_124, %get3A_134 : vector<16xf32>
        %mul3A_136 = arith.constant 8 : i32
        %mul3A_137 = arith.muli %mul3A_136, %scan3A_50 : i32
        %add3A_138 = arith.constant 7 : i32
        %add3A_139 = arith.addi %mul3A_137, %add3A_138 : i32
        %slice3A_140 = vector.extract_strided_slice %get3A_54 {offsets = [7], sizes = [1], strides = [1]} : vector<16xi32> to vector<1xi32>
        %squeeze3A_141 = vector.extract %slice3A_140[0] : i32 from vector<1xi32>
        %get3A_142 = arith.index_cast %add3A_139 : i32 to index
        %get3A_143 = arith.index_cast %squeeze3A_141 : i32 to index
        %get3A_144 = tpu.vector_load %arg11[%get3A_142, %get3A_143] {strides = array<i32>} : memref<512x128xf32, #tpu.memory_space<vmem>>, vector<1x16xf32>,
        %get3A_145 = vector.shape_cast %get3A_144 : vector<1x16xf32> to vector<16xf32>
        %add3A_146 = arith.addf %add3A_135, %get3A_145 : vector<16xf32>
        %slice3A_147 = vector.extract_strided_slice %get3A_59 {offsets = [0], sizes = [1], strides = [1]} : vector<16xf32> to vector<1xf32>
        %squeeze3A_148 = vector.extract %slice3A_147[0] : f32 from vector<1xf32>
        %get3A_149 = arith.constant 0 : i32
        %get3A_150 = arith.index_cast %get3A_149 : i32 to index
        %get3A_151 = arith.constant 0 : index
        %get3A_152 = tpu.vector_load %arg13[%get3A_150, %get3A_151] {strides = array<i32>} : memref<4x16xf32, #tpu.memory_space<vmem>>, vector<1x16xf32>,
        %get3A_153 = vector.shape_cast %get3A_152 : vector<1x16xf32> to vector<16xf32>
        %mul3A_154 = vector.broadcast %squeeze3A_148 : f32 to vector<16xf32>
        %mul3A_155 = arith.mulf %mul3A_154, %get3A_153 : vector<16xf32>
        %add3A_156 = arith.addf %add3A_146, %mul3A_155 : vector<16xf32>
        %slice3A_157 = vector.extract_strided_slice %get3A_59 {offsets = [1], sizes = [1], strides = [1]} : vector<16xf32> to vector<1xf32>
        %squeeze3A_158 = vector.extract %slice3A_157[0] : f32 from vector<1xf32>
        %get3A_159 = arith.constant 1 : i32
        %get3A_160 = arith.index_cast %get3A_159 : i32 to index
        %get3A_161 = arith.constant 0 : index
        %get3A_162 = tpu.vector_load %arg13[%get3A_160, %get3A_161] {strides = array<i32>} : memref<4x16xf32, #tpu.memory_space<vmem>>, vector<1x16xf32>,
        %get3A_163 = vector.shape_cast %get3A_162 : vector<1x16xf32> to vector<16xf32>
        %mul3A_164 = vector.broadcast %squeeze3A_158 : f32 to vector<16xf32>
        %mul3A_165 = arith.mulf %mul3A_164, %get3A_163 : vector<16xf32>
        %add3A_166 = arith.addf %add3A_156, %mul3A_165 : vector<16xf32>
        %slice3A_167 = vector.extract_strided_slice %get3A_59 {offsets = [2], sizes = [1], strides = [1]} : vector<16xf32> to vector<1xf32>
        %squeeze3A_168 = vector.extract %slice3A_167[0] : f32 from vector<1xf32>
        %get3A_169 = arith.constant 2 : i32
        %get3A_170 = arith.index_cast %get3A_169 : i32 to index
        %get3A_171 = arith.constant 0 : index
        %get3A_172 = tpu.vector_load %arg13[%get3A_170, %get3A_171] {strides = array<i32>} : memref<4x16xf32, #tpu.memory_space<vmem>>, vector<1x16xf32>,
        %get3A_173 = vector.shape_cast %get3A_172 : vector<1x16xf32> to vector<16xf32>
        %mul3A_174 = vector.broadcast %squeeze3A_168 : f32 to vector<16xf32>
        %mul3A_175 = arith.mulf %mul3A_174, %get3A_173 : vector<16xf32>
        %add3A_176 = arith.addf %add3A_166, %mul3A_175 : vector<16xf32>
        %slice3A_177 = vector.extract_strided_slice %get3A_59 {offsets = [3], sizes = [1], strides = [1]} : vector<16xf32> to vector<1xf32>
        %squeeze3A_178 = vector.extract %slice3A_177[0] : f32 from vector<1xf32>
        %get3A_179 = arith.constant 3 : i32
        %get3A_180 = arith.index_cast %get3A_179 : i32 to index
        %get3A_181 = arith.constant 0 : index
        %get3A_182 = tpu.vector_load %arg13[%get3A_180, %get3A_181] {strides = array<i32>} : memref<4x16xf32, #tpu.memory_space<vmem>>, vector<1x16xf32>,
        %get3A_183 = vector.shape_cast %get3A_182 : vector<1x16xf32> to vector<16xf32>
        %mul3A_184 = vector.broadcast %squeeze3A_178 : f32 to vector<16xf32>
        %mul3A_185 = arith.mulf %mul3A_184, %get3A_183 : vector<16xf32>
        %add3A_186 = arith.addf %add3A_176, %mul3A_185 : vector<16xf32>
        %mul3A_187 = arith.constant 0.0833333358 : f32
        %mul3A_188 = vector.broadcast %mul3A_187 : f32 to vector<16xf32>
        %mul3A_189 = arith.mulf %add3A_186, %mul3A_188 : vector<16xf32>
        %mul3A_190 = arith.mulf %mul3A_189, %mul3A_189 : vector<16xf32>
        %mul3A_191 = arith.constant 16 : i32
        %mul3A_192 = arith.muli %scan3A_50, %mul3A_191 : i32
        %swap3A = arith.index_cast %mul3A_192 : i32 to index
        %swap3A_193 = tpu.vector_load %arg14[%swap3A] {strides = array<i32>} : memref<1024xf32, #tpu.memory_space<vmem>>, vector<16xf32>,
        %swap3A_194 = vector.shape_cast %swap3A_193 : vector<16xf32> to vector<16xf32>
        %swap3A_195 = vector.shape_cast %mul3A_189 : vector<16xf32> to vector<16xf32>
        tpu.vector_store %arg14[%swap3A], %swap3A_195 {strides = array<i32>} : memref<1024xf32, #tpu.memory_space<vmem>>, vector<16xf32>,
        %mul3A_196 = arith.constant 128 : i32
        %mul3A_197 = arith.muli %scan3A_50, %mul3A_196 : i32
        %add3A_198 = arith.constant 0 : i32
        %add3A_199 = arith.addi %mul3A_197, %add3A_198 : i32
        %swap3A_200 = arith.index_cast %add3A_199 : i32 to index
        %swap3A_201 = tpu.vector_load %arg15[%swap3A_200] {strides = array<i32>} : memref<8192xf32, #tpu.memory_space<vmem>>, vector<16xf32>,
        %swap3A_202 = vector.shape_cast %swap3A_201 : vector<16xf32> to vector<16xf32>
        %swap3A_203 = vector.shape_cast %mul3A_189 : vector<16xf32> to vector<16xf32>
        tpu.vector_store %arg15[%swap3A_200], %swap3A_203 {strides = array<i32>} : memref<8192xf32, #tpu.memory_space<vmem>>, vector<16xf32>,
        %mul3A_204 = arith.constant 128 : i32
        %mul3A_205 = arith.muli %scan3A_50, %mul3A_204 : i32
        %add3A_206 = arith.constant 0 : i32
        %add3A_207 = arith.addi %mul3A_205, %add3A_206 : i32
        %add3A_208 = arith.constant 16 : i32
        %add3A_209 = arith.addi %add3A_207, %add3A_208 : i32
        %swap3A_210 = arith.index_cast %add3A_209 : i32 to index
        %swap3A_211 = tpu.vector_load %arg15[%swap3A_210] {strides = array<i32>} : memref<8192xf32, #tpu.memory_space<vmem>>, vector<16xf32>,
        %swap3A_212 = vector.shape_cast %swap3A_211 : vector<16xf32> to vector<16xf32>
        %swap3A_213 = vector.shape_cast %mul3A_190 : vector<16xf32> to vector<16xf32>
        tpu.vector_store %arg15[%swap3A_210], %swap3A_213 {strides = array<i32>} : memref<8192xf32, #tpu.memory_space<vmem>>, vector<16xf32>,
        %mul3A_214 = arith.constant 128 : i32
        %mul3A_215 = arith.muli %scan3A_50, %mul3A_214 : i32
        %add3A_216 = arith.constant 32 : i32
        %add3A_217 = arith.addi %mul3A_215, %add3A_216 : i32
        %swap3A_218 = arith.index_cast %add3A_217 : i32 to index
        %swap3A_219 = tpu.vector_load %arg15[%swap3A_218] {strides = array<i32>} : memref<8192xf32, #tpu.memory_space<vmem>>, vector<16xf32>,
        %swap3A_220 = vector.shape_cast %swap3A_219 : vector<16xf32> to vector<16xf32>
        %swap3A_221 = vector.shape_cast %mul3A_189 : vector<16xf32> to vector<16xf32>
        tpu.vector_store %arg15[%swap3A_218], %swap3A_221 {strides = array<i32>} : memref<8192xf32, #tpu.memory_space<vmem>>, vector<16xf32>,
        %mul3A_222 = arith.constant 128 : i32
        %mul3A_223 = arith.muli %scan3A_50, %mul3A_222 : i32
        %add3A_224 = arith.constant 32 : i32
        %add3A_225 = arith.addi %mul3A_223, %add3A_224 : i32
        %add3A_226 = arith.constant 16 : i32
        %add3A_227 = arith.addi %add3A_225, %add3A_226 : i32
        %swap3A_228 = arith.index_cast %add3A_227 : i32 to index
        %swap3A_229 = tpu.vector_load %arg15[%swap3A_228] {strides = array<i32>} : memref<8192xf32, #tpu.memory_space<vmem>>, vector<16xf32>,
        %swap3A_230 = vector.shape_cast %swap3A_229 : vector<16xf32> to vector<16xf32>
        %swap3A_231 = vector.shape_cast %mul3A_190 : vector<16xf32> to vector<16xf32>
        tpu.vector_store %arg15[%swap3A_228], %swap3A_231 {strides = array<i32>} : memref<8192xf32, #tpu.memory_space<vmem>>, vector<16xf32>,
        %mul3A_232 = arith.constant 128 : i32
        %mul3A_233 = arith.muli %scan3A_50, %mul3A_232 : i32
        %add3A_234 = arith.constant 64 : i32
        %add3A_235 = arith.addi %mul3A_233, %add3A_234 : i32
        %swap3A_236 = arith.index_cast %add3A_235 : i32 to index
        %swap3A_237 = tpu.vector_load %arg15[%swap3A_236] {strides = array<i32>} : memref<8192xf32, #tpu.memory_space<vmem>>, vector<16xf32>,
        %swap3A_238 = vector.shape_cast %swap3A_237 : vector<16xf32> to vector<16xf32>
        %swap3A_239 = vector.shape_cast %mul3A_189 : vector<16xf32> to vector<16xf32>
        tpu.vector_store %arg15[%swap3A_236], %swap3A_239 {strides = array<i32>} : memref<8192xf32, #tpu.memory_space<vmem>>, vector<16xf32>,
        %mul3A_240 = arith.constant 128 : i32
        %mul3A_241 = arith.muli %scan3A_50, %mul3A_240 : i32
        %add3A_242 = arith.constant 64 : i32
        %add3A_243 = arith.addi %mul3A_241, %add3A_242 : i32
        %add3A_244 = arith.constant 16 : i32
        %add3A_245 = arith.addi %add3A_243, %add3A_244 : i32
        %swap3A_246 = arith.index_cast %add3A_245 : i32 to index
        %swap3A_247 = tpu.vector_load %arg15[%swap3A_246] {strides = array<i32>} : memref<8192xf32, #tpu.memory_space<vmem>>, vector<16xf32>,
        %swap3A_248 = vector.shape_cast %swap3A_247 : vector<16xf32> to vector<16xf32>
        %swap3A_249 = vector.shape_cast %mul3A_190 : vector<16xf32> to vector<16xf32>
        tpu.vector_store %arg15[%swap3A_246], %swap3A_249 {strides = array<i32>} : memref<8192xf32, #tpu.memory_space<vmem>>, vector<16xf32>,
        %mul3A_250 = arith.constant 128 : i32
        %mul3A_251 = arith.muli %scan3A_50, %mul3A_250 : i32
        %add3A_252 = arith.constant 96 : i32
        %add3A_253 = arith.addi %mul3A_251, %add3A_252 : i32
        %swap3A_254 = arith.index_cast %add3A_253 : i32 to index
        %swap3A_255 = tpu.vector_load %arg15[%swap3A_254] {strides = array<i32>} : memref<8192xf32, #tpu.memory_space<vmem>>, vector<16xf32>,
        %swap3A_256 = vector.shape_cast %swap3A_255 : vector<16xf32> to vector<16xf32>
        %swap3A_257 = vector.shape_cast %mul3A_189 : vector<16xf32> to vector<16xf32>
        tpu.vector_store %arg15[%swap3A_254], %swap3A_257 {strides = array<i32>} : memref<8192xf32, #tpu.memory_space<vmem>>, vector<16xf32>,
        %mul3A_258 = arith.constant 128 : i32
        %mul3A_259 = arith.muli %scan3A_50, %mul3A_258 : i32
        %add3A_260 = arith.constant 96 : i32
        %add3A_261 = arith.addi %mul3A_259, %add3A_260 : i32
        %add3A_262 = arith.constant 16 : i32
        %add3A_263 = arith.addi %add3A_261, %add3A_262 : i32
        %swap3A_264 = arith.index_cast %add3A_263 : i32 to index
        %swap3A_265 = tpu.vector_load %arg15[%swap3A_264] {strides = array<i32>} : memref<8192xf32, #tpu.memory_space<vmem>>, vector<16xf32>,
        %swap3A_266 = vector.shape_cast %swap3A_265 : vector<16xf32> to vector<16xf32>
        %swap3A_267 = vector.shape_cast %mul3A_190 : vector<16xf32> to vector<16xf32>
        tpu.vector_store %arg15[%swap3A_264], %swap3A_267 {strides = array<i32>} : memref<8192xf32, #tpu.memory_space<vmem>>, vector<16xf32>,
      }
      %scan3A_45 = arith.constant 64 : i32
      %mul3A_46 = arith.constant 16 : i32
      %mul3A_47 = arith.muli %min3A_26, %mul3A_46 : i32
      "tpu.region"() ({
        %run_scoped3A = tpu.sem_alloc : memref<!tpu.dma_semaphore, #tpu.memory_space<semaphore_mem>>
        %dma_start3A_50 = tpu.memref_slice %arg6[%mul3A_47] : memref<1600000xf32, #tpu.memory_space<hbm>> -> memref<1024xf32, #tpu.memory_space<hbm>>
        %dma_start3A_51 = tpu.memref_slice %arg6[%mul3A_47] : memref<1600000xf32, #tpu.memory_space<hbm>> -> memref<1024xf32, #tpu.memory_space<hbm>>
        tpu.enqueue_dma source(%arg14 : memref<1024xf32, #tpu.memory_space<vmem>>) target(%dma_start3A_51 : memref<1024xf32, #tpu.memory_space<hbm>>) target_semaphore(%run_scoped3A : memref<!tpu.dma_semaphore, #tpu.memory_space<semaphore_mem>>)
        %dma_wait3A_52 = tpu.memref_slice %arg6[%mul3A_47] : memref<1600000xf32, #tpu.memory_space<hbm>> -> memref<1024xf32, #tpu.memory_space<hbm>>
        %dma_wait3A_53 = tpu.memref_slice %arg6[%mul3A_47] : memref<1600000xf32, #tpu.memory_space<hbm>> -> memref<1024xf32, #tpu.memory_space<hbm>>
        tpu.wait_dma2 semaphore(%run_scoped3A : memref<!tpu.dma_semaphore, #tpu.memory_space<semaphore_mem>>) src(%arg14 : memref<1024xf32, #tpu.memory_space<vmem>>) dst(%dma_wait3A_53 : memref<1024xf32, #tpu.memory_space<hbm>>)
        tpu.yield
      }) : () -> ()
      %mul3A_48 = arith.constant 128 : i32
      %mul3A_49 = arith.muli %min3A_26, %mul3A_48 : i32
      "tpu.region"() ({
        %run_scoped3A = tpu.sem_alloc : memref<!tpu.dma_semaphore, #tpu.memory_space<semaphore_mem>>
        %dma_start3A_50 = tpu.memref_slice %arg7[%mul3A_49] : memref<12800000xf32, #tpu.memory_space<hbm>> -> memref<8192xf32, #tpu.memory_space<hbm>>
        %dma_start3A_51 = tpu.memref_slice %arg7[%mul3A_49] : memref<12800000xf32, #tpu.memory_space<hbm>> -> memref<8192xf32, #tpu.memory_space<hbm>>
        tpu.enqueue_dma source(%arg15 : memref<8192xf32, #tpu.memory_space<vmem>>) target(%dma_start3A_51 : memref<8192xf32, #tpu.memory_space<hbm>>) target_semaphore(%run_scoped3A : memref<!tpu.dma_semaphore, #tpu.memory_space<semaphore_mem>>)
        %dma_wait3A_52 = tpu.memref_slice %arg7[%mul3A_49] : memref<12800000xf32, #tpu.memory_space<hbm>> -> memref<8192xf32, #tpu.memory_space<hbm>>
        %dma_wait3A_53 = tpu.memref_slice %arg7[%mul3A_49] : memref<12800000xf32, #tpu.memory_space<hbm>> -> memref<8192xf32, #tpu.memory_space<hbm>>
        tpu.wait_dma2 semaphore(%run_scoped3A : memref<!tpu.dma_semaphore, #tpu.memory_space<semaphore_mem>>) src(%arg15 : memref<8192xf32, #tpu.memory_space<vmem>>) dst(%dma_wait3A_53 : memref<8192xf32, #tpu.memory_space<hbm>>)
        tpu.yield
      }) : () -> ()
    }
    return
  }
}

module attributes {stable_mosaic.version = 14 : i64} {
  func.func @_tail_body(%arg0: i32, %arg1: memref<1000x16xf32, #tpu.memory_space<vmem>>, %arg2: memref<1000x16xf32, #tpu.memory_space<vmem>>, %arg3: memref<1000x16xf32, #tpu.memory_space<vmem>>, %arg4: memref<1000x16xf32, #tpu.memory_space<vmem>>, %arg5: memref<1000x1xf32, #tpu.memory_space<vmem>>, %arg6: memref<48x16xf32, #tpu.memory_space<vmem>>, %arg7: memref<1x16xf32, #tpu.memory_space<vmem>>, %arg8: memref<32x1xf32, #tpu.memory_space<vmem>>, %arg9: memref<1000x1xf32, #tpu.memory_space<vmem>>) attributes {dimension_semantics = [#tpu.dimension_semantics<arbitrary>], iteration_bounds = array<i64: 100>, scalar_prefetch = 0 : i64, scratch_operands = 0 : i64, tpu.core_type = #tpu.core_type<tc>, window_params = [{transform_indices = @transform_0, window_bounds = array<i64: 1000, 16>}, {transform_indices = @transform_1, window_bounds = array<i64: 1000, 16>}, {transform_indices = @transform_2, window_bounds = array<i64: 1000, 16>}, {transform_indices = @transform_3, window_bounds = array<i64: 1000, 16>}, {transform_indices = @transform_4, window_bounds = array<i64: 1000, 1>}, {pipeline_mode = #tpu.pipeline_mode<synchronous>, transform_indices = @transform_5, window_bounds = array<i64: 48, 16>}, {pipeline_mode = #tpu.pipeline_mode<synchronous>, transform_indices = @transform_6, window_bounds = array<i64: 1, 16>}, {pipeline_mode = #tpu.pipeline_mode<synchronous>, transform_indices = @transform_7, window_bounds = array<i64: 32, 1>}, {transform_indices = @transform_8, window_bounds = array<i64: 1000, 1>}]} {
    %get3A = arith.constant 0 : index
    %get3A_0 = arith.constant 0 : index
    %get3A_1 = vector.load %arg1[%get3A, %get3A_0] : memref<1000x16xf32, #tpu.memory_space<vmem>>, vector<1000x16xf32>
    %get3A_2 = arith.constant 0 : index
    %get3A_3 = arith.constant 0 : index
    %get3A_4 = vector.load %arg2[%get3A_2, %get3A_3] : memref<1000x16xf32, #tpu.memory_space<vmem>>, vector<1000x16xf32>
    %get3A_5 = arith.constant 0 : index
    %get3A_6 = arith.constant 0 : index
    %get3A_7 = vector.load %arg3[%get3A_5, %get3A_6] : memref<1000x16xf32, #tpu.memory_space<vmem>>, vector<1000x16xf32>
    %get3A_8 = arith.constant 0 : index
    %get3A_9 = arith.constant 0 : index
    %get3A_10 = vector.load %arg4[%get3A_8, %get3A_9] : memref<1000x16xf32, #tpu.memory_space<vmem>>, vector<1000x16xf32>
    %get3A_11 = arith.constant 0 : index
    %get3A_12 = arith.constant 0 : index
    %get3A_13 = vector.load %arg5[%get3A_11, %get3A_12] : memref<1000x1xf32, #tpu.memory_space<vmem>>, vector<1000x1xf32>
    %mul3A = arith.mulf %get3A_1, %get3A_1 : vector<1000x16xf32>
    %sub3A = arith.subf %get3A_7, %mul3A : vector<1000x16xf32>
    %max3A = arith.constant 0.000000e+00 : f32
    %max3A_14 = vector.broadcast %max3A : f32 to vector<1000x16xf32>
    %max3A_15 = arith.maximumf %sub3A, %max3A_14 : vector<1000x16xf32>
    %add3A = arith.constant 9.99999974E-6 : f32
    %add3A_16 = vector.broadcast %add3A : f32 to vector<1000x16xf32>
    %add3A_17 = arith.addf %max3A_15, %add3A_16 : vector<1000x16xf32>
    %sqrt3A = math.sqrt %add3A_17 : vector<1000x16xf32>
    %get3A_18 = arith.constant 0 : index
    %get3A_19 = arith.constant 0 : index
    %get3A_20 = vector.load %arg6[%get3A_18, %get3A_19] : memref<48x16xf32, #tpu.memory_space<vmem>>, vector<16x16xf32>
    %dot_general3A = arith.constant dense<0.000000e+00> : vector<1000x16xf32>
    %dot_general3A_21 = tpu.matmul %get3A_1, %get3A_20, %dot_general3A {dimension_numbers = #tpu.dot_dimension_numbers<[1], [0], [0], [1], [0, 0, 1, 1], [], []>, transpose_lhs_hint = false} : vector<1000x16xf32>, vector<16x16xf32>, vector<1000x16xf32> -> vector<1000x16xf32>
    %get3A_22 = arith.constant 16 : index
    %get3A_23 = arith.constant 0 : index
    %get3A_24 = vector.load %arg6[%get3A_22, %get3A_23] : memref<48x16xf32, #tpu.memory_space<vmem>>, vector<16x16xf32>
    %dot_general3A_25 = arith.constant dense<0.000000e+00> : vector<1000x16xf32>
    %dot_general3A_26 = tpu.matmul %get3A_4, %get3A_24, %dot_general3A_25 {dimension_numbers = #tpu.dot_dimension_numbers<[1], [0], [0], [1], [0, 0, 1, 1], [], []>, transpose_lhs_hint = false} : vector<1000x16xf32>, vector<16x16xf32>, vector<1000x16xf32> -> vector<1000x16xf32>
    %add3A_27 = arith.addf %dot_general3A_21, %dot_general3A_26 : vector<1000x16xf32>
    %get3A_28 = arith.constant 32 : index
    %get3A_29 = arith.constant 0 : index
    %get3A_30 = vector.load %arg6[%get3A_28, %get3A_29] : memref<48x16xf32, #tpu.memory_space<vmem>>, vector<16x16xf32>
    %dot_general3A_31 = arith.constant dense<0.000000e+00> : vector<1000x16xf32>
    %dot_general3A_32 = tpu.matmul %sqrt3A, %get3A_30, %dot_general3A_31 {dimension_numbers = #tpu.dot_dimension_numbers<[1], [0], [0], [1], [0, 0, 1, 1], [], []>, transpose_lhs_hint = false} : vector<1000x16xf32>, vector<16x16xf32>, vector<1000x16xf32> -> vector<1000x16xf32>
    %add3A_33 = arith.addf %add3A_27, %dot_general3A_32 : vector<1000x16xf32>
    %get3A_34 = arith.constant 0 : index
    %get3A_35 = arith.constant 0 : index
    %get3A_36 = vector.load %arg7[%get3A_34, %get3A_35] : memref<1x16xf32, #tpu.memory_space<vmem>>, vector<1x16xf32>
    %add3A_37 = vector.broadcast %get3A_36 : vector<1x16xf32> to vector<1000x16xf32>
    %add3A_38 = arith.addf %add3A_33, %add3A_37 : vector<1000x16xf32>
    %add3A_39 = arith.constant 1.000000e+00 : f32
    %add3A_40 = vector.broadcast %add3A_39 : f32 to vector<1000x1xf32>
    %add3A_41 = arith.addf %get3A_13, %add3A_40 : vector<1000x1xf32>
    %log3A = math.log %add3A_41 : vector<1000x1xf32>
    %log3A_42 = arith.constant 3.300000e+01 : f32
    %log3A_43 = math.log %log3A_42 : f32
    %div3A = vector.broadcast %log3A_43 : f32 to vector<1000x1xf32>
    %div3A_44 = arith.divf %log3A, %div3A : vector<1000x1xf32>
    %mul3A_45 = vector.broadcast %div3A_44 : vector<1000x1xf32> to vector<1000x16xf32>
    %mul3A_46 = arith.mulf %add3A_38, %mul3A_45 : vector<1000x16xf32>
    %get3A_47 = arith.constant 0 : index
    %get3A_48 = arith.constant 0 : index
    %get3A_49 = vector.load %arg8[%get3A_47, %get3A_48] : memref<32x1xf32, #tpu.memory_space<vmem>>, vector<16x1xf32>
    %dot_general3A_50 = arith.constant dense<0.000000e+00> : vector<1000x1xf32>
    %dot_general3A_51 = tpu.matmul %get3A_10, %get3A_49, %dot_general3A_50 {dimension_numbers = #tpu.dot_dimension_numbers<[1], [0], [0], [1], [0, 0, 1, 1], [], []>, transpose_lhs_hint = false} : vector<1000x16xf32>, vector<16x1xf32>, vector<1000x1xf32> -> vector<1000x1xf32>
    %get3A_52 = arith.constant 16 : index
    %get3A_53 = arith.constant 0 : index
    %get3A_54 = vector.load %arg8[%get3A_52, %get3A_53] : memref<32x1xf32, #tpu.memory_space<vmem>>, vector<16x1xf32>
    %dot_general3A_55 = arith.constant dense<0.000000e+00> : vector<1000x1xf32>
    %dot_general3A_56 = tpu.matmul %mul3A_46, %get3A_54, %dot_general3A_55 {dimension_numbers = #tpu.dot_dimension_numbers<[1], [0], [0], [1], [0, 0, 1, 1], [], []>, transpose_lhs_hint = false} : vector<1000x16xf32>, vector<16x1xf32>, vector<1000x1xf32> -> vector<1000x1xf32>
    %add3A_57 = arith.addf %dot_general3A_51, %dot_general3A_56 : vector<1000x1xf32>
    %swap3A = arith.constant 0 : index
    %swap3A_58 = arith.constant 0 : index
    %swap3A_59 = vector.load %arg9[%swap3A, %swap3A_58] : memref<1000x1xf32, #tpu.memory_space<vmem>>, vector<1000x1xf32>
    tpu.vector_store %arg9[%swap3A, %swap3A_58], %add3A_57 {strides = array<i32>} : memref<1000x1xf32, #tpu.memory_space<vmem>>, vector<1000x1xf32>,
    return
  }
  func.func @transform_0(%arg0: i32) -> (i32, i32) {
    %c0_i32 = arith.constant 0 : i32
    %c0_i32_0 = arith.constant 0 : i32
    return %arg0, %c0_i32 : i32, i32
  }
  func.func @transform_1(%arg0: i32) -> (i32, i32) {
    %c0_i32 = arith.constant 0 : i32
    %c0_i32_0 = arith.constant 0 : i32
    return %arg0, %c0_i32 : i32, i32
  }
  func.func @transform_2(%arg0: i32) -> (i32, i32) {
    %c0_i32 = arith.constant 0 : i32
    %c0_i32_0 = arith.constant 0 : i32
    return %arg0, %c0_i32 : i32, i32
  }
  func.func @transform_3(%arg0: i32) -> (i32, i32) {
    %c0_i32 = arith.constant 0 : i32
    %c0_i32_0 = arith.constant 0 : i32
    return %arg0, %c0_i32 : i32, i32
  }
  func.func @transform_4(%arg0: i32) -> (i32, i32) {
    %c0_i32 = arith.constant 0 : i32
    %c0_i32_0 = arith.constant 0 : i32
    return %arg0, %c0_i32 : i32, i32
  }
  func.func @transform_5(%arg0: i32) -> (i32, i32) {
    %c0_i32 = arith.constant 0 : i32
    %c0_i32_0 = arith.constant 0 : i32
    %c0_i32_1 = arith.constant 0 : i32
    return %c0_i32, %c0_i32_0 : i32, i32
  }
  func.func @transform_6(%arg0: i32) -> (i32, i32) {
    %c0_i32 = arith.constant 0 : i32
    %c0_i32_0 = arith.constant 0 : i32
    %c0_i32_1 = arith.constant 0 : i32
    return %c0_i32, %c0_i32_0 : i32, i32
  }
  func.func @transform_7(%arg0: i32) -> (i32, i32) {
    %c0_i32 = arith.constant 0 : i32
    %c0_i32_0 = arith.constant 0 : i32
    %c0_i32_1 = arith.constant 0 : i32
    return %c0_i32, %c0_i32_0 : i32, i32
  }
  func.func @transform_8(%arg0: i32) -> (i32, i32) {
    %c0_i32 = arith.constant 0 : i32
    %c0_i32_0 = arith.constant 0 : i32
    return %arg0, %c0_i32 : i32, i32
  }
}

</mosaic_0001>

<sc_bundles>
// kernel: kernel.4.cloned.1.call-start
scs
__scs_entry_jumppad:
0x0: {  	(pc) =	sbr.rel $0x88, $3  }
0x1: {  	(tag) =	ssettag $0x0;
	lr =	simm.s32 $0x1  }
0x2: {  	[smem:$0x3F99] =	sst lr;
	_ =	strace $0xD0000000  }
0x3: {  	_ = 	snop  }
0x4: {  	_ = 	snop  }
0x5: {  	_ = 	snop  }
0x6: {  	_ = 	snop  }
0x7: {  	_ = 	snop  }
__scs_overlays_trampoline_lowered:
0x8: {  	[smem:$0x3FA8] =	sst s0  }
0x9: {  	[smem:$0x3FA9] =	sst s1  }
0xa: {  	[smem:$0x3FAA] =	sst s2  }
0xb: {  	[smem:$0x3FAB] =	sst s3  }
0xc: {  	[smem:$0x3FAC] =	sst s4  }
0xd: {  	[smem:$0x3FAD] =	sst s5  }
0xe: {  	[smem:$0x3FAE] =	sst s6  }
0xf: {  	[smem:$0x3FAF] =	sst s7  }
0x10: {  	[smem:$0x3FB0] =	sst s8  }
0x11: {  	[smem:$0x3FB1] =	sst s9;
	s0 =	simm.s32 @!p0 $0x0  }
0x12: {  	s1 =	sld [smem:$0x3F97];
	s0 =	simm.s32 @p0 $0x1  }
0x13: {  	[smem:$0x3FB2] =	sst s0;
	s0 =	simm.s32 @!p1 $0x0  }
0x14: {  	s2 =	sld [smem:$0x3F96];
	s0 =	simm.s32 @p1 $0x1  }
0x15: {  	[smem:$0x3FB3] =	sst s0;
	s0 =	simm.s32 @!p2 $0x0  }
0x16: {  	s3 =	sld [smem:$0x3FDB];
	s0 =	simm.s32 @p2 $0x1  }
0x17: {  	s4 =	simm.s32 $0x1BF5;
	[smem:$0x3FB5] =	sst s0  }
0x18: {  	s0 =	sld [smem:$0x3F98];
	_ =	swait.ge [sflag:s4], $0x0  }
0x19: {  	s7 =	sld [smem:$0x3F99]  }
0x1a: {  	s8 =	sadd.s32 $0xFFFFE003, lr  }
0x1b: {  	s9 =	sadd.s32 $0xFFFFFEF7, lr;
	s5 =	simm.s32 $0xFFFFFFFF;
	p2 =	slt.u32 s8, $0xFFFFF086  }
0x1c: {  	p1 =	slt.u32 s9, $0xF7A;
	s5 =	simm.s32 @!p2 $0x0  }
0x1d: {  	s5 =	simm.s32 @p1 $0x1;
	p0 =	seq.s32 s7, s2  }
0x1e: {  	s7 =	smul.u32 @!p0 $0xF7A, s2;
	p2 =	seq.s32 @!p0 s5, $0x0  }
0x1f: {  	s9 =	smul.u32 $0xF7A, s1;
	s8 =	simm.s32 @!p0 $0x1BF5;
	p2 =	por !p2, p0  }
0x20: {  	[sflag:s8] =	ssyncset.s32 @!p0 $0xFFFFF086;
	s6 =	sadd.s32 @!p0 s3, s7;
	s7 =	simm.s32 @!p0 $0x108  }
0x21: {  	s3 =	sadd.s32 s3, s9;
	s6 =	sadd.s32 @!p0 $0x88, s6;
	s7 =	simm.s32 @p2 $0x1082  }
0x22: {  	[simem:s7], [sflag:s8] =	dma.local @!p0 [hbm:s6], $0xF7A  }
0x23: {  	s9 =	sor.u32 $0xD0000000, s2;
	s6 =	simm.s32 $0x108;
	_ =	swait.ge @!p0 [sflag:s8], $0x0  }
0x24: {  	s3 =	sadd.s32 $0x88, s3;
	s6 =	simm.s32 @!p1 $0x1082;
	[sflag:s4] =	ssyncset.s32 $0xFFFFF086  }
0x25: {  	[simem:s6], [sflag:s4] =	dma.local [hbm:s3], $0xF7A  }
0x26: {  	[smem:$0x3F99] =	sst s1;
	(tag) =	ssettag s2;
	_ =	strace s9  }
0x27: {  	s1 =	sld [smem:$0x3FA9]  }
0x28: {  	s2 =	sld [smem:$0x3FAA]  }
0x29: {  	s4 =	sld [smem:$0x3FAC]  }
0x2a: {  	p0 =	seq.s32 s5, $0x0;
	s5 =	sld [smem:$0x3FAD]  }
0x2b: {  	s6 =	sld [smem:$0x3FAE]  }
0x2c: {  	s7 =	sld [smem:$0x3FAF]  }
0x2d: {  	s3 =	simm.s32 $0x108;
	s8 =	sld [smem:$0x3FB0]  }
0x2e: {  	s3 =	simm.s32 @!p0 $0x1082;
	s9 =	sld [smem:$0x3FB1]  }
0x2f: {  	lr =	sadd.s32 s0, s3;
	s0 =	sld [smem:$0x3FA8]  }
0x30: {  	s3 =	sld [smem:$0x3FAB]  }
0x31: {  	[smem:$0x3FB4] =	sst s10  }
0x32: {  	s10 =	sld [smem:$0x3FB2];
	_ =	sdelay $0x3  }
0x33: {  	p0 =	seq.s32 s10, $0x1;
	s10 =	sld [smem:$0x3FB4];
	_ =	sdelay $0x3  }
0x34: {  	[smem:$0x3FB4] =	sst s10  }
0x35: {  	s10 =	sld [smem:$0x3FB3];
	_ =	sdelay $0x3  }
0x36: {  	p1 =	seq.s32 s10, $0x1;
	s10 =	sld [smem:$0x3FB4];
	_ =	sdelay $0x3  }
0x37: {  	[smem:$0x3FB4] =	sst s10  }
0x38: {  	s10 =	sld [smem:$0x3FB5]  }
0x39: {  	_ = 	snop;
	(pc) =	sbr.ind lr, $3  }
0x3a: {  	_ = 	snop  }
0x3b: {  	_ = 	snop  }
0x3c: {  	p2 =	seq.s32 s10, $0x1;
	s10 =	sld [smem:$0x3FB4]  }
0x3d: {  	_ =	shalt  }
0x3e: {  	_ =	shalt  }
0x3f: {  	_ =	shalt  }
0x40: {  	_ =	shalt  }
0x41: {  	_ =	shalt  }
0x42: {  	_ =	shalt  }
0x43: {  	_ =	shalt  }
0x44: {  	_ =	shalt  }
0x45: {  	_ =	shalt  }
0x46: {  	_ =	shalt  }
0x47: {  	_ =	shalt  }
0x48: {  	_ =	shalt  }
0x49: {  	_ =	shalt  }
0x4a: {  	_ =	shalt  }
0x4b: {  	_ =	shalt  }
0x4c: {  	_ =	shalt  }
0x4d: {  	_ =	shalt  }
0x4e: {  	_ =	shalt  }
0x4f: {  	_ =	shalt  }
0x50: {  	_ =	shalt  }
0x51: {  	_ =	shalt  }
0x52: {  	_ =	shalt  }
0x53: {  	_ =	shalt  }
0x54: {  	_ =	shalt  }
0x55: {  	_ =	shalt  }
0x56: {  	_ =	shalt  }
0x57: {  	_ =	shalt  }
0x58: {  	_ =	shalt  }
0x59: {  	_ =	shalt  }
0x5a: {  	_ =	shalt  }
0x5b: {  	_ =	shalt  }
0x5c: {  	_ =	shalt  }
0x5d: {  	_ =	shalt  }
0x5e: {  	_ =	shalt  }
0x5f: {  	_ =	shalt  }
0x60: {  	_ =	shalt  }
0x61: {  	_ =	shalt  }
0x62: {  	_ =	shalt  }
0x63: {  	_ =	shalt  }
0x64: {  	_ =	shalt  }
0x65: {  	_ =	shalt  }
0x66: {  	_ =	shalt  }
0x67: {  	_ =	shalt  }
0x68: {  	_ =	shalt  }
0x69: {  	_ =	shalt  }
0x6a: {  	_ =	shalt  }
0x6b: {  	_ =	shalt  }
0x6c: {  	_ =	shalt  }
0x6d: {  	_ =	shalt  }
0x6e: {  	_ =	shalt  }
0x6f: {  	_ =	shalt  }
0x70: {  	_ =	shalt  }
0x71: {  	_ =	shalt  }
0x72: {  	_ =	shalt  }
0x73: {  	_ =	shalt  }
0x74: {  	_ =	shalt  }
0x75: {  	_ =	shalt  }
0x76: {  	_ =	shalt  }
0x77: {  	_ =	shalt  }
0x78: {  	_ =	shalt  }
0x79: {  	_ =	shalt  }
0x7a: {  	_ =	shalt  }
0x7b: {  	_ =	shalt  }
0x7c: {  	_ =	shalt  }
0x7d: {  	_ =	shalt  }
0x7e: {  	_ =	shalt  }
0x7f: {  	_ =	shalt  }
0x80: {  	_ =	shalt  }
0x81: {  	_ =	shalt  }
0x82: {  	_ =	shalt  }
0x83: {  	_ =	shalt  }
0x84: {  	_ =	shalt  }
0x85: {  	_ =	shalt  }
0x86: {  	_ =	shalt  }
0x87: {  	_ =	shalt  }
.Lfunc_end0:
.L_simem_size_0:
called_computation.4_lowered:
.L_overlay_start_0:
0x88: {  	s2 =	sld [smem:$0x3FD9]  }
0x89: {  	s3 =	sld [smem:$0x3FFE];
	_ =	sdelay $0x1  }
0x8a: {  	s1 =	srdreg.scid  }
0x8b: {  	s0 =	sand.u32 $0x1, s1  }
0x8c: {  	s17 =	sshll.u32 s0, $0xA;
	s2 =	sadd.s32 s3, s2  }
0x8d: {  	s2 =	sadd.s32 s2, s17  }
0x8e: {  	[smem:$0x3FC0] =	sst s2  }
0x8f: {  	_ = 	snop  }
0x90: {  	s2 =	sld [smem:$0x3FC7];
	(tm) =	ssettm $0x1  }
0x91: {  	s18 =	sld [smem:$0x3FFB];
	_ =	sdelay $0x3  }
0x92: {  	_ =	strace s18  }
0x93: {  	s3 =	sld [smem:$0x3FFC];
	_ =	sdelay $0x3  }
0x94: {  	_ =	strace s3  }
0x95: {  	s3 =	sld [smem:$0x3FFD];
	_ =	sdelay $0x3  }
0x96: {  	_ =	strace s3  }
0x97: {  	_ =	strace $0x8FFFFFFF  }
0x98: {  	s19 =	sld [smem:$0x3FDB];
	_ =	sdelay $0x1  }
0x99: {  	s4 =	simm.s32 $_scs_section_size  }
0x9a: {  	s5 =	simm.s32 $_size__tile_overlayer_lowered;
	s6 =	simm.s32 $_tile_overlayer_lowered  }
0x9b: {  	s22 =	simm.s32 $0x1BFF;
	s21 =	sshll.u32 s6, $0x1;
	s3 =	sadd.s32 s4, s19  }
0x9c: {  	s7 =	simm.s32 $0x0;
	s20 =	sshll.u32 s5, $0x1;
	s5 =	sadd.s32 s21, s3  }
0x9d: {  	[timem:s7], [sflag:s22] =	dma.local [hbm:s5], s20  }
0x9e: {  	_ =	swait.ge [sflag:s22], s20  }
0x9f: {  	s4 =	ssub.s32 $0x0, s20;
	[sflag:s22] =	ssyncset.done $0x0  }
0xa0: {  	[sflag:s22] =	ssyncadd.s32 s4;
	_ =	sdelay $0x1  }
0xa1: {  	s23 =	simm.s32 $0x1B8B  }
0xa2: {  	_ =	swait.ge [sflag:s23], $0x1  }
0xa3: {  	[sflag:s23] =	ssyncset.done $0x0  }
0xa4: {  	s25 =	simm.s32 $0x1B8E;
	s24 =	sld [smem:$0x3FFE];
	[sflag:s23] =	ssyncadd.s32 $0xFFFFFFFF  }
0xa5: {  	s26 =	simm.s32 $execute0_lowered;
	[smem:$0x3FD2] =	sst s25  }
0xa6: {  	s5 =	sshll.u32 s26, $0x1;
	_ =	strace $0x80000046;
	[dreg:$0x1] =	wrdreg $0xFFFFFFFF  }
0xa7: {  	s28 =	simm.s32 $_size_execute0_lowered;
	s3 =	sadd.s32 s3, s5;
	[dreg:$0x0] =	wrdreg $0x0  }
0xa8: {  	s5 =	sshll.u32 s28, $0x1;
	[dreg:$0x2] =	wrdreg s3  }
0xa9: {  	[dreg:$0x3] =	wrdreg s5  }
0xaa: {  	[dreg:$0x4] =	wrdreg $0xC0  }
0xab: {  	_ =	task [dreg:s7], $0x5FFFF  }
0xac: {  	[dreg:$0x1] =	wrdreg $0xFFFFFFFF  }
0xad: {  	[dreg:$0x0] =	wrdreg $0x60  }
0xae: {  	[dreg:$0x2] =	wrdreg s24  }
0xaf: {  	[dreg:$0x3] =	wrdreg s2  }
0xb0: {  	[dreg:$0x4] =	wrdreg $0x9  }
0xb1: {  	_ =	task.clear_ibuf [dreg:s7], $0x5FFFF;
	_ =	strace $0x90000046  }
0xb2: {  	s29 =	simm.s32 $0x9;
	_ =	strace $0x80000048  }
0xb3: {  	_ =	swait.ge [sflag:s29], $0x1  }
0xb4: {  	[sflag:s29] =	ssyncadd.s32 $0xFFFFFFFF  }
0xb5: {  	_ =	strace $0x90000048  }
0xb6: {  	_ =	sfence  }
0xb7: {  	s30 =	sld [smem:$0x0];
	_ =	sdelay $0x2  }
0xb8: {  	s31 =	sshll.u32 s1, $0xD;
	s1 =	sshrl.u32 s1, $0x2  }
0xb9: {  	s3 =	sand.u32 $0x4000, s31;
	s1 =	sadd.s32 s1, s30  }
0xba: {  	s0 =	sor.u32 s3, s0;
	s1 =	sshll.u32 s1, $0x11  }
0xbb: {  	s0 =	sor.u32 s1, s0  }
0xbc: {  	s0 =	sadd.s32 $0x8F2B, s0  }
0xbd: {  	[sflag:s0] =	ssyncadd.remote.s32 $0x1  }
0xbe: {  	_ =	sfence.sel $0xFFFF  }
0xbf: {  	[dreg:$0x0] =	wrdreg $0xFFFFFFFF;
	(pc) =	sbr.abs _section_cstart, $3  }
0xc0: {  	[dreg:$0x1] =	wrdreg $0xFFFFFFFF  }
0xc1: {  	_ =	task.clear_ibuf [dreg:s7], $0x2FFFF;
	_ =	strace $0x9FFFFFFF  }
0xc2: {  	(tm) =	ssettm $0x7FFFFFFF  }
0xc3: {  	_ =	shalt  }
tec
execute0_lowered:
.L_overlay_start_1:
0x0: {  	(tag) =	ssettag $0x1  }
0x1: {  	s0 =	rddreg [dreg:$0x0]  }
0x2: {  	s2 =	srdreg.scid;
	s3 =	simm.s32 $0x0;
	s1 =	stileid.u32  }
0x3: {  	s13 =	simm.s32 $0x2;
	s16 =	simm.s32 $0x1;
	s18 =	simm.s32 $0x10E00  }
0x4: {  	s9 =	sand.u32 $0x1, s2;
	s8 =	smul.u32 $0xFFFFE700, s1;
	s4 =	sadd.s32 $0x188C00, s0  }
0x5: {  	[smem:$0x7FF] =	sst s3;
	s5 =	sadd.s32 $0x1A1400, s0;
	s7 =	smul.u32 $0xFFFFF380, s9  }
0x6: {  	s6 =	sadd.s32 $0x1AD800, s0;
	s11 =	sshll.u32 s1, $0x1;
	s1 =	simm.s32 $0x0  }
0x7: {  	_ =	strace $0x80000047;
	s29 =	ssub.s32 $0x2, s9;
	s10 =	sadd.s32 s8, s7  }
0x8: {  	s12 =	sshrl.u32 s29, $0x1;
	s7 =	sadd.s32 $0x1DE600, s0;
	s28 =	sadd.s32 $0x186A0, s10  }
0x9: {  	s8 =	sadd.s32 $0x2200, s0;
	s30 =	ssub.s32 s29, s12;
	s0 =	smin.u32 s28, $0xC80  }
0xa: {  	s9 =	sor.u32 s9, s11;
	s31 =	smax.u32 s30, $0x1;
	s0 =	sadd.s32 $0x20, s0  }
0xb: {  	s9 =	smul.u32 $0xC80, s9;
	[dreg:$0x3] =	wrdreg s31;
	s10 =	sshrl.u32 s0, $0x6  }
.LBB2_1:
0xc: {  	[dreg:$0x4] =	wrdreg s1  }
0xd: {  	s0 =	rddreg [dreg:$0x1];
	s31 =	simm.s32 $0x10800  }
0xe: {  	[tilespmem:s31], [sflag:$0x2] =	stream.linear.gather [hbm4b:s0+s3], $0x200, $0x38;
	[tilespmem:$0x12E00] =	vst v63  }
0xf: {  	_ =	swait.ge [sflag:s13], $0x200  }
0x10: {  	[sflag:s13] =	ssyncset.done $0x0  }
0x11: {  	s20 =	simm.s32 $0x0;
	[sflag:s13] =	ssyncadd.s32 $0xFFFFFE00  }
.LBB2_2:
0x12: {  	s0 =	sshll.u32 s20, $0x6  }
0x13: {  	s21 =	sadd.s32 s9, s0  }
0x14: {  	p0 =	slt.s32 s21, $0x18660  }
0x15: {  	s21 =	simm.s32 @!p0 $0x18660  }
0x16: {  	s31 =	sand.u32 $0x1FFFFFE0, s21  }
0x17: {  	s22 =	simm.s32 $0x0;
	s0 =	sadd.s32 s4, s31  }
0x18: {  	[tilespmem:s22], [sflag:$0x2] =	stream.linear.gather [hbm4b:s0+s22], $0x200, $0x38;
	[tilespmem:$0x12E00] =	vst v63  }
0x19: {  	_ =	swait.ge [sflag:s13], $0x200  }
0x1a: {  	[sflag:s13] =	ssyncset.done $0x0  }
0x1b: {  	s0 =	simm.s32 $0x0;
	[sflag:s13] =	ssyncadd.s32 $0xFFFFFE00  }
0x1c: {  	v0 =	vld [tilespmem:s0+$0x0]  }
0x1d: {  	s22 =	simm.s32 $0x40  }
.LBB2_3:
0x1e: {  	p0 =	sne.s32 s22, $0x7C0  }
.Ltmp0:
0x1f: {  	_ = 	snop;
	(pc) =	sbr.rel @p0 .LBB2_3-.Ltmp0, $4  }
0x20: {  	_ = 	snop  }
0x21: {  	s23 =	sshra.s32 s22, $0x2;
	s22 =	sadd.s32 $0x40, s22;
	v1 =	vshrl.u32 v0, $0x3;
	v2 =	vshll.u32 v0, $0x4  }
0x22: {  	v0 =	vld [tilespmem:s23+$0x0];
	[tilespmem:s0+$0x200] =	vst v1;
	v1 =	vand.u32 $0x70, v2  }
0x23: {  	[tilespmem:s0+$0x400] =	vst v1;
	s0 =	smov.u32 s23  }
0x24: {  	_ =	sdelay $0x2  }
0x25: {  	v1 =	vshrl.u32 v0, $0x3;
	v0 =	vshll.u32 v0, $0x4  }
0x26: {  	[tilespmem:s0+$0x200] =	vst v1;
	v0 =	vand.u32 $0x70, v0  }
0x27: {  	s25 =	simm.s32 $0x200;
	s1 =	simm.s32 $0x680;
	[tilespmem:s0+$0x400] =	vst v0  }
0x28: {  	[tilespmem:s1], [sflag:$0x1] =	stream.indirect.gather [hbm4b:s6+s25], $0x80, s25, s25, $0xb8;
	[tilespmem:$0x12E00] =	vst v63  }
0x29: {  	s26 =	sshrl.u32 s21, $0x1;
	_ =	swait.ge [sflag:s16], $0x10000  }
0x2a: {  	s22 =	simm.s32 $0x0;
	s0 =	sand.u32 $0x1FFFFFF0, s26;
	[sflag:s16] =	ssyncset.done $0x0  }
0x2b: {  	s0 =	sadd.s32 s5, s0;
	s25 =	simm.s32 $0x10680;
	[sflag:s16] =	ssyncadd.s32 $0xFFFF0000  }
0x2c: {  	[tilespmem:s25], [sflag:$0x2] =	stream.linear.gather [hbm4b:s0+s22], $0x100, $0x38;
	[tilespmem:$0x12E00] =	vst v63  }
0x2d: {  	_ =	swait.ge [sflag:s13], $0x100  }
0x2e: {  	[sflag:s13] =	ssyncset.done $0x0  }
0x2f: {  	s26 =	simm.s32 $0x400;
	[sflag:s13] =	ssyncadd.s32 $0xFFFFFF00  }
0x30: {  	v0 =	vld [tilespmem:s26+$0x0];
	_ =	sdelay $0x4  }
0x31: {  	(v2sf) =	vpush v0, $0x4  }
0x32: {  	(v2sf) =	vpush v0, $0x0  }
0x33: {  	(v2sf) =	vpush v0, $0x1;
	_ =	sdelay $0x1  }
0x34: {  	(v2sf) =	vpush v0, $0x5  }
0x35: {  	(v2sf) =	vpush v0, $0x2;
	_ =	sdelay $0x2  }
0x36: {  	(v2sf) =	vpush v0, $0x3;
	_ =	sdelay $0x2  }
0x37: {  	s23 =	simm.s32 $0x10A00  }
0x38: {  	s28 =	simm.s32 $0x1000;
	s31 =	simm.s32 $0x0;
	s29 =	simm.s32 $0x10EC0  }
0x39: {  	s30 =	simm.s32 $0x10A10;
	s24 =	simm.s32 $0x10680;
	s22 =	simm.s32 $0x10E40  }
.LBB2_5:
0x3a: {  	s26 =	sadd.s32 $0x8, s26  }
0x3b: {  	s25 =	sadd.s32 $0x4, s25;
	s2 =	spop (v2sf);
	(v2sf) =	vpush v0, $0x6;
	s0 =	smov.u32 s28  }
0x3c: {  	s1 =	sand.u32 $0x7F, s2;
	s2 =	sshll.u32 s2, $0x2;
	s12 =	spop (v2sf)  }
0x3d: {  	s11 =	sand.u32 $0x7F, s12;
	s12 =	sshll.u32 s12, $0x2;
	s19 =	spop (v2sf);
	(v2sf) =	vpush v0, $0x7  }
0x3e: {  	s12 =	sand.u32 $0xFFFFFE00, s12;
	s11 =	sshll.u32 s11, $0x2;
	s14 =	sand.u32 $0x7F, s19  }
0x3f: {  	s11 =	sor.u32 s11, s12;
	s12 =	sshll.u32 s19, $0x2;
	s19 =	spop (v2sf)  }
0x40: {  	s14 =	sshll.u32 s14, $0x2;
	s12 =	sand.u32 $0xFFFFFE00, s12;
	s15 =	spop (v2sf)  }
0x41: {  	s12 =	sor.u32 s14, s12;
	s14 =	sand.u32 $0x7F, s15;
	s15 =	sshll.u32 s15, $0x2  }
0x42: {  	s12 =	sshra.s32 s12, $0x2;
	s15 =	sand.u32 $0xFFFFFE00, s15;
	s14 =	sshll.u32 s14, $0x2  }
0x43: {  	s11 =	sshra.s32 s11, $0x2;
	s14 =	sor.u32 s14, s15;
	s15 =	spop (v2sf)  }
0x44: {  	s11 =	sadd.s32 s31, s11;
	s14 =	sshra.s32 s14, $0x2;
	s17 =	sand.u32 $0x7F, s15  }
0x45: {  	v0 =	vld [tilespmem:s11+$0x680];
	s11 =	sadd.s32 s31, s14;
	s14 =	sshll.u32 s15, $0x2;
	s15 =	sshll.u32 s17, $0x2  }
0x46: {  	s12 =	sadd.s32 s31, s12;
	s17 =	sand.u32 $0x7F, s19;
	s14 =	sand.u32 $0xFFFFFE00, s14  }
0x47: {  	v1 =	vld [tilespmem:s12+$0x700];
	s12 =	sor.u32 s15, s14;
	s14 =	sshll.u32 s19, $0x2;
	s15 =	sshll.u32 s17, $0x2  }
0x48: {  	s2 =	sand.u32 $0xFFFFFE00, s2;
	s12 =	sshra.s32 s12, $0x2;
	s14 =	sand.u32 $0xFFFFFE00, s14  }
0x49: {  	s1 =	sshll.u32 s1, $0x2;
	v2 =	vld [tilespmem:s11+$0x780];
	s11 =	sadd.s32 s31, s12;
	s12 =	sor.u32 s15, s14  }
0x4a: {  	s1 =	sor.u32 s1, s2;
	v0 =	vadd.f32 $0.0e+00, v0;
	s2 =	sshra.s32 s12, $0x2;
	s12 =	spop (v2sf)  }
0x4b: {  	s1 =	sshra.s32 s1, $0x2;
	v3 =	vld [tilespmem:s11+$0x800];
	s2 =	sadd.s32 s31, s2;
	s11 =	sand.u32 $0x7F, s12  }
0x4c: {  	s1 =	sadd.s32 s31, s1;
	s12 =	sshll.u32 s12, $0x2;
	v0 =	vadd.f32 v1, v0;
	s14 =	spop (v2sf)  }
0x4d: {  	s11 =	sshll.u32 s11, $0x2;
	v1 =	vld [tilespmem:s1+$0x880];
	s1 =	sand.u32 $0xFFFFFE00, s12;
	s12 =	sand.u32 $0x7F, s14  }
0x4e: {  	v0 =	vadd.f32 v2, v0;
	s1 =	sor.u32 s11, s1;
	s11 =	sshll.u32 s14, $0x2;
	s12 =	sshll.u32 s12, $0x2  }
0x4f: {  	p0 =	sne.s32 s28, $0x3F000;
	v2 =	vld [tilespmem:s2+$0x900];
	s1 =	sshra.s32 s1, $0x2;
	s2 =	sand.u32 $0xFFFFFE00, s11  }
0x50: {  	s28 =	sadd.s32 $0x1000, s28;
	v4 =	vld [tilespmem:s24+$0x0];
	v0 =	vadd.f32 v3, v0;
	s1 =	sadd.s32 s31, s1;
	s2 =	sor.u32 s12, s2  }
0x51: {  	s24 =	smov.u32 s25;
	v3 =	vld [tilespmem:s1+$0x980];
	s1 =	sshra.s32 s2, $0x2  }
0x52: {  	v0 =	vadd.f32 v1, v0;
	s1 =	sadd.s32 s31, s1;
	v1 =	vld [tilespmem:$0x10800]  }
0x53: {  	v5 =	vld [tilespmem:s1+$0xA00]  }
0x54: {  	v0 =	vadd.f32 v2, v0  }
0x55: {  	v2 =	vbroadcast v4, $0x0;
	v6 =	vld [tilespmem:$0x10880];
	v7 =	vbroadcast v4, $0x1  }
0x56: {  	v0 =	vadd.f32 v3, v0;
	v3 =	vbroadcast v4, $0x2;
	v4 =	vbroadcast v4, $0x3  }
0x57: {  	v8 =	vld [tilespmem:$0x10900]  }
0x58: {  	v1 =	vmul.f32 v1, v2;
	v0 =	vadd.f32 v5, v0  }
0x59: {  	v2 =	vld [tilespmem:$0x10980]  }
0x5a: {  	v0 =	vadd.f32 v1, v0;
	v1 =	vmul.f32 v6, v7;
	_ =	sdelay $0x1  }
0x5b: {  	v0 =	vadd.f32 v1, v0;
	v1 =	vmul.f32 v8, v3;
	_ =	sdelay $0x1  }
0x5c: {  	v0 =	vadd.f32 v1, v0;
	v1 =	vmul.f32 v2, v4;
	_ =	sdelay $0x1  }
0x5d: {  	v0 =	vadd.f32 v1, v0;
	_ =	sdelay $0x1  }
0x5e: {  	v0 =	vmul.f32 $8.333333580e-02, v0;
	_ =	sdelay $0x1  }
0x5f: {  	v1 =	vmul.f32 v0, v0;
	[tilespmem:s23+$0x0] =	vst v0;
	s23 =	smov.u32 s30  }
0x60: {  	[tilespmem:s22+$0x0] =	vst v0  }
0x61: {  	[tilespmem:s22+$0x20] =	vst v0  }
0x62: {  	[tilespmem:s22+$0xFFFFFFC0] =	vst v0  }
0x63: {  	[tilespmem:s22+$0xFFFFFFD0] =	vst v1  }
0x64: {  	[tilespmem:s22+$0xFFFFFFE0] =	vst v0  }
0x65: {  	[tilespmem:s22+$0x30] =	vst v1  }
0x66: {  	[tilespmem:s22+$0x10] =	vst v1  }
0x67: {  	[tilespmem:s22+$0xFFFFFFF0] =	vst v1;
	s22 =	smov.u32 s29  }
0x68: {  	v0 =	vld [tilespmem:s26+$0x0];
	_ =	sdelay $0x4  }
0x69: {  	(v2sf) =	vpush v0, $0x4  }
0x6a: {  	(v2sf) =	vpush v0, $0x0  }
0x6b: {  	(v2sf) =	vpush v0, $0x1;
	_ =	sdelay $0x1  }
0x6c: {  	(v2sf) =	vpush v0, $0x5  }
0x6d: {  	(v2sf) =	vpush v0, $0x2;
	_ =	sdelay $0x2  }
0x6e: {  	(v2sf) =	vpush v0, $0x3;
	_ =	sdelay $0x1  }
.Ltmp1:
0x6f: {  	(pc) =	sbr.rel @p0 .LBB2_5-.Ltmp1, $2  }
0x70: {  	_ =	sdelay $0x2  }
0x71: {  	s31 =	sshra.s32 s0, $0x2;
	s30 =	sadd.s32 $0x10, s30;
	s29 =	sadd.s32 $0x80, s29  }
0x72: {  	s0 =	spop (v2sf)  }
0x73: {  	(v2sf) =	vpush v0, $0x6;
	s1 =	sand.u32 $0x7F, s0;
	s2 =	spop (v2sf)  }
0x74: {  	s0 =	sshll.u32 s0, $0x2;
	s11 =	sand.u32 $0x7F, s2;
	s2 =	sshll.u32 s2, $0x2  }
0x75: {  	s12 =	spop (v2sf);
	(v2sf) =	vpush v0, $0x7;
	s0 =	sand.u32 $0xFFFFFE00, s0;
	s1 =	sshll.u32 s1, $0x2  }
0x76: {  	s2 =	sand.u32 $0xFFFFFE00, s2;
	s11 =	sshll.u32 s11, $0x2;
	s14 =	sand.u32 $0x7F, s12  }
0x77: {  	s12 =	sshll.u32 s12, $0x2;
	s0 =	sor.u32 s1, s0;
	s15 =	spop (v2sf)  }
0x78: {  	s2 =	sor.u32 s11, s2;
	s29 =	sand.u32 $0xFFFFFE00, s12;
	s14 =	sshll.u32 s14, $0x2  }
0x79: {  	s30 =	spop (v2sf);
	s11 =	sor.u32 s14, s29;
	s2 =	sshra.s32 s2, $0x2  }
0x7a: {  	s17 =	sand.u32 $0x7F, s30;
	s12 =	sshll.u32 s30, $0x2;
	s11 =	sshra.s32 s11, $0x2  }
0x7b: {  	s2 =	sadd.s32 s31, s2;
	s12 =	sand.u32 $0xFFFFFE00, s12;
	s19 =	sshll.u32 s17, $0x2  }
0x7c: {  	v50 =	vld [tilespmem:s2+$0x680];
	s11 =	sadd.s32 s31, s11;
	s12 =	sor.u32 s19, s12;
	s25 =	spop (v2sf)  }
0x7d: {  	s12 =	sshra.s32 s12, $0x2;
	s26 =	sand.u32 $0x7F, s25;
	s28 =	sshll.u32 s25, $0x2  }
0x7e: {  	v1 =	vld [tilespmem:s11+$0x700];
	s2 =	sadd.s32 s31, s12;
	s29 =	sshll.u32 s26, $0x2;
	s12 =	sand.u32 $0xFFFFFE00, s28  }
0x7f: {  	s30 =	sand.u32 $0x7F, s15;
	s25 =	sshll.u32 s15, $0x2;
	s19 =	sor.u32 s29, s12  }
0x80: {  	s26 =	sshll.u32 s30, $0x2;
	s12 =	sand.u32 $0xFFFFFE00, s25;
	v2 =	vld [tilespmem:s2+$0x780];
	s11 =	sshra.s32 s19, $0x2  }
0x81: {  	s0 =	sshra.s32 s0, $0x2;
	s28 =	sor.u32 s26, s12;
	v0 =	vadd.f32 $0.0e+00, v50;
	s11 =	sadd.s32 s31, s11  }
0x82: {  	s0 =	sadd.s32 s31, s0;
	s29 =	sshra.s32 s28, $0x2;
	v3 =	vld [tilespmem:s11+$0x800];
	s30 =	spop (v2sf)  }
0x83: {  	s1 =	sadd.s32 s31, s29;
	v0 =	vadd.f32 v1, v0;
	s12 =	sand.u32 $0x7F, s30;
	s2 =	sshll.u32 s30, $0x2  }
0x84: {  	v51 =	vld [tilespmem:s0+$0x880];
	s14 =	spop (v2sf);
	s15 =	sand.u32 $0xFFFFFE00, s2;
	s17 =	sshll.u32 s12, $0x2  }
0x85: {  	v0 =	vadd.f32 v2, v0;
	s19 =	sand.u32 $0x7F, s14;
	s0 =	sor.u32 s17, s15;
	s25 =	sshll.u32 s14, $0x2  }
0x86: {  	v52 =	vld [tilespmem:s1+$0x900];
	s11 =	sshll.u32 s19, $0x2;
	s0 =	sshra.s32 s0, $0x2;
	s26 =	sand.u32 $0xFFFFFE00, s25  }
0x87: {  	v4 =	vld [tilespmem:s24+$0x0];
	v0 =	vadd.f32 v3, v0;
	s0 =	sadd.s32 s31, s0;
	s1 =	sor.u32 s11, s26  }
0x88: {  	v53 =	vld [tilespmem:s0+$0x980];
	s28 =	sshra.s32 s1, $0x2  }
0x89: {  	v54 =	vld [tilespmem:$0x10800];
	v0 =	vadd.f32 v51, v0;
	s0 =	sadd.s32 s31, s28  }
0x8a: {  	v5 =	vld [tilespmem:s0+$0xA00]  }
0x8b: {  	v0 =	vadd.f32 v52, v0  }
0x8c: {  	v55 =	vld [tilespmem:$0x10880]  }
0x8d: {  	v6 =	vbroadcast v4, $0x0;
	v0 =	vadd.f32 v53, v0  }
0x8e: {  	v56 =	vld [tilespmem:$0x10900]  }
0x8f: {  	v7 =	vbroadcast v4, $0x1;
	v1 =	vmul.f32 v54, v6;
	v0 =	vadd.f32 v5, v0  }
0x90: {  	v57 =	vld [tilespmem:$0x10980]  }
0x91: {  	v58 =	vbroadcast v4, $0x2;
	v59 =	vmul.f32 v55, v7;
	v0 =	vadd.f32 v1, v0;
	_ =	sdelay $0x1  }
0x92: {  	v60 =	vbroadcast v4, $0x3;
	v61 =	vmul.f32 v56, v58;
	v0 =	vadd.f32 v59, v0;
	_ =	sdelay $0x1  }
0x93: {  	v62 =	vmul.f32 v57, v60;
	v0 =	vadd.f32 v61, v0;
	_ =	sdelay $0x1  }
0x94: {  	v0 =	vadd.f32 v62, v0;
	_ =	sdelay $0x1  }
0x95: {  	v0 =	vmul.f32 $8.333333580e-02, v0;
	_ =	sdelay $0x1  }
0x96: {  	[tilespmem:s23+$0x0] =	vst v0  }
0x97: {  	[tilespmem:s22+$0x0] =	vst v0  }
0x98: {  	[tilespmem:s22+$0x20] =	vst v0  }
0x99: {  	v63 =	vmul.f32 v0, v0;
	[tilespmem:s22+$0xFFFFFFC0] =	vst v0  }
0x9a: {  	[tilespmem:s22+$0xFFFFFFE0] =	vst v0  }
0x9b: {  	[tilespmem:s22+$0xFFFFFFD0] =	vst v63  }
0x9c: {  	s29 =	sshll.u32 s21, $0x1;
	[tilespmem:s22+$0x30] =	vst v63  }
0x9d: {  	s0 =	sand.u32 $0x1FFFFFC0, s29;
	[tilespmem:s22+$0x10] =	vst v63  }
0x9e: {  	s30 =	simm.s32 $0x10A00;
	s0 =	sadd.s32 s7, s0;
	[tilespmem:s22+$0xFFFFFFF0] =	vst v63  }
0x9f: {  	[hbm4b:s0+s3] =	stream.linear.scatter [tilespmem:s30], [sflag:$0x2], $0x400, $0x38;
	[tilespmem:$0x12E00] =	vst v63  }
0xa0: {  	s20 =	sadd.s32 $0x1, s20;
	s31 =	sshll.u32 s21, $0x4;
	_ =	swait.ge [sflag:s13], $0x400  }
0xa1: {  	p0 =	sne.s32 s20, s10;
	s0 =	sand.u32 $0x1FFFFE00, s31;
	[sflag:s13] =	ssyncset.done $0x0  }
.Ltmp2:
0xa2: {  	s0 =	sadd.s32 s8, s0;
	[sflag:s13] =	ssyncadd.s32 $0xFFFFFC00;
	(pc) =	sbr.rel @p0 .LBB2_2-.Ltmp2, $4  }
0xa3: {  	[hbm4b:s0+s3] =	stream.linear.scatter [tilespmem:s18], [sflag:$0x2], $0x2000, $0x38;
	[tilespmem:$0x12E00] =	vst v63  }
0xa4: {  	_ =	swait.ge [sflag:s13], $0x2000  }
0xa5: {  	[sflag:s13] =	ssyncset.done $0x0  }
0xa6: {  	[sflag:s13] =	ssyncadd.s32 $0xFFFFE000  }
0xa7: {  	s1 =	rddreg [dreg:$0x4]  }
0xa8: {  	s0 =	rddreg [dreg:$0x3];
	s1 =	sadd.s32 $0x1, s1  }
0xa9: {  	p0 =	sne.s32 s1, s0  }
.Ltmp3:
0xaa: {  	_ = 	snop;
	(pc) =	sbr.rel @p0 .LBB2_1-.Ltmp3, $1  }
0xab: {  	_ =	sdelay $0x3  }
0xac: {  	_ =	sfence.sel $0x180000  }
0xad: {  	[bflag:$0x0] =	sbarrier.arrive $0xFFFF  }
0xae: {  	_ =	strace $0x90000047  }
0xaf: {  	s0 =	stileid.u32;
	[bflag:$0x2] =	sbarrier.arrive $0xFFFF  }
0xb0: {  	p0 =	sne.s32 s0, $0x0;
	s0 =	rddreg [dreg:$0x2]  }
0xb1: {  	s0 =	sadd.s32 @!p0 $0x100000, s0  }
0xb2: {  	[sflag:s0] =	ssyncadd.tile.s32 @!p0 $0x1;
	_ =	shalt  }
.Lfunc_end2:
_tile_overlayer_lowered:
.L_overlay_start_2:
0xb3: {  	(tag) =	ssettag $0x2  }
0xb4: {  	s0 =	rddreg [dreg:$0x0];
	s2 =	stileid.u32  }
0xb5: {  	s1 =	rddreg [dreg:$0x1];
	p0 =	sne.s32 s2, $0x0  }
0xb6: {  	s3 =	rddreg [dreg:$0x2];
	[bflag:$0x3] =	sbarrier.arrive $0xFFFF;
	s2 =	simm.s32 @!p0 $0x1C02  }
0xb7: {  	[timem:s3], [sflag:s2] =	dma.local @!p0 [hbm:s0], s1  }
0xb8: {  	s0 =	simm.s32 @!p0 $0x2  }
0xb9: {  	_ =	swait.ge @!p0 [sflag:s0], s1  }
0xba: {  	s1 =	ssub.s32 @!p0 $0x0, s1;
	[sflag:s0] =	ssyncset.done @!p0 $0x0  }
0xbb: {  	[sflag:s0] =	ssyncadd.s32 @!p0 s1  }
0xbc: {  	[bflag:$0x3] =	sbarrier.arrive $0xFFFF  }
0xbd: {  	_ =	shalt  }

// kernel: scatter_offload_async_start.1
scs
__scs_entry_jumppad:
0x0: {  	(pc) =	sbr.rel $0x88, $3  }
0x1: {  	(tag) =	ssettag $0x0;
	lr =	simm.s32 $0x1  }
0x2: {  	[smem:$0x3F99] =	sst lr;
	_ =	strace $0xD0000000  }
0x3: {  	_ = 	snop  }
0x4: {  	_ = 	snop  }
0x5: {  	_ = 	snop  }
0x6: {  	_ = 	snop  }
0x7: {  	_ = 	snop  }
__scs_overlays_trampoline_lowered:
0x8: {  	[smem:$0x3FA8] =	sst s0  }
0x9: {  	[smem:$0x3FA9] =	sst s1  }
0xa: {  	[smem:$0x3FAA] =	sst s2  }
0xb: {  	[smem:$0x3FAB] =	sst s3  }
0xc: {  	[smem:$0x3FAC] =	sst s4  }
0xd: {  	[smem:$0x3FAD] =	sst s5  }
0xe: {  	[smem:$0x3FAE] =	sst s6  }
0xf: {  	[smem:$0x3FAF] =	sst s7  }
0x10: {  	[smem:$0x3FB0] =	sst s8  }
0x11: {  	[smem:$0x3FB1] =	sst s9;
	s0 =	simm.s32 @!p0 $0x0  }
0x12: {  	s1 =	sld [smem:$0x3F97];
	s0 =	simm.s32 @p0 $0x1  }
0x13: {  	[smem:$0x3FB2] =	sst s0;
	s0 =	simm.s32 @!p1 $0x0  }
0x14: {  	s2 =	sld [smem:$0x3F96];
	s0 =	simm.s32 @p1 $0x1  }
0x15: {  	[smem:$0x3FB3] =	sst s0;
	s0 =	simm.s32 @!p2 $0x0  }
0x16: {  	s3 =	sld [smem:$0x3FDB];
	s0 =	simm.s32 @p2 $0x1  }
0x17: {  	s4 =	simm.s32 $0x1BF5;
	[smem:$0x3FB5] =	sst s0  }
0x18: {  	s0 =	sld [smem:$0x3F98];
	_ =	swait.ge [sflag:s4], $0x0  }
0x19: {  	s7 =	sld [smem:$0x3F99]  }
0x1a: {  	s8 =	sadd.s32 $0xFFFFE003, lr  }
0x1b: {  	s9 =	sadd.s32 $0xFFFFFEF7, lr;
	s5 =	simm.s32 $0xFFFFFFFF;
	p2 =	slt.u32 s8, $0xFFFFF086  }
0x1c: {  	p1 =	slt.u32 s9, $0xF7A;
	s5 =	simm.s32 @!p2 $0x0  }
0x1d: {  	s5 =	simm.s32 @p1 $0x1;
	p0 =	seq.s32 s7, s2  }
0x1e: {  	s7 =	smul.u32 @!p0 $0xF7A, s2;
	p2 =	seq.s32 @!p0 s5, $0x0  }
0x1f: {  	s9 =	smul.u32 $0xF7A, s1;
	s8 =	simm.s32 @!p0 $0x1BF5;
	p2 =	por !p2, p0  }
0x20: {  	[sflag:s8] =	ssyncset.s32 @!p0 $0xFFFFF086;
	s6 =	sadd.s32 @!p0 s3, s7;
	s7 =	simm.s32 @!p0 $0x108  }
0x21: {  	s3 =	sadd.s32 s3, s9;
	s6 =	sadd.s32 @!p0 $0x88, s6;
	s7 =	simm.s32 @p2 $0x1082  }
0x22: {  	[simem:s7], [sflag:s8] =	dma.local @!p0 [hbm:s6], $0xF7A  }
0x23: {  	s9 =	sor.u32 $0xD0000000, s2;
	s6 =	simm.s32 $0x108;
	_ =	swait.ge @!p0 [sflag:s8], $0x0  }
0x24: {  	s3 =	sadd.s32 $0x88, s3;
	s6 =	simm.s32 @!p1 $0x1082;
	[sflag:s4] =	ssyncset.s32 $0xFFFFF086  }
0x25: {  	[simem:s6], [sflag:s4] =	dma.local [hbm:s3], $0xF7A  }
0x26: {  	[smem:$0x3F99] =	sst s1;
	(tag) =	ssettag s2;
	_ =	strace s9  }
0x27: {  	s1 =	sld [smem:$0x3FA9]  }
0x28: {  	s2 =	sld [smem:$0x3FAA]  }
0x29: {  	s4 =	sld [smem:$0x3FAC]  }
0x2a: {  	p0 =	seq.s32 s5, $0x0;
	s5 =	sld [smem:$0x3FAD]  }
0x2b: {  	s6 =	sld [smem:$0x3FAE]  }
0x2c: {  	s7 =	sld [smem:$0x3FAF]  }
0x2d: {  	s3 =	simm.s32 $0x108;
	s8 =	sld [smem:$0x3FB0]  }
0x2e: {  	s3 =	simm.s32 @!p0 $0x1082;
	s9 =	sld [smem:$0x3FB1]  }
0x2f: {  	lr =	sadd.s32 s0, s3;
	s0 =	sld [smem:$0x3FA8]  }
0x30: {  	s3 =	sld [smem:$0x3FAB]  }
0x31: {  	[smem:$0x3FB4] =	sst s10  }
0x32: {  	s10 =	sld [smem:$0x3FB2];
	_ =	sdelay $0x3  }
0x33: {  	p0 =	seq.s32 s10, $0x1;
	s10 =	sld [smem:$0x3FB4];
	_ =	sdelay $0x3  }
0x34: {  	[smem:$0x3FB4] =	sst s10  }
0x35: {  	s10 =	sld [smem:$0x3FB3];
	_ =	sdelay $0x3  }
0x36: {  	p1 =	seq.s32 s10, $0x1;
	s10 =	sld [smem:$0x3FB4];
	_ =	sdelay $0x3  }
0x37: {  	[smem:$0x3FB4] =	sst s10  }
0x38: {  	s10 =	sld [smem:$0x3FB5]  }
0x39: {  	_ = 	snop;
	(pc) =	sbr.ind lr, $3  }
0x3a: {  	_ = 	snop  }
0x3b: {  	_ = 	snop  }
0x3c: {  	p2 =	seq.s32 s10, $0x1;
	s10 =	sld [smem:$0x3FB4]  }
0x3d: {  	_ =	shalt  }
0x3e: {  	_ =	shalt  }
0x3f: {  	_ =	shalt  }
0x40: {  	_ =	shalt  }
0x41: {  	_ =	shalt  }
0x42: {  	_ =	shalt  }
0x43: {  	_ =	shalt  }
0x44: {  	_ =	shalt  }
0x45: {  	_ =	shalt  }
0x46: {  	_ =	shalt  }
0x47: {  	_ =	shalt  }
0x48: {  	_ =	shalt  }
0x49: {  	_ =	shalt  }
0x4a: {  	_ =	shalt  }
0x4b: {  	_ =	shalt  }
0x4c: {  	_ =	shalt  }
0x4d: {  	_ =	shalt  }
0x4e: {  	_ =	shalt  }
0x4f: {  	_ =	shalt  }
0x50: {  	_ =	shalt  }
0x51: {  	_ =	shalt  }
0x52: {  	_ =	shalt  }
0x53: {  	_ =	shalt  }
0x54: {  	_ =	shalt  }
0x55: {  	_ =	shalt  }
0x56: {  	_ =	shalt  }
0x57: {  	_ =	shalt  }
0x58: {  	_ =	shalt  }
0x59: {  	_ =	shalt  }
0x5a: {  	_ =	shalt  }
0x5b: {  	_ =	shalt  }
0x5c: {  	_ =	shalt  }
0x5d: {  	_ =	shalt  }
0x5e: {  	_ =	shalt  }
0x5f: {  	_ =	shalt  }
0x60: {  	_ =	shalt  }
0x61: {  	_ =	shalt  }
0x62: {  	_ =	shalt  }
0x63: {  	_ =	shalt  }
0x64: {  	_ =	shalt  }
0x65: {  	_ =	shalt  }
0x66: {  	_ =	shalt  }
0x67: {  	_ =	shalt  }
0x68: {  	_ =	shalt  }
0x69: {  	_ =	shalt  }
0x6a: {  	_ =	shalt  }
0x6b: {  	_ =	shalt  }
0x6c: {  	_ =	shalt  }
0x6d: {  	_ =	shalt  }
0x6e: {  	_ =	shalt  }
0x6f: {  	_ =	shalt  }
0x70: {  	_ =	shalt  }
0x71: {  	_ =	shalt  }
0x72: {  	_ =	shalt  }
0x73: {  	_ =	shalt  }
0x74: {  	_ =	shalt  }
0x75: {  	_ =	shalt  }
0x76: {  	_ =	shalt  }
0x77: {  	_ =	shalt  }
0x78: {  	_ =	shalt  }
0x79: {  	_ =	shalt  }
0x7a: {  	_ =	shalt  }
0x7b: {  	_ =	shalt  }
0x7c: {  	_ =	shalt  }
0x7d: {  	_ =	shalt  }
0x7e: {  	_ =	shalt  }
0x7f: {  	_ =	shalt  }
0x80: {  	_ =	shalt  }
0x81: {  	_ =	shalt  }
0x82: {  	_ =	shalt  }
0x83: {  	_ =	shalt  }
0x84: {  	_ =	shalt  }
0x85: {  	_ =	shalt  }
0x86: {  	_ =	shalt  }
0x87: {  	_ =	shalt  }
.Lfunc_end0:
.L_simem_size_0:
called_computation.1_lowered:
.L_overlay_start_0:
0x88: {  	s2 =	sld [smem:$0x3FD9]  }
0x89: {  	s3 =	sld [smem:$0x3FFE];
	_ =	sdelay $0x1  }
0x8a: {  	s1 =	srdreg.scid  }
0x8b: {  	s0 =	sand.u32 $0x1, s1  }
0x8c: {  	s12 =	sshll.u32 s0, $0xA;
	s2 =	sadd.s32 s3, s2  }
0x8d: {  	s2 =	sadd.s32 s2, s12  }
0x8e: {  	[smem:$0x3FC0] =	sst s2  }
0x8f: {  	_ = 	snop  }
0x90: {  	(tm) =	ssettm $0x1  }
0x91: {  	s13 =	sld [smem:$0x3FFB];
	_ =	sdelay $0x3  }
0x92: {  	_ =	strace s13  }
0x93: {  	s2 =	sld [smem:$0x3FFC];
	_ =	sdelay $0x3  }
0x94: {  	_ =	strace s2  }
0x95: {  	s2 =	sld [smem:$0x3FFD];
	_ =	sdelay $0x3  }
0x96: {  	_ =	strace s2  }
0x97: {  	_ =	strace $0x8FFFFFFF  }
0x98: {  	s14 =	sld [smem:$0x3FDB];
	_ =	sdelay $0x1  }
0x99: {  	s15 =	simm.s32 $_scs_section_size  }
0x9a: {  	s4 =	simm.s32 $_size__tile_overlayer_lowered;
	s5 =	simm.s32 $_tile_overlayer_lowered  }
0x9b: {  	s19 =	simm.s32 $0x1BFF;
	s17 =	sshll.u32 s5, $0x1;
	s6 =	sadd.s32 s15, s14  }
0x9c: {  	s20 =	simm.s32 $0x0;
	s16 =	sshll.u32 s4, $0x1;
	s18 =	sadd.s32 s17, s6  }
0x9d: {  	[timem:s20], [sflag:s19] =	dma.local [hbm:s18], s16  }
0x9e: {  	_ =	swait.ge [sflag:s19], s16  }
0x9f: {  	s3 =	ssub.s32 $0x0, s16;
	[sflag:s19] =	ssyncset.done $0x0  }
0xa0: {  	[sflag:s19] =	ssyncadd.s32 s3;
	_ =	sdelay $0x1  }
0xa1: {  	s21 =	simm.s32 $0x1B8B  }
0xa2: {  	_ =	swait.ge [sflag:s21], $0x1  }
0xa3: {  	[sflag:s21] =	ssyncset.done $0x0  }
0xa4: {  	[sflag:s21] =	ssyncadd.s32 $0xFFFFFFFF  }
0xa5: {  	s3 =	sld [smem:$0x0]  }
0xa6: {  	s4 =	sand.u32 $0xFFFFFFFE, s1  }
0xa7: {  	p0 =	sne.s32 s1, s4  }
0xa8: {  	s4 =	sshll.u32 @p0 s4, $0xE  }
0xa9: {  	s5 =	sadd.s32 @p0 $0x11B8D, s4;
	s7 =	sshll.u32 @p0 s3, $0x11  }
0xaa: {  	s5 =	sor.u32 @p0 s7, s5  }
0xab: {  	[sflag:s5] =	ssyncadd.remote.s32 @p0 $0x1;
	_ =	sdelay $0x1  }
0xac: {  	s5 =	simm.s32 @p0 $0x1B8D  }
0xad: {  	_ =	swait.eq @p0 [sflag:s5], $0x1  }
0xae: {  	[sflag:s5] =	ssyncadd.s32 @p0 $0xFFFFFFFF  }
0xaf: {  	s7 =	sshll.u32 @!p0 s1, $0xE  }
0xb0: {  	s7 =	sor.u32 @!p0 $0x4000, s7;
	s5 =	simm.s32 @!p0 $0x1B8D  }
0xb1: {  	s9 =	sshll.u32 @!p0 s3, $0x11;
	s8 =	sadd.s32 @!p0 $0x11B8D, s7;
	_ =	swait.eq @!p0 [sflag:s5], $0x1  }
0xb2: {  	[sflag:s5] =	ssyncadd.s32 @!p0 $0xFFFFFFFF;
	s5 =	sor.u32 @!p0 s9, s8  }
0xb3: {  	s23 =	simm.s32 $0x1B8E;
	s22 =	sld [smem:$0x3FFE];
	[sflag:s5] =	ssyncadd.remote.s32 @!p0 $0x1  }
0xb4: {  	s24 =	simm.s32 $execute0_lowered;
	[smem:$0x3FD2] =	sst s23  }
0xb5: {  	s8 =	sshll.u32 s24, $0x1;
	_ =	strace $0x80000055;
	[dreg:$0x1] =	wrdreg $0xFFFFFFFF  }
0xb6: {  	s25 =	simm.s32 $_size_execute0_lowered;
	s8 =	sadd.s32 s6, s8;
	[dreg:$0x0] =	wrdreg $0x0  }
0xb7: {  	s9 =	sshll.u32 s25, $0x1;
	[dreg:$0x2] =	wrdreg s8  }
0xb8: {  	[dreg:$0x3] =	wrdreg s9  }
0xb9: {  	[dreg:$0x4] =	wrdreg $0xC0  }
0xba: {  	s26 =	simm.s32 $execute1_lowered;
	_ =	task [dreg:s20], $0x5FFFF  }
0xbb: {  	s8 =	sshll.u32 s26, $0x1;
	[dreg:$0x1] =	wrdreg $0xFFFFFFFF  }
0xbc: {  	s6 =	sadd.s32 s6, s8;
	[dreg:$0x0] =	wrdreg $0x60  }
0xbd: {  	[dreg:$0x2] =	wrdreg s6  }
0xbe: {  	[dreg:$0x3] =	wrdreg s22  }
0xbf: {  	[dreg:$0x4] =	wrdreg $0xA  }
0xc0: {  	_ =	task.clear_ibuf [dreg:s20], $0x5FFFF;
	_ =	strace $0x90000055  }
0xc1: {  	s28 =	simm.s32 $0xA;
	_ =	strace $0x80000057  }
0xc2: {  	_ =	swait.ge [sflag:s28], $0x1  }
0xc3: {  	[sflag:s28] =	ssyncadd.s32 $0xFFFFFFFF  }
0xc4: {  	_ =	strace $0x90000057  }
0xc5: {  	s6 =	sld [smem:$0x0];
	_ =	sdelay $0x3  }
0xc6: {  	s4 =	sadd.s32 @p0 $0x11BF3, s4;
	s8 =	sshll.u32 @p0 s6, $0x11  }
0xc7: {  	s4 =	sor.u32 @p0 s8, s4  }
0xc8: {  	[sflag:s4] =	ssyncadd.remote.s32 @p0 $0x1;
	_ =	sdelay $0x1  }
0xc9: {  	s4 =	simm.s32 @p0 $0x1BF3  }
0xca: {  	_ =	swait.eq @p0 [sflag:s4], $0x1  }
0xcb: {  	[sflag:s4] =	ssyncadd.s32 @p0 $0xFFFFFFFF;
	_ =	sdelay $0x1  }
0xcc: {  	s4 =	simm.s32 @!p0 $0x1BF3  }
0xcd: {  	s7 =	sadd.s32 @!p0 $0x11BF3, s7;
	s6 =	sshll.u32 @!p0 s6, $0x11;
	_ =	swait.eq @!p0 [sflag:s4], $0x1  }
0xce: {  	[sflag:s4] =	ssyncadd.s32 @!p0 $0xFFFFFFFF;
	s4 =	sor.u32 @!p0 s6, s7  }
0xcf: {  	[sflag:s4] =	ssyncadd.remote.s32 @!p0 $0x1  }
0xd0: {  	_ =	strace $0x80000058;
	[dreg:$0x1] =	wrdreg $0xFFFFFFFF  }
0xd1: {  	[dreg:$0x0] =	wrdreg $0x2030  }
0xd2: {  	[dreg:$0x2] =	wrdreg s22  }
0xd3: {  	[dreg:$0x3] =	wrdreg s1  }
0xd4: {  	[dreg:$0x4] =	wrdreg s3  }
0xd5: {  	[dreg:$0x5] =	wrdreg $0xB  }
0xd6: {  	_ =	task.clear_ibuf [dreg:s20], $0x6FFFF;
	_ =	strace $0x90000058  }
0xd7: {  	s29 =	simm.s32 $0xB;
	_ =	strace $0x8000005A  }
0xd8: {  	_ =	swait.ge [sflag:s29], $0x1  }
0xd9: {  	[sflag:s29] =	ssyncadd.s32 $0xFFFFFFFF  }
0xda: {  	_ =	strace $0x9000005A  }
0xdb: {  	_ =	sfence  }
0xdc: {  	s30 =	sld [smem:$0x0];
	_ =	sdelay $0x2  }
0xdd: {  	s31 =	sshll.u32 s1, $0xD;
	s1 =	sshrl.u32 s1, $0x2  }
0xde: {  	s4 =	sand.u32 $0x4000, s31;
	s1 =	sadd.s32 s1, s30  }
0xdf: {  	s0 =	sor.u32 s4, s0;
	s1 =	sshll.u32 s1, $0x11  }
0xe0: {  	s0 =	sor.u32 s1, s0  }
0xe1: {  	s0 =	sadd.s32 $0x8F2B, s0  }
0xe2: {  	[sflag:s0] =	ssyncadd.remote.s32 $0x1  }
0xe3: {  	_ =	sfence.sel $0xFFFF  }
0xe4: {  	[dreg:$0x0] =	wrdreg $0xFFFFFFFF;
	(pc) =	sbr.abs _section_cstart, $3  }
0xe5: {  	[dreg:$0x1] =	wrdreg $0xFFFFFFFF  }
0xe6: {  	_ =	task.clear_ibuf [dreg:s20], $0x2FFFF;
	_ =	strace $0x9FFFFFFF  }
0xe7: {  	(tm) =	ssettm $0x7FFFFFFF  }
tec
execute0_lowered:
.L_overlay_start_1:
0x0: {  	(tag) =	ssettag $0x1  }
0x1: {  	s2 =	rddreg [dreg:$0x0]  }
0x2: {  	s5 =	rddreg [dreg:$0x1]  }
0x3: {  	s0 =	rddreg [dreg:$0x2];
	s3 =	stileid.u32;
	[bflag:$0x3] =	sbarrier.arrive $0xFFFF  }
0x4: {  	s1 =	simm.s32 $_size_execute1_lowered;
	s29 =	srdreg.scid;
	s31 =	simm.s32 $0x2  }
0x5: {  	s13 =	simm.s32 $0x0;
	s8 =	simm.s32 $0x20;
	p0 =	sne.s32 s3, $0x0  }
0x6: {  	s1 =	sshll.u32 s1, $0x1;
	s4 =	simm.s32 @!p0 $0x1C3F;
	s6 =	simm.s32 @!p0 $0x4060  }
0x7: {  	[timem:s6], [sflag:s4] =	dma.local @!p0 [hbm:s2], s1  }
0x8: {  	s9 =	simm.s32 $0x80;
	s11 =	simm.s32 $0x0;
	s2 =	sshll.u32 s29, $0x9  }
.Ltmp0:
0x9: {  	s3 =	sshll.u32 s3, $0xA;
	s30 =	sand.u32 $0x200, s2;
	(pc) =	sbr.rel .LBB2_1-.Ltmp0, $4  }
0xa: {  	s12 =	simm.s32 $0x0;
	_ =	strace $0x80000056;
	s3 =	sor.u32 s3, s30  }
0xb: {  	s4 =	simm.s32 $0x1;
	s2 =	sadd.s32 $0x673F200, s5;
	s7 =	ssub.s32 $0x18600, s3  }
0xc: {  	s5 =	sadd.s32 $0x6A4C600, s5;
	[sflag:s4] =	ssyncpa.u1 $0x0;
	s6 =	sshrl.u32 s7, $0xE  }
0xd: {  	[sflag:s31] =	ssyncpa.u1 $0x0;
	s10 =	smov.u32 s3;
	s7 =	sadd.s32 $0x2, s6  }
.LBB2_5:
0xe: {  	_ =	sdelay $0x3  }
0xf: {  	[tilespmem:v1+s16+$0x0 ss:$0x1] =	vst.idx.msk $0xffff, v2  }
.LBB2_6:
0x10: {  	s16 =	sand.u32 $0x1FFFFFF, s11  }
0x11: {  	s17 =	smulhi.u32 $0x14F8B59, s16;
	_ =	sdelay $0x1  }
0x12: {  	s17 =	sshrl.u32 s17, $0x9  }
0x13: {  	s17 =	smul.u32 $0x186A0, s17;
	_ =	sdelay $0x1  }
0x14: {  	s16 =	ssub.s32 s16, s17  }
0x15: {  	s16 =	sshll.u32 s16, $0x4  }
0x16: {  	s16 =	sadd.s32 s5, s16  }
0x17: {  	[hbm4b:s16+s8] =	stream.strided.scatter [tilespmem:s15], [sflag:$0x2], s14, s9, s8, $0x38;
	[tilespmem:$0x10000] =	vst v63  }
.LBB2_7:
0x18: {  	p1 =	slt.u32 s12, $0x2  }
0x19: {  	p2 =	sgt.s32 @!p1 s13, $0x184A0  }
0x1a: {  	s14 =	smov.u32 s13;
	s15 =	sshra.s32 @!p1 s13, $0x1F;
	p2 =	por !p2, p1  }
0x1b: {  	s13 =	sand.u32 @!p1 s15, s13;
	s14 =	simm.s32 @p2 $0x184A0  }
0x1c: {  	s13 =	ssub.s32 @!p1 s14, s13  }
0x1d: {  	s13 =	sadd.s32 @!p1 $0xFFFE7B60, s13  }
0x1e: {  	s14 =	sshll.u32 @!p1 s13, $0x7  }
0x1f: {  	p2 =	sgt.s32 @!p1 s13, $0x1FF;
	s13 =	ssub.s32 @!p1 $0x10000, s14  }
0x20: {  	s15 =	sadd.s32 $0x4000, s10;
	p2 =	por !p2, p1;
	s13 =	sshrl.u32 @!p1 s13, $0x2  }
0x21: {  	s13 =	simm.s32 @!p2 $0x0;
	p2 =	sgt.s32 s15, $0x1869F  }
0x22: {  	s15 =	smov.u32 @p2 s3;
	p2 =	sne.s32 s12, s7  }
.Ltmp1:
0x23: {  	_ = 	snop;
	(pc) =	sbr.rel @!p2 .LBB2_8-.Ltmp1, $4  }
0x24: {  	s14 =	simm.s32 @!p1 $0x2  }
0x25: {  	_ =	swait.ge @!p1 [sflag:s14], s13;
	s16 =	ssub.s32 @!p1 $0x0, s13  }
0x26: {  	s13 =	smov.u32 s11;
	s12 =	sadd.s32 $0x1, s12;
	[sflag:s14] =	ssyncset.done @!p1 $0x0  }
0x27: {  	s11 =	smov.u32 s10;
	s10 =	smov.u32 s15;
	[sflag:s14] =	ssyncadd.s32 @!p1 s16  }
.LBB2_1:
0x28: {  	p1 =	sgt.u32 s12, s6  }
0x29: {  	s15 =	smov.u32 s10;
	p2 =	sgt.s32 @!p1 s10, $0x184A0  }
0x2a: {  	s14 =	sand.u32 @!p1 $0x1FFFFFF, s10;
	s16 =	sshra.s32 @!p1 s10, $0x1F;
	p2 =	por !p2, p1  }
0x2b: {  	s17 =	smulhi.u32 @!p1 $0x14F8B59, s14;
	s16 =	sand.u32 @!p1 s16, s10;
	s15 =	simm.s32 @p2 $0x184A0  }
0x2c: {  	s15 =	ssub.s32 @!p1 s15, s16  }
0x2d: {  	s16 =	sshrl.u32 @!p1 s17, $0x9;
	s15 =	sadd.s32 @!p1 $0xFFFE7B60, s15  }
0x2e: {  	s17 =	sxor.u32 @!p1 $0xFFFFFFFF, s12;
	s16 =	smul.u32 @!p1 $0x186A0, s16;
	s18 =	sshll.u32 @!p1 s15, $0x7  }
0x2f: {  	s17 =	sshll.u32 @!p1 s17, $0xE;
	p2 =	sgt.s32 @!p1 s15, $0x1FF;
	s15 =	ssub.s32 @!p1 $0x10000, s18  }
0x30: {  	s14 =	ssub.s32 @!p1 s14, s16;
	p2 =	por !p2, p1;
	s16 =	sand.u32 @!p1 $0x4000, s17  }
0x31: {  	s17 =	simm.s32 @!p1 $0x20;
	s15 =	sshrl.u32 @!p1 s15, $0x2;
	s14 =	sshll.u32 @!p1 s14, $0x4  }
0x32: {  	s18 =	simm.s32 @!p1 $0x80;
	s15 =	simm.s32 @!p2 $0x0;
	s14 =	sadd.s32 @!p1 s2, s14  }
0x33: {  	[tilespmem:s16], [sflag:$0x1] =	stream.strided.gather @!p1 [hbm4b:s14+s17], s15, s18, s17, $0x38;
	[tilespmem:$0x10000] =	vst v63  }
0x34: {  	p1 =	seq.s32 s12, $0x0  }
0x35: {  	p2 =	sge.u32 @!p1 s12, s7  }
0x36: {  	p1 =	por p1, p2  }
.Ltmp2:
0x37: {  	_ = 	snop;
	(pc) =	sbr.rel @p1 .LBB2_7-.Ltmp2, $1  }
0x38: {  	_ =	sdelay $0x3  }
0x39: {  	p1 =	sgt.s32 s11, $0x184A0;
	s14 =	smov.u32 s11;
	s15 =	sshra.s32 s11, $0x1F  }
0x3a: {  	s14 =	simm.s32 @!p1 $0x184A0;
	s15 =	sand.u32 s15, s11  }
0x3b: {  	s14 =	ssub.s32 s14, s15  }
0x3c: {  	s14 =	sadd.s32 $0xFFFE7B60, s14  }
0x3d: {  	s31 =	sshll.u32 s14, $0x7  }
0x3e: {  	s15 =	ssub.s32 $0x10000, s31  }
0x3f: {  	p1 =	sgt.s32 s14, $0x1FF;
	s14 =	sshrl.u32 s15, $0x2;
	s15 =	sadd.s32 $0x200, s11  }
0x40: {  	s14 =	simm.s32 @p1 $0x0;
	p1 =	slt.s32 s15, $0x186A0  }
0x41: {  	s15 =	simm.s32 @!p1 $0x186A0  }
0x42: {  	s17 =	ssub.s32 s15, s11  }
0x43: {  	p1 =	slt.s32 s17, $0x1  }
.Ltmp3:
0x44: {  	_ = 	snop;
	(pc) =	sbr.rel @p1 .LBB2_6-.Ltmp3, $4  }
0x45: {  	_ = 	snop  }
0x46: {  	s16 =	sshll.u32 s12, $0xE;
	_ =	swait.ge [sflag:s4], s14  }
0x47: {  	s16 =	sand.u32 $0x4000, s16;
	s18 =	ssub.s32 $0x0, s14;
	[sflag:s4] =	ssyncset.done $0x0  }
0x48: {  	s15 =	sor.u32 $0x8000, s16;
	[sflag:s4] =	ssyncadd.s32 s18  }
0x49: {  	v0 =	vmov s16;
	_ =	sdelay $0x2  }
0x4a: {  	s31 =	simm.s32 $0x0;
	p1 =	sne.s32 s17, $0x1  }
.Ltmp4:
0x4b: {  	s16 =	sand.u32 $0x3FE0, s31;
	(pc) =	sbr.rel @!p1 .LBB2_5-.Ltmp4, $2  }
0x4c: {  	v1 =	vmov s15;
	v2 =	vld.idx.msk [tilespmem:v0+s16+$0x0 ss:$0x1], $0xffff;
	_ =	sdelay $0x2  }
0x4d: {  	s17 =	sadd.s32 $0xFFFFFFFF, s17;
	s18 =	simm.s32 $0x20  }
.LBB2_4:
0x4e: {  	s19 =	sand.u32 $0x3FE0, s18;
	p1 =	sne.s32 s17, $0x1;
	s17 =	sadd.s32 $0xFFFFFFFF, s17  }
.Ltmp5:
0x4f: {  	[tilespmem:v1+s16+$0x0 ss:$0x1] =	vst.idx.msk $0xffff, v2;
	v2 =	vld.idx.msk [tilespmem:v0+s19+$0x0 ss:$0x1], $0xffff;
	s16 =	smov.u32 s19;
	(pc) =	sbr.rel @p1 .LBB2_4-.Ltmp5, $2  }
0x50: {  	_ =	sdelay $0x2  }
0x51: {  	s18 =	sadd.s32 $0x20, s18  }
.Ltmp6:
0x52: {  	_ = 	snop;
	(pc) =	sbr.rel .LBB2_5-.Ltmp6, $1  }
0x53: {  	_ =	sdelay $0x3  }
.LBB2_8:
0x54: {  	_ =	sfence.sel $0x180000  }
0x55: {  	s2 =	simm.s32 $0x1;
	[bflag:$0x0] =	sbarrier.arrive $0xFFFF  }
0x56: {  	s31 =	simm.s32 $0x2;
	[sflag:s2] =	ssyncpa.u1 $0x1  }
0x57: {  	[sflag:s31] =	ssyncpa.u1 $0x1  }
0x58: {  	_ =	strace $0x90000056  }
0x59: {  	s0 =	sadd.s32 @!p0 $0x100000, s0;
	[bflag:$0x2] =	sbarrier.arrive $0xFFFF  }
0x5a: {  	[sflag:s0] =	ssyncadd.tile.s32 @!p0 $0x1;
	s0 =	simm.s32 @!p0 $0x3F  }
0x5b: {  	_ =	swait.ge @!p0 [sflag:s0], s1  }
0x5c: {  	s1 =	ssub.s32 @!p0 $0x0, s1;
	[sflag:s0] =	ssyncset.done @!p0 $0x0  }
0x5d: {  	[sflag:s0] =	ssyncadd.s32 @!p0 s1  }
0x5e: {  	[bflag:$0x3] =	sbarrier.arrive $0xFFFF  }
0x5f: {  	_ =	shalt  }
.Lfunc_end2:
execute1_lowered:
.L_overlay_start_2:
0x60: {  	(tag) =	ssettag $0x2  }
0x61: {  	s11 =	rddreg [dreg:$0x0]  }
0x62: {  	s2 =	rddreg [dreg:$0x1];
	_ =	strace $0x80000059;
	s12 =	simm.s32 $0x1  }
0x63: {  	v0 =	vimm.s32 $0x0;
	[sflag:s12] =	ssyncpa.u1 $0x0  }
0x64: {  	[tilespmem:$0x28] =	vst v0  }
0x65: {  	[tilespmem:$0x38] =	vst v0  }
0x66: {  	[tilespmem:$0x48] =	vst v0  }
0x67: {  	[tilespmem:$0x58] =	vst v0  }
0x68: {  	[tilespmem:$0x68] =	vst v0  }
0x69: {  	[tilespmem:$0x78] =	vst v0  }
0x6a: {  	[tilespmem:$0x88] =	vst v0  }
0x6b: {  	[tilespmem:$0x98] =	vst v0  }
0x6c: {  	[tilespmem:$0xA8] =	vst v0  }
0x6d: {  	[tilespmem:$0xB8] =	vst v0  }
0x6e: {  	[tilespmem:$0xC8] =	vst v0  }
0x6f: {  	[tilespmem:$0xD8] =	vst v0  }
0x70: {  	[tilespmem:$0xE8] =	vst v0  }
0x71: {  	[tilespmem:$0xF8] =	vst v0  }
0x72: {  	[tilespmem:$0x108] =	vst v0  }
0x73: {  	[tilespmem:$0x118] =	vst v0  }
0x74: {  	[tilespmem:$0x128] =	vst v0  }
0x75: {  	[tilespmem:$0x138] =	vst v0  }
0x76: {  	[tilespmem:$0x148] =	vst v0  }
0x77: {  	[tilespmem:$0x158] =	vst v0  }
0x78: {  	[tilespmem:$0x168] =	vst v0  }
0x79: {  	[tilespmem:$0x178] =	vst v0  }
0x7a: {  	[tilespmem:$0x188] =	vst v0  }
0x7b: {  	[tilespmem:$0x198] =	vst v0  }
0x7c: {  	[tilespmem:$0x1A8] =	vst v0  }
0x7d: {  	[tilespmem:$0x1B8] =	vst v0  }
0x7e: {  	[tilespmem:$0x1C8] =	vst v0  }
0x7f: {  	[tilespmem:$0x1D8] =	vst v0  }
0x80: {  	[tilespmem:$0x1E8] =	vst v0  }
0x81: {  	[tilespmem:$0x1F8] =	vst v0  }
0x82: {  	[tilespmem:$0x208] =	vst v0  }
0x83: {  	[tilespmem:$0x218] =	vst v0  }
0x84: {  	[tilespmem:$0x228] =	vst v0  }
0x85: {  	[tilespmem:$0x238] =	vst v0  }
0x86: {  	[tilespmem:$0x248] =	vst v0  }
0x87: {  	[tilespmem:$0x258] =	vst v0  }
0x88: {  	[tilespmem:$0x268] =	vst v0  }
0x89: {  	[tilespmem:$0x278] =	vst v0  }
0x8a: {  	[tilespmem:$0x288] =	vst v0  }
0x8b: {  	[tilespmem:$0x298] =	vst v0  }
0x8c: {  	[tilespmem:$0x2A8] =	vst v0  }
0x8d: {  	[tilespmem:$0x2B8] =	vst v0  }
0x8e: {  	[tilespmem:$0x2C8] =	vst v0  }
0x8f: {  	[tilespmem:$0x2D8] =	vst v0  }
0x90: {  	[tilespmem:$0x2E8] =	vst v0  }
0x91: {  	[tilespmem:$0x2F8] =	vst v0  }
0x92: {  	[tilespmem:$0x308] =	vst v0  }
0x93: {  	[tilespmem:$0x318] =	vst v0  }
0x94: {  	[tilespmem:$0x328] =	vst v0  }
0x95: {  	[tilespmem:$0x338] =	vst v0  }
0x96: {  	[tilespmem:$0x348] =	vst v0  }
0x97: {  	[tilespmem:$0x358] =	vst v0  }
0x98: {  	[tilespmem:$0x368] =	vst v0  }
0x99: {  	[tilespmem:$0x378] =	vst v0  }
0x9a: {  	[tilespmem:$0x388] =	vst v0  }
0x9b: {  	[tilespmem:$0x398] =	vst v0  }
0x9c: {  	[tilespmem:$0x3A8] =	vst v0  }
0x9d: {  	[tilespmem:$0x3B8] =	vst v0  }
0x9e: {  	[tilespmem:$0x3C8] =	vst v0  }
0x9f: {  	[tilespmem:$0x3D8] =	vst v0  }
0xa0: {  	[tilespmem:$0x3E8] =	vst v0  }
0xa1: {  	[tilespmem:$0x3F8] =	vst v0  }
0xa2: {  	[tilespmem:$0x408] =	vst v0  }
0xa3: {  	[tilespmem:$0x418] =	vst v0  }
0xa4: {  	[tilespmem:$0x428] =	vst v0  }
0xa5: {  	[tilespmem:$0x438] =	vst v0  }
0xa6: {  	[tilespmem:$0x448] =	vst v0  }
0xa7: {  	[tilespmem:$0x458] =	vst v0  }
0xa8: {  	[tilespmem:$0x468] =	vst v0  }
0xa9: {  	[tilespmem:$0x478] =	vst v0  }
0xaa: {  	[tilespmem:$0x488] =	vst v0  }
0xab: {  	[tilespmem:$0x498] =	vst v0  }
0xac: {  	[tilespmem:$0x4A8] =	vst v0  }
0xad: {  	[tilespmem:$0x4B8] =	vst v0  }
0xae: {  	[tilespmem:$0x4C8] =	vst v0  }
0xaf: {  	[tilespmem:$0x4D8] =	vst v0  }
0xb0: {  	[tilespmem:$0x4E8] =	vst v0  }
0xb1: {  	[tilespmem:$0x4F8] =	vst v0  }
0xb2: {  	[tilespmem:$0x508] =	vst v0  }
0xb3: {  	[tilespmem:$0x518] =	vst v0  }
0xb4: {  	[tilespmem:$0x528] =	vst v0  }
0xb5: {  	[tilespmem:$0x538] =	vst v0  }
0xb6: {  	[tilespmem:$0x548] =	vst v0  }
0xb7: {  	[tilespmem:$0x558] =	vst v0  }
0xb8: {  	[tilespmem:$0x568] =	vst v0  }
0xb9: {  	[tilespmem:$0x578] =	vst v0  }
0xba: {  	[tilespmem:$0x588] =	vst v0  }
0xbb: {  	[tilespmem:$0x598] =	vst v0  }
0xbc: {  	[tilespmem:$0x5A8] =	vst v0  }
0xbd: {  	[tilespmem:$0x5B8] =	vst v0  }
0xbe: {  	[tilespmem:$0x5C8] =	vst v0  }
0xbf: {  	[tilespmem:$0x5D8] =	vst v0  }
0xc0: {  	[tilespmem:$0x5E8] =	vst v0  }
0xc1: {  	[tilespmem:$0x5F8] =	vst v0  }
0xc2: {  	[tilespmem:$0x608] =	vst v0  }
0xc3: {  	[tilespmem:$0x618] =	vst v0  }
0xc4: {  	[tilespmem:$0x628] =	vst v0  }
0xc5: {  	[tilespmem:$0x638] =	vst v0  }
0xc6: {  	[tilespmem:$0x648] =	vst v0  }
0xc7: {  	[tilespmem:$0x658] =	vst v0  }
0xc8: {  	[tilespmem:$0x668] =	vst v0  }
0xc9: {  	[tilespmem:$0x678] =	vst v0  }
0xca: {  	[tilespmem:$0x688] =	vst v0  }
0xcb: {  	[tilespmem:$0x698] =	vst v0  }
0xcc: {  	[tilespmem:$0x6A8] =	vst v0  }
0xcd: {  	[tilespmem:$0x6B8] =	vst v0  }
0xce: {  	[tilespmem:$0x6C8] =	vst v0  }
0xcf: {  	[tilespmem:$0x6D8] =	vst v0  }
0xd0: {  	[tilespmem:$0x6E8] =	vst v0  }
0xd1: {  	[tilespmem:$0x6F8] =	vst v0  }
0xd2: {  	[tilespmem:$0x708] =	vst v0  }
0xd3: {  	[tilespmem:$0x718] =	vst v0  }
0xd4: {  	[tilespmem:$0x728] =	vst v0  }
0xd5: {  	[tilespmem:$0x738] =	vst v0  }
0xd6: {  	[tilespmem:$0x748] =	vst v0  }
0xd7: {  	[tilespmem:$0x758] =	vst v0  }
0xd8: {  	[tilespmem:$0x768] =	vst v0  }
0xd9: {  	[tilespmem:$0x778] =	vst v0  }
0xda: {  	[tilespmem:$0x788] =	vst v0  }
0xdb: {  	[tilespmem:$0x798] =	vst v0  }
0xdc: {  	[tilespmem:$0x7A8] =	vst v0  }
0xdd: {  	[tilespmem:$0x7B8] =	vst v0  }
0xde: {  	[tilespmem:$0x7C8] =	vst v0  }
0xdf: {  	[tilespmem:$0x7D8] =	vst v0  }
0xe0: {  	[tilespmem:$0x7E8] =	vst v0  }
0xe1: {  	[tilespmem:$0x7F8] =	vst v0  }
0xe2: {  	[tilespmem:$0x808] =	vst v0  }
0xe3: {  	[tilespmem:$0x818] =	vst v0  }
0xe4: {  	[tilespmem:$0x828] =	vst v0  }
0xe5: {  	[tilespmem:$0x838] =	vst v0  }
0xe6: {  	[tilespmem:$0x848] =	vst v0  }
0xe7: {  	[tilespmem:$0x858] =	vst v0  }
0xe8: {  	[tilespmem:$0x868] =	vst v0  }
0xe9: {  	[tilespmem:$0x878] =	vst v0  }
0xea: {  	[tilespmem:$0x888] =	vst v0  }
0xeb: {  	[tilespmem:$0x898] =	vst v0  }
0xec: {  	[tilespmem:$0x8A8] =	vst v0  }
0xed: {  	[tilespmem:$0x8B8] =	vst v0  }
0xee: {  	[tilespmem:$0x8C8] =	vst v0  }
0xef: {  	[tilespmem:$0x8D8] =	vst v0  }
0xf0: {  	[tilespmem:$0x8E8] =	vst v0  }
0xf1: {  	[tilespmem:$0x8F8] =	vst v0  }
0xf2: {  	[tilespmem:$0x908] =	vst v0  }
0xf3: {  	[tilespmem:$0x918] =	vst v0  }
0xf4: {  	[tilespmem:$0x928] =	vst v0  }
0xf5: {  	[tilespmem:$0x938] =	vst v0  }
0xf6: {  	[tilespmem:$0x948] =	vst v0  }
0xf7: {  	[tilespmem:$0x958] =	vst v0  }
0xf8: {  	[tilespmem:$0x968] =	vst v0  }
0xf9: {  	[tilespmem:$0x978] =	vst v0  }
0xfa: {  	[tilespmem:$0x988] =	vst v0  }
0xfb: {  	[tilespmem:$0x998] =	vst v0  }
0xfc: {  	[tilespmem:$0x9A8] =	vst v0  }
0xfd: {  	[tilespmem:$0x9B8] =	vst v0  }
0xfe: {  	[tilespmem:$0x9C8] =	vst v0  }
0xff: {  	[tilespmem:$0x9D8] =	vst v0  }
0x100: {  	[tilespmem:$0x9E8] =	vst v0  }
0x101: {  	[tilespmem:$0x9F8] =	vst v0  }
0x102: {  	[tilespmem:$0xA08] =	vst v0  }
0x103: {  	[tilespmem:$0xA18] =	vst v0  }
0x104: {  	[tilespmem:$0xA28] =	vst v0  }
0x105: {  	[tilespmem:$0xA38] =	vst v0  }
0x106: {  	[tilespmem:$0xA48] =	vst v0  }
0x107: {  	[tilespmem:$0xA58] =	vst v0  }
0x108: {  	[tilespmem:$0xA68] =	vst v0  }
0x109: {  	[tilespmem:$0xA78] =	vst v0  }
0x10a: {  	[tilespmem:$0xA88] =	vst v0  }
0x10b: {  	[tilespmem:$0xA98] =	vst v0  }
0x10c: {  	[tilespmem:$0xAA8] =	vst v0  }
0x10d: {  	[tilespmem:$0xAB8] =	vst v0  }
0x10e: {  	[tilespmem:$0xAC8] =	vst v0  }
0x10f: {  	[tilespmem:$0xAD8] =	vst v0  }
0x110: {  	[tilespmem:$0xAE8] =	vst v0  }
0x111: {  	[tilespmem:$0xAF8] =	vst v0  }
0x112: {  	[tilespmem:$0xB08] =	vst v0  }
0x113: {  	[tilespmem:$0xB18] =	vst v0  }
0x114: {  	[tilespmem:$0xB28] =	vst v0  }
0x115: {  	[tilespmem:$0xB38] =	vst v0  }
0x116: {  	[tilespmem:$0xB48] =	vst v0  }
0x117: {  	[tilespmem:$0xB58] =	vst v0  }
0x118: {  	[tilespmem:$0xB68] =	vst v0  }
0x119: {  	[tilespmem:$0xB78] =	vst v0  }
0x11a: {  	[tilespmem:$0xB88] =	vst v0  }
0x11b: {  	[tilespmem:$0xB98] =	vst v0  }
0x11c: {  	[tilespmem:$0xBA8] =	vst v0  }
0x11d: {  	[tilespmem:$0xBB8] =	vst v0  }
0x11e: {  	[tilespmem:$0xBC8] =	vst v0  }
0x11f: {  	[tilespmem:$0xBD8] =	vst v0  }
0x120: {  	[tilespmem:$0xBE8] =	vst v0  }
0x121: {  	[tilespmem:$0xBF8] =	vst v0  }
0x122: {  	[tilespmem:$0xC08] =	vst v0  }
0x123: {  	[tilespmem:$0xC18] =	vst v0  }
0x124: {  	[tilespmem:$0xC28] =	vst v0  }
0x125: {  	[tilespmem:$0xC38] =	vst v0  }
0x126: {  	[tilespmem:$0xC48] =	vst v0  }
0x127: {  	[tilespmem:$0xC58] =	vst v0  }
0x128: {  	[tilespmem:$0xC68] =	vst v0  }
0x129: {  	[tilespmem:$0xC78] =	vst v0  }
0x12a: {  	[tilespmem:$0xC88] =	vst v0  }
0x12b: {  	[tilespmem:$0xC98] =	vst v0  }
0x12c: {  	[tilespmem:$0xCA8] =	vst v0  }
0x12d: {  	[tilespmem:$0xCB8] =	vst v0  }
0x12e: {  	[tilespmem:$0xCC8] =	vst v0  }
0x12f: {  	[tilespmem:$0xCD8] =	vst v0  }
0x130: {  	[tilespmem:$0xCE8] =	vst v0  }
0x131: {  	[tilespmem:$0xCF8] =	vst v0  }
0x132: {  	[tilespmem:$0xD08] =	vst v0  }
0x133: {  	[tilespmem:$0xD18] =	vst v0  }
0x134: {  	[tilespmem:$0xD28] =	vst v0  }
0x135: {  	[tilespmem:$0xD38] =	vst v0  }
0x136: {  	[tilespmem:$0xD48] =	vst v0  }
0x137: {  	[tilespmem:$0xD58] =	vst v0  }
0x138: {  	[tilespmem:$0xD68] =	vst v0  }
0x139: {  	[tilespmem:$0xD78] =	vst v0  }
0x13a: {  	[tilespmem:$0xD88] =	vst v0  }
0x13b: {  	[tilespmem:$0xD98] =	vst v0  }
0x13c: {  	[tilespmem:$0xDA8] =	vst v0  }
0x13d: {  	[tilespmem:$0xDB8] =	vst v0  }
0x13e: {  	[tilespmem:$0xDC8] =	vst v0  }
0x13f: {  	[tilespmem:$0xDD8] =	vst v0  }
0x140: {  	[tilespmem:$0xDE8] =	vst v0  }
0x141: {  	[tilespmem:$0xDF8] =	vst v0  }
0x142: {  	[tilespmem:$0xE08] =	vst v0  }
0x143: {  	[tilespmem:$0xE18] =	vst v0  }
0x144: {  	[tilespmem:$0xE28] =	vst v0  }
0x145: {  	[tilespmem:$0xE38] =	vst v0  }
0x146: {  	[tilespmem:$0xE48] =	vst v0  }
0x147: {  	[tilespmem:$0xE58] =	vst v0  }
0x148: {  	[tilespmem:$0xE68] =	vst v0  }
0x149: {  	[tilespmem:$0xE78] =	vst v0  }
0x14a: {  	[tilespmem:$0xE88] =	vst v0  }
0x14b: {  	[tilespmem:$0xE98] =	vst v0  }
0x14c: {  	[tilespmem:$0xEA8] =	vst v0  }
0x14d: {  	[tilespmem:$0xEB8] =	vst v0  }
0x14e: {  	[tilespmem:$0xEC8] =	vst v0  }
0x14f: {  	[tilespmem:$0xED8] =	vst v0  }
0x150: {  	[tilespmem:$0xEE8] =	vst v0  }
0x151: {  	[tilespmem:$0xEF8] =	vst v0  }
0x152: {  	[tilespmem:$0xF08] =	vst v0  }
0x153: {  	[tilespmem:$0xF18] =	vst v0  }
0x154: {  	[tilespmem:$0xF28] =	vst v0  }
0x155: {  	[tilespmem:$0xF38] =	vst v0  }
0x156: {  	[tilespmem:$0xF48] =	vst v0  }
0x157: {  	[tilespmem:$0xF58] =	vst v0  }
0x158: {  	[tilespmem:$0xF68] =	vst v0  }
0x159: {  	[tilespmem:$0xF78] =	vst v0  }
0x15a: {  	[tilespmem:$0xF88] =	vst v0  }
0x15b: {  	[tilespmem:$0xF98] =	vst v0  }
0x15c: {  	[tilespmem:$0xFA8] =	vst v0  }
0x15d: {  	[tilespmem:$0xFB8] =	vst v0  }
0x15e: {  	[tilespmem:$0xFC8] =	vst v0  }
0x15f: {  	[tilespmem:$0xFD8] =	vst v0  }
0x160: {  	[tilespmem:$0xFE8] =	vst v0  }
0x161: {  	[tilespmem:$0xFF8] =	vst v0  }
0x162: {  	[tilespmem:$0x1028] =	vst v0  }
0x163: {  	[tilespmem:$0x10E8] =	vst v0  }
0x164: {  	[tilespmem:$0x1068] =	vst v0  }
0x165: {  	[tilespmem:$0x1B28] =	vst v0  }
0x166: {  	[tilespmem:$0x1B18] =	vst v0  }
0x167: {  	[tilespmem:$0x1B08] =	vst v0  }
0x168: {  	[tilespmem:$0x1AF8] =	vst v0  }
0x169: {  	[tilespmem:$0x1AE8] =	vst v0  }
0x16a: {  	[tilespmem:$0x1AD8] =	vst v0  }
0x16b: {  	[tilespmem:$0x1AC8] =	vst v0  }
0x16c: {  	[tilespmem:$0x1AB8] =	vst v0  }
0x16d: {  	[tilespmem:$0x1AA8] =	vst v0  }
0x16e: {  	[tilespmem:$0x1A98] =	vst v0  }
0x16f: {  	[tilespmem:$0x1A88] =	vst v0  }
0x170: {  	[tilespmem:$0x1A78] =	vst v0  }
0x171: {  	[tilespmem:$0x1A68] =	vst v0  }
0x172: {  	[tilespmem:$0x1A58] =	vst v0  }
0x173: {  	[tilespmem:$0x1A48] =	vst v0  }
0x174: {  	[tilespmem:$0x1A38] =	vst v0  }
0x175: {  	[tilespmem:$0x1A28] =	vst v0  }
0x176: {  	[tilespmem:$0x1A18] =	vst v0  }
0x177: {  	[tilespmem:$0x1A08] =	vst v0  }
0x178: {  	[tilespmem:$0x19F8] =	vst v0  }
0x179: {  	[tilespmem:$0x19E8] =	vst v0  }
0x17a: {  	[tilespmem:$0x19D8] =	vst v0  }
0x17b: {  	[tilespmem:$0x19C8] =	vst v0  }
0x17c: {  	[tilespmem:$0x19B8] =	vst v0  }
0x17d: {  	[tilespmem:$0x19A8] =	vst v0  }
0x17e: {  	[tilespmem:$0x1998] =	vst v0  }
0x17f: {  	[tilespmem:$0x1988] =	vst v0  }
0x180: {  	[tilespmem:$0x1978] =	vst v0  }
0x181: {  	[tilespmem:$0x1968] =	vst v0  }
0x182: {  	[tilespmem:$0x1958] =	vst v0  }
0x183: {  	[tilespmem:$0x1948] =	vst v0  }
0x184: {  	[tilespmem:$0x1938] =	vst v0  }
0x185: {  	[tilespmem:$0x1928] =	vst v0  }
0x186: {  	[tilespmem:$0x1918] =	vst v0  }
0x187: {  	[tilespmem:$0x1908] =	vst v0  }
0x188: {  	[tilespmem:$0x18F8] =	vst v0  }
0x189: {  	[tilespmem:$0x18E8] =	vst v0  }
0x18a: {  	[tilespmem:$0x18D8] =	vst v0  }
0x18b: {  	[tilespmem:$0x18C8] =	vst v0  }
0x18c: {  	[tilespmem:$0x18B8] =	vst v0  }
0x18d: {  	[tilespmem:$0x18A8] =	vst v0  }
0x18e: {  	[tilespmem:$0x1898] =	vst v0  }
0x18f: {  	[tilespmem:$0x1888] =	vst v0  }
0x190: {  	[tilespmem:$0x1878] =	vst v0  }
0x191: {  	[tilespmem:$0x1868] =	vst v0  }
0x192: {  	[tilespmem:$0x1858] =	vst v0  }
0x193: {  	[tilespmem:$0x1848] =	vst v0  }
0x194: {  	[tilespmem:$0x1838] =	vst v0  }
0x195: {  	[tilespmem:$0x1828] =	vst v0  }
0x196: {  	[tilespmem:$0x1818] =	vst v0  }
0x197: {  	[tilespmem:$0x1808] =	vst v0  }
0x198: {  	[tilespmem:$0x17F8] =	vst v0  }
0x199: {  	[tilespmem:$0x17E8] =	vst v0  }
0x19a: {  	[tilespmem:$0x17D8] =	vst v0  }
0x19b: {  	[tilespmem:$0x17C8] =	vst v0  }
0x19c: {  	[tilespmem:$0x17B8] =	vst v0  }
0x19d: {  	[tilespmem:$0x17A8] =	vst v0  }
0x19e: {  	[tilespmem:$0x1798] =	vst v0  }
0x19f: {  	[tilespmem:$0x1788] =	vst v0  }
0x1a0: {  	[tilespmem:$0x1778] =	vst v0  }
0x1a1: {  	[tilespmem:$0x1768] =	vst v0  }
0x1a2: {  	[tilespmem:$0x1758] =	vst v0  }
0x1a3: {  	[tilespmem:$0x1748] =	vst v0  }
0x1a4: {  	[tilespmem:$0x1738] =	vst v0  }
0x1a5: {  	[tilespmem:$0x1728] =	vst v0  }
0x1a6: {  	[tilespmem:$0x1718] =	vst v0  }
0x1a7: {  	[tilespmem:$0x1708] =	vst v0  }
0x1a8: {  	[tilespmem:$0x16F8] =	vst v0  }
0x1a9: {  	[tilespmem:$0x16E8] =	vst v0  }
0x1aa: {  	[tilespmem:$0x16D8] =	vst v0  }
0x1ab: {  	[tilespmem:$0x16C8] =	vst v0  }
0x1ac: {  	[tilespmem:$0x16B8] =	vst v0  }
0x1ad: {  	[tilespmem:$0x16A8] =	vst v0  }
0x1ae: {  	[tilespmem:$0x1698] =	vst v0  }
0x1af: {  	[tilespmem:$0x1688] =	vst v0  }
0x1b0: {  	[tilespmem:$0x1678] =	vst v0  }
0x1b1: {  	[tilespmem:$0x1668] =	vst v0  }
0x1b2: {  	[tilespmem:$0x1658] =	vst v0  }
0x1b3: {  	[tilespmem:$0x1648] =	vst v0  }
0x1b4: {  	[tilespmem:$0x1638] =	vst v0  }
0x1b5: {  	[tilespmem:$0x1628] =	vst v0  }
0x1b6: {  	[tilespmem:$0x1618] =	vst v0  }
0x1b7: {  	[tilespmem:$0x1608] =	vst v0  }
0x1b8: {  	[tilespmem:$0x15F8] =	vst v0  }
0x1b9: {  	[tilespmem:$0x15E8] =	vst v0  }
0x1ba: {  	[tilespmem:$0x15D8] =	vst v0  }
0x1bb: {  	[tilespmem:$0x15C8] =	vst v0  }
0x1bc: {  	[tilespmem:$0x15B8] =	vst v0  }
0x1bd: {  	[tilespmem:$0x15A8] =	vst v0  }
0x1be: {  	[tilespmem:$0x1598] =	vst v0  }
0x1bf: {  	[tilespmem:$0x1588] =	vst v0  }
0x1c0: {  	[tilespmem:$0x1578] =	vst v0  }
0x1c1: {  	[tilespmem:$0x1568] =	vst v0  }
0x1c2: {  	[tilespmem:$0x1558] =	vst v0  }
0x1c3: {  	[tilespmem:$0x1548] =	vst v0  }
0x1c4: {  	[tilespmem:$0x1538] =	vst v0  }
0x1c5: {  	[tilespmem:$0x1528] =	vst v0  }
0x1c6: {  	[tilespmem:$0x1518] =	vst v0  }
0x1c7: {  	[tilespmem:$0x1508] =	vst v0  }
0x1c8: {  	[tilespmem:$0x14F8] =	vst v0  }
0x1c9: {  	[tilespmem:$0x14E8] =	vst v0  }
0x1ca: {  	[tilespmem:$0x14D8] =	vst v0  }
0x1cb: {  	[tilespmem:$0x14C8] =	vst v0  }
0x1cc: {  	[tilespmem:$0x14B8] =	vst v0  }
0x1cd: {  	[tilespmem:$0x14A8] =	vst v0  }
0x1ce: {  	[tilespmem:$0x1498] =	vst v0  }
0x1cf: {  	[tilespmem:$0x1488] =	vst v0  }
0x1d0: {  	[tilespmem:$0x1478] =	vst v0  }
0x1d1: {  	[tilespmem:$0x1468] =	vst v0  }
0x1d2: {  	[tilespmem:$0x1458] =	vst v0  }
0x1d3: {  	[tilespmem:$0x1448] =	vst v0  }
0x1d4: {  	[tilespmem:$0x1438] =	vst v0  }
0x1d5: {  	[tilespmem:$0x1428] =	vst v0  }
0x1d6: {  	[tilespmem:$0x1418] =	vst v0  }
0x1d7: {  	[tilespmem:$0x1408] =	vst v0  }
0x1d8: {  	[tilespmem:$0x13F8] =	vst v0  }
0x1d9: {  	[tilespmem:$0x13E8] =	vst v0  }
0x1da: {  	[tilespmem:$0x13D8] =	vst v0  }
0x1db: {  	[tilespmem:$0x13C8] =	vst v0  }
0x1dc: {  	[tilespmem:$0x13B8] =	vst v0  }
0x1dd: {  	[tilespmem:$0x13A8] =	vst v0  }
0x1de: {  	[tilespmem:$0x1398] =	vst v0  }
0x1df: {  	[tilespmem:$0x1388] =	vst v0  }
0x1e0: {  	[tilespmem:$0x1378] =	vst v0  }
0x1e1: {  	[tilespmem:$0x1368] =	vst v0  }
0x1e2: {  	[tilespmem:$0x1358] =	vst v0  }
0x1e3: {  	[tilespmem:$0x1348] =	vst v0  }
0x1e4: {  	[tilespmem:$0x1338] =	vst v0  }
0x1e5: {  	[tilespmem:$0x1328] =	vst v0  }
0x1e6: {  	[tilespmem:$0x1318] =	vst v0  }
0x1e7: {  	[tilespmem:$0x1308] =	vst v0  }
0x1e8: {  	[tilespmem:$0x12F8] =	vst v0  }
0x1e9: {  	[tilespmem:$0x12E8] =	vst v0  }
0x1ea: {  	[tilespmem:$0x12D8] =	vst v0  }
0x1eb: {  	[tilespmem:$0x12C8] =	vst v0  }
0x1ec: {  	[tilespmem:$0x12B8] =	vst v0  }
0x1ed: {  	[tilespmem:$0x12A8] =	vst v0  }
0x1ee: {  	[tilespmem:$0x1298] =	vst v0  }
0x1ef: {  	[tilespmem:$0x1288] =	vst v0  }
0x1f0: {  	[tilespmem:$0x1278] =	vst v0  }
0x1f1: {  	[tilespmem:$0x1268] =	vst v0  }
0x1f2: {  	[tilespmem:$0x1258] =	vst v0  }
0x1f3: {  	[tilespmem:$0x1248] =	vst v0  }
0x1f4: {  	[tilespmem:$0x1238] =	vst v0  }
0x1f5: {  	[tilespmem:$0x1228] =	vst v0  }
0x1f6: {  	[tilespmem:$0x1218] =	vst v0  }
0x1f7: {  	[tilespmem:$0x1208] =	vst v0  }
0x1f8: {  	[tilespmem:$0x11F8] =	vst v0  }
0x1f9: {  	[tilespmem:$0x11E8] =	vst v0  }
0x1fa: {  	[tilespmem:$0x11D8] =	vst v0  }
0x1fb: {  	[tilespmem:$0x11C8] =	vst v0  }
0x1fc: {  	[tilespmem:$0x11B8] =	vst v0  }
0x1fd: {  	[tilespmem:$0x11A8] =	vst v0  }
0x1fe: {  	[tilespmem:$0x1198] =	vst v0  }
0x1ff: {  	[tilespmem:$0x1188] =	vst v0  }
0x200: {  	[tilespmem:$0x1178] =	vst v0  }
0x201: {  	[tilespmem:$0x1168] =	vst v0  }
0x202: {  	[tilespmem:$0x1158] =	vst v0  }
0x203: {  	[tilespmem:$0x1148] =	vst v0  }
0x204: {  	[tilespmem:$0x1138] =	vst v0  }
0x205: {  	[tilespmem:$0x1128] =	vst v0  }
0x206: {  	[tilespmem:$0x1118] =	vst v0  }
0x207: {  	s4 =	stileid.u32;
	[tilespmem:$0x1108] =	vst v0  }
0x208: {  	s0 =	smul.u32 $0xE7, s4;
	[tilespmem:$0x10F8] =	vst v0  }
0x209: {  	s1 =	smin.u32 s4, $0x8;
	[tilespmem:$0x10C8] =	vst v0  }
0x20a: {  	[tilespmem:$0x10D8] =	vst v0;
	s0 =	sadd.s32 s1, s0  }
0x20b: {  	p0 =	slt.u32 s4, $0x8;
	[tilespmem:$0x10B8] =	vst v0;
	s1 =	simm.s32 $0x18780;
	s6 =	smul.u32 $0x1B0, s0  }
0x20c: {  	s1 =	simm.s32 @!p0 $0x185D0;
	[tilespmem:$0x1038] =	vst v0  }
0x20d: {  	[tilespmem:$0x10A8] =	vst v0;
	s0 =	sadd.s32 s1, s6  }
0x20e: {  	s3 =	simm.s32 $0x2;
	s8 =	simm.s32 $0x9;
	[tilespmem:$0x1098] =	vst v0;
	s7 =	smin.u32 s0, $0x186A00  }
0x20f: {  	s10 =	simm.s32 $0xA;
	s30 =	simm.s32 $0xB;
	[tilespmem:$0x1088] =	vst v0;
	s0 =	ssub.s32 s7, s6  }
0x210: {  	s16 =	simm.s32 $0x0;
	p4 =	por $0x0, $0x0;
	[tilespmem:$0x1078] =	vst v0;
	p0 =	sgt.s32 s0, $0x0  }
0x211: {  	s17 =	simm.s32 $0xC;
	s21 =	simm.s32 $0x0;
	[tilespmem:$0x1058] =	vst v0;
	s0 =	simm.s32 @!p0 $0x0  }
0x212: {  	s18 =	simm.s32 $0x0;
	s2 =	sand.u32 $0x1, s2;
	[tilespmem:$0x1048] =	vst v0;
	s29 =	smulhi.u32 $0x4BDA12F7, s0  }
0x213: {  	s20 =	simm.s32 $0x0;
	s31 =	sshll.u32 s4, $0x5;
	[tilespmem:$0x1018] =	vst v0;
	[dreg:$0x5] =	wrdreg s2  }
0x214: {  	s2 =	smul.u32 $0x30D40, s2;
	[tilespmem:$0x1008] =	vst v0;
	[sflag:s3] =	ssyncpa.u1 $0x0;
	s1 =	sshrl.u32 s29, $0x7  }
0x215: {  	v0 =	vimm.s32 $0xFFFFFFFF;
	s3 =	sadd.s32 $0x6A4C600, s11;
	[dreg:$0x4] =	wrdreg s31;
	s5 =	smul.u32 $0x1B0, s1  }
.Ltmp7:
0x216: {  	[tilespmem:$0x3648] =	vst v0;
	[sflag:s8] =	ssyncpa.u1 $0x0;
	s2 =	sadd.s32 s2, s11;
	(pc) =	sbr.rel .LBB3_1-.Ltmp7, $4  }
0x217: {  	[sflag:s10] =	ssyncpa.u1 $0x0;
	s11 =	sadd.s32 $0x34E4800, s11;
	p0 =	sne.s32 s0, s5  }
0x218: {  	[sflag:s30] =	ssyncpa.u1 $0x0;
	s14 =	sadd.s32 $0x2D2C00, s2;
	s12 =	simm.s32 @!p0 $0x0  }
0x219: {  	s15 =	sadd.s32 $0x271000, s2;
	s19 =	smov.u32 s6;
	s12 =	sadd.s32 s12, s1  }
0x21a: {  	v0 =	vlaneseq.u32;
	[dreg:$0x6] =	wrdreg s6;
	p0 =	por $0x1, $0x1;
	s4 =	sadd.s32 $0x1, s12  }
.LBB3_18:
0x21b: {  	s0 =	simm.s32 $0x2  }
0x21c: {  	_ =	swait.ge [sflag:s0], $0x0  }
0x21d: {  	[sflag:s0] =	ssyncset.done $0x0;
	s0 =	simm.s32 $0x0  }
.LBB3_19:
0x21e: {  	_ =	swait.ge [sflag:s17], s0  }
0x21f: {  	s31 =	ssub.s32 $0x0, s0;
	v1 =	vmov s23;
	vm0 =	veq.s32 v0, $0x0;
	[sflag:s17] =	ssyncset.done $0x0  }
0x220: {  	vm15 =	veq.s32 v0, $0x2;
	v1 =	vsel vm0, s28, v1;
	[sflag:s17] =	ssyncadd.s32 s31  }
0x221: {  	v1 =	vsel vm15, s21, v1;
	[sflag:s17] =	ssyncpa.u1 $0x1  }
0x222: {  	[tilespmem:$0x3648] =	vst v1  }
.LBB3_20:
0x223: {  	s0 =	sadd.s32 $0x1B0, s19  }
0x224: {  	s1 =	smov.u32 s6;
	p1 =	slt.s32 s0, s7  }
0x225: {  	s1 =	smov.u32 @p1 s0;
	p1 =	sne.s32 s20, s4  }
.Ltmp8:
0x226: {  	_ = 	snop;
	(pc) =	sbr.rel @!p1 .LBB3_21-.Ltmp8, $4  }
0x227: {  	_ = 	snop  }
0x228: {  	s21 =	smov.u32 s18  }
0x229: {  	s31 =	sadd.s32 $0x1, s20;
	s18 =	smov.u32 s19;
	p0 =	por !p0, !p0  }
0x22a: {  	p4 =	por !p4, !p4;
	s20 =	smov.u32 s31;
	s19 =	smov.u32 s1  }
.LBB3_1:
0x22b: {  	p2 =	sge.u32 s20, s12  }
0x22c: {  	s0 =	smulhi.u32 @!p2 $0xAAAAAAAB, s20  }
0x22d: {  	s1 =	smov.u32 s19;
	p3 =	sgt.s32 @!p2 s19, $0x186850  }
0x22e: {  	s2 =	sshra.s32 @!p2 s19, $0x1F;
	p3 =	por !p3, p2;
	s0 =	sshrl.u32 @!p2 s0, $0x1  }
0x22f: {  	s2 =	sand.u32 @!p2 s2, s19;
	s1 =	simm.s32 @p3 $0x186850;
	s0 =	smul.u32 @!p2 $0x3, s0  }
0x230: {  	s1 =	ssub.s32 @!p2 s1, s2  }
0x231: {  	s23 =	sadd.s32 $0xFFFFFFFF, s20;
	s1 =	sadd.s32 @!p2 $0xFFE797B0, s1;
	s0 =	ssub.s32 @!p2 s20, s0  }
0x232: {  	s2 =	sshll.u32 @!p2 s1, $0x2;
	p3 =	sgt.s32 @!p2 s1, $0x1AF;
	s0 =	smul.u32 @!p2 $0x6C0, s0  }
0x233: {  	s5 =	sand.u32 @!p2 $0x7, s19;
	s1 =	ssub.s32 @!p2 $0x6C0, s2;
	p3 =	por !p3, p2  }
0x234: {  	s2 =	sshrl.u32 @!p2 s19, $0x3;
	s1 =	sshrl.u32 @!p2 s1, $0x2;
	s0 =	sshrl.u32 @!p2 s0, $0x2  }
0x235: {  	s2 =	sadd.s32 @!p2 s2, s14;
	s1 =	simm.s32 @!p3 $0x0;
	s0 =	sadd.s32 @!p2 $0x3888, s0  }
0x236: {  	[tilespmem:s0], [sflag:$0xA] =	stream.linear.gather @!p2 [hbm4b:s2+s5], s1, $0x38;
	[tilespmem:$0x1F0F8] =	vst v63  }
0x237: {  	p2 =	sge.u32 s23, s12  }
0x238: {  	p3 =	sgt.s32 @!p2 s18, $0x186850  }
0x239: {  	s0 =	smov.u32 s18;
	s1 =	sshra.s32 @!p2 s18, $0x1F;
	p3 =	por !p3, p2  }
0x23a: {  	s1 =	sand.u32 @!p2 s1, s18;
	s0 =	simm.s32 @p3 $0x186850  }
0x23b: {  	s0 =	ssub.s32 @!p2 s0, s1  }
0x23c: {  	s0 =	sadd.s32 @!p2 $0xFFE797B0, s0  }
0x23d: {  	s1 =	sshll.u32 @!p2 s0, $0x2  }
0x23e: {  	p3 =	sgt.s32 @!p2 s0, $0x1AF;
	s0 =	ssub.s32 @!p2 $0x6C0, s1  }
0x23f: {  	s22 =	ssub.s32 @!p2 $0x186A00, s18;
	p3 =	por !p3, p2;
	s0 =	sshrl.u32 @!p2 s0, $0x2  }
0x240: {  	s1 =	sand.u32 @!p2 $0x1, s23;
	s0 =	simm.s32 @!p3 $0x0;
	p3 =	slt.s32 @!p2 s22, $0x1  }
0x241: {  	s2 =	simm.s32 @!p2 $0xA;
	s1 =	smul.u32 @!p2 $0x6C0, s1;
	p3 =	por p2, p3  }
.Ltmp9:
0x242: {  	_ =	swait.ge @!p2 [sflag:s2], s0;
	(pc) =	sbr.rel @p3 .LBB3_7-.Ltmp9, $4  }
0x243: {  	s5 =	ssub.s32 @!p2 $0x0, s0;
	[sflag:s2] =	ssyncset.done @!p2 $0x0  }
0x244: {  	s1 =	sshrl.u32 @!p2 s1, $0x2;
	[sflag:s2] =	ssyncadd.s32 @!p2 s5;
	s2 =	sshrl.u32 @!p2 s18, $0x3  }
0x245: {  	s1 =	sadd.s32 @!p2 $0x3D98, s1;
	s5 =	sand.u32 @!p2 $0x7, s18;
	s2 =	sadd.s32 @!p2 s2, s15  }
0x246: {  	[tilespmem:s1], [sflag:$0xB] =	stream.linear.gather @!p2 [hbm4b:s2+s5], s0, $0x38;
	[tilespmem:$0x1F0F8] =	vst v63  }
0x247: {  	s0 =	smulhi.u32 $0xAAAAAAAB, s23;
	_ =	sdelay $0x1  }
0x248: {  	s0 =	sshrl.u32 s0, $0x1  }
0x249: {  	s0 =	smul.u32 $0x3, s0;
	_ =	sdelay $0x1  }
0x24a: {  	s0 =	ssub.s32 s23, s0  }
0x24b: {  	s1 =	simm.s32 $0x1;
	s0 =	smul.u32 $0x6C0, s0  }
.Ltmp10:
0x24c: {  	s1 =	simm.s32 @!p0 $0x0;
	(pc) =	sbr.rel .LBB3_4-.Ltmp10, $4  }
0x24d: {  	s1 =	smul.u32 $0x36000, s1  }
0x24e: {  	p3 =	slt.s32 @!p2 s22, $0x1B0;
	s0 =	sshrl.u32 s0, $0x2  }
0x24f: {  	p2 =	por !p3, p2;
	s1 =	sshrl.u32 s1, $0x2;
	s0 =	sadd.s32 $0x3888, s0  }
0x250: {  	s24 =	simm.s32 $0x0;
	s22 =	simm.s32 @p2 $0x1B0;
	s23 =	sadd.s32 $0x40F8, s1;
	v1 =	vmov s0  }
.LBB3_3:
0x251: {  	p2 =	sge.s32 s24, s22  }
.Ltmp11:
0x252: {  	_ = 	snop;
	(pc) =	sbr.rel @p2 .LBB3_7-.Ltmp11, $2  }
0x253: {  	_ =	sdelay $0x2  }
0x254: {  	s23 =	sadd.s32 $0x800, s23  }
.LBB3_4:
0x255: {  	p2 =	sle.s32 s22, s24  }
.Ltmp12:
0x256: {  	_ = 	snop;
	(pc) =	sbr.rel @p2 .LBB3_3-.Ltmp12, $2  }
0x257: {  	_ =	sdelay $0x2  }
0x258: {  	s0 =	smov.u32 s24;
	s24 =	sadd.s32 $0x10, s24  }
0x259: {  	s1 =	ssub.s32 s22, s0  }
0x25a: {  	p2 =	slt.s32 s1, $0x10  }
0x25b: {  	s1 =	simm.s32 @!p2 $0x10  }
0x25c: {  	v2 =	vmov s1  }
0x25d: {  	vm0 =	vgt.s32 v2, v0;
	_ =	sdelay $0x5  }
0x25e: {  	v2 =	vld.idx.msk [tilespmem:v1+s0+$0x0 ss:$0x1], vm0;
	_ =	sdelay $0x2  }
0x25f: {  	p2 =	slt.s32 s24, s22;
	s1 =	smov.u32 s22  }
0x260: {  	s2 =	smov.u32 s23;
	s25 =	simm.s32 $0x0;
	s1 =	smov.u32 @p2 s24  }
.LBB3_6:
0x261: {  	(v2sf) =	vpush v2, s25;
	_ =	sdelay $0xc  }
0x262: {  	s25 =	sadd.s32 $0x1, s25  }
0x263: {  	s31 =	sadd.s32 s25, s0  }
0x264: {  	p2 =	slt.s32 s31, s1;
	s5 =	spop (v2sf)  }
.Ltmp13:
0x265: {  	s5 =	sshll.u32 s5, $0x4;
	(pc) =	sbr.rel @p2 .LBB3_6-.Ltmp13, $4  }
0x266: {  	s5 =	sand.u32 $0x1FFFFFF0, s5  }
0x267: {  	s5 =	sadd.s32 s11, s5  }
0x268: {  	[tilespmem:s2], [sflag:$0x9] =	stream.linear.gather [hbm4b:s5+s16], $0x10, $0x38;
	[tilespmem:$0x1F0F8] =	vst v63  }
0x269: {  	s2 =	sadd.s32 $0x80, s2  }
.Ltmp14:
0x26a: {  	_ = 	snop;
	(pc) =	sbr.rel .LBB3_3-.Ltmp14, $1  }
0x26b: {  	_ =	sdelay $0x3  }
.LBB3_7:
0x26c: {  	p2 =	slt.u32 s20, $0x2  }
.Ltmp15:
0x26d: {  	_ = 	snop;
	(pc) =	sbr.rel @p2 .LBB3_20-.Ltmp15, $1  }
0x26e: {  	_ =	sdelay $0x3  }
0x26f: {  	p2 =	sgt.s32 s21, $0x186850  }
0x270: {  	s0 =	smov.u32 s21;
	s1 =	sshra.s32 s21, $0x1F;
	s2 =	ssub.s32 $0x186A00, s21  }
0x271: {  	s0 =	simm.s32 @!p2 $0x186850;
	s1 =	sand.u32 s1, s21;
	p2 =	slt.s32 s2, $0x1B0  }
0x272: {  	s0 =	ssub.s32 s0, s1;
	s2 =	simm.s32 @!p2 $0x1B0  }
0x273: {  	s0 =	sadd.s32 $0xFFE797B0, s0;
	s24 =	sshll.u32 s2, $0x4  }
0x274: {  	s28 =	simm.s32 $0x9;
	s25 =	sshll.u32 s0, $0x2;
	s1 =	sand.u32 $0x3FFFFFF0, s24  }
0x275: {  	p2 =	sgt.s32 s0, $0x1AF;
	s26 =	ssub.s32 $0x6C0, s25;
	_ =	swait.ge [sflag:s28], s1  }
0x276: {  	s1 =	ssub.s32 $0x0, s1;
	[sflag:s28] =	ssyncset.done $0x0;
	s0 =	sshrl.u32 s26, $0x2  }
0x277: {  	s30 =	simm.s32 $0xB;
	[sflag:s28] =	ssyncadd.s32 s1;
	s0 =	simm.s32 @p2 $0x0  }
0x278: {  	_ =	swait.ge [sflag:s30], s0  }
0x279: {  	s0 =	ssub.s32 $0x0, s0;
	[sflag:s30] =	ssyncset.done $0x0  }
0x27a: {  	[sflag:s30] =	ssyncadd.s32 s0  }
0x27b: {  	v1 =	vld [tilespmem:$0x3648];
	_ =	sdelay $0x4  }
0x27c: {  	(v2sf) =	vpush v1, $0x0  }
0x27d: {  	(v2sf) =	vpush v1, $0x1  }
0x27e: {  	(v2sf) =	vpush v1, $0x2;
	_ =	sdelay $0x3  }
0x27f: {  	s0 =	sadd.s32 $0x1B0, s21  }
0x280: {  	s1 =	ssub.s32 $0x30D400, s21;
	p2 =	slt.s32 s7, s0  }
0x281: {  	s0 =	smov.u32 @p2 s7;
	p2 =	sgt.s32 s1, $0x0  }
0x282: {  	s25 =	ssub.s32 s0, s21;
	s1 =	simm.s32 @!p2 $0x0  }
0x283: {  	p2 =	slt.s32 s1, s25  }
0x284: {  	s25 =	smov.u32 @p2 s1  }
0x285: {  	s24 =	simm.s32 $0x1;
	p2 =	slt.s32 s25, $0x1  }
.Ltmp16:
0x286: {  	s24 =	simm.s32 @!p4 $0x0;
	(pc) =	sbr.rel @p2 .LBB3_12-.Ltmp16, $4  }
0x287: {  	s31 =	smul.u32 $0x6C0, s24  }
0x288: {  	s26 =	spop (v2sf)  }
0x289: {  	s0 =	sshrl.u32 s31, $0x2;
	s29 =	spop (v2sf)  }
0x28a: {  	s22 =	sadd.s32 $0x3D98, s0;
	s21 =	spop (v2sf)  }
0x28b: {  	s0 =	smin.u32 s25, $0x10  }
0x28c: {  	v1 =	vmov s0  }
0x28d: {  	p3 =	sgt.s32 s25, $0x10;
	vm1 =	vgt.u32 v1, v0  }
.Ltmp17:
0x28e: {  	_ = 	snop;
	(pc) =	sbr.rel @!p3 .LBB3_11-.Ltmp17, $2  }
0x28f: {  	_ =	sdelay $0x2  }
0x290: {  	s23 =	simm.s32 $0x10;
	s28 =	sadd.s32 $0xFFFFFFF0, s25;
	s0 =	smov.u32 s22;
	vm0 =	vmmov vm1  }
.LBB3_10:
0x291: {  	s1 =	smin.u32 s28, $0x10;
	s23 =	sadd.s32 $0x10, s23;
	v1 =	vld.msk [tilespmem:s0+$0x0 ss:$0x1], vm1  }
0x292: {  	v2 =	vmov s1;
	p3 =	slt.s32 s23, s25  }
0x293: {  	vm1 =	vgt.u32 v2, v0  }
.Ltmp18:
0x294: {  	(pc) =	sbr.rel @p3 .LBB3_10-.Ltmp18, $3  }
0x295: {  	_ =	sdelay $0x1  }
0x296: {  	v1 =	vshll.u32 v1, $0x4  }
0x297: {  	s28 =	sadd.s32 $0xFFFFFFF0, s28;
	[tilespmem:s0+$0x0] =	vst.msk vm0, v1;
	s0 =	sadd.s32 $0x10, s0;
	vm0 =	vmmov vm1  }
.LBB3_11:
0x298: {  	_ =	sdelay $0x4  }
0x299: {  	v1 =	vld.msk [tilespmem:s0+$0x0 ss:$0x1], vm1;
	_ =	sdelay $0x4  }
0x29a: {  	v1 =	vshll.u32 v1, $0x4  }
0x29b: {  	[tilespmem:s0+$0x0] =	vst.msk vm0, v1  }
.LBB3_12:
0x29c: {  	s0 =	sand.u32 $0x1, s20  }
0x29d: {  	s0 =	smul.u32 $0x1B0, s0  }
0x29e: {  	p3 =	sne.s32 s29, $0xFFFFFFFF  }
0x29f: {  	v1 =	vld.msk @!p3 [tilespmem:s0+$0x3D98], $0x1;
	_ =	sdelay $0x4  }
0x2a0: {  	(v2sf) =	vpush @!p3 v1, $0x0;
	_ =	sdelay $0xc  }
.Ltmp19:
0x2a1: {  	_ = 	snop;
	(pc) =	sbr.rel @p2 .LBB3_18-.Ltmp19, $4  }
0x2a2: {  	_ = 	snop  }
0x2a3: {  	s28 =	spop @!p3 (v2sf)  }
0x2a4: {  	s21 =	simm.s32 @!p3 $0x0;
	s23 =	smov.u32 s28  }
0x2a5: {  	[sflag:s17] =	ssyncpa.u1 $0x0;
	s28 =	smov.u32 @p3 s26;
	s23 =	smov.u32 @p3 s29  }
0x2a6: {  	v1 =	vld.msk [tilespmem:s22+$0x0], $0x1;
	_ =	sdelay $0x4  }
0x2a7: {  	(v2sf) =	vpush v1, $0x0;
	_ =	sdelay $0xe  }
0x2a8: {  	s0 =	simm.s32 @!p4 $0x0;
	s26 =	smul.u32 $0x36000, s24;
	s31 =	spop (v2sf)  }
0x2a9: {  	s29 =	ssub.s32 $0x0, s25;
	s0 =	simm.s32 @p4 $0x1;
	p2 =	seq.s32 s28, s31  }
0x2aa: {  	s1 =	smov.u32 s28;
	[smem:$0x7FD] =	sst s0;
	p3 =	sgt.s32 @!p2 s28, $0x0  }
0x2ab: {  	s0 =	sshrl.u32 s26, $0x2;
	s26 =	sadd.s32 $0x1, s29;
	p3 =	por !p3, p2  }
0x2ac: {  	s1 =	simm.s32 @p3 $0x0;
	p3 =	seq.s32 s26, $0x0  }
.Ltmp20:
0x2ad: {  	_ = 	snop;
	(pc) =	sbr.rel @p3 .LBB3_15-.Ltmp20, $4  }
0x2ae: {  	s6 =	smov.u32 s4;
	s25 =	simm.s32 $0x0  }
0x2af: {  	s24 =	sadd.s32 $0x40F8, s0;
	s0 =	simm.s32 @!p2 $0x1;
	s2 =	smin.u32 @!p2 s1, $0x1869FE  }
0x2b0: {  	s30 =	sadd.s32 $0x1, s22;
	s0 =	smov.u32 @p2 s25;
	s5 =	sand.u32 @!p2 $0x1FFFF8, s2  }
0x2b1: {  	s1 =	simm.s32 @!p2 $0x1B38;
	s2 =	sand.u32 @!p2 $0x7, s2;
	s5 =	sadd.s32 @!p2 s3, s5  }
.LBB3_14:
0x2b2: {  	s4 =	smov.u32 s0  }
0x2b3: {  	[tilespmem:s1], [sflag:$0x2] =	stream.linear.gather @!p2 [hbm4b:s5+s2], $0x10, $0x38;
	[tilespmem:$0x1F0F8] =	vst v63  }
0x2b4: {  	s26 =	sadd.s32 $0x1, s26;
	s2 =	smov.u32 s31;
	v1 =	vld.msk [tilespmem:s30+$0x0], $0x1  }
0x2b5: {  	p3 =	seq.s32 s26, $0x0;
	_ =	sdelay $0x3  }
0x2b6: {  	(v2sf) =	vpush v1, $0x0;
	_ =	sdelay $0xe  }
0x2b7: {  	s31 =	spop (v2sf)  }
0x2b8: {  	p2 =	seq.s32 s2, s31  }
0x2b9: {  	p4 =	sgt.s32 @!p2 s2, $0x0;
	s1 =	sshll.u32 @!p2 s0, $0x6;
	s0 =	sadd.s32 @!p2 $0x1, s0  }
.Ltmp21:
0x2ba: {  	p4 =	por !p4, p2;
	s1 =	sshra.s32 @!p2 s1, $0x2;
	(pc) =	sbr.rel @!p3 .LBB3_14-.Ltmp21, $4  }
0x2bb: {  	s0 =	smov.u32 @p2 s4;
	s2 =	simm.s32 @p4 $0x0;
	s1 =	sadd.s32 @!p2 $0x1B38, s1  }
0x2bc: {  	s2 =	smin.u32 @!p2 s2, $0x1869FE  }
0x2bd: {  	s4 =	sand.u32 @!p2 $0x1FFFF8, s2;
	s2 =	sand.u32 @!p2 $0x7, s2  }
0x2be: {  	s30 =	sadd.s32 $0x1, s30;
	s5 =	sadd.s32 @!p2 s3, s4  }
.LBB3_15:
0x2bf: {  	[tilespmem:s1], [sflag:$0x2] =	stream.linear.gather @!p2 [hbm4b:s5+s2], $0x10, $0x38;
	[tilespmem:$0x1F0F8] =	vst v63  }
0x2c0: {  	s0 =	sshll.u32 s0, $0x4  }
0x2c1: {  	s31 =	simm.s32 $0x2;
	s0 =	sand.u32 $0x3FFFFFF0, s0  }
0x2c2: {  	_ =	swait.ge [sflag:s31], s0  }
0x2c3: {  	s0 =	ssub.s32 $0x0, s0;
	[sflag:s31] =	ssyncset.done $0x0  }
0x2c4: {  	[sflag:s31] =	ssyncadd.s32 s0  }
0x2c5: {  	v1 =	vld.msk [tilespmem:s22+$0x0], $0x1;
	_ =	sdelay $0x4  }
0x2c6: {  	(v2sf) =	vpush v1, $0x0;
	_ =	sdelay $0xe  }
0x2c7: {  	s26 =	spop (v2sf)  }
0x2c8: {  	p2 =	sne.s32 s28, s26  }
0x2c9: {  	p4 =	sne.s32 @p2 s28, s23  }
0x2ca: {  	p3 =	por !p4, !p2  }
0x2cb: {  	s0 =	simm.s32 @!p3 $0x0  }
0x2cc: {  	v1 =	vld @!p3 [tilespmem:s0+$0x1B38]  }
0x2cd: {  	p5 =	sgt.u32 @!p3 s28, $0x1869FE  }
0x2ce: {  	s1 =	sshll.u32 @!p3 s21, $0x6;
	p6 =	por @p2 p5, !p4  }
0x2cf: {  	s1 =	sshra.s32 @!p3 s1, $0x2;
	p1 =	por p6, !p2;
	p6 =	por p4, !p2  }
0x2d0: {  	s2 =	sadd.s32 @!p3 $0x28, s1;
	s4 =	sand.u32 @!p1 $0x1FFFF8, s28;
	s5 =	sshll.u32 @!p6 s21, $0x6  }
0x2d1: {  	s28 =	sand.u32 @!p1 $0x7, s28;
	[tilespmem:s1+$0x28] =	vst.add.f32.msk @!p3 $0xffff, v1;
	s1 =	sadd.s32 @!p1 s3, s4;
	s4 =	sshra.s32 @!p6 s5, $0x2  }
0x2d2: {  	[hbm4b:s1+s28] =	stream.linear.scatter @!p1 [tilespmem:s2], [sflag:$0xC], $0x10, $0x38;
	[tilespmem:$0x1F0F8] =	vst v63  }
0x2d3: {  	s0 =	rddreg [dreg:$0x4];
	s1 =	sadd.s32 @!p6 $0x28, s4;
	s2 =	simm.s32 @!p6 $0x1  }
0x2d4: {  	[spmem:s0] =	stream.linear.scatter @!p6 [tilespmem:s1], [sflag:$0x1], $0x10, $0x38;
	[tilespmem:$0x1F0F8] =	vst v63  }
0x2d5: {  	s0 =	sadd.s32 @p2 $0x1, s21;
	_ =	swait.ge @!p6 [sflag:s2], $0x10  }
0x2d6: {  	s1 =	sshrl.u32 @p2 s0, $0x4;
	[sflag:s2] =	ssyncset.done @!p6 $0x0  }
0x2d7: {  	s1 =	smulhi.u32 @p2 $0x97B425F, s1;
	[sflag:s2] =	ssyncadd.s32 @!p6 $0xFFFFFFF0  }
0x2d8: {  	s28 =	sadd.s32 $0x1, s29;
	v1 =	vld @p2 [tilespmem:s24+$0x0]  }
0x2d9: {  	p1 =	por @p2 !p5, !p4;
	p4 =	seq.s32 s28, $0x0;
	s1 =	smul.u32 @p2 $0x1B0, s1  }
.Ltmp22:
0x2da: {  	p1 =	por !p1, !p2;
	s2 =	simm.s32 @!p3 $0x0;
	(pc) =	sbr.rel @p4 .LBB3_17-.Ltmp22, $4  }
0x2db: {  	s4 =	sshll.u32 @!p2 s21, $0x6;
	s2 =	simm.s32 @!p1 $0x40;
	s0 =	ssub.s32 @p2 s0, s1  }
0x2dc: {  	s29 =	simm.s32 $0x0;
	s2 =	sadd.s32 @!p3 $0x0, s2;
	s5 =	sshll.u32 @p2 s0, $0x4  }
0x2dd: {  	s30 =	sshra.s32 @!p2 s4, $0x2;
	s1 =	simm.s32 @p2 $0x1;
	s2 =	smov.u32 @p3 s25;
	[tilespmem:s5+$0x28] =	vst @p2 v1  }
0x2de: {  	s21 =	smov.u32 @p2 s0;
	s29 =	smov.u32 @p2 s2;
	s25 =	smov.u32 @p2 s1;
	v1 =	vld @!p2 [tilespmem:s24+$0x0]  }
.LBB3_16:
0x2df: {  	_ =	sdelay $0x3  }
0x2e0: {  	s22 =	sadd.s32 $0x1, s22;
	[tilespmem:s30+$0x28] =	vst.add.f32.msk @!p2 $0xffff, v1  }
0x2e1: {  	v1 =	vld.msk [tilespmem:s22+$0x0], $0x1;
	_ =	sdelay $0x4  }
0x2e2: {  	(v2sf) =	vpush v1, $0x0;
	_ =	sdelay $0xe  }
0x2e3: {  	s0 =	smov.u32 s26;
	s26 =	spop (v2sf)  }
0x2e4: {  	p2 =	sne.s32 s0, s26  }
0x2e5: {  	p5 =	sne.s32 @p2 s0, s23  }
0x2e6: {  	s4 =	sshll.u32 @!p2 s21, $0x6;
	p4 =	por !p5, !p2  }
0x2e7: {  	s30 =	sshra.s32 @!p2 s4, $0x2;
	s4 =	sshll.u32 @!p4 s25, $0x6  }
0x2e8: {  	s4 =	sshra.s32 @!p4 s4, $0x2  }
0x2e9: {  	p1 =	sgt.u32 @!p4 s0, $0x1869FE;
	v1 =	vld @!p4 [tilespmem:s4+$0x1B38]  }
0x2ea: {  	s31 =	sshll.u32 @!p4 s21, $0x6;
	p6 =	por @p2 p1, !p5;
	p1 =	por @p2 !p1, !p5  }
0x2eb: {  	s8 =	simm.s32 @!p4 $0x0;
	s31 =	sshra.s32 @!p4 s31, $0x2;
	p1 =	por !p1, !p2  }
0x2ec: {  	p5 =	por p5, !p2;
	s8 =	simm.s32 @!p1 $0x40;
	p1 =	por p6, !p2  }
0x2ed: {  	s4 =	sadd.s32 @!p4 $0x28, s31;
	s13 =	sshll.u32 @!p5 s21, $0x6;
	s10 =	sand.u32 @!p1 $0x1FFFF8, s0  }
0x2ee: {  	s13 =	sshra.s32 @!p5 s13, $0x2;
	s0 =	sand.u32 @!p1 $0x7, s0;
	s10 =	sadd.s32 @!p1 s3, s10;
	[tilespmem:s31+$0x28] =	vst.add.f32.msk @!p4 $0xffff, v1  }
0x2ef: {  	[hbm4b:s10+s0] =	stream.linear.scatter @!p1 [tilespmem:s4], [sflag:$0xC], $0x10, $0x38;
	[tilespmem:$0x1F0F8] =	vst v63  }
0x2f0: {  	s1 =	rddreg [dreg:$0x4];
	s0 =	sadd.s32 @!p5 $0x28, s13;
	s4 =	simm.s32 @!p5 $0x1  }
0x2f1: {  	[spmem:s1] =	stream.linear.scatter @!p5 [tilespmem:s0], [sflag:$0x1], $0x10, $0x38;
	[tilespmem:$0x1F0F8] =	vst v63  }
0x2f2: {  	s2 =	sadd.s32 @p2 $0x1, s21;
	_ =	swait.ge @!p5 [sflag:s4], $0x10  }
0x2f3: {  	s5 =	sshrl.u32 @p2 s2, $0x4;
	[sflag:s4] =	ssyncset.done @!p5 $0x0  }
0x2f4: {  	s24 =	sadd.s32 $0x80, s24;
	s5 =	smulhi.u32 @p2 $0x97B425F, s5;
	[sflag:s4] =	ssyncadd.s32 @!p5 $0xFFFFFFF0  }
0x2f5: {  	s28 =	sadd.s32 $0x1, s28;
	v1 =	vld @p2 [tilespmem:s24+$0x0]  }
0x2f6: {  	p3 =	seq.s32 s28, $0x0;
	s5 =	smul.u32 @p2 $0x1B0, s5  }
.Ltmp23:
0x2f7: {  	_ = 	snop;
	(pc) =	sbr.rel @!p3 .LBB3_16-.Ltmp23, $4  }
0x2f8: {  	s2 =	ssub.s32 @p2 s2, s5  }
0x2f9: {  	s8 =	sadd.s32 @!p4 s8, s29;
	s5 =	sshll.u32 @p2 s2, $0x4  }
0x2fa: {  	s9 =	sadd.s32 @p2 $0x1, s25;
	s8 =	smov.u32 @p4 s29;
	[tilespmem:s5+$0x28] =	vst @p2 v1  }
0x2fb: {  	s25 =	smov.u32 @p2 s9;
	s21 =	smov.u32 @p2 s2;
	s29 =	smov.u32 @p2 s8;
	v1 =	vld @!p2 [tilespmem:s24+$0x0]  }
.LBB3_17:
.Ltmp24:
0x2fc: {  	_ = 	snop;
	(pc) =	sbr.rel .LBB3_19-.Ltmp24, $3  }
0x2fd: {  	s1 =	sld [smem:$0x7FD];
	_ =	sdelay $0x1  }
0x2fe: {  	s0 =	sshrl.u32 s29, $0x2;
	s28 =	smov.u32 s26  }
0x2ff: {  	s4 =	smov.u32 s6;
	s6 =	rddreg [dreg:$0x6];
	p4 =	seq.s32 s1, $0x1;
	[tilespmem:s30+$0x28] =	vst.add.f32.msk @!p2 $0xffff, v1  }
.LBB3_21:
0x300: {  	_ =	sfence.sel $0x180000  }
0x301: {  	s0 =	simm.s32 $0x9;
	[bflag:$0x0] =	sbarrier.arrive $0xFFFF  }
0x302: {  	s24 =	simm.s32 $0xA;
	[sflag:s0] =	ssyncpa.u1 $0x1  }
0x303: {  	s25 =	simm.s32 $0xB;
	[sflag:s24] =	ssyncpa.u1 $0x1  }
0x304: {  	s26 =	simm.s32 $0x2;
	[sflag:s25] =	ssyncpa.u1 $0x1  }
0x305: {  	[sflag:s26] =	ssyncpa.u1 $0x1  }
0x306: {  	v0 =	vld [tilespmem:$0x3648];
	_ =	sdelay $0x4  }
0x307: {  	(v2sf) =	vpush v0, $0x0  }
0x308: {  	(v2sf) =	vpush v0, $0x1;
	_ =	sdelay $0x1  }
0x309: {  	(v2sf) =	vpush v0, $0x2;
	_ =	sdelay $0xb  }
0x30a: {  	s0 =	spop (v2sf)  }
0x30b: {  	s1 =	spop (v2sf)  }
0x30c: {  	s2 =	smov.u32 s0;
	p0 =	sne.s32 s0, s1  }
0x30d: {  	s4 =	spop (v2sf);
	s2 =	simm.s32 @!p0 $0xFFFFFFFF  }
0x30e: {  	v2 =	vimm.s32 $0x1;
	v3 =	vlaneseq.u32;
	p0 =	seq.s32 s4, $0xFFFFFFFF;
	v1 =	vmov s2  }
0x30f: {  	s16 =	stileid.u32;
	v0 =	vperm.xlane v0, v2;
	p1 =	sne.s32 @!p0 s0, s1;
	v1 =	vperm.xlane v1, v3  }
0x310: {  	vm0 =	vcmask $0x3F04;
	s6 =	simm.s32 $0x3648;
	s0 =	simm.s32 @!p0 $0x1;
	p1 =	por !p1, p0  }
0x311: {  	s2 =	sshll.u32 s16, $0x1;
	s1 =	sshll.u32 @!p0 s4, $0x6;
	s0 =	simm.s32 @p1 $0x0;
	v0 =	vsel vm0, v1, v0  }
0x312: {  	s5 =	sor.u32 $0x200, s2;
	s1 =	sshra.s32 @!p0 s1, $0x2;
	s0 =	sor.u32 @!p0 s0, s2;
	[tilespmem:$0x3648] =	vst v0  }
0x313: {  	[spmem:s5] =	stream.linear.scatter [tilespmem:s6], [sflag:$0x1], $0x2, $0x38;
	[tilespmem:$0x1F0F8] =	vst v63  }
0x314: {  	s1 =	sadd.s32 @!p0 $0x28, s1;
	s0 =	sshll.u32 @!p0 s0, $0x4  }
0x315: {  	[spmem:s0] =	stream.linear.scatter @!p0 [tilespmem:s1], [sflag:$0x1], $0x10, $0x38;
	[tilespmem:$0x1F0F8] =	vst v63  }
0x316: {  	s0 =	simm.s32 @!p0 $0x12  }
0x317: {  	s28 =	simm.s32 $0x1;
	s0 =	simm.s32 @p0 $0x2  }
0x318: {  	_ =	swait.ge [sflag:s28], s0  }
0x319: {  	s0 =	ssub.s32 $0x0, s0;
	[sflag:s28] =	ssyncset.done $0x0  }
0x31a: {  	p0 =	sne.s32 s16, $0x0;
	[sflag:s28] =	ssyncadd.s32 s0  }
.Ltmp25:
0x31b: {  	_ =	sfence.stream.spmem;
	(pc) =	sbr.rel @p0 .LBB3_38-.Ltmp25, $4  }
0x31c: {  	s29 =	simm.s32 $0x3;
	[bflag:$0x0] =	sbarrier.arrive $0xFFFF  }
0x31d: {  	s30 =	simm.s32 $0x4;
	[sflag:s29] =	ssyncpa.u1 $0x1  }
0x31e: {  	s31 =	simm.s32 $0x3C;
	[sflag:s30] =	ssyncpa.u1 $0x1  }
0x31f: {  	s17 =	rddreg [dreg:$0x5];
	[sflag:s31] =	ssyncpa.u1 $0x1  }
0x320: {  	_ =	sfence.stream.spmem;
	s0 =	simm.s32 $0x5  }
0x321: {  	s1 =	simm.s32 $0x200;
	s2 =	simm.s32 $0x3658;
	[sflag:s0] =	ssyncpa.u1 $0x0  }
0x322: {  	[tilespmem:s2], [sflag:$0x5] =	stream.linear.gather [spmem:s1], $0x20, $0x38;
	[tilespmem:$0x1F0F8] =	vst v63  }
0x323: {  	s26 =	simm.s32 $0x0;
	s28 =	simm.s32 $0x3678  }
0x324: {  	[tilespmem:s28], [sflag:$0x5] =	stream.linear.gather [spmem:s26], $0x200, $0x38;
	[tilespmem:$0x1F0F8] =	vst v63  }
0x325: {  	_ =	swait.ge [sflag:s0], $0x220  }
0x326: {  	[sflag:s0] =	ssyncset.done $0x0  }
0x327: {  	s29 =	simm.s32 $0x0;
	[sflag:s0] =	ssyncadd.s32 $0xFFFFFDE0  }
0x328: {  	v0 =	vld.msk [tilespmem:s29+$0x3658], $0x1;
	_ =	sdelay $0x1  }
0x329: {  	s30 =	simm.s32 $0x1  }
0x32a: {  	v1 =	vld.msk [tilespmem:s30+$0x3658], $0x1;
	_ =	sdelay $0x1  }
0x32b: {  	(v2sf) =	vpush v0, $0x0;
	_ =	sdelay $0x2  }
0x32c: {  	(v2sf) =	vpush v1, $0x0;
	_ =	sdelay $0x2  }
0x32d: {  	s31 =	simm.s32 $0x2  }
0x32e: {  	v0 =	vld.msk [tilespmem:s31+$0x3658], $0x1;
	_ =	sdelay $0x2  }
0x32f: {  	s6 =	simm.s32 $0xFFFFFFFF;
	s1 =	simm.s32 $0xFFFFFFFF;
	s0 =	simm.s32 $0xC  }
.LBB3_23:
0x330: {  	s2 =	smov.u32 s6;
	s4 =	smov.u32 s1  }
0x331: {  	s1 =	sshra.s32 s0, $0x2;
	p1 =	sne.s32 s0, $0x7C;
	s0 =	sadd.s32 $0x4, s0;
	(v2sf) =	vpush v0, $0x0  }
0x332: {  	v0 =	vld.msk [tilespmem:s1+$0x3658], $0x1  }
.Ltmp26:
0x333: {  	(pc) =	sbr.rel @p1 .LBB3_23-.Ltmp26, $4  }
0x334: {  	s6 =	spop (v2sf)  }
0x335: {  	p2 =	sne.s32 s4, $0xFFFFFFFF;
	s1 =	smov.u32 s6  }
0x336: {  	p3 =	seq.s32 s6, $0xFFFFFFFF;
	s1 =	smov.u32 @p2 s4  }
0x337: {  	s6 =	smov.u32 @p3 s2;
	s1 =	smov.u32 @p3 s4  }
0x338: {  	(v2sf) =	vpush v0, $0x0;
	_ =	sdelay $0x8  }
0x339: {  	s0 =	spop (v2sf)  }
0x33a: {  	p1 =	sne.s32 s1, $0xFFFFFFFF;
	s2 =	smov.u32 s0  }
0x33b: {  	s9 =	simm.s32 $0x6;
	p2 =	seq.s32 s0, $0xFFFFFFFF;
	s2 =	smov.u32 @p1 s1  }
0x33c: {  	s10 =	simm.s32 $0x3638;
	s2 =	smov.u32 @p2 s1;
	s1 =	spop (v2sf)  }
0x33d: {  	s0 =	smov.u32 @p2 s6;
	p1 =	sne.s32 s2, $0xFFFFFFFF;
	s4 =	smov.u32 s1  }
.Ltmp27:
0x33e: {  	p2 =	seq.s32 s1, $0xFFFFFFFF;
	s4 =	smov.u32 @p1 s2;
	(pc) =	sbr.rel .LBB3_25-.Ltmp27, $4  }
0x33f: {  	s11 =	simm.s32 $0x0;
	s4 =	smov.u32 @p2 s2;
	s7 =	spop (v2sf)  }
0x340: {  	[sflag:s9] =	ssyncpa.u1 $0x0;
	p1 =	sne.s32 s4, $0xFFFFFFFF;
	s8 =	smov.u32 s7  }
0x341: {  	s1 =	smov.u32 @p2 s0;
	p2 =	seq.s32 s7, $0xFFFFFFFF;
	s8 =	smov.u32 @p1 s4  }
0x342: {  	s6 =	simm.s32 $0x0;
	s7 =	smov.u32 @p2 s1;
	s8 =	smov.u32 @p2 s4  }
.LBB3_30:
0x343: {  	p1 =	sgt.u32 s12, $0x1869FE  }
0x344: {  	p2 =	seq.s32 @!p1 s12, s8  }
0x345: {  	p1 =	por p1, p2  }
0x346: {  	p2 =	sne.s32 @!p1 s12, s7  }
0x347: {  	p1 =	por p1, !p2  }
0x348: {  	s0 =	sshll.u32 @p1 s11, $0x6  }
0x349: {  	s0 =	sand.u32 @!p1 $0x1FFFF8, s12  }
0x34a: {  	s1 =	sand.u32 @!p1 $0x7, s12;
	s0 =	sadd.s32 @!p1 s3, s0  }
0x34b: {  	[tilespmem:s10], [sflag:$0x6] =	stream.linear.gather @!p1 [hbm4b:s0+s1], $0x10, $0x38;
	[tilespmem:$0x1F0F8] =	vst v63  }
0x34c: {  	_ =	swait.ge @!p1 [sflag:s9], $0x10  }
0x34d: {  	[sflag:s9] =	ssyncset.done @!p1 $0x0  }
0x34e: {  	[sflag:s9] =	ssyncadd.s32 @!p1 $0xFFFFFFF0  }
0x34f: {  	v1 =	vld @!p1 [tilespmem:$0x3638];
	_ =	sdelay $0x2  }
0x350: {  	s0 =	sshll.u32 @!p1 s11, $0x6  }
0x351: {  	s1 =	sshrl.u32 @!p1 s0, $0x2  }
0x352: {  	[tilespmem:s1+$0x3678] =	vst.add.f32.msk @!p1 $0xffff, v1  }
0x353: {  	s0 =	sshrl.u32 s0, $0x2;
	[tilespmem:s6+$0x3658] =	vst.msk $0x1, v0  }
0x354: {  	v0 =	vld [tilespmem:s0+$0x3678];
	_ =	sdelay $0x2  }
0x355: {  	s31 =	sshll.u32 s6, $0x6  }
0x356: {  	s0 =	sshra.s32 s31, $0x2  }
0x357: {  	s6 =	sadd.s32 $0x1, s6;
	[tilespmem:s0+$0x3678] =	vst v0  }
.LBB3_32:
0x358: {  	s11 =	sadd.s32 $0x1, s11  }
0x359: {  	p1 =	sne.s32 s11, $0x20  }
.Ltmp28:
0x35a: {  	_ = 	snop;
	(pc) =	sbr.rel @!p1 .LBB3_33-.Ltmp28, $1  }
0x35b: {  	_ =	sdelay $0x3  }
.LBB3_25:
0x35c: {  	v0 =	vld.msk [tilespmem:s11+$0x3658], $0x1;
	_ =	sdelay $0x4  }
0x35d: {  	(v2sf) =	vpush v0, $0x0;
	_ =	sdelay $0xe  }
0x35e: {  	s12 =	spop (v2sf)  }
0x35f: {  	p1 =	seq.s32 s12, $0xFFFFFFFF  }
.Ltmp29:
0x360: {  	_ = 	snop;
	(pc) =	sbr.rel @p1 .LBB3_32-.Ltmp29, $1  }
0x361: {  	_ =	sdelay $0x3  }
0x362: {  	p1 =	slt.s32 s6, $0x1  }
.Ltmp30:
0x363: {  	_ = 	snop;
	(pc) =	sbr.rel @p1 .LBB3_30-.Ltmp30, $1  }
0x364: {  	_ =	sdelay $0x3  }
0x365: {  	s13 =	simm.s32 $0x3658;
	p1 =	por $0x0, $0x0  }
0x366: {  	v1 =	vld.msk @!p1 [tilespmem:s13+$0x0], $0x1;
	_ =	sdelay $0x4  }
0x367: {  	(v2sf) =	vpush @!p1 v1, $0x0;
	_ =	sdelay $0xd  }
0x368: {  	p3 =	sne.s32 s6, $0x1  }
.Ltmp31:
0x369: {  	s0 =	spop @!p1 (v2sf);
	(pc) =	sbr.rel @!p3 .LBB3_29-.Ltmp31, $4  }
0x36a: {  	p2 =	seq.s32 @!p1 s12, s0  }
0x36b: {  	s14 =	simm.s32 $0x0;
	p2 =	por !p2, p1  }
0x36c: {  	s0 =	simm.s32 $0xFFFFFFFF;
	s14 =	simm.s32 @p2 $0xFFFFFFFF  }
0x36d: {  	s15 =	simm.s32 $0x1;
	s14 =	smov.u32 @p1 s0  }
.LBB3_28:
0x36e: {  	s0 =	smov.u32 s14;
	p1 =	sne.s32 s14, $0xFFFFFFFF  }
0x36f: {  	s13 =	sadd.s32 $0x1, s13;
	s14 =	smov.u32 s15;
	s15 =	sadd.s32 $0x1, s15  }
0x370: {  	p2 =	sne.s32 s6, s15;
	v1 =	vld.msk @!p1 [tilespmem:s13+$0x0], $0x1;
	_ =	sdelay $0x4  }
0x371: {  	(v2sf) =	vpush @!p1 v1, $0x0;
	_ =	sdelay $0xe  }
.Ltmp32:
0x372: {  	s1 =	spop @!p1 (v2sf);
	(pc) =	sbr.rel @p2 .LBB3_28-.Ltmp32, $4  }
0x373: {  	p3 =	seq.s32 @!p1 s12, s1  }
0x374: {  	p3 =	por !p3, p1  }
0x375: {  	s14 =	simm.s32 @p3 $0xFFFFFFFF  }
0x376: {  	s14 =	smov.u32 @p1 s0  }
.LBB3_29:
0x377: {  	p1 =	sne.s32 s14, $0xFFFFFFFF  }
.Ltmp33:
0x378: {  	_ = 	snop;
	(pc) =	sbr.rel @!p1 .LBB3_30-.Ltmp33, $1  }
0x379: {  	_ =	sdelay $0x3  }
0x37a: {  	s0 =	sshll.u32 s11, $0x4  }
0x37b: {  	s0 =	sand.u32 $0x3FFFFFF0, s0  }
0x37c: {  	v0 =	vld [tilespmem:s0+$0x3678]  }
.Ltmp34:
0x37d: {  	_ = 	snop;
	(pc) =	sbr.rel .LBB3_32-.Ltmp34, $4  }
0x37e: {  	_ = 	snop  }
0x37f: {  	s31 =	sshll.u32 s14, $0x6  }
0x380: {  	s0 =	sshra.s32 s31, $0x2  }
0x381: {  	[tilespmem:s0+$0x3678] =	vst.add.f32.msk $0xffff, v0  }
.LBB3_33:
0x382: {  	s0 =	simm.s32 $0x6;
	p1 =	seq.s32 s6, $0x0  }
0x383: {  	[sflag:s0] =	ssyncpa.u1 $0x1;
	v0 =	vimm.s32 @p1 $0xFFFFFFFF  }
0x384: {  	s9 =	sadd.s32 $0xFFFFFFFF, s6;
	[tilespmem:$0x3878] =	vst @p1 v0  }
0x385: {  	v0 =	vld.msk @!p1 [tilespmem:s9+$0x3658], $0x1;
	_ =	sdelay $0x1  }
0x386: {  	v1 =	vld.msk @!p1 [tilespmem:$0x3658], $0x1;
	_ =	sdelay $0x2  }
0x387: {  	p2 =	seq.s32 @!p1 s9, $0x0;
	v0 =	vbroadcast @!p1 v0, $0x0  }
0x388: {  	vm0 =	vmmov @!p1 $0x1;
	p2 =	por !p2, p1  }
0x389: {  	v1 =	vnsel @!p1 vm0, $0xFFFFFFFF, v1;
	vm0 =	vcmask @!p1 $0x308;
	v0 =	vpsel !p2, $0xFFFFFFFF, v0  }
0x38a: {  	p2 =	sne.s32 @!p1 s8, s7;
	v0 =	vsel @!p1 vm0, v1, v0  }
0x38b: {  	s0 =	simm.s32 @!p1 $0x3678;
	s1 =	simm.s32 @!p1 $0x0;
	p3 =	por !p2, p1;
	[tilespmem:$0x3878] =	vst @!p1 v0  }
0x38c: {  	[spmem:s1] =	stream.linear.scatter @!p1 [tilespmem:s0], [sflag:$0x1], $0x10, $0x38;
	[tilespmem:$0x1F0F8] =	vst v63  }
0x38d: {  	s0 =	sshll.u32 @!p3 s9, $0x6  }
0x38e: {  	s0 =	sshra.s32 @!p3 s0, $0x2  }
0x38f: {  	s1 =	simm.s32 @!p3 $0x10;
	s0 =	sadd.s32 @!p3 $0x3678, s0  }
0x390: {  	[spmem:s1] =	stream.linear.scatter @!p3 [tilespmem:s0], [sflag:$0x1], $0x10, $0x38;
	[tilespmem:$0x1F0F8] =	vst v63  }
0x391: {  	s0 =	simm.s32 @!p3 $0x1  }
0x392: {  	_ =	swait.ge @!p3 [sflag:s0], $0x20  }
0x393: {  	p1 =	por p2, p1;
	[sflag:s0] =	ssyncset.done @!p3 $0x0  }
0x394: {  	[sflag:s0] =	ssyncadd.s32 @!p3 $0xFFFFFFE0;
	s0 =	simm.s32 @!p1 $0x1  }
0x395: {  	_ =	swait.ge @!p1 [sflag:s0], $0x10  }
0x396: {  	s29 =	simm.s32 $0x3878;
	[sflag:s0] =	ssyncset.done @!p1 $0x0  }
0x397: {  	s30 =	simm.s32 $0x200;
	s31 =	simm.s32 $0x1;
	[sflag:s0] =	ssyncadd.s32 @!p1 $0xFFFFFFF0  }
0x398: {  	[spmem:s30] =	stream.linear.scatter [tilespmem:s29], [sflag:$0x1], $0x10, $0x38;
	[tilespmem:$0x1F0F8] =	vst v63  }
0x399: {  	_ =	swait.ge [sflag:s31], $0x10  }
0x39a: {  	[sflag:s31] =	ssyncset.done $0x0  }
0x39b: {  	p1 =	seq.s32 s17, $0x0;
	s8 =	rddreg [dreg:$0x1];
	[sflag:s31] =	ssyncadd.s32 $0xFFFFFFF0  }
0x39c: {  	s1 =	sshll.u32 @p1 s8, $0xE;
	s7 =	rddreg [dreg:$0x2]  }
0x39d: {  	s0 =	sadd.s32 @p1 $0x15C3C, s1;
	s1 =	sshll.u32 @p1 s7, $0x11  }
0x39e: {  	_ =	sfence.stream.spmem;
	s0 =	sor.u32 @p1 s1, s0  }
0x39f: {  	[sflag:s0] =	ssyncadd.remote.s32 @p1 $0x1;
	s0 =	simm.s32 @p1 $0x4  }
0x3a0: {  	s2 =	simm.s32 @!p1 $0x3C;
	s1 =	sand.u32 $0xFFFFFFFE, s8;
	_ =	swait.ge @p1 [sflag:s0], $0x6  }
0x3a1: {  	s4 =	simm.s32 @!p1 $0x0;
	s1 =	sadd.s32 @!p1 $0x4, s1;
	[sflag:s0] =	ssyncset.done @p1 $0x0  }
0x3a2: {  	s5 =	simm.s32 @!p1 $0x20;
	[sflag:s0] =	ssyncadd.s32 @p1 $0xFFFFFFFA;
	s0 =	sshll.u32 @!p1 s1, $0x1A  }
0x3a3: {  	s1 =	sshll.u32 @!p1 s1, $0xD;
	s0 =	sor.u32 @!p1 s0, s7;
	_ =	swait.eq @!p1 [sflag:s2], $0x1  }
0x3a4: {  	s1 =	sor.u32 @!p1 $0x1C04, s1;
	s2 =	simm.s32 @!p1 $0x1C03;
	s0 =	sor.u32 @!p1 $0x80004000, s0  }
0x3a5: {  	[spmem:s5], [sflag:s1] =	dma.general @!p1 [spmem:s4], [sflag:s2], length:$0x4, [dreg:$0x0], stride_count:$0x0, ici_dest:s0, dma_misc:DstOpCode:WRITE  }
0x3a6: {  	p2 =	slt.s32 s9, $0x2;
	s4 =	simm.s32 @!p1 $0x40;
	s5 =	simm.s32 @!p1 $0x42  }
0x3a7: {  	[spmem:s5], [sflag:s1] =	dma.general @!p1 [spmem:s4], [sflag:s2], length:$0x2, [dreg:$0x0], stride_count:$0x0, ici_dest:s0, dma_misc:DstOpCode:WRITE  }
.Ltmp35:
0x3a8: {  	s0 =	simm.s32 @!p1 $0x3;
	(pc) =	sbr.rel @p2 .LBB3_37-.Ltmp35, $4  }
0x3a9: {  	s1 =	sshll.u32 @!p1 s8, $0xE;
	_ =	swait.ge @!p1 [sflag:s0], $0x6  }
0x3aa: {  	s2 =	sshll.u32 @!p1 s7, $0x11;
	s1 =	sadd.s32 @!p1 $0x11C3C, s1;
	[sflag:s0] =	ssyncset.done @!p1 $0x0  }
0x3ab: {  	[sflag:s0] =	ssyncadd.s32 @!p1 $0xFFFFFFFA;
	s0 =	sor.u32 @!p1 s2, s1  }
0x3ac: {  	[sflag:s0] =	ssyncadd.remote.s32 @!p1 $0xFFFFFFFF;
	s0 =	simm.s32 $0x0  }
0x3ad: {  	s0 =	simm.s32 $0x3659  }
0x3ae: {  	v0 =	vld.msk [tilespmem:s0+$0x0], $0x1;
	_ =	sdelay $0x4  }
0x3af: {  	(v2sf) =	vpush v0, $0x0;
	_ =	sdelay $0xd  }
0x3b0: {  	s2 =	sadd.s32 $0xFFFFFFFE, s6  }
0x3b1: {  	s2 =	sadd.s32 $0xFFFFFFFF, s2;
	s0 =	spop (v2sf)  }
0x3b2: {  	p2 =	sne.s32 s2, $0x0;
	p1 =	sgt.u32 s0, $0x1869FE  }
.Ltmp36:
0x3b3: {  	s4 =	sand.u32 @!p1 $0x1FFFF8, s0;
	(pc) =	sbr.rel @!p2 .LBB3_36-.Ltmp36, $4  }
0x3b4: {  	s1 =	simm.s32 $0x3688;
	s0 =	sand.u32 @!p1 $0x7, s0;
	s4 =	sadd.s32 @!p1 s3, s4  }
0x3b5: {  	[hbm4b:s4+s0] =	stream.linear.scatter @!p1 [tilespmem:s1], [sflag:$0x5], $0x10, $0x38;
	[tilespmem:$0x1F0F8] =	vst v63  }
0x3b6: {  	s0 =	simm.s32 $0x0  }
0x3b7: {  	s6 =	simm.s32 $0x0;
	s7 =	simm.s32 $0x365A;
	s0 =	simm.s32 @!p1 $0x40  }
.LBB3_35:
0x3b8: {  	v0 =	vld.msk [tilespmem:s7+$0x0], $0x1;
	s2 =	sadd.s32 $0xFFFFFFFF, s2;
	s6 =	sadd.s32 s6, s0  }
0x3b9: {  	p1 =	sne.s32 s2, $0x0;
	_ =	sdelay $0x3  }
0x3ba: {  	(v2sf) =	vpush v0, $0x0;
	_ =	sdelay $0xe  }
.Ltmp37:
0x3bb: {  	s4 =	spop (v2sf);
	(pc) =	sbr.rel @p1 .LBB3_35-.Ltmp37, $4  }
0x3bc: {  	s0 =	simm.s32 $0x0;
	p2 =	sgt.u32 s4, $0x1869FE  }
0x3bd: {  	s1 =	sadd.s32 $0x10, s1;
	s0 =	simm.s32 @!p2 $0x40;
	s5 =	sand.u32 @!p2 $0x1FFFF8, s4  }
0x3be: {  	s7 =	sadd.s32 $0x1, s7;
	s4 =	sand.u32 @!p2 $0x7, s4;
	s5 =	sadd.s32 @!p2 s3, s5  }
0x3bf: {  	[hbm4b:s5+s4] =	stream.linear.scatter @!p2 [tilespmem:s1], [sflag:$0x5], $0x10, $0x38;
	[tilespmem:$0x1F0F8] =	vst v63  }
.LBB3_36:
0x3c0: {  	s0 =	sadd.s32 s6, s0  }
0x3c1: {  	s0 =	sshrl.u32 s0, $0x2  }
.LBB3_37:
0x3c2: {  	s1 =	simm.s32 $0x5  }
0x3c3: {  	_ =	swait.ge [sflag:s1], s0  }
0x3c4: {  	s31 =	ssub.s32 $0x0, s0;
	[sflag:s1] =	ssyncset.done $0x0  }
0x3c5: {  	[sflag:s1] =	ssyncadd.s32 s31  }
0x3c6: {  	[sflag:s1] =	ssyncpa.u1 $0x1  }
.LBB3_38:
0x3c7: {  	s0 =	sor.u32 s17, s16  }
0x3c8: {  	p1 =	sne.s32 s0, $0x0  }
.Ltmp38:
0x3c9: {  	_ = 	snop;
	(pc) =	sbr.rel @p1 .LBB3_53-.Ltmp38, $3  }
0x3ca: {  	_ =	sdelay $0x1  }
0x3cb: {  	[bflag:$0x0] =	sbarrier.arrive $0xFFFF  }
0x3cc: {  	_ =	sfence  }
0x3cd: {  	s0 =	simm.s32 $0x7  }
0x3ce: {  	s1 =	simm.s32 $0x200;
	s2 =	simm.s32 $0x3658;
	[sflag:s0] =	ssyncpa.u1 $0x0  }
0x3cf: {  	[tilespmem:s2], [sflag:$0x7] =	stream.linear.gather [spmem:s1], $0x20, $0x38;
	[tilespmem:$0x1F0F8] =	vst v63  }
0x3d0: {  	s30 =	simm.s32 $0x3678;
	s1 =	simm.s32 $0x0  }
0x3d1: {  	[tilespmem:s30], [sflag:$0x7] =	stream.linear.gather [spmem:s1], $0x200, $0x38;
	[tilespmem:$0x1F0F8] =	vst v63  }
.Ltmp39:
0x3d2: {  	_ = 	snop;
	(pc) =	sbr.rel .LBB3_40-.Ltmp39, $4  }
0x3d3: {  	_ =	swait.ge [sflag:s0], $0x220  }
0x3d4: {  	[sflag:s0] =	ssyncset.done $0x0  }
0x3d5: {  	s31 =	simm.s32 $0x8;
	[sflag:s0] =	ssyncadd.s32 $0xFFFFFDE0  }
0x3d6: {  	s2 =	simm.s32 $0x0;
	[sflag:s31] =	ssyncpa.u1 $0x0  }
.LBB3_45:
0x3d7: {  	p1 =	slt.u32 s4, $0x1869FF  }
0x3d8: {  	s0 =	sand.u32 @p1 $0x1FFFF8, s4  }
0x3d9: {  	s4 =	sand.u32 @p1 $0x7, s4;
	s5 =	simm.s32 @p1 $0x3638;
	s0 =	sadd.s32 @p1 s3, s0  }
0x3da: {  	[tilespmem:s5], [sflag:$0x8] =	stream.linear.gather @p1 [hbm4b:s0+s4], $0x10, $0x38;
	[tilespmem:$0x1F0F8] =	vst v63  }
0x3db: {  	s0 =	simm.s32 @p1 $0x8  }
0x3dc: {  	_ =	swait.ge @p1 [sflag:s0], $0x10  }
0x3dd: {  	[sflag:s0] =	ssyncset.done @p1 $0x0  }
0x3de: {  	[sflag:s0] =	ssyncadd.s32 @p1 $0xFFFFFFF0  }
0x3df: {  	v1 =	vld @p1 [tilespmem:$0x3638];
	_ =	sdelay $0x2  }
0x3e0: {  	s0 =	sshll.u32 @p1 s2, $0x6  }
0x3e1: {  	s5 =	sshll.u32 @!p1 s2, $0x6;
	s4 =	sshrl.u32 @p1 s0, $0x2  }
0x3e2: {  	s5 =	smov.u32 @p1 s0;
	[tilespmem:s4+$0x3678] =	vst.add.f32.msk @p1 $0xffff, v1  }
0x3e3: {  	s0 =	sshrl.u32 s5, $0x2;
	[tilespmem:s1+$0x3658] =	vst.msk $0x1, v0  }
0x3e4: {  	v0 =	vld [tilespmem:s0+$0x3678];
	_ =	sdelay $0x2  }
0x3e5: {  	s31 =	sshll.u32 s1, $0x6  }
0x3e6: {  	s0 =	sshra.s32 s31, $0x2  }
0x3e7: {  	s1 =	sadd.s32 $0x1, s1;
	[tilespmem:s0+$0x3678] =	vst v0  }
.LBB3_47:
0x3e8: {  	s2 =	sadd.s32 $0x1, s2  }
0x3e9: {  	p1 =	sne.s32 s2, $0x20  }
.Ltmp40:
0x3ea: {  	_ = 	snop;
	(pc) =	sbr.rel @!p1 .LBB3_48-.Ltmp40, $1  }
0x3eb: {  	_ =	sdelay $0x3  }
.LBB3_40:
0x3ec: {  	v0 =	vld.msk [tilespmem:s2+$0x3658], $0x1;
	_ =	sdelay $0x4  }
0x3ed: {  	(v2sf) =	vpush v0, $0x0;
	_ =	sdelay $0xe  }
0x3ee: {  	s4 =	spop (v2sf)  }
0x3ef: {  	p1 =	seq.s32 s4, $0xFFFFFFFF  }
.Ltmp41:
0x3f0: {  	_ = 	snop;
	(pc) =	sbr.rel @p1 .LBB3_47-.Ltmp41, $1  }
0x3f1: {  	_ =	sdelay $0x3  }
0x3f2: {  	p1 =	slt.s32 s1, $0x1  }
.Ltmp42:
0x3f3: {  	_ = 	snop;
	(pc) =	sbr.rel @p1 .LBB3_45-.Ltmp42, $1  }
0x3f4: {  	_ =	sdelay $0x3  }
0x3f5: {  	s5 =	simm.s32 $0x3658;
	p1 =	por $0x0, $0x0  }
0x3f6: {  	v1 =	vld.msk @!p1 [tilespmem:s5+$0x0], $0x1;
	_ =	sdelay $0x4  }
0x3f7: {  	(v2sf) =	vpush @!p1 v1, $0x0;
	_ =	sdelay $0xd  }
0x3f8: {  	p3 =	sne.s32 s1, $0x1  }
.Ltmp43:
0x3f9: {  	s0 =	spop @!p1 (v2sf);
	(pc) =	sbr.rel @!p3 .LBB3_44-.Ltmp43, $4  }
0x3fa: {  	p2 =	seq.s32 @!p1 s4, s0  }
0x3fb: {  	s6 =	simm.s32 $0x0;
	p2 =	por !p2, p1  }
0x3fc: {  	s0 =	simm.s32 $0xFFFFFFFF;
	s6 =	simm.s32 @p2 $0xFFFFFFFF  }
0x3fd: {  	s7 =	simm.s32 $0x1;
	s6 =	smov.u32 @p1 s0  }
.LBB3_43:
0x3fe: {  	s0 =	smov.u32 s6;
	p1 =	sne.s32 s6, $0xFFFFFFFF  }
0x3ff: {  	s5 =	sadd.s32 $0x1, s5;
	s6 =	smov.u32 s7;
	s7 =	sadd.s32 $0x1, s7  }
0x400: {  	p2 =	sne.s32 s1, s7;
	v1 =	vld.msk @!p1 [tilespmem:s5+$0x0], $0x1;
	_ =	sdelay $0x4  }
0x401: {  	(v2sf) =	vpush @!p1 v1, $0x0;
	_ =	sdelay $0xe  }
.Ltmp44:
0x402: {  	s8 =	spop @!p1 (v2sf);
	(pc) =	sbr.rel @p2 .LBB3_43-.Ltmp44, $4  }
0x403: {  	p3 =	seq.s32 @!p1 s4, s8  }
0x404: {  	p3 =	por !p3, p1  }
0x405: {  	s6 =	simm.s32 @p3 $0xFFFFFFFF  }
0x406: {  	s6 =	smov.u32 @p1 s0  }
.LBB3_44:
0x407: {  	p1 =	sne.s32 s6, $0xFFFFFFFF  }
.Ltmp45:
0x408: {  	_ = 	snop;
	(pc) =	sbr.rel @!p1 .LBB3_45-.Ltmp45, $1  }
0x409: {  	_ =	sdelay $0x3  }
0x40a: {  	s0 =	sshll.u32 s2, $0x4  }
0x40b: {  	s0 =	sand.u32 $0x3FFFFFF0, s0  }
0x40c: {  	v0 =	vld [tilespmem:s0+$0x3678]  }
.Ltmp46:
0x40d: {  	_ = 	snop;
	(pc) =	sbr.rel .LBB3_47-.Ltmp46, $4  }
0x40e: {  	_ = 	snop  }
0x40f: {  	s31 =	sshll.u32 s6, $0x6  }
0x410: {  	s0 =	sshra.s32 s31, $0x2  }
0x411: {  	[tilespmem:s0+$0x3678] =	vst.add.f32.msk $0xffff, v0  }
.LBB3_48:
0x412: {  	p1 =	slt.s32 s1, $0x1  }
.Ltmp47:
0x413: {  	_ = 	snop;
	(pc) =	sbr.rel @p1 .LBB3_52-.Ltmp47, $3  }
0x414: {  	_ =	sdelay $0x1  }
0x415: {  	s0 =	simm.s32 $0x8  }
0x416: {  	s2 =	simm.s32 $0x0;
	[sflag:s0] =	ssyncpa.u1 $0x1  }
0x417: {  	s0 =	simm.s32 $0x3658  }
0x418: {  	v0 =	vld.msk [tilespmem:s0+$0x0], $0x1;
	_ =	sdelay $0x4  }
0x419: {  	(v2sf) =	vpush v0, $0x0;
	_ =	sdelay $0xe  }
0x41a: {  	s1 =	sadd.s32 $0xFFFFFFFF, s1;
	s0 =	spop (v2sf)  }
0x41b: {  	p2 =	sne.s32 s1, $0x0;
	p1 =	sgt.u32 s0, $0x1869FE  }
.Ltmp48:
0x41c: {  	s5 =	sand.u32 @!p1 $0x1FFFF8, s0;
	(pc) =	sbr.rel @!p2 .LBB3_51-.Ltmp48, $4  }
0x41d: {  	s4 =	simm.s32 $0x3678;
	s0 =	sand.u32 @!p1 $0x7, s0;
	s5 =	sadd.s32 @!p1 s3, s5  }
0x41e: {  	[hbm4b:s5+s0] =	stream.linear.scatter @!p1 [tilespmem:s4], [sflag:$0x7], $0x10, $0x38;
	[tilespmem:$0x1F0F8] =	vst v63  }
0x41f: {  	s0 =	simm.s32 $0x0  }
0x420: {  	s5 =	simm.s32 $0x3659;
	s0 =	simm.s32 @!p1 $0x40  }
.LBB3_50:
0x421: {  	v0 =	vld.msk [tilespmem:s5+$0x0], $0x1;
	s1 =	sadd.s32 $0xFFFFFFFF, s1;
	s2 =	sadd.s32 s2, s0  }
0x422: {  	p1 =	sne.s32 s1, $0x0;
	_ =	sdelay $0x3  }
0x423: {  	(v2sf) =	vpush v0, $0x0;
	_ =	sdelay $0xe  }
.Ltmp49:
0x424: {  	s6 =	spop (v2sf);
	(pc) =	sbr.rel @p1 .LBB3_50-.Ltmp49, $4  }
0x425: {  	s0 =	simm.s32 $0x0;
	p2 =	sgt.u32 s6, $0x1869FE  }
0x426: {  	s4 =	sadd.s32 $0x10, s4;
	s0 =	simm.s32 @!p2 $0x40;
	s7 =	sand.u32 @!p2 $0x1FFFF8, s6  }
0x427: {  	s5 =	sadd.s32 $0x1, s5;
	s6 =	sand.u32 @!p2 $0x7, s6;
	s7 =	sadd.s32 @!p2 s3, s7  }
0x428: {  	[hbm4b:s7+s6] =	stream.linear.scatter @!p2 [tilespmem:s4], [sflag:$0x7], $0x10, $0x38;
	[tilespmem:$0x1F0F8] =	vst v63  }
.LBB3_51:
0x429: {  	s0 =	sadd.s32 s2, s0  }
0x42a: {  	s2 =	sshrl.u32 s0, $0x2  }
.LBB3_52:
0x42b: {  	s0 =	simm.s32 $0x7  }
0x42c: {  	_ =	swait.ge [sflag:s0], s2  }
0x42d: {  	s1 =	ssub.s32 $0x0, s2;
	[sflag:s0] =	ssyncset.done $0x0  }
0x42e: {  	[sflag:s0] =	ssyncadd.s32 s1  }
0x42f: {  	[sflag:s0] =	ssyncpa.u1 $0x1  }
.LBB3_53:
0x430: {  	_ =	sfence;
	s0 =	simm.s32 $0x1  }
0x431: {  	[sflag:s0] =	ssyncpa.u1 $0x1  }
0x432: {  	_ =	strace $0x90000059  }
0x433: {  	[bflag:$0x2] =	sbarrier.arrive $0xFFFF  }
0x434: {  	s0 =	rddreg [dreg:$0x3]  }
0x435: {  	s0 =	sadd.s32 @!p0 $0x100000, s0  }
0x436: {  	[sflag:s0] =	ssyncadd.tile.s32 @!p0 $0x1;
	_ =	shalt  }
.Lfunc_end3:
_tile_overlayer_lowered:
.L_overlay_start_3:
0x437: {  	(tag) =	ssettag $0x3  }
0x438: {  	s0 =	rddreg [dreg:$0x0];
	s2 =	stileid.u32  }
0x439: {  	s1 =	rddreg [dreg:$0x1];
	p0 =	sne.s32 s2, $0x0  }
0x43a: {  	s3 =	rddreg [dreg:$0x2];
	[bflag:$0x3] =	sbarrier.arrive $0xFFFF;
	s2 =	simm.s32 @!p0 $0x1C01  }
0x43b: {  	[timem:s3], [sflag:s2] =	dma.local @!p0 [hbm:s0], s1  }
0x43c: {  	s0 =	simm.s32 @!p0 $0x1  }
0x43d: {  	_ =	swait.ge @!p0 [sflag:s0], s1  }
0x43e: {  	s1 =	ssub.s32 @!p0 $0x0, s1;
	[sflag:s0] =	ssyncset.done @!p0 $0x0  }
0x43f: {  	[sflag:s0] =	ssyncadd.s32 @!p0 s1  }
0x440: {  	[bflag:$0x3] =	sbarrier.arrive $0xFFFF  }
0x441: {  	_ =	shalt  }

// kernel: scatter_offload_async_start.2
scs
__scs_entry_jumppad:
0x0: {  	(pc) =	sbr.rel $0x88, $3  }
0x1: {  	(tag) =	ssettag $0x0;
	lr =	simm.s32 $0x1  }
0x2: {  	[smem:$0x3F99] =	sst lr;
	_ =	strace $0xD0000000  }
0x3: {  	_ = 	snop  }
0x4: {  	_ = 	snop  }
0x5: {  	_ = 	snop  }
0x6: {  	_ = 	snop  }
0x7: {  	_ = 	snop  }
__scs_overlays_trampoline_lowered:
0x8: {  	[smem:$0x3FA8] =	sst s0  }
0x9: {  	[smem:$0x3FA9] =	sst s1  }
0xa: {  	[smem:$0x3FAA] =	sst s2  }
0xb: {  	[smem:$0x3FAB] =	sst s3  }
0xc: {  	[smem:$0x3FAC] =	sst s4  }
0xd: {  	[smem:$0x3FAD] =	sst s5  }
0xe: {  	[smem:$0x3FAE] =	sst s6  }
0xf: {  	[smem:$0x3FAF] =	sst s7  }
0x10: {  	[smem:$0x3FB0] =	sst s8  }
0x11: {  	[smem:$0x3FB1] =	sst s9;
	s0 =	simm.s32 @!p0 $0x0  }
0x12: {  	s1 =	sld [smem:$0x3F97];
	s0 =	simm.s32 @p0 $0x1  }
0x13: {  	[smem:$0x3FB2] =	sst s0;
	s0 =	simm.s32 @!p1 $0x0  }
0x14: {  	s2 =	sld [smem:$0x3F96];
	s0 =	simm.s32 @p1 $0x1  }
0x15: {  	[smem:$0x3FB3] =	sst s0;
	s0 =	simm.s32 @!p2 $0x0  }
0x16: {  	s3 =	sld [smem:$0x3FDB];
	s0 =	simm.s32 @p2 $0x1  }
0x17: {  	s4 =	simm.s32 $0x1BF5;
	[smem:$0x3FB5] =	sst s0  }
0x18: {  	s0 =	sld [smem:$0x3F98];
	_ =	swait.ge [sflag:s4], $0x0  }
0x19: {  	s7 =	sld [smem:$0x3F99]  }
0x1a: {  	s8 =	sadd.s32 $0xFFFFE003, lr  }
0x1b: {  	s9 =	sadd.s32 $0xFFFFFEF7, lr;
	s5 =	simm.s32 $0xFFFFFFFF;
	p2 =	slt.u32 s8, $0xFFFFF086  }
0x1c: {  	p1 =	slt.u32 s9, $0xF7A;
	s5 =	simm.s32 @!p2 $0x0  }
0x1d: {  	s5 =	simm.s32 @p1 $0x1;
	p0 =	seq.s32 s7, s2  }
0x1e: {  	s7 =	smul.u32 @!p0 $0xF7A, s2;
	p2 =	seq.s32 @!p0 s5, $0x0  }
0x1f: {  	s9 =	smul.u32 $0xF7A, s1;
	s8 =	simm.s32 @!p0 $0x1BF5;
	p2 =	por !p2, p0  }
0x20: {  	[sflag:s8] =	ssyncset.s32 @!p0 $0xFFFFF086;
	s6 =	sadd.s32 @!p0 s3, s7;
	s7 =	simm.s32 @!p0 $0x108  }
0x21: {  	s3 =	sadd.s32 s3, s9;
	s6 =	sadd.s32 @!p0 $0x88, s6;
	s7 =	simm.s32 @p2 $0x1082  }
0x22: {  	[simem:s7], [sflag:s8] =	dma.local @!p0 [hbm:s6], $0xF7A  }
0x23: {  	s9 =	sor.u32 $0xD0000000, s2;
	s6 =	simm.s32 $0x108;
	_ =	swait.ge @!p0 [sflag:s8], $0x0  }
0x24: {  	s3 =	sadd.s32 $0x88, s3;
	s6 =	simm.s32 @!p1 $0x1082;
	[sflag:s4] =	ssyncset.s32 $0xFFFFF086  }
0x25: {  	[simem:s6], [sflag:s4] =	dma.local [hbm:s3], $0xF7A  }
0x26: {  	[smem:$0x3F99] =	sst s1;
	(tag) =	ssettag s2;
	_ =	strace s9  }
0x27: {  	s1 =	sld [smem:$0x3FA9]  }
0x28: {  	s2 =	sld [smem:$0x3FAA]  }
0x29: {  	s4 =	sld [smem:$0x3FAC]  }
0x2a: {  	p0 =	seq.s32 s5, $0x0;
	s5 =	sld [smem:$0x3FAD]  }
0x2b: {  	s6 =	sld [smem:$0x3FAE]  }
0x2c: {  	s7 =	sld [smem:$0x3FAF]  }
0x2d: {  	s3 =	simm.s32 $0x108;
	s8 =	sld [smem:$0x3FB0]  }
0x2e: {  	s3 =	simm.s32 @!p0 $0x1082;
	s9 =	sld [smem:$0x3FB1]  }
0x2f: {  	lr =	sadd.s32 s0, s3;
	s0 =	sld [smem:$0x3FA8]  }
0x30: {  	s3 =	sld [smem:$0x3FAB]  }
0x31: {  	[smem:$0x3FB4] =	sst s10  }
0x32: {  	s10 =	sld [smem:$0x3FB2];
	_ =	sdelay $0x3  }
0x33: {  	p0 =	seq.s32 s10, $0x1;
	s10 =	sld [smem:$0x3FB4];
	_ =	sdelay $0x3  }
0x34: {  	[smem:$0x3FB4] =	sst s10  }
0x35: {  	s10 =	sld [smem:$0x3FB3];
	_ =	sdelay $0x3  }
0x36: {  	p1 =	seq.s32 s10, $0x1;
	s10 =	sld [smem:$0x3FB4];
	_ =	sdelay $0x3  }
0x37: {  	[smem:$0x3FB4] =	sst s10  }
0x38: {  	s10 =	sld [smem:$0x3FB5]  }
0x39: {  	_ = 	snop;
	(pc) =	sbr.ind lr, $3  }
0x3a: {  	_ = 	snop  }
0x3b: {  	_ = 	snop  }
0x3c: {  	p2 =	seq.s32 s10, $0x1;
	s10 =	sld [smem:$0x3FB4]  }
0x3d: {  	_ =	shalt  }
0x3e: {  	_ =	shalt  }
0x3f: {  	_ =	shalt  }
0x40: {  	_ =	shalt  }
0x41: {  	_ =	shalt  }
0x42: {  	_ =	shalt  }
0x43: {  	_ =	shalt  }
0x44: {  	_ =	shalt  }
0x45: {  	_ =	shalt  }
0x46: {  	_ =	shalt  }
0x47: {  	_ =	shalt  }
0x48: {  	_ =	shalt  }
0x49: {  	_ =	shalt  }
0x4a: {  	_ =	shalt  }
0x4b: {  	_ =	shalt  }
0x4c: {  	_ =	shalt  }
0x4d: {  	_ =	shalt  }
0x4e: {  	_ =	shalt  }
0x4f: {  	_ =	shalt  }
0x50: {  	_ =	shalt  }
0x51: {  	_ =	shalt  }
0x52: {  	_ =	shalt  }
0x53: {  	_ =	shalt  }
0x54: {  	_ =	shalt  }
0x55: {  	_ =	shalt  }
0x56: {  	_ =	shalt  }
0x57: {  	_ =	shalt  }
0x58: {  	_ =	shalt  }
0x59: {  	_ =	shalt  }
0x5a: {  	_ =	shalt  }
0x5b: {  	_ =	shalt  }
0x5c: {  	_ =	shalt  }
0x5d: {  	_ =	shalt  }
0x5e: {  	_ =	shalt  }
0x5f: {  	_ =	shalt  }
0x60: {  	_ =	shalt  }
0x61: {  	_ =	shalt  }
0x62: {  	_ =	shalt  }
0x63: {  	_ =	shalt  }
0x64: {  	_ =	shalt  }
0x65: {  	_ =	shalt  }
0x66: {  	_ =	shalt  }
0x67: {  	_ =	shalt  }
0x68: {  	_ =	shalt  }
0x69: {  	_ =	shalt  }
0x6a: {  	_ =	shalt  }
0x6b: {  	_ =	shalt  }
0x6c: {  	_ =	shalt  }
0x6d: {  	_ =	shalt  }
0x6e: {  	_ =	shalt  }
0x6f: {  	_ =	shalt  }
0x70: {  	_ =	shalt  }
0x71: {  	_ =	shalt  }
0x72: {  	_ =	shalt  }
0x73: {  	_ =	shalt  }
0x74: {  	_ =	shalt  }
0x75: {  	_ =	shalt  }
0x76: {  	_ =	shalt  }
0x77: {  	_ =	shalt  }
0x78: {  	_ =	shalt  }
0x79: {  	_ =	shalt  }
0x7a: {  	_ =	shalt  }
0x7b: {  	_ =	shalt  }
0x7c: {  	_ =	shalt  }
0x7d: {  	_ =	shalt  }
0x7e: {  	_ =	shalt  }
0x7f: {  	_ =	shalt  }
0x80: {  	_ =	shalt  }
0x81: {  	_ =	shalt  }
0x82: {  	_ =	shalt  }
0x83: {  	_ =	shalt  }
0x84: {  	_ =	shalt  }
0x85: {  	_ =	shalt  }
0x86: {  	_ =	shalt  }
0x87: {  	_ =	shalt  }
.Lfunc_end0:
.L_simem_size_0:
called_computation.2_lowered:
.L_overlay_start_0:
0x88: {  	s2 =	sld [smem:$0x3FD9]  }
0x89: {  	s3 =	sld [smem:$0x3FFE];
	_ =	sdelay $0x1  }
0x8a: {  	s1 =	srdreg.scid  }
0x8b: {  	s0 =	sand.u32 $0x1, s1  }
0x8c: {  	s12 =	sshll.u32 s0, $0xA;
	s2 =	sadd.s32 s3, s2  }
0x8d: {  	s2 =	sadd.s32 s2, s12  }
0x8e: {  	[smem:$0x3FC0] =	sst s2  }
0x8f: {  	_ = 	snop  }
0x90: {  	(tm) =	ssettm $0x1  }
0x91: {  	s13 =	sld [smem:$0x3FFB];
	_ =	sdelay $0x3  }
0x92: {  	_ =	strace s13  }
0x93: {  	s2 =	sld [smem:$0x3FFC];
	_ =	sdelay $0x3  }
0x94: {  	_ =	strace s2  }
0x95: {  	s2 =	sld [smem:$0x3FFD];
	_ =	sdelay $0x3  }
0x96: {  	_ =	strace s2  }
0x97: {  	_ =	strace $0x8FFFFFFF  }
0x98: {  	s14 =	sld [smem:$0x3FDB];
	_ =	sdelay $0x1  }
0x99: {  	s15 =	simm.s32 $_scs_section_size  }
0x9a: {  	s4 =	simm.s32 $_size__tile_overlayer_lowered;
	s5 =	simm.s32 $_tile_overlayer_lowered  }
0x9b: {  	s19 =	simm.s32 $0x1BFF;
	s17 =	sshll.u32 s5, $0x1;
	s6 =	sadd.s32 s15, s14  }
0x9c: {  	s20 =	simm.s32 $0x0;
	s16 =	sshll.u32 s4, $0x1;
	s18 =	sadd.s32 s17, s6  }
0x9d: {  	[timem:s20], [sflag:s19] =	dma.local [hbm:s18], s16  }
0x9e: {  	_ =	swait.ge [sflag:s19], s16  }
0x9f: {  	s3 =	ssub.s32 $0x0, s16;
	[sflag:s19] =	ssyncset.done $0x0  }
0xa0: {  	[sflag:s19] =	ssyncadd.s32 s3;
	_ =	sdelay $0x1  }
0xa1: {  	s21 =	simm.s32 $0x1B8B  }
0xa2: {  	_ =	swait.ge [sflag:s21], $0x1  }
0xa3: {  	[sflag:s21] =	ssyncset.done $0x0  }
0xa4: {  	[sflag:s21] =	ssyncadd.s32 $0xFFFFFFFF  }
0xa5: {  	s3 =	sld [smem:$0x0]  }
0xa6: {  	s4 =	sand.u32 $0xFFFFFFFE, s1  }
0xa7: {  	p0 =	sne.s32 s1, s4  }
0xa8: {  	s4 =	sshll.u32 @p0 s4, $0xE  }
0xa9: {  	s5 =	sadd.s32 @p0 $0x11B8D, s4;
	s7 =	sshll.u32 @p0 s3, $0x11  }
0xaa: {  	s5 =	sor.u32 @p0 s7, s5  }
0xab: {  	[sflag:s5] =	ssyncadd.remote.s32 @p0 $0x1;
	_ =	sdelay $0x1  }
0xac: {  	s5 =	simm.s32 @p0 $0x1B8D  }
0xad: {  	_ =	swait.eq @p0 [sflag:s5], $0x1  }
0xae: {  	[sflag:s5] =	ssyncadd.s32 @p0 $0xFFFFFFFF  }
0xaf: {  	s7 =	sshll.u32 @!p0 s1, $0xE  }
0xb0: {  	s7 =	sor.u32 @!p0 $0x4000, s7;
	s5 =	simm.s32 @!p0 $0x1B8D  }
0xb1: {  	s9 =	sshll.u32 @!p0 s3, $0x11;
	s8 =	sadd.s32 @!p0 $0x11B8D, s7;
	_ =	swait.eq @!p0 [sflag:s5], $0x1  }
0xb2: {  	[sflag:s5] =	ssyncadd.s32 @!p0 $0xFFFFFFFF;
	s5 =	sor.u32 @!p0 s9, s8  }
0xb3: {  	s23 =	simm.s32 $0x1B8E;
	s22 =	sld [smem:$0x3FFE];
	[sflag:s5] =	ssyncadd.remote.s32 @!p0 $0x1  }
0xb4: {  	s24 =	simm.s32 $execute0_lowered;
	[smem:$0x3FD2] =	sst s23  }
0xb5: {  	s8 =	sshll.u32 s24, $0x1;
	_ =	strace $0x8000004F;
	[dreg:$0x1] =	wrdreg $0xFFFFFFFF  }
0xb6: {  	s25 =	simm.s32 $_size_execute0_lowered;
	s8 =	sadd.s32 s6, s8;
	[dreg:$0x0] =	wrdreg $0x0  }
0xb7: {  	s9 =	sshll.u32 s25, $0x1;
	[dreg:$0x2] =	wrdreg s8  }
0xb8: {  	[dreg:$0x3] =	wrdreg s9  }
0xb9: {  	[dreg:$0x4] =	wrdreg $0xC0  }
0xba: {  	s26 =	simm.s32 $execute1_lowered;
	_ =	task [dreg:s20], $0x5FFFF  }
0xbb: {  	s8 =	sshll.u32 s26, $0x1;
	[dreg:$0x1] =	wrdreg $0xFFFFFFFF  }
0xbc: {  	s6 =	sadd.s32 s6, s8;
	[dreg:$0x0] =	wrdreg $0x60  }
0xbd: {  	[dreg:$0x2] =	wrdreg s6  }
0xbe: {  	[dreg:$0x3] =	wrdreg s22  }
0xbf: {  	[dreg:$0x4] =	wrdreg $0xC  }
0xc0: {  	_ =	task.clear_ibuf [dreg:s20], $0x5FFFF;
	_ =	strace $0x9000004F  }
0xc1: {  	s28 =	simm.s32 $0xC;
	_ =	strace $0x80000051  }
0xc2: {  	_ =	swait.ge [sflag:s28], $0x1  }
0xc3: {  	[sflag:s28] =	ssyncadd.s32 $0xFFFFFFFF  }
0xc4: {  	_ =	strace $0x90000051  }
0xc5: {  	s6 =	sld [smem:$0x0];
	_ =	sdelay $0x3  }
0xc6: {  	s4 =	sadd.s32 @p0 $0x11BF3, s4;
	s8 =	sshll.u32 @p0 s6, $0x11  }
0xc7: {  	s4 =	sor.u32 @p0 s8, s4  }
0xc8: {  	[sflag:s4] =	ssyncadd.remote.s32 @p0 $0x1;
	_ =	sdelay $0x1  }
0xc9: {  	s4 =	simm.s32 @p0 $0x1BF3  }
0xca: {  	_ =	swait.eq @p0 [sflag:s4], $0x1  }
0xcb: {  	[sflag:s4] =	ssyncadd.s32 @p0 $0xFFFFFFFF;
	_ =	sdelay $0x1  }
0xcc: {  	s4 =	simm.s32 @!p0 $0x1BF3  }
0xcd: {  	s7 =	sadd.s32 @!p0 $0x11BF3, s7;
	s6 =	sshll.u32 @!p0 s6, $0x11;
	_ =	swait.eq @!p0 [sflag:s4], $0x1  }
0xce: {  	[sflag:s4] =	ssyncadd.s32 @!p0 $0xFFFFFFFF;
	s4 =	sor.u32 @!p0 s6, s7  }
0xcf: {  	[sflag:s4] =	ssyncadd.remote.s32 @!p0 $0x1  }
0xd0: {  	_ =	strace $0x80000052;
	[dreg:$0x1] =	wrdreg $0xFFFFFFFF  }
0xd1: {  	[dreg:$0x0] =	wrdreg $0x2030  }
0xd2: {  	[dreg:$0x2] =	wrdreg s22  }
0xd3: {  	[dreg:$0x3] =	wrdreg s1  }
0xd4: {  	[dreg:$0x4] =	wrdreg s3  }
0xd5: {  	[dreg:$0x5] =	wrdreg $0xD  }
0xd6: {  	_ =	task.clear_ibuf [dreg:s20], $0x6FFFF;
	_ =	strace $0x90000052  }
0xd7: {  	s29 =	simm.s32 $0xD;
	_ =	strace $0x80000054  }
0xd8: {  	_ =	swait.ge [sflag:s29], $0x1  }
0xd9: {  	[sflag:s29] =	ssyncadd.s32 $0xFFFFFFFF  }
0xda: {  	_ =	strace $0x90000054  }
0xdb: {  	_ =	sfence  }
0xdc: {  	s30 =	sld [smem:$0x0];
	_ =	sdelay $0x2  }
0xdd: {  	s31 =	sshll.u32 s1, $0xD;
	s1 =	sshrl.u32 s1, $0x2  }
0xde: {  	s4 =	sand.u32 $0x4000, s31;
	s1 =	sadd.s32 s1, s30  }
0xdf: {  	s0 =	sor.u32 s4, s0;
	s1 =	sshll.u32 s1, $0x11  }
0xe0: {  	s0 =	sor.u32 s1, s0  }
0xe1: {  	s0 =	sadd.s32 $0x8F2B, s0  }
0xe2: {  	[sflag:s0] =	ssyncadd.remote.s32 $0x1  }
0xe3: {  	_ =	sfence.sel $0xFFFF  }
0xe4: {  	[dreg:$0x0] =	wrdreg $0xFFFFFFFF;
	(pc) =	sbr.abs _section_cstart, $3  }
0xe5: {  	[dreg:$0x1] =	wrdreg $0xFFFFFFFF  }
0xe6: {  	_ =	task.clear_ibuf [dreg:s20], $0x2FFFF;
	_ =	strace $0x9FFFFFFF  }
0xe7: {  	(tm) =	ssettm $0x7FFFFFFF  }
tec
execute0_lowered:
.L_overlay_start_1:
0x0: {  	(tag) =	ssettag $0x1  }
0x1: {  	s2 =	rddreg [dreg:$0x0]  }
0x2: {  	s5 =	rddreg [dreg:$0x1]  }
0x3: {  	s0 =	rddreg [dreg:$0x2];
	s3 =	stileid.u32;
	[bflag:$0x3] =	sbarrier.arrive $0xFFFF  }
0x4: {  	s1 =	simm.s32 $_size_execute1_lowered;
	s29 =	srdreg.scid;
	s31 =	simm.s32 $0x2  }
0x5: {  	s13 =	simm.s32 $0x0;
	s8 =	simm.s32 $0x20;
	p0 =	sne.s32 s3, $0x0  }
0x6: {  	s1 =	sshll.u32 s1, $0x1;
	s4 =	simm.s32 @!p0 $0x1C3F;
	s6 =	simm.s32 @!p0 $0x4060  }
0x7: {  	[timem:s6], [sflag:s4] =	dma.local @!p0 [hbm:s2], s1  }
0x8: {  	s9 =	simm.s32 $0x80;
	s11 =	simm.s32 $0x0;
	s2 =	sshll.u32 s29, $0x9  }
.Ltmp0:
0x9: {  	s3 =	sshll.u32 s3, $0xA;
	s30 =	sand.u32 $0x200, s2;
	(pc) =	sbr.rel .LBB2_1-.Ltmp0, $4  }
0xa: {  	s12 =	simm.s32 $0x0;
	_ =	strace $0x80000050;
	s3 =	sor.u32 s3, s30  }
0xb: {  	s4 =	simm.s32 $0x1;
	s2 =	sadd.s32 $0x673F200, s5;
	s7 =	ssub.s32 $0x18600, s3  }
0xc: {  	s5 =	sadd.s32 $0x68C5C00, s5;
	[sflag:s4] =	ssyncpa.u1 $0x0;
	s6 =	sshrl.u32 s7, $0xE  }
0xd: {  	[sflag:s31] =	ssyncpa.u1 $0x0;
	s10 =	smov.u32 s3;
	s7 =	sadd.s32 $0x2, s6  }
.LBB2_5:
0xe: {  	_ =	sdelay $0x3  }
0xf: {  	[tilespmem:v1+s16+$0x0 ss:$0x1] =	vst.idx.msk $0xffff, v2  }
.LBB2_6:
0x10: {  	s16 =	sand.u32 $0x1FFFFFF, s11  }
0x11: {  	s17 =	smulhi.u32 $0x14F8B59, s16;
	_ =	sdelay $0x1  }
0x12: {  	s17 =	sshrl.u32 s17, $0x9  }
0x13: {  	s17 =	smul.u32 $0x186A0, s17;
	_ =	sdelay $0x1  }
0x14: {  	s16 =	ssub.s32 s16, s17  }
0x15: {  	s16 =	sshll.u32 s16, $0x4  }
0x16: {  	s16 =	sadd.s32 s5, s16  }
0x17: {  	[hbm4b:s16+s8] =	stream.strided.scatter [tilespmem:s15], [sflag:$0x2], s14, s9, s8, $0x38;
	[tilespmem:$0x10000] =	vst v63  }
.LBB2_7:
0x18: {  	p1 =	slt.u32 s12, $0x2  }
0x19: {  	p2 =	sgt.s32 @!p1 s13, $0x184A0  }
0x1a: {  	s14 =	smov.u32 s13;
	s15 =	sshra.s32 @!p1 s13, $0x1F;
	p2 =	por !p2, p1  }
0x1b: {  	s13 =	sand.u32 @!p1 s15, s13;
	s14 =	simm.s32 @p2 $0x184A0  }
0x1c: {  	s13 =	ssub.s32 @!p1 s14, s13  }
0x1d: {  	s13 =	sadd.s32 @!p1 $0xFFFE7B60, s13  }
0x1e: {  	s14 =	sshll.u32 @!p1 s13, $0x7  }
0x1f: {  	p2 =	sgt.s32 @!p1 s13, $0x1FF;
	s13 =	ssub.s32 @!p1 $0x10000, s14  }
0x20: {  	s15 =	sadd.s32 $0x4000, s10;
	p2 =	por !p2, p1;
	s13 =	sshrl.u32 @!p1 s13, $0x2  }
0x21: {  	s13 =	simm.s32 @!p2 $0x0;
	p2 =	sgt.s32 s15, $0x1869F  }
0x22: {  	s15 =	smov.u32 @p2 s3;
	p2 =	sne.s32 s12, s7  }
.Ltmp1:
0x23: {  	_ = 	snop;
	(pc) =	sbr.rel @!p2 .LBB2_8-.Ltmp1, $4  }
0x24: {  	s14 =	simm.s32 @!p1 $0x2  }
0x25: {  	_ =	swait.ge @!p1 [sflag:s14], s13;
	s16 =	ssub.s32 @!p1 $0x0, s13  }
0x26: {  	s13 =	smov.u32 s11;
	s12 =	sadd.s32 $0x1, s12;
	[sflag:s14] =	ssyncset.done @!p1 $0x0  }
0x27: {  	s11 =	smov.u32 s10;
	s10 =	smov.u32 s15;
	[sflag:s14] =	ssyncadd.s32 @!p1 s16  }
.LBB2_1:
0x28: {  	p1 =	sgt.u32 s12, s6  }
0x29: {  	s15 =	smov.u32 s10;
	p2 =	sgt.s32 @!p1 s10, $0x184A0  }
0x2a: {  	s14 =	sand.u32 @!p1 $0x1FFFFFF, s10;
	s16 =	sshra.s32 @!p1 s10, $0x1F;
	p2 =	por !p2, p1  }
0x2b: {  	s17 =	smulhi.u32 @!p1 $0x14F8B59, s14;
	s16 =	sand.u32 @!p1 s16, s10;
	s15 =	simm.s32 @p2 $0x184A0  }
0x2c: {  	s15 =	ssub.s32 @!p1 s15, s16  }
0x2d: {  	s16 =	sshrl.u32 @!p1 s17, $0x9;
	s15 =	sadd.s32 @!p1 $0xFFFE7B60, s15  }
0x2e: {  	s17 =	sxor.u32 @!p1 $0xFFFFFFFF, s12;
	s16 =	smul.u32 @!p1 $0x186A0, s16;
	s18 =	sshll.u32 @!p1 s15, $0x7  }
0x2f: {  	s17 =	sshll.u32 @!p1 s17, $0xE;
	p2 =	sgt.s32 @!p1 s15, $0x1FF;
	s15 =	ssub.s32 @!p1 $0x10000, s18  }
0x30: {  	s14 =	ssub.s32 @!p1 s14, s16;
	p2 =	por !p2, p1;
	s16 =	sand.u32 @!p1 $0x4000, s17  }
0x31: {  	s17 =	simm.s32 @!p1 $0x20;
	s15 =	sshrl.u32 @!p1 s15, $0x2;
	s14 =	sshll.u32 @!p1 s14, $0x4  }
0x32: {  	s18 =	simm.s32 @!p1 $0x80;
	s15 =	simm.s32 @!p2 $0x0;
	s14 =	sadd.s32 @!p1 s2, s14  }
0x33: {  	[tilespmem:s16], [sflag:$0x1] =	stream.strided.gather @!p1 [hbm4b:s14+s17], s15, s18, s17, $0x38;
	[tilespmem:$0x10000] =	vst v63  }
0x34: {  	p1 =	seq.s32 s12, $0x0  }
0x35: {  	p2 =	sge.u32 @!p1 s12, s7  }
0x36: {  	p1 =	por p1, p2  }
.Ltmp2:
0x37: {  	_ = 	snop;
	(pc) =	sbr.rel @p1 .LBB2_7-.Ltmp2, $1  }
0x38: {  	_ =	sdelay $0x3  }
0x39: {  	p1 =	sgt.s32 s11, $0x184A0;
	s14 =	smov.u32 s11;
	s15 =	sshra.s32 s11, $0x1F  }
0x3a: {  	s14 =	simm.s32 @!p1 $0x184A0;
	s15 =	sand.u32 s15, s11  }
0x3b: {  	s14 =	ssub.s32 s14, s15  }
0x3c: {  	s14 =	sadd.s32 $0xFFFE7B60, s14  }
0x3d: {  	s31 =	sshll.u32 s14, $0x7  }
0x3e: {  	s15 =	ssub.s32 $0x10000, s31  }
0x3f: {  	p1 =	sgt.s32 s14, $0x1FF;
	s14 =	sshrl.u32 s15, $0x2;
	s15 =	sadd.s32 $0x200, s11  }
0x40: {  	s14 =	simm.s32 @p1 $0x0;
	p1 =	slt.s32 s15, $0x186A0  }
0x41: {  	s15 =	simm.s32 @!p1 $0x186A0  }
0x42: {  	s17 =	ssub.s32 s15, s11  }
0x43: {  	p1 =	slt.s32 s17, $0x1  }
.Ltmp3:
0x44: {  	_ = 	snop;
	(pc) =	sbr.rel @p1 .LBB2_6-.Ltmp3, $4  }
0x45: {  	_ = 	snop  }
0x46: {  	s16 =	sshll.u32 s12, $0xE;
	_ =	swait.ge [sflag:s4], s14  }
0x47: {  	s16 =	sand.u32 $0x4000, s16;
	s18 =	ssub.s32 $0x0, s14;
	[sflag:s4] =	ssyncset.done $0x0  }
0x48: {  	s15 =	sor.u32 $0x8000, s16;
	[sflag:s4] =	ssyncadd.s32 s18  }
0x49: {  	v0 =	vmov s16;
	_ =	sdelay $0x2  }
0x4a: {  	s31 =	simm.s32 $0x0;
	p1 =	sne.s32 s17, $0x1  }
.Ltmp4:
0x4b: {  	s16 =	sand.u32 $0x3FE0, s31;
	(pc) =	sbr.rel @!p1 .LBB2_5-.Ltmp4, $2  }
0x4c: {  	v1 =	vmov s15;
	v2 =	vld.idx.msk [tilespmem:v0+s16+$0x0 ss:$0x1], $0xffff;
	_ =	sdelay $0x2  }
0x4d: {  	s17 =	sadd.s32 $0xFFFFFFFF, s17;
	s18 =	simm.s32 $0x20  }
.LBB2_4:
0x4e: {  	s19 =	sand.u32 $0x3FE0, s18;
	p1 =	sne.s32 s17, $0x1;
	s17 =	sadd.s32 $0xFFFFFFFF, s17  }
.Ltmp5:
0x4f: {  	[tilespmem:v1+s16+$0x0 ss:$0x1] =	vst.idx.msk $0xffff, v2;
	v2 =	vld.idx.msk [tilespmem:v0+s19+$0x0 ss:$0x1], $0xffff;
	s16 =	smov.u32 s19;
	(pc) =	sbr.rel @p1 .LBB2_4-.Ltmp5, $2  }
0x50: {  	_ =	sdelay $0x2  }
0x51: {  	s18 =	sadd.s32 $0x20, s18  }
.Ltmp6:
0x52: {  	_ = 	snop;
	(pc) =	sbr.rel .LBB2_5-.Ltmp6, $1  }
0x53: {  	_ =	sdelay $0x3  }
.LBB2_8:
0x54: {  	_ =	sfence.sel $0x180000  }
0x55: {  	s2 =	simm.s32 $0x1;
	[bflag:$0x0] =	sbarrier.arrive $0xFFFF  }
0x56: {  	s31 =	simm.s32 $0x2;
	[sflag:s2] =	ssyncpa.u1 $0x1  }
0x57: {  	[sflag:s31] =	ssyncpa.u1 $0x1  }
0x58: {  	_ =	strace $0x90000050  }
0x59: {  	s0 =	sadd.s32 @!p0 $0x100000, s0;
	[bflag:$0x2] =	sbarrier.arrive $0xFFFF  }
0x5a: {  	[sflag:s0] =	ssyncadd.tile.s32 @!p0 $0x1;
	s0 =	simm.s32 @!p0 $0x3F  }
0x5b: {  	_ =	swait.ge @!p0 [sflag:s0], s1  }
0x5c: {  	s1 =	ssub.s32 @!p0 $0x0, s1;
	[sflag:s0] =	ssyncset.done @!p0 $0x0  }
0x5d: {  	[sflag:s0] =	ssyncadd.s32 @!p0 s1  }
0x5e: {  	[bflag:$0x3] =	sbarrier.arrive $0xFFFF  }
0x5f: {  	_ =	shalt  }
.Lfunc_end2:
execute1_lowered:
.L_overlay_start_2:
0x60: {  	(tag) =	ssettag $0x2  }
0x61: {  	s11 =	rddreg [dreg:$0x0]  }
0x62: {  	s2 =	rddreg [dreg:$0x1];
	_ =	strace $0x80000053;
	s12 =	simm.s32 $0x1  }
0x63: {  	v0 =	vimm.s32 $0x0;
	[sflag:s12] =	ssyncpa.u1 $0x0  }
0x64: {  	[tilespmem:$0x28] =	vst v0  }
0x65: {  	[tilespmem:$0x38] =	vst v0  }
0x66: {  	[tilespmem:$0x48] =	vst v0  }
0x67: {  	[tilespmem:$0x58] =	vst v0  }
0x68: {  	[tilespmem:$0x68] =	vst v0  }
0x69: {  	[tilespmem:$0x78] =	vst v0  }
0x6a: {  	[tilespmem:$0x88] =	vst v0  }
0x6b: {  	[tilespmem:$0x98] =	vst v0  }
0x6c: {  	[tilespmem:$0xA8] =	vst v0  }
0x6d: {  	[tilespmem:$0xB8] =	vst v0  }
0x6e: {  	[tilespmem:$0xC8] =	vst v0  }
0x6f: {  	[tilespmem:$0xD8] =	vst v0  }
0x70: {  	[tilespmem:$0xE8] =	vst v0  }
0x71: {  	[tilespmem:$0xF8] =	vst v0  }
0x72: {  	[tilespmem:$0x108] =	vst v0  }
0x73: {  	[tilespmem:$0x118] =	vst v0  }
0x74: {  	[tilespmem:$0x128] =	vst v0  }
0x75: {  	[tilespmem:$0x138] =	vst v0  }
0x76: {  	[tilespmem:$0x148] =	vst v0  }
0x77: {  	[tilespmem:$0x158] =	vst v0  }
0x78: {  	[tilespmem:$0x168] =	vst v0  }
0x79: {  	[tilespmem:$0x178] =	vst v0  }
0x7a: {  	[tilespmem:$0x188] =	vst v0  }
0x7b: {  	[tilespmem:$0x198] =	vst v0  }
0x7c: {  	[tilespmem:$0x1A8] =	vst v0  }
0x7d: {  	[tilespmem:$0x1B8] =	vst v0  }
0x7e: {  	[tilespmem:$0x1C8] =	vst v0  }
0x7f: {  	[tilespmem:$0x1D8] =	vst v0  }
0x80: {  	[tilespmem:$0x1E8] =	vst v0  }
0x81: {  	[tilespmem:$0x1F8] =	vst v0  }
0x82: {  	[tilespmem:$0x208] =	vst v0  }
0x83: {  	[tilespmem:$0x218] =	vst v0  }
0x84: {  	[tilespmem:$0x228] =	vst v0  }
0x85: {  	[tilespmem:$0x238] =	vst v0  }
0x86: {  	[tilespmem:$0x248] =	vst v0  }
0x87: {  	[tilespmem:$0x258] =	vst v0  }
0x88: {  	[tilespmem:$0x268] =	vst v0  }
0x89: {  	[tilespmem:$0x278] =	vst v0  }
0x8a: {  	[tilespmem:$0x288] =	vst v0  }
0x8b: {  	[tilespmem:$0x298] =	vst v0  }
0x8c: {  	[tilespmem:$0x2A8] =	vst v0  }
0x8d: {  	[tilespmem:$0x2B8] =	vst v0  }
0x8e: {  	[tilespmem:$0x2C8] =	vst v0  }
0x8f: {  	[tilespmem:$0x2D8] =	vst v0  }
0x90: {  	[tilespmem:$0x2E8] =	vst v0  }
0x91: {  	[tilespmem:$0x2F8] =	vst v0  }
0x92: {  	[tilespmem:$0x308] =	vst v0  }
0x93: {  	[tilespmem:$0x318] =	vst v0  }
0x94: {  	[tilespmem:$0x328] =	vst v0  }
0x95: {  	[tilespmem:$0x338] =	vst v0  }
0x96: {  	[tilespmem:$0x348] =	vst v0  }
0x97: {  	[tilespmem:$0x358] =	vst v0  }
0x98: {  	[tilespmem:$0x368] =	vst v0  }
0x99: {  	[tilespmem:$0x378] =	vst v0  }
0x9a: {  	[tilespmem:$0x388] =	vst v0  }
0x9b: {  	[tilespmem:$0x398] =	vst v0  }
0x9c: {  	[tilespmem:$0x3A8] =	vst v0  }
0x9d: {  	[tilespmem:$0x3B8] =	vst v0  }
0x9e: {  	[tilespmem:$0x3C8] =	vst v0  }
0x9f: {  	[tilespmem:$0x3D8] =	vst v0  }
0xa0: {  	[tilespmem:$0x3E8] =	vst v0  }
0xa1: {  	[tilespmem:$0x3F8] =	vst v0  }
0xa2: {  	[tilespmem:$0x408] =	vst v0  }
0xa3: {  	[tilespmem:$0x418] =	vst v0  }
0xa4: {  	[tilespmem:$0x428] =	vst v0  }
0xa5: {  	[tilespmem:$0x438] =	vst v0  }
0xa6: {  	[tilespmem:$0x448] =	vst v0  }
0xa7: {  	[tilespmem:$0x458] =	vst v0  }
0xa8: {  	[tilespmem:$0x468] =	vst v0  }
0xa9: {  	[tilespmem:$0x478] =	vst v0  }
0xaa: {  	[tilespmem:$0x488] =	vst v0  }
0xab: {  	[tilespmem:$0x498] =	vst v0  }
0xac: {  	[tilespmem:$0x4A8] =	vst v0  }
0xad: {  	[tilespmem:$0x4B8] =	vst v0  }
0xae: {  	[tilespmem:$0x4C8] =	vst v0  }
0xaf: {  	[tilespmem:$0x4D8] =	vst v0  }
0xb0: {  	[tilespmem:$0x4E8] =	vst v0  }
0xb1: {  	[tilespmem:$0x4F8] =	vst v0  }
0xb2: {  	[tilespmem:$0x508] =	vst v0  }
0xb3: {  	[tilespmem:$0x518] =	vst v0  }
0xb4: {  	[tilespmem:$0x528] =	vst v0  }
0xb5: {  	[tilespmem:$0x538] =	vst v0  }
0xb6: {  	[tilespmem:$0x548] =	vst v0  }
0xb7: {  	[tilespmem:$0x558] =	vst v0  }
0xb8: {  	[tilespmem:$0x568] =	vst v0  }
0xb9: {  	[tilespmem:$0x578] =	vst v0  }
0xba: {  	[tilespmem:$0x588] =	vst v0  }
0xbb: {  	[tilespmem:$0x598] =	vst v0  }
0xbc: {  	[tilespmem:$0x5A8] =	vst v0  }
0xbd: {  	[tilespmem:$0x5B8] =	vst v0  }
0xbe: {  	[tilespmem:$0x5C8] =	vst v0  }
0xbf: {  	[tilespmem:$0x5D8] =	vst v0  }
0xc0: {  	[tilespmem:$0x5E8] =	vst v0  }
0xc1: {  	[tilespmem:$0x5F8] =	vst v0  }
0xc2: {  	[tilespmem:$0x608] =	vst v0  }
0xc3: {  	[tilespmem:$0x618] =	vst v0  }
0xc4: {  	[tilespmem:$0x628] =	vst v0  }
0xc5: {  	[tilespmem:$0x638] =	vst v0  }
0xc6: {  	[tilespmem:$0x648] =	vst v0  }
0xc7: {  	[tilespmem:$0x658] =	vst v0  }
0xc8: {  	[tilespmem:$0x668] =	vst v0  }
0xc9: {  	[tilespmem:$0x678] =	vst v0  }
0xca: {  	[tilespmem:$0x688] =	vst v0  }
0xcb: {  	[tilespmem:$0x698] =	vst v0  }
0xcc: {  	[tilespmem:$0x6A8] =	vst v0  }
0xcd: {  	[tilespmem:$0x6B8] =	vst v0  }
0xce: {  	[tilespmem:$0x6C8] =	vst v0  }
0xcf: {  	[tilespmem:$0x6D8] =	vst v0  }
0xd0: {  	[tilespmem:$0x6E8] =	vst v0  }
0xd1: {  	[tilespmem:$0x6F8] =	vst v0  }
0xd2: {  	[tilespmem:$0x708] =	vst v0  }
0xd3: {  	[tilespmem:$0x718] =	vst v0  }
0xd4: {  	[tilespmem:$0x728] =	vst v0  }
0xd5: {  	[tilespmem:$0x738] =	vst v0  }
0xd6: {  	[tilespmem:$0x748] =	vst v0  }
0xd7: {  	[tilespmem:$0x758] =	vst v0  }
0xd8: {  	[tilespmem:$0x768] =	vst v0  }
0xd9: {  	[tilespmem:$0x778] =	vst v0  }
0xda: {  	[tilespmem:$0x788] =	vst v0  }
0xdb: {  	[tilespmem:$0x798] =	vst v0  }
0xdc: {  	[tilespmem:$0x7A8] =	vst v0  }
0xdd: {  	[tilespmem:$0x7B8] =	vst v0  }
0xde: {  	[tilespmem:$0x7C8] =	vst v0  }
0xdf: {  	[tilespmem:$0x7D8] =	vst v0  }
0xe0: {  	[tilespmem:$0x7E8] =	vst v0  }
0xe1: {  	[tilespmem:$0x7F8] =	vst v0  }
0xe2: {  	[tilespmem:$0x808] =	vst v0  }
0xe3: {  	[tilespmem:$0x818] =	vst v0  }
0xe4: {  	[tilespmem:$0x828] =	vst v0  }
0xe5: {  	[tilespmem:$0x838] =	vst v0  }
0xe6: {  	[tilespmem:$0x848] =	vst v0  }
0xe7: {  	[tilespmem:$0x858] =	vst v0  }
0xe8: {  	[tilespmem:$0x868] =	vst v0  }
0xe9: {  	[tilespmem:$0x878] =	vst v0  }
0xea: {  	[tilespmem:$0x888] =	vst v0  }
0xeb: {  	[tilespmem:$0x898] =	vst v0  }
0xec: {  	[tilespmem:$0x8A8] =	vst v0  }
0xed: {  	[tilespmem:$0x8B8] =	vst v0  }
0xee: {  	[tilespmem:$0x8C8] =	vst v0  }
0xef: {  	[tilespmem:$0x8D8] =	vst v0  }
0xf0: {  	[tilespmem:$0x8E8] =	vst v0  }
0xf1: {  	[tilespmem:$0x8F8] =	vst v0  }
0xf2: {  	[tilespmem:$0x908] =	vst v0  }
0xf3: {  	[tilespmem:$0x918] =	vst v0  }
0xf4: {  	[tilespmem:$0x928] =	vst v0  }
0xf5: {  	[tilespmem:$0x938] =	vst v0  }
0xf6: {  	[tilespmem:$0x948] =	vst v0  }
0xf7: {  	[tilespmem:$0x958] =	vst v0  }
0xf8: {  	[tilespmem:$0x968] =	vst v0  }
0xf9: {  	[tilespmem:$0x978] =	vst v0  }
0xfa: {  	[tilespmem:$0x988] =	vst v0  }
0xfb: {  	[tilespmem:$0x998] =	vst v0  }
0xfc: {  	[tilespmem:$0x9A8] =	vst v0  }
0xfd: {  	[tilespmem:$0x9B8] =	vst v0  }
0xfe: {  	[tilespmem:$0x9C8] =	vst v0  }
0xff: {  	[tilespmem:$0x9D8] =	vst v0  }
0x100: {  	[tilespmem:$0x9E8] =	vst v0  }
0x101: {  	[tilespmem:$0x9F8] =	vst v0  }
0x102: {  	[tilespmem:$0xA08] =	vst v0  }
0x103: {  	[tilespmem:$0xA18] =	vst v0  }
0x104: {  	[tilespmem:$0xA28] =	vst v0  }
0x105: {  	[tilespmem:$0xA38] =	vst v0  }
0x106: {  	[tilespmem:$0xA48] =	vst v0  }
0x107: {  	[tilespmem:$0xA58] =	vst v0  }
0x108: {  	[tilespmem:$0xA68] =	vst v0  }
0x109: {  	[tilespmem:$0xA78] =	vst v0  }
0x10a: {  	[tilespmem:$0xA88] =	vst v0  }
0x10b: {  	[tilespmem:$0xA98] =	vst v0  }
0x10c: {  	[tilespmem:$0xAA8] =	vst v0  }
0x10d: {  	[tilespmem:$0xAB8] =	vst v0  }
0x10e: {  	[tilespmem:$0xAC8] =	vst v0  }
0x10f: {  	[tilespmem:$0xAD8] =	vst v0  }
0x110: {  	[tilespmem:$0xAE8] =	vst v0  }
0x111: {  	[tilespmem:$0xAF8] =	vst v0  }
0x112: {  	[tilespmem:$0xB08] =	vst v0  }
0x113: {  	[tilespmem:$0xB18] =	vst v0  }
0x114: {  	[tilespmem:$0xB28] =	vst v0  }
0x115: {  	[tilespmem:$0xB38] =	vst v0  }
0x116: {  	[tilespmem:$0xB48] =	vst v0  }
0x117: {  	[tilespmem:$0xB58] =	vst v0  }
0x118: {  	[tilespmem:$0xB68] =	vst v0  }
0x119: {  	[tilespmem:$0xB78] =	vst v0  }
0x11a: {  	[tilespmem:$0xB88] =	vst v0  }
0x11b: {  	[tilespmem:$0xB98] =	vst v0  }
0x11c: {  	[tilespmem:$0xBA8] =	vst v0  }
0x11d: {  	[tilespmem:$0xBB8] =	vst v0  }
0x11e: {  	[tilespmem:$0xBC8] =	vst v0  }
0x11f: {  	[tilespmem:$0xBD8] =	vst v0  }
0x120: {  	[tilespmem:$0xBE8] =	vst v0  }
0x121: {  	[tilespmem:$0xBF8] =	vst v0  }
0x122: {  	[tilespmem:$0xC08] =	vst v0  }
0x123: {  	[tilespmem:$0xC18] =	vst v0  }
0x124: {  	[tilespmem:$0xC28] =	vst v0  }
0x125: {  	[tilespmem:$0xC38] =	vst v0  }
0x126: {  	[tilespmem:$0xC48] =	vst v0  }
0x127: {  	[tilespmem:$0xC58] =	vst v0  }
0x128: {  	[tilespmem:$0xC68] =	vst v0  }
0x129: {  	[tilespmem:$0xC78] =	vst v0  }
0x12a: {  	[tilespmem:$0xC88] =	vst v0  }
0x12b: {  	[tilespmem:$0xC98] =	vst v0  }
0x12c: {  	[tilespmem:$0xCA8] =	vst v0  }
0x12d: {  	[tilespmem:$0xCB8] =	vst v0  }
0x12e: {  	[tilespmem:$0xCC8] =	vst v0  }
0x12f: {  	[tilespmem:$0xCD8] =	vst v0  }
0x130: {  	[tilespmem:$0xCE8] =	vst v0  }
0x131: {  	[tilespmem:$0xCF8] =	vst v0  }
0x132: {  	[tilespmem:$0xD08] =	vst v0  }
0x133: {  	[tilespmem:$0xD18] =	vst v0  }
0x134: {  	[tilespmem:$0xD28] =	vst v0  }
0x135: {  	[tilespmem:$0xD38] =	vst v0  }
0x136: {  	[tilespmem:$0xD48] =	vst v0  }
0x137: {  	[tilespmem:$0xD58] =	vst v0  }
0x138: {  	[tilespmem:$0xD68] =	vst v0  }
0x139: {  	[tilespmem:$0xD78] =	vst v0  }
0x13a: {  	[tilespmem:$0xD88] =	vst v0  }
0x13b: {  	[tilespmem:$0xD98] =	vst v0  }
0x13c: {  	[tilespmem:$0xDA8] =	vst v0  }
0x13d: {  	[tilespmem:$0xDB8] =	vst v0  }
0x13e: {  	[tilespmem:$0xDC8] =	vst v0  }
0x13f: {  	[tilespmem:$0xDD8] =	vst v0  }
0x140: {  	[tilespmem:$0xDE8] =	vst v0  }
0x141: {  	[tilespmem:$0xDF8] =	vst v0  }
0x142: {  	[tilespmem:$0xE08] =	vst v0  }
0x143: {  	[tilespmem:$0xE18] =	vst v0  }
0x144: {  	[tilespmem:$0xE28] =	vst v0  }
0x145: {  	[tilespmem:$0xE38] =	vst v0  }
0x146: {  	[tilespmem:$0xE48] =	vst v0  }
0x147: {  	[tilespmem:$0xE58] =	vst v0  }
0x148: {  	[tilespmem:$0xE68] =	vst v0  }
0x149: {  	[tilespmem:$0xE78] =	vst v0  }
0x14a: {  	[tilespmem:$0xE88] =	vst v0  }
0x14b: {  	[tilespmem:$0xE98] =	vst v0  }
0x14c: {  	[tilespmem:$0xEA8] =	vst v0  }
0x14d: {  	[tilespmem:$0xEB8] =	vst v0  }
0x14e: {  	[tilespmem:$0xEC8] =	vst v0  }
0x14f: {  	[tilespmem:$0xED8] =	vst v0  }
0x150: {  	[tilespmem:$0xEE8] =	vst v0  }
0x151: {  	[tilespmem:$0xEF8] =	vst v0  }
0x152: {  	[tilespmem:$0xF08] =	vst v0  }
0x153: {  	[tilespmem:$0xF18] =	vst v0  }
0x154: {  	[tilespmem:$0xF28] =	vst v0  }
0x155: {  	[tilespmem:$0xF38] =	vst v0  }
0x156: {  	[tilespmem:$0xF48] =	vst v0  }
0x157: {  	[tilespmem:$0xF58] =	vst v0  }
0x158: {  	[tilespmem:$0xF68] =	vst v0  }
0x159: {  	[tilespmem:$0xF78] =	vst v0  }
0x15a: {  	[tilespmem:$0xF88] =	vst v0  }
0x15b: {  	[tilespmem:$0xF98] =	vst v0  }
0x15c: {  	[tilespmem:$0xFA8] =	vst v0  }
0x15d: {  	[tilespmem:$0xFB8] =	vst v0  }
0x15e: {  	[tilespmem:$0xFC8] =	vst v0  }
0x15f: {  	[tilespmem:$0xFD8] =	vst v0  }
0x160: {  	[tilespmem:$0xFE8] =	vst v0  }
0x161: {  	[tilespmem:$0xFF8] =	vst v0  }
0x162: {  	[tilespmem:$0x1028] =	vst v0  }
0x163: {  	[tilespmem:$0x10E8] =	vst v0  }
0x164: {  	[tilespmem:$0x1068] =	vst v0  }
0x165: {  	[tilespmem:$0x1B28] =	vst v0  }
0x166: {  	[tilespmem:$0x1B18] =	vst v0  }
0x167: {  	[tilespmem:$0x1B08] =	vst v0  }
0x168: {  	[tilespmem:$0x1AF8] =	vst v0  }
0x169: {  	[tilespmem:$0x1AE8] =	vst v0  }
0x16a: {  	[tilespmem:$0x1AD8] =	vst v0  }
0x16b: {  	[tilespmem:$0x1AC8] =	vst v0  }
0x16c: {  	[tilespmem:$0x1AB8] =	vst v0  }
0x16d: {  	[tilespmem:$0x1AA8] =	vst v0  }
0x16e: {  	[tilespmem:$0x1A98] =	vst v0  }
0x16f: {  	[tilespmem:$0x1A88] =	vst v0  }
0x170: {  	[tilespmem:$0x1A78] =	vst v0  }
0x171: {  	[tilespmem:$0x1A68] =	vst v0  }
0x172: {  	[tilespmem:$0x1A58] =	vst v0  }
0x173: {  	[tilespmem:$0x1A48] =	vst v0  }
0x174: {  	[tilespmem:$0x1A38] =	vst v0  }
0x175: {  	[tilespmem:$0x1A28] =	vst v0  }
0x176: {  	[tilespmem:$0x1A18] =	vst v0  }
0x177: {  	[tilespmem:$0x1A08] =	vst v0  }
0x178: {  	[tilespmem:$0x19F8] =	vst v0  }
0x179: {  	[tilespmem:$0x19E8] =	vst v0  }
0x17a: {  	[tilespmem:$0x19D8] =	vst v0  }
0x17b: {  	[tilespmem:$0x19C8] =	vst v0  }
0x17c: {  	[tilespmem:$0x19B8] =	vst v0  }
0x17d: {  	[tilespmem:$0x19A8] =	vst v0  }
0x17e: {  	[tilespmem:$0x1998] =	vst v0  }
0x17f: {  	[tilespmem:$0x1988] =	vst v0  }
0x180: {  	[tilespmem:$0x1978] =	vst v0  }
0x181: {  	[tilespmem:$0x1968] =	vst v0  }
0x182: {  	[tilespmem:$0x1958] =	vst v0  }
0x183: {  	[tilespmem:$0x1948] =	vst v0  }
0x184: {  	[tilespmem:$0x1938] =	vst v0  }
0x185: {  	[tilespmem:$0x1928] =	vst v0  }
0x186: {  	[tilespmem:$0x1918] =	vst v0  }
0x187: {  	[tilespmem:$0x1908] =	vst v0  }
0x188: {  	[tilespmem:$0x18F8] =	vst v0  }
0x189: {  	[tilespmem:$0x18E8] =	vst v0  }
0x18a: {  	[tilespmem:$0x18D8] =	vst v0  }
0x18b: {  	[tilespmem:$0x18C8] =	vst v0  }
0x18c: {  	[tilespmem:$0x18B8] =	vst v0  }
0x18d: {  	[tilespmem:$0x18A8] =	vst v0  }
0x18e: {  	[tilespmem:$0x1898] =	vst v0  }
0x18f: {  	[tilespmem:$0x1888] =	vst v0  }
0x190: {  	[tilespmem:$0x1878] =	vst v0  }
0x191: {  	[tilespmem:$0x1868] =	vst v0  }
0x192: {  	[tilespmem:$0x1858] =	vst v0  }
0x193: {  	[tilespmem:$0x1848] =	vst v0  }
0x194: {  	[tilespmem:$0x1838] =	vst v0  }
0x195: {  	[tilespmem:$0x1828] =	vst v0  }
0x196: {  	[tilespmem:$0x1818] =	vst v0  }
0x197: {  	[tilespmem:$0x1808] =	vst v0  }
0x198: {  	[tilespmem:$0x17F8] =	vst v0  }
0x199: {  	[tilespmem:$0x17E8] =	vst v0  }
0x19a: {  	[tilespmem:$0x17D8] =	vst v0  }
0x19b: {  	[tilespmem:$0x17C8] =	vst v0  }
0x19c: {  	[tilespmem:$0x17B8] =	vst v0  }
0x19d: {  	[tilespmem:$0x17A8] =	vst v0  }
0x19e: {  	[tilespmem:$0x1798] =	vst v0  }
0x19f: {  	[tilespmem:$0x1788] =	vst v0  }
0x1a0: {  	[tilespmem:$0x1778] =	vst v0  }
0x1a1: {  	[tilespmem:$0x1768] =	vst v0  }
0x1a2: {  	[tilespmem:$0x1758] =	vst v0  }
0x1a3: {  	[tilespmem:$0x1748] =	vst v0  }
0x1a4: {  	[tilespmem:$0x1738] =	vst v0  }
0x1a5: {  	[tilespmem:$0x1728] =	vst v0  }
0x1a6: {  	[tilespmem:$0x1718] =	vst v0  }
0x1a7: {  	[tilespmem:$0x1708] =	vst v0  }
0x1a8: {  	[tilespmem:$0x16F8] =	vst v0  }
0x1a9: {  	[tilespmem:$0x16E8] =	vst v0  }
0x1aa: {  	[tilespmem:$0x16D8] =	vst v0  }
0x1ab: {  	[tilespmem:$0x16C8] =	vst v0  }
0x1ac: {  	[tilespmem:$0x16B8] =	vst v0  }
0x1ad: {  	[tilespmem:$0x16A8] =	vst v0  }
0x1ae: {  	[tilespmem:$0x1698] =	vst v0  }
0x1af: {  	[tilespmem:$0x1688] =	vst v0  }
0x1b0: {  	[tilespmem:$0x1678] =	vst v0  }
0x1b1: {  	[tilespmem:$0x1668] =	vst v0  }
0x1b2: {  	[tilespmem:$0x1658] =	vst v0  }
0x1b3: {  	[tilespmem:$0x1648] =	vst v0  }
0x1b4: {  	[tilespmem:$0x1638] =	vst v0  }
0x1b5: {  	[tilespmem:$0x1628] =	vst v0  }
0x1b6: {  	[tilespmem:$0x1618] =	vst v0  }
0x1b7: {  	[tilespmem:$0x1608] =	vst v0  }
0x1b8: {  	[tilespmem:$0x15F8] =	vst v0  }
0x1b9: {  	[tilespmem:$0x15E8] =	vst v0  }
0x1ba: {  	[tilespmem:$0x15D8] =	vst v0  }
0x1bb: {  	[tilespmem:$0x15C8] =	vst v0  }
0x1bc: {  	[tilespmem:$0x15B8] =	vst v0  }
0x1bd: {  	[tilespmem:$0x15A8] =	vst v0  }
0x1be: {  	[tilespmem:$0x1598] =	vst v0  }
0x1bf: {  	[tilespmem:$0x1588] =	vst v0  }
0x1c0: {  	[tilespmem:$0x1578] =	vst v0  }
0x1c1: {  	[tilespmem:$0x1568] =	vst v0  }
0x1c2: {  	[tilespmem:$0x1558] =	vst v0  }
0x1c3: {  	[tilespmem:$0x1548] =	vst v0  }
0x1c4: {  	[tilespmem:$0x1538] =	vst v0  }
0x1c5: {  	[tilespmem:$0x1528] =	vst v0  }
0x1c6: {  	[tilespmem:$0x1518] =	vst v0  }
0x1c7: {  	[tilespmem:$0x1508] =	vst v0  }
0x1c8: {  	[tilespmem:$0x14F8] =	vst v0  }
0x1c9: {  	[tilespmem:$0x14E8] =	vst v0  }
0x1ca: {  	[tilespmem:$0x14D8] =	vst v0  }
0x1cb: {  	[tilespmem:$0x14C8] =	vst v0  }
0x1cc: {  	[tilespmem:$0x14B8] =	vst v0  }
0x1cd: {  	[tilespmem:$0x14A8] =	vst v0  }
0x1ce: {  	[tilespmem:$0x1498] =	vst v0  }
0x1cf: {  	[tilespmem:$0x1488] =	vst v0  }
0x1d0: {  	[tilespmem:$0x1478] =	vst v0  }
0x1d1: {  	[tilespmem:$0x1468] =	vst v0  }
0x1d2: {  	[tilespmem:$0x1458] =	vst v0  }
0x1d3: {  	[tilespmem:$0x1448] =	vst v0  }
0x1d4: {  	[tilespmem:$0x1438] =	vst v0  }
0x1d5: {  	[tilespmem:$0x1428] =	vst v0  }
0x1d6: {  	[tilespmem:$0x1418] =	vst v0  }
0x1d7: {  	[tilespmem:$0x1408] =	vst v0  }
0x1d8: {  	[tilespmem:$0x13F8] =	vst v0  }
0x1d9: {  	[tilespmem:$0x13E8] =	vst v0  }
0x1da: {  	[tilespmem:$0x13D8] =	vst v0  }
0x1db: {  	[tilespmem:$0x13C8] =	vst v0  }
0x1dc: {  	[tilespmem:$0x13B8] =	vst v0  }
0x1dd: {  	[tilespmem:$0x13A8] =	vst v0  }
0x1de: {  	[tilespmem:$0x1398] =	vst v0  }
0x1df: {  	[tilespmem:$0x1388] =	vst v0  }
0x1e0: {  	[tilespmem:$0x1378] =	vst v0  }
0x1e1: {  	[tilespmem:$0x1368] =	vst v0  }
0x1e2: {  	[tilespmem:$0x1358] =	vst v0  }
0x1e3: {  	[tilespmem:$0x1348] =	vst v0  }
0x1e4: {  	[tilespmem:$0x1338] =	vst v0  }
0x1e5: {  	[tilespmem:$0x1328] =	vst v0  }
0x1e6: {  	[tilespmem:$0x1318] =	vst v0  }
0x1e7: {  	[tilespmem:$0x1308] =	vst v0  }
0x1e8: {  	[tilespmem:$0x12F8] =	vst v0  }
0x1e9: {  	[tilespmem:$0x12E8] =	vst v0  }
0x1ea: {  	[tilespmem:$0x12D8] =	vst v0  }
0x1eb: {  	[tilespmem:$0x12C8] =	vst v0  }
0x1ec: {  	[tilespmem:$0x12B8] =	vst v0  }
0x1ed: {  	[tilespmem:$0x12A8] =	vst v0  }
0x1ee: {  	[tilespmem:$0x1298] =	vst v0  }
0x1ef: {  	[tilespmem:$0x1288] =	vst v0  }
0x1f0: {  	[tilespmem:$0x1278] =	vst v0  }
0x1f1: {  	[tilespmem:$0x1268] =	vst v0  }
0x1f2: {  	[tilespmem:$0x1258] =	vst v0  }
0x1f3: {  	[tilespmem:$0x1248] =	vst v0  }
0x1f4: {  	[tilespmem:$0x1238] =	vst v0  }
0x1f5: {  	[tilespmem:$0x1228] =	vst v0  }
0x1f6: {  	[tilespmem:$0x1218] =	vst v0  }
0x1f7: {  	[tilespmem:$0x1208] =	vst v0  }
0x1f8: {  	[tilespmem:$0x11F8] =	vst v0  }
0x1f9: {  	[tilespmem:$0x11E8] =	vst v0  }
0x1fa: {  	[tilespmem:$0x11D8] =	vst v0  }
0x1fb: {  	[tilespmem:$0x11C8] =	vst v0  }
0x1fc: {  	[tilespmem:$0x11B8] =	vst v0  }
0x1fd: {  	[tilespmem:$0x11A8] =	vst v0  }
0x1fe: {  	[tilespmem:$0x1198] =	vst v0  }
0x1ff: {  	[tilespmem:$0x1188] =	vst v0  }
0x200: {  	[tilespmem:$0x1178] =	vst v0  }
0x201: {  	[tilespmem:$0x1168] =	vst v0  }
0x202: {  	[tilespmem:$0x1158] =	vst v0  }
0x203: {  	[tilespmem:$0x1148] =	vst v0  }
0x204: {  	[tilespmem:$0x1138] =	vst v0  }
0x205: {  	[tilespmem:$0x1128] =	vst v0  }
0x206: {  	[tilespmem:$0x1118] =	vst v0  }
0x207: {  	s4 =	stileid.u32;
	[tilespmem:$0x1108] =	vst v0  }
0x208: {  	s0 =	smul.u32 $0xE7, s4;
	[tilespmem:$0x10F8] =	vst v0  }
0x209: {  	s1 =	smin.u32 s4, $0x8;
	[tilespmem:$0x10C8] =	vst v0  }
0x20a: {  	[tilespmem:$0x10D8] =	vst v0;
	s0 =	sadd.s32 s1, s0  }
0x20b: {  	p0 =	slt.u32 s4, $0x8;
	[tilespmem:$0x10B8] =	vst v0;
	s1 =	simm.s32 $0x18780;
	s6 =	smul.u32 $0x1B0, s0  }
0x20c: {  	s1 =	simm.s32 @!p0 $0x185D0;
	[tilespmem:$0x1038] =	vst v0  }
0x20d: {  	[tilespmem:$0x10A8] =	vst v0;
	s0 =	sadd.s32 s1, s6  }
0x20e: {  	s3 =	simm.s32 $0x2;
	s8 =	simm.s32 $0x9;
	[tilespmem:$0x1098] =	vst v0;
	s7 =	smin.u32 s0, $0x186A00  }
0x20f: {  	s10 =	simm.s32 $0xA;
	s30 =	simm.s32 $0xB;
	[tilespmem:$0x1088] =	vst v0;
	s0 =	ssub.s32 s7, s6  }
0x210: {  	s16 =	simm.s32 $0x0;
	p4 =	por $0x0, $0x0;
	[tilespmem:$0x1078] =	vst v0;
	p0 =	sgt.s32 s0, $0x0  }
0x211: {  	s17 =	simm.s32 $0xC;
	s21 =	simm.s32 $0x0;
	[tilespmem:$0x1058] =	vst v0;
	s0 =	simm.s32 @!p0 $0x0  }
0x212: {  	s18 =	simm.s32 $0x0;
	s2 =	sand.u32 $0x1, s2;
	[tilespmem:$0x1048] =	vst v0;
	s29 =	smulhi.u32 $0x4BDA12F7, s0  }
0x213: {  	s20 =	simm.s32 $0x0;
	s31 =	sshll.u32 s4, $0x5;
	[tilespmem:$0x1018] =	vst v0;
	[dreg:$0x5] =	wrdreg s2  }
0x214: {  	s2 =	smul.u32 $0x30D40, s2;
	[tilespmem:$0x1008] =	vst v0;
	[sflag:s3] =	ssyncpa.u1 $0x0;
	s1 =	sshrl.u32 s29, $0x7  }
0x215: {  	v0 =	vimm.s32 $0xFFFFFFFF;
	s3 =	sadd.s32 $0x68C5C00, s11;
	[dreg:$0x4] =	wrdreg s31;
	s5 =	smul.u32 $0x1B0, s1  }
.Ltmp7:
0x216: {  	[tilespmem:$0x3648] =	vst v0;
	[sflag:s8] =	ssyncpa.u1 $0x0;
	s2 =	sadd.s32 s2, s11;
	(pc) =	sbr.rel .LBB3_1-.Ltmp7, $4  }
0x217: {  	[sflag:s10] =	ssyncpa.u1 $0x0;
	s11 =	sadd.s32 $0x410800, s11;
	p0 =	sne.s32 s0, s5  }
0x218: {  	[sflag:s30] =	ssyncpa.u1 $0x0;
	s14 =	sadd.s32 $0x2D2C00, s2;
	s12 =	simm.s32 @!p0 $0x0  }
0x219: {  	s15 =	sadd.s32 $0x271000, s2;
	s19 =	smov.u32 s6;
	s12 =	sadd.s32 s12, s1  }
0x21a: {  	v0 =	vlaneseq.u32;
	[dreg:$0x6] =	wrdreg s6;
	p0 =	por $0x1, $0x1;
	s4 =	sadd.s32 $0x1, s12  }
.LBB3_18:
0x21b: {  	s0 =	simm.s32 $0x2  }
0x21c: {  	_ =	swait.ge [sflag:s0], $0x0  }
0x21d: {  	[sflag:s0] =	ssyncset.done $0x0;
	s0 =	simm.s32 $0x0  }
.LBB3_19:
0x21e: {  	_ =	swait.ge [sflag:s17], s0  }
0x21f: {  	s31 =	ssub.s32 $0x0, s0;
	v1 =	vmov s23;
	vm0 =	veq.s32 v0, $0x0;
	[sflag:s17] =	ssyncset.done $0x0  }
0x220: {  	vm15 =	veq.s32 v0, $0x2;
	v1 =	vsel vm0, s28, v1;
	[sflag:s17] =	ssyncadd.s32 s31  }
0x221: {  	v1 =	vsel vm15, s21, v1;
	[sflag:s17] =	ssyncpa.u1 $0x1  }
0x222: {  	[tilespmem:$0x3648] =	vst v1  }
.LBB3_20:
0x223: {  	s0 =	sadd.s32 $0x1B0, s19  }
0x224: {  	s1 =	smov.u32 s6;
	p1 =	slt.s32 s0, s7  }
0x225: {  	s1 =	smov.u32 @p1 s0;
	p1 =	sne.s32 s20, s4  }
.Ltmp8:
0x226: {  	_ = 	snop;
	(pc) =	sbr.rel @!p1 .LBB3_21-.Ltmp8, $4  }
0x227: {  	_ = 	snop  }
0x228: {  	s21 =	smov.u32 s18  }
0x229: {  	s31 =	sadd.s32 $0x1, s20;
	s18 =	smov.u32 s19;
	p0 =	por !p0, !p0  }
0x22a: {  	p4 =	por !p4, !p4;
	s20 =	smov.u32 s31;
	s19 =	smov.u32 s1  }
.LBB3_1:
0x22b: {  	p2 =	sge.u32 s20, s12  }
0x22c: {  	s0 =	smulhi.u32 @!p2 $0xAAAAAAAB, s20  }
0x22d: {  	s1 =	smov.u32 s19;
	p3 =	sgt.s32 @!p2 s19, $0x186850  }
0x22e: {  	s2 =	sshra.s32 @!p2 s19, $0x1F;
	p3 =	por !p3, p2;
	s0 =	sshrl.u32 @!p2 s0, $0x1  }
0x22f: {  	s2 =	sand.u32 @!p2 s2, s19;
	s1 =	simm.s32 @p3 $0x186850;
	s0 =	smul.u32 @!p2 $0x3, s0  }
0x230: {  	s1 =	ssub.s32 @!p2 s1, s2  }
0x231: {  	s23 =	sadd.s32 $0xFFFFFFFF, s20;
	s1 =	sadd.s32 @!p2 $0xFFE797B0, s1;
	s0 =	ssub.s32 @!p2 s20, s0  }
0x232: {  	s2 =	sshll.u32 @!p2 s1, $0x2;
	p3 =	sgt.s32 @!p2 s1, $0x1AF;
	s0 =	smul.u32 @!p2 $0x6C0, s0  }
0x233: {  	s5 =	sand.u32 @!p2 $0x7, s19;
	s1 =	ssub.s32 @!p2 $0x6C0, s2;
	p3 =	por !p3, p2  }
0x234: {  	s2 =	sshrl.u32 @!p2 s19, $0x3;
	s1 =	sshrl.u32 @!p2 s1, $0x2;
	s0 =	sshrl.u32 @!p2 s0, $0x2  }
0x235: {  	s2 =	sadd.s32 @!p2 s2, s14;
	s1 =	simm.s32 @!p3 $0x0;
	s0 =	sadd.s32 @!p2 $0x3888, s0  }
0x236: {  	[tilespmem:s0], [sflag:$0xA] =	stream.linear.gather @!p2 [hbm4b:s2+s5], s1, $0x38;
	[tilespmem:$0x1F0F8] =	vst v63  }
0x237: {  	p2 =	sge.u32 s23, s12  }
0x238: {  	p3 =	sgt.s32 @!p2 s18, $0x186850  }
0x239: {  	s0 =	smov.u32 s18;
	s1 =	sshra.s32 @!p2 s18, $0x1F;
	p3 =	por !p3, p2  }
0x23a: {  	s1 =	sand.u32 @!p2 s1, s18;
	s0 =	simm.s32 @p3 $0x186850  }
0x23b: {  	s0 =	ssub.s32 @!p2 s0, s1  }
0x23c: {  	s0 =	sadd.s32 @!p2 $0xFFE797B0, s0  }
0x23d: {  	s1 =	sshll.u32 @!p2 s0, $0x2  }
0x23e: {  	p3 =	sgt.s32 @!p2 s0, $0x1AF;
	s0 =	ssub.s32 @!p2 $0x6C0, s1  }
0x23f: {  	s22 =	ssub.s32 @!p2 $0x186A00, s18;
	p3 =	por !p3, p2;
	s0 =	sshrl.u32 @!p2 s0, $0x2  }
0x240: {  	s1 =	sand.u32 @!p2 $0x1, s23;
	s0 =	simm.s32 @!p3 $0x0;
	p3 =	slt.s32 @!p2 s22, $0x1  }
0x241: {  	s2 =	simm.s32 @!p2 $0xA;
	s1 =	smul.u32 @!p2 $0x6C0, s1;
	p3 =	por p2, p3  }
.Ltmp9:
0x242: {  	_ =	swait.ge @!p2 [sflag:s2], s0;
	(pc) =	sbr.rel @p3 .LBB3_7-.Ltmp9, $4  }
0x243: {  	s5 =	ssub.s32 @!p2 $0x0, s0;
	[sflag:s2] =	ssyncset.done @!p2 $0x0  }
0x244: {  	s1 =	sshrl.u32 @!p2 s1, $0x2;
	[sflag:s2] =	ssyncadd.s32 @!p2 s5;
	s2 =	sshrl.u32 @!p2 s18, $0x3  }
0x245: {  	s1 =	sadd.s32 @!p2 $0x3D98, s1;
	s5 =	sand.u32 @!p2 $0x7, s18;
	s2 =	sadd.s32 @!p2 s2, s15  }
0x246: {  	[tilespmem:s1], [sflag:$0xB] =	stream.linear.gather @!p2 [hbm4b:s2+s5], s0, $0x38;
	[tilespmem:$0x1F0F8] =	vst v63  }
0x247: {  	s0 =	smulhi.u32 $0xAAAAAAAB, s23;
	_ =	sdelay $0x1  }
0x248: {  	s0 =	sshrl.u32 s0, $0x1  }
0x249: {  	s0 =	smul.u32 $0x3, s0;
	_ =	sdelay $0x1  }
0x24a: {  	s0 =	ssub.s32 s23, s0  }
0x24b: {  	s1 =	simm.s32 $0x1;
	s0 =	smul.u32 $0x6C0, s0  }
.Ltmp10:
0x24c: {  	s1 =	simm.s32 @!p0 $0x0;
	(pc) =	sbr.rel .LBB3_4-.Ltmp10, $4  }
0x24d: {  	s1 =	smul.u32 $0x36000, s1  }
0x24e: {  	p3 =	slt.s32 @!p2 s22, $0x1B0;
	s0 =	sshrl.u32 s0, $0x2  }
0x24f: {  	p2 =	por !p3, p2;
	s1 =	sshrl.u32 s1, $0x2;
	s0 =	sadd.s32 $0x3888, s0  }
0x250: {  	s24 =	simm.s32 $0x0;
	s22 =	simm.s32 @p2 $0x1B0;
	s23 =	sadd.s32 $0x40F8, s1;
	v1 =	vmov s0  }
.LBB3_3:
0x251: {  	p2 =	sge.s32 s24, s22  }
.Ltmp11:
0x252: {  	_ = 	snop;
	(pc) =	sbr.rel @p2 .LBB3_7-.Ltmp11, $2  }
0x253: {  	_ =	sdelay $0x2  }
0x254: {  	s23 =	sadd.s32 $0x800, s23  }
.LBB3_4:
0x255: {  	p2 =	sle.s32 s22, s24  }
.Ltmp12:
0x256: {  	_ = 	snop;
	(pc) =	sbr.rel @p2 .LBB3_3-.Ltmp12, $2  }
0x257: {  	_ =	sdelay $0x2  }
0x258: {  	s0 =	smov.u32 s24;
	s24 =	sadd.s32 $0x10, s24  }
0x259: {  	s1 =	ssub.s32 s22, s0  }
0x25a: {  	p2 =	slt.s32 s1, $0x10  }
0x25b: {  	s1 =	simm.s32 @!p2 $0x10  }
0x25c: {  	v2 =	vmov s1  }
0x25d: {  	vm0 =	vgt.s32 v2, v0;
	_ =	sdelay $0x5  }
0x25e: {  	v2 =	vld.idx.msk [tilespmem:v1+s0+$0x0 ss:$0x1], vm0;
	_ =	sdelay $0x2  }
0x25f: {  	p2 =	slt.s32 s24, s22;
	s1 =	smov.u32 s22  }
0x260: {  	s2 =	smov.u32 s23;
	s25 =	simm.s32 $0x0;
	s1 =	smov.u32 @p2 s24  }
.LBB3_6:
0x261: {  	(v2sf) =	vpush v2, s25;
	_ =	sdelay $0xc  }
0x262: {  	s25 =	sadd.s32 $0x1, s25  }
0x263: {  	s31 =	sadd.s32 s25, s0  }
0x264: {  	p2 =	slt.s32 s31, s1;
	s5 =	spop (v2sf)  }
.Ltmp13:
0x265: {  	s5 =	sshll.u32 s5, $0x4;
	(pc) =	sbr.rel @p2 .LBB3_6-.Ltmp13, $4  }
0x266: {  	s5 =	sand.u32 $0x1FFFFFF0, s5  }
0x267: {  	s5 =	sadd.s32 s11, s5  }
0x268: {  	[tilespmem:s2], [sflag:$0x9] =	stream.linear.gather [hbm4b:s5+s16], $0x10, $0x38;
	[tilespmem:$0x1F0F8] =	vst v63  }
0x269: {  	s2 =	sadd.s32 $0x80, s2  }
.Ltmp14:
0x26a: {  	_ = 	snop;
	(pc) =	sbr.rel .LBB3_3-.Ltmp14, $1  }
0x26b: {  	_ =	sdelay $0x3  }
.LBB3_7:
0x26c: {  	p2 =	slt.u32 s20, $0x2  }
.Ltmp15:
0x26d: {  	_ = 	snop;
	(pc) =	sbr.rel @p2 .LBB3_20-.Ltmp15, $1  }
0x26e: {  	_ =	sdelay $0x3  }
0x26f: {  	p2 =	sgt.s32 s21, $0x186850  }
0x270: {  	s0 =	smov.u32 s21;
	s1 =	sshra.s32 s21, $0x1F;
	s2 =	ssub.s32 $0x186A00, s21  }
0x271: {  	s0 =	simm.s32 @!p2 $0x186850;
	s1 =	sand.u32 s1, s21;
	p2 =	slt.s32 s2, $0x1B0  }
0x272: {  	s0 =	ssub.s32 s0, s1;
	s2 =	simm.s32 @!p2 $0x1B0  }
0x273: {  	s0 =	sadd.s32 $0xFFE797B0, s0;
	s24 =	sshll.u32 s2, $0x4  }
0x274: {  	s28 =	simm.s32 $0x9;
	s25 =	sshll.u32 s0, $0x2;
	s1 =	sand.u32 $0x3FFFFFF0, s24  }
0x275: {  	p2 =	sgt.s32 s0, $0x1AF;
	s26 =	ssub.s32 $0x6C0, s25;
	_ =	swait.ge [sflag:s28], s1  }
0x276: {  	s1 =	ssub.s32 $0x0, s1;
	[sflag:s28] =	ssyncset.done $0x0;
	s0 =	sshrl.u32 s26, $0x2  }
0x277: {  	s30 =	simm.s32 $0xB;
	[sflag:s28] =	ssyncadd.s32 s1;
	s0 =	simm.s32 @p2 $0x0  }
0x278: {  	_ =	swait.ge [sflag:s30], s0  }
0x279: {  	s0 =	ssub.s32 $0x0, s0;
	[sflag:s30] =	ssyncset.done $0x0  }
0x27a: {  	[sflag:s30] =	ssyncadd.s32 s0  }
0x27b: {  	v1 =	vld [tilespmem:$0x3648];
	_ =	sdelay $0x4  }
0x27c: {  	(v2sf) =	vpush v1, $0x0  }
0x27d: {  	(v2sf) =	vpush v1, $0x1  }
0x27e: {  	(v2sf) =	vpush v1, $0x2;
	_ =	sdelay $0x3  }
0x27f: {  	s0 =	sadd.s32 $0x1B0, s21  }
0x280: {  	s1 =	ssub.s32 $0x30D400, s21;
	p2 =	slt.s32 s7, s0  }
0x281: {  	s0 =	smov.u32 @p2 s7;
	p2 =	sgt.s32 s1, $0x0  }
0x282: {  	s25 =	ssub.s32 s0, s21;
	s1 =	simm.s32 @!p2 $0x0  }
0x283: {  	p2 =	slt.s32 s1, s25  }
0x284: {  	s25 =	smov.u32 @p2 s1  }
0x285: {  	s24 =	simm.s32 $0x1;
	p2 =	slt.s32 s25, $0x1  }
.Ltmp16:
0x286: {  	s24 =	simm.s32 @!p4 $0x0;
	(pc) =	sbr.rel @p2 .LBB3_12-.Ltmp16, $4  }
0x287: {  	s31 =	smul.u32 $0x6C0, s24  }
0x288: {  	s26 =	spop (v2sf)  }
0x289: {  	s0 =	sshrl.u32 s31, $0x2;
	s29 =	spop (v2sf)  }
0x28a: {  	s22 =	sadd.s32 $0x3D98, s0;
	s21 =	spop (v2sf)  }
0x28b: {  	s0 =	smin.u32 s25, $0x10  }
0x28c: {  	v1 =	vmov s0  }
0x28d: {  	p3 =	sgt.s32 s25, $0x10;
	vm1 =	vgt.u32 v1, v0  }
.Ltmp17:
0x28e: {  	_ = 	snop;
	(pc) =	sbr.rel @!p3 .LBB3_11-.Ltmp17, $2  }
0x28f: {  	_ =	sdelay $0x2  }
0x290: {  	s23 =	simm.s32 $0x10;
	s28 =	sadd.s32 $0xFFFFFFF0, s25;
	s0 =	smov.u32 s22;
	vm0 =	vmmov vm1  }
.LBB3_10:
0x291: {  	s1 =	smin.u32 s28, $0x10;
	s23 =	sadd.s32 $0x10, s23;
	v1 =	vld.msk [tilespmem:s0+$0x0 ss:$0x1], vm1  }
0x292: {  	v2 =	vmov s1;
	p3 =	slt.s32 s23, s25  }
0x293: {  	vm1 =	vgt.u32 v2, v0  }
.Ltmp18:
0x294: {  	(pc) =	sbr.rel @p3 .LBB3_10-.Ltmp18, $3  }
0x295: {  	_ =	sdelay $0x1  }
0x296: {  	v1 =	vshll.u32 v1, $0x4  }
0x297: {  	s28 =	sadd.s32 $0xFFFFFFF0, s28;
	[tilespmem:s0+$0x0] =	vst.msk vm0, v1;
	s0 =	sadd.s32 $0x10, s0;
	vm0 =	vmmov vm1  }
.LBB3_11:
0x298: {  	_ =	sdelay $0x4  }
0x299: {  	v1 =	vld.msk [tilespmem:s0+$0x0 ss:$0x1], vm1;
	_ =	sdelay $0x4  }
0x29a: {  	v1 =	vshll.u32 v1, $0x4  }
0x29b: {  	[tilespmem:s0+$0x0] =	vst.msk vm0, v1  }
.LBB3_12:
0x29c: {  	s0 =	sand.u32 $0x1, s20  }
0x29d: {  	s0 =	smul.u32 $0x1B0, s0  }
0x29e: {  	p3 =	sne.s32 s29, $0xFFFFFFFF  }
0x29f: {  	v1 =	vld.msk @!p3 [tilespmem:s0+$0x3D98], $0x1;
	_ =	sdelay $0x4  }
0x2a0: {  	(v2sf) =	vpush @!p3 v1, $0x0;
	_ =	sdelay $0xc  }
.Ltmp19:
0x2a1: {  	_ = 	snop;
	(pc) =	sbr.rel @p2 .LBB3_18-.Ltmp19, $4  }
0x2a2: {  	_ = 	snop  }
0x2a3: {  	s28 =	spop @!p3 (v2sf)  }
0x2a4: {  	s21 =	simm.s32 @!p3 $0x0;
	s23 =	smov.u32 s28  }
0x2a5: {  	[sflag:s17] =	ssyncpa.u1 $0x0;
	s28 =	smov.u32 @p3 s26;
	s23 =	smov.u32 @p3 s29  }
0x2a6: {  	v1 =	vld.msk [tilespmem:s22+$0x0], $0x1;
	_ =	sdelay $0x4  }
0x2a7: {  	(v2sf) =	vpush v1, $0x0;
	_ =	sdelay $0xe  }
0x2a8: {  	s0 =	simm.s32 @!p4 $0x0;
	s26 =	smul.u32 $0x36000, s24;
	s31 =	spop (v2sf)  }
0x2a9: {  	s29 =	ssub.s32 $0x0, s25;
	s0 =	simm.s32 @p4 $0x1;
	p2 =	seq.s32 s28, s31  }
0x2aa: {  	s1 =	smov.u32 s28;
	[smem:$0x7FD] =	sst s0;
	p3 =	sgt.s32 @!p2 s28, $0x0  }
0x2ab: {  	s0 =	sshrl.u32 s26, $0x2;
	s26 =	sadd.s32 $0x1, s29;
	p3 =	por !p3, p2  }
0x2ac: {  	s1 =	simm.s32 @p3 $0x0;
	p3 =	seq.s32 s26, $0x0  }
.Ltmp20:
0x2ad: {  	_ = 	snop;
	(pc) =	sbr.rel @p3 .LBB3_15-.Ltmp20, $4  }
0x2ae: {  	s6 =	smov.u32 s4;
	s25 =	simm.s32 $0x0  }
0x2af: {  	s24 =	sadd.s32 $0x40F8, s0;
	s0 =	simm.s32 @!p2 $0x1;
	s2 =	smin.u32 @!p2 s1, $0x1869FE  }
0x2b0: {  	s30 =	sadd.s32 $0x1, s22;
	s0 =	smov.u32 @p2 s25;
	s5 =	sand.u32 @!p2 $0x1FFFF8, s2  }
0x2b1: {  	s1 =	simm.s32 @!p2 $0x1B38;
	s2 =	sand.u32 @!p2 $0x7, s2;
	s5 =	sadd.s32 @!p2 s3, s5  }
.LBB3_14:
0x2b2: {  	s4 =	smov.u32 s0  }
0x2b3: {  	[tilespmem:s1], [sflag:$0x2] =	stream.linear.gather @!p2 [hbm4b:s5+s2], $0x10, $0x38;
	[tilespmem:$0x1F0F8] =	vst v63  }
0x2b4: {  	s26 =	sadd.s32 $0x1, s26;
	s2 =	smov.u32 s31;
	v1 =	vld.msk [tilespmem:s30+$0x0], $0x1  }
0x2b5: {  	p3 =	seq.s32 s26, $0x0;
	_ =	sdelay $0x3  }
0x2b6: {  	(v2sf) =	vpush v1, $0x0;
	_ =	sdelay $0xe  }
0x2b7: {  	s31 =	spop (v2sf)  }
0x2b8: {  	p2 =	seq.s32 s2, s31  }
0x2b9: {  	p4 =	sgt.s32 @!p2 s2, $0x0;
	s1 =	sshll.u32 @!p2 s0, $0x6;
	s0 =	sadd.s32 @!p2 $0x1, s0  }
.Ltmp21:
0x2ba: {  	p4 =	por !p4, p2;
	s1 =	sshra.s32 @!p2 s1, $0x2;
	(pc) =	sbr.rel @!p3 .LBB3_14-.Ltmp21, $4  }
0x2bb: {  	s0 =	smov.u32 @p2 s4;
	s2 =	simm.s32 @p4 $0x0;
	s1 =	sadd.s32 @!p2 $0x1B38, s1  }
0x2bc: {  	s2 =	smin.u32 @!p2 s2, $0x1869FE  }
0x2bd: {  	s4 =	sand.u32 @!p2 $0x1FFFF8, s2;
	s2 =	sand.u32 @!p2 $0x7, s2  }
0x2be: {  	s30 =	sadd.s32 $0x1, s30;
	s5 =	sadd.s32 @!p2 s3, s4  }
.LBB3_15:
0x2bf: {  	[tilespmem:s1], [sflag:$0x2] =	stream.linear.gather @!p2 [hbm4b:s5+s2], $0x10, $0x38;
	[tilespmem:$0x1F0F8] =	vst v63  }
0x2c0: {  	s0 =	sshll.u32 s0, $0x4  }
0x2c1: {  	s31 =	simm.s32 $0x2;
	s0 =	sand.u32 $0x3FFFFFF0, s0  }
0x2c2: {  	_ =	swait.ge [sflag:s31], s0  }
0x2c3: {  	s0 =	ssub.s32 $0x0, s0;
	[sflag:s31] =	ssyncset.done $0x0  }
0x2c4: {  	[sflag:s31] =	ssyncadd.s32 s0  }
0x2c5: {  	v1 =	vld.msk [tilespmem:s22+$0x0], $0x1;
	_ =	sdelay $0x4  }
0x2c6: {  	(v2sf) =	vpush v1, $0x0;
	_ =	sdelay $0xe  }
0x2c7: {  	s26 =	spop (v2sf)  }
0x2c8: {  	p2 =	sne.s32 s28, s26  }
0x2c9: {  	p4 =	sne.s32 @p2 s28, s23  }
0x2ca: {  	p3 =	por !p4, !p2  }
0x2cb: {  	s0 =	simm.s32 @!p3 $0x0  }
0x2cc: {  	v1 =	vld @!p3 [tilespmem:s0+$0x1B38]  }
0x2cd: {  	p5 =	sgt.u32 @!p3 s28, $0x1869FE  }
0x2ce: {  	s1 =	sshll.u32 @!p3 s21, $0x6;
	p6 =	por @p2 p5, !p4  }
0x2cf: {  	s1 =	sshra.s32 @!p3 s1, $0x2;
	p1 =	por p6, !p2;
	p6 =	por p4, !p2  }
0x2d0: {  	s2 =	sadd.s32 @!p3 $0x28, s1;
	s4 =	sand.u32 @!p1 $0x1FFFF8, s28;
	s5 =	sshll.u32 @!p6 s21, $0x6  }
0x2d1: {  	s28 =	sand.u32 @!p1 $0x7, s28;
	[tilespmem:s1+$0x28] =	vst.add.f32.msk @!p3 $0xffff, v1;
	s1 =	sadd.s32 @!p1 s3, s4;
	s4 =	sshra.s32 @!p6 s5, $0x2  }
0x2d2: {  	[hbm4b:s1+s28] =	stream.linear.scatter @!p1 [tilespmem:s2], [sflag:$0xC], $0x10, $0x38;
	[tilespmem:$0x1F0F8] =	vst v63  }
0x2d3: {  	s0 =	rddreg [dreg:$0x4];
	s1 =	sadd.s32 @!p6 $0x28, s4;
	s2 =	simm.s32 @!p6 $0x1  }
0x2d4: {  	[spmem:s0] =	stream.linear.scatter @!p6 [tilespmem:s1], [sflag:$0x1], $0x10, $0x38;
	[tilespmem:$0x1F0F8] =	vst v63  }
0x2d5: {  	s0 =	sadd.s32 @p2 $0x1, s21;
	_ =	swait.ge @!p6 [sflag:s2], $0x10  }
0x2d6: {  	s1 =	sshrl.u32 @p2 s0, $0x4;
	[sflag:s2] =	ssyncset.done @!p6 $0x0  }
0x2d7: {  	s1 =	smulhi.u32 @p2 $0x97B425F, s1;
	[sflag:s2] =	ssyncadd.s32 @!p6 $0xFFFFFFF0  }
0x2d8: {  	s28 =	sadd.s32 $0x1, s29;
	v1 =	vld @p2 [tilespmem:s24+$0x0]  }
0x2d9: {  	p1 =	por @p2 !p5, !p4;
	p4 =	seq.s32 s28, $0x0;
	s1 =	smul.u32 @p2 $0x1B0, s1  }
.Ltmp22:
0x2da: {  	p1 =	por !p1, !p2;
	s2 =	simm.s32 @!p3 $0x0;
	(pc) =	sbr.rel @p4 .LBB3_17-.Ltmp22, $4  }
0x2db: {  	s4 =	sshll.u32 @!p2 s21, $0x6;
	s2 =	simm.s32 @!p1 $0x40;
	s0 =	ssub.s32 @p2 s0, s1  }
0x2dc: {  	s29 =	simm.s32 $0x0;
	s2 =	sadd.s32 @!p3 $0x0, s2;
	s5 =	sshll.u32 @p2 s0, $0x4  }
0x2dd: {  	s30 =	sshra.s32 @!p2 s4, $0x2;
	s1 =	simm.s32 @p2 $0x1;
	s2 =	smov.u32 @p3 s25;
	[tilespmem:s5+$0x28] =	vst @p2 v1  }
0x2de: {  	s21 =	smov.u32 @p2 s0;
	s29 =	smov.u32 @p2 s2;
	s25 =	smov.u32 @p2 s1;
	v1 =	vld @!p2 [tilespmem:s24+$0x0]  }
.LBB3_16:
0x2df: {  	_ =	sdelay $0x3  }
0x2e0: {  	s22 =	sadd.s32 $0x1, s22;
	[tilespmem:s30+$0x28] =	vst.add.f32.msk @!p2 $0xffff, v1  }
0x2e1: {  	v1 =	vld.msk [tilespmem:s22+$0x0], $0x1;
	_ =	sdelay $0x4  }
0x2e2: {  	(v2sf) =	vpush v1, $0x0;
	_ =	sdelay $0xe  }
0x2e3: {  	s0 =	smov.u32 s26;
	s26 =	spop (v2sf)  }
0x2e4: {  	p2 =	sne.s32 s0, s26  }
0x2e5: {  	p5 =	sne.s32 @p2 s0, s23  }
0x2e6: {  	s4 =	sshll.u32 @!p2 s21, $0x6;
	p4 =	por !p5, !p2  }
0x2e7: {  	s30 =	sshra.s32 @!p2 s4, $0x2;
	s4 =	sshll.u32 @!p4 s25, $0x6  }
0x2e8: {  	s4 =	sshra.s32 @!p4 s4, $0x2  }
0x2e9: {  	p1 =	sgt.u32 @!p4 s0, $0x1869FE;
	v1 =	vld @!p4 [tilespmem:s4+$0x1B38]  }
0x2ea: {  	s31 =	sshll.u32 @!p4 s21, $0x6;
	p6 =	por @p2 p1, !p5;
	p1 =	por @p2 !p1, !p5  }
0x2eb: {  	s8 =	simm.s32 @!p4 $0x0;
	s31 =	sshra.s32 @!p4 s31, $0x2;
	p1 =	por !p1, !p2  }
0x2ec: {  	p5 =	por p5, !p2;
	s8 =	simm.s32 @!p1 $0x40;
	p1 =	por p6, !p2  }
0x2ed: {  	s4 =	sadd.s32 @!p4 $0x28, s31;
	s13 =	sshll.u32 @!p5 s21, $0x6;
	s10 =	sand.u32 @!p1 $0x1FFFF8, s0  }
0x2ee: {  	s13 =	sshra.s32 @!p5 s13, $0x2;
	s0 =	sand.u32 @!p1 $0x7, s0;
	s10 =	sadd.s32 @!p1 s3, s10;
	[tilespmem:s31+$0x28] =	vst.add.f32.msk @!p4 $0xffff, v1  }
0x2ef: {  	[hbm4b:s10+s0] =	stream.linear.scatter @!p1 [tilespmem:s4], [sflag:$0xC], $0x10, $0x38;
	[tilespmem:$0x1F0F8] =	vst v63  }
0x2f0: {  	s1 =	rddreg [dreg:$0x4];
	s0 =	sadd.s32 @!p5 $0x28, s13;
	s4 =	simm.s32 @!p5 $0x1  }
0x2f1: {  	[spmem:s1] =	stream.linear.scatter @!p5 [tilespmem:s0], [sflag:$0x1], $0x10, $0x38;
	[tilespmem:$0x1F0F8] =	vst v63  }
0x2f2: {  	s2 =	sadd.s32 @p2 $0x1, s21;
	_ =	swait.ge @!p5 [sflag:s4], $0x10  }
0x2f3: {  	s5 =	sshrl.u32 @p2 s2, $0x4;
	[sflag:s4] =	ssyncset.done @!p5 $0x0  }
0x2f4: {  	s24 =	sadd.s32 $0x80, s24;
	s5 =	smulhi.u32 @p2 $0x97B425F, s5;
	[sflag:s4] =	ssyncadd.s32 @!p5 $0xFFFFFFF0  }
0x2f5: {  	s28 =	sadd.s32 $0x1, s28;
	v1 =	vld @p2 [tilespmem:s24+$0x0]  }
0x2f6: {  	p3 =	seq.s32 s28, $0x0;
	s5 =	smul.u32 @p2 $0x1B0, s5  }
.Ltmp23:
0x2f7: {  	_ = 	snop;
	(pc) =	sbr.rel @!p3 .LBB3_16-.Ltmp23, $4  }
0x2f8: {  	s2 =	ssub.s32 @p2 s2, s5  }
0x2f9: {  	s8 =	sadd.s32 @!p4 s8, s29;
	s5 =	sshll.u32 @p2 s2, $0x4  }
0x2fa: {  	s9 =	sadd.s32 @p2 $0x1, s25;
	s8 =	smov.u32 @p4 s29;
	[tilespmem:s5+$0x28] =	vst @p2 v1  }
0x2fb: {  	s25 =	smov.u32 @p2 s9;
	s21 =	smov.u32 @p2 s2;
	s29 =	smov.u32 @p2 s8;
	v1 =	vld @!p2 [tilespmem:s24+$0x0]  }
.LBB3_17:
.Ltmp24:
0x2fc: {  	_ = 	snop;
	(pc) =	sbr.rel .LBB3_19-.Ltmp24, $3  }
0x2fd: {  	s1 =	sld [smem:$0x7FD];
	_ =	sdelay $0x1  }
0x2fe: {  	s0 =	sshrl.u32 s29, $0x2;
	s28 =	smov.u32 s26  }
0x2ff: {  	s4 =	smov.u32 s6;
	s6 =	rddreg [dreg:$0x6];
	p4 =	seq.s32 s1, $0x1;
	[tilespmem:s30+$0x28] =	vst.add.f32.msk @!p2 $0xffff, v1  }
.LBB3_21:
0x300: {  	_ =	sfence.sel $0x180000  }
0x301: {  	s0 =	simm.s32 $0x9;
	[bflag:$0x0] =	sbarrier.arrive $0xFFFF  }
0x302: {  	s24 =	simm.s32 $0xA;
	[sflag:s0] =	ssyncpa.u1 $0x1  }
0x303: {  	s25 =	simm.s32 $0xB;
	[sflag:s24] =	ssyncpa.u1 $0x1  }
0x304: {  	s26 =	simm.s32 $0x2;
	[sflag:s25] =	ssyncpa.u1 $0x1  }
0x305: {  	[sflag:s26] =	ssyncpa.u1 $0x1  }
0x306: {  	v0 =	vld [tilespmem:$0x3648];
	_ =	sdelay $0x4  }
0x307: {  	(v2sf) =	vpush v0, $0x0  }
0x308: {  	(v2sf) =	vpush v0, $0x1;
	_ =	sdelay $0x1  }
0x309: {  	(v2sf) =	vpush v0, $0x2;
	_ =	sdelay $0xb  }
0x30a: {  	s0 =	spop (v2sf)  }
0x30b: {  	s1 =	spop (v2sf)  }
0x30c: {  	s2 =	smov.u32 s0;
	p0 =	sne.s32 s0, s1  }
0x30d: {  	s4 =	spop (v2sf);
	s2 =	simm.s32 @!p0 $0xFFFFFFFF  }
0x30e: {  	v2 =	vimm.s32 $0x1;
	v3 =	vlaneseq.u32;
	p0 =	seq.s32 s4, $0xFFFFFFFF;
	v1 =	vmov s2  }
0x30f: {  	s16 =	stileid.u32;
	v0 =	vperm.xlane v0, v2;
	p1 =	sne.s32 @!p0 s0, s1;
	v1 =	vperm.xlane v1, v3  }
0x310: {  	vm0 =	vcmask $0x3F04;
	s6 =	simm.s32 $0x3648;
	s0 =	simm.s32 @!p0 $0x1;
	p1 =	por !p1, p0  }
0x311: {  	s2 =	sshll.u32 s16, $0x1;
	s1 =	sshll.u32 @!p0 s4, $0x6;
	s0 =	simm.s32 @p1 $0x0;
	v0 =	vsel vm0, v1, v0  }
0x312: {  	s5 =	sor.u32 $0x200, s2;
	s1 =	sshra.s32 @!p0 s1, $0x2;
	s0 =	sor.u32 @!p0 s0, s2;
	[tilespmem:$0x3648] =	vst v0  }
0x313: {  	[spmem:s5] =	stream.linear.scatter [tilespmem:s6], [sflag:$0x1], $0x2, $0x38;
	[tilespmem:$0x1F0F8] =	vst v63  }
0x314: {  	s1 =	sadd.s32 @!p0 $0x28, s1;
	s0 =	sshll.u32 @!p0 s0, $0x4  }
0x315: {  	[spmem:s0] =	stream.linear.scatter @!p0 [tilespmem:s1], [sflag:$0x1], $0x10, $0x38;
	[tilespmem:$0x1F0F8] =	vst v63  }
0x316: {  	s0 =	simm.s32 @!p0 $0x12  }
0x317: {  	s28 =	simm.s32 $0x1;
	s0 =	simm.s32 @p0 $0x2  }
0x318: {  	_ =	swait.ge [sflag:s28], s0  }
0x319: {  	s0 =	ssub.s32 $0x0, s0;
	[sflag:s28] =	ssyncset.done $0x0  }
0x31a: {  	p0 =	sne.s32 s16, $0x0;
	[sflag:s28] =	ssyncadd.s32 s0  }
.Ltmp25:
0x31b: {  	_ =	sfence.stream.spmem;
	(pc) =	sbr.rel @p0 .LBB3_38-.Ltmp25, $4  }
0x31c: {  	s29 =	simm.s32 $0x3;
	[bflag:$0x0] =	sbarrier.arrive $0xFFFF  }
0x31d: {  	s30 =	simm.s32 $0x4;
	[sflag:s29] =	ssyncpa.u1 $0x1  }
0x31e: {  	s31 =	simm.s32 $0x3C;
	[sflag:s30] =	ssyncpa.u1 $0x1  }
0x31f: {  	s17 =	rddreg [dreg:$0x5];
	[sflag:s31] =	ssyncpa.u1 $0x1  }
0x320: {  	_ =	sfence.stream.spmem;
	s0 =	simm.s32 $0x5  }
0x321: {  	s1 =	simm.s32 $0x200;
	s2 =	simm.s32 $0x3658;
	[sflag:s0] =	ssyncpa.u1 $0x0  }
0x322: {  	[tilespmem:s2], [sflag:$0x5] =	stream.linear.gather [spmem:s1], $0x20, $0x38;
	[tilespmem:$0x1F0F8] =	vst v63  }
0x323: {  	s26 =	simm.s32 $0x0;
	s28 =	simm.s32 $0x3678  }
0x324: {  	[tilespmem:s28], [sflag:$0x5] =	stream.linear.gather [spmem:s26], $0x200, $0x38;
	[tilespmem:$0x1F0F8] =	vst v63  }
0x325: {  	_ =	swait.ge [sflag:s0], $0x220  }
0x326: {  	[sflag:s0] =	ssyncset.done $0x0  }
0x327: {  	s29 =	simm.s32 $0x0;
	[sflag:s0] =	ssyncadd.s32 $0xFFFFFDE0  }
0x328: {  	v0 =	vld.msk [tilespmem:s29+$0x3658], $0x1;
	_ =	sdelay $0x1  }
0x329: {  	s30 =	simm.s32 $0x1  }
0x32a: {  	v1 =	vld.msk [tilespmem:s30+$0x3658], $0x1;
	_ =	sdelay $0x1  }
0x32b: {  	(v2sf) =	vpush v0, $0x0;
	_ =	sdelay $0x2  }
0x32c: {  	(v2sf) =	vpush v1, $0x0;
	_ =	sdelay $0x2  }
0x32d: {  	s31 =	simm.s32 $0x2  }
0x32e: {  	v0 =	vld.msk [tilespmem:s31+$0x3658], $0x1;
	_ =	sdelay $0x2  }
0x32f: {  	s6 =	simm.s32 $0xFFFFFFFF;
	s1 =	simm.s32 $0xFFFFFFFF;
	s0 =	simm.s32 $0xC  }
.LBB3_23:
0x330: {  	s2 =	smov.u32 s6;
	s4 =	smov.u32 s1  }
0x331: {  	s1 =	sshra.s32 s0, $0x2;
	p1 =	sne.s32 s0, $0x7C;
	s0 =	sadd.s32 $0x4, s0;
	(v2sf) =	vpush v0, $0x0  }
0x332: {  	v0 =	vld.msk [tilespmem:s1+$0x3658], $0x1  }
.Ltmp26:
0x333: {  	(pc) =	sbr.rel @p1 .LBB3_23-.Ltmp26, $4  }
0x334: {  	s6 =	spop (v2sf)  }
0x335: {  	p2 =	sne.s32 s4, $0xFFFFFFFF;
	s1 =	smov.u32 s6  }
0x336: {  	p3 =	seq.s32 s6, $0xFFFFFFFF;
	s1 =	smov.u32 @p2 s4  }
0x337: {  	s6 =	smov.u32 @p3 s2;
	s1 =	smov.u32 @p3 s4  }
0x338: {  	(v2sf) =	vpush v0, $0x0;
	_ =	sdelay $0x8  }
0x339: {  	s0 =	spop (v2sf)  }
0x33a: {  	p1 =	sne.s32 s1, $0xFFFFFFFF;
	s2 =	smov.u32 s0  }
0x33b: {  	s9 =	simm.s32 $0x6;
	p2 =	seq.s32 s0, $0xFFFFFFFF;
	s2 =	smov.u32 @p1 s1  }
0x33c: {  	s10 =	simm.s32 $0x3638;
	s2 =	smov.u32 @p2 s1;
	s1 =	spop (v2sf)  }
0x33d: {  	s0 =	smov.u32 @p2 s6;
	p1 =	sne.s32 s2, $0xFFFFFFFF;
	s4 =	smov.u32 s1  }
.Ltmp27:
0x33e: {  	p2 =	seq.s32 s1, $0xFFFFFFFF;
	s4 =	smov.u32 @p1 s2;
	(pc) =	sbr.rel .LBB3_25-.Ltmp27, $4  }
0x33f: {  	s11 =	simm.s32 $0x0;
	s4 =	smov.u32 @p2 s2;
	s7 =	spop (v2sf)  }
0x340: {  	[sflag:s9] =	ssyncpa.u1 $0x0;
	p1 =	sne.s32 s4, $0xFFFFFFFF;
	s8 =	smov.u32 s7  }
0x341: {  	s1 =	smov.u32 @p2 s0;
	p2 =	seq.s32 s7, $0xFFFFFFFF;
	s8 =	smov.u32 @p1 s4  }
0x342: {  	s6 =	simm.s32 $0x0;
	s7 =	smov.u32 @p2 s1;
	s8 =	smov.u32 @p2 s4  }
.LBB3_30:
0x343: {  	p1 =	sgt.u32 s12, $0x1869FE  }
0x344: {  	p2 =	seq.s32 @!p1 s12, s8  }
0x345: {  	p1 =	por p1, p2  }
0x346: {  	p2 =	sne.s32 @!p1 s12, s7  }
0x347: {  	p1 =	por p1, !p2  }
0x348: {  	s0 =	sshll.u32 @p1 s11, $0x6  }
0x349: {  	s0 =	sand.u32 @!p1 $0x1FFFF8, s12  }
0x34a: {  	s1 =	sand.u32 @!p1 $0x7, s12;
	s0 =	sadd.s32 @!p1 s3, s0  }
0x34b: {  	[tilespmem:s10], [sflag:$0x6] =	stream.linear.gather @!p1 [hbm4b:s0+s1], $0x10, $0x38;
	[tilespmem:$0x1F0F8] =	vst v63  }
0x34c: {  	_ =	swait.ge @!p1 [sflag:s9], $0x10  }
0x34d: {  	[sflag:s9] =	ssyncset.done @!p1 $0x0  }
0x34e: {  	[sflag:s9] =	ssyncadd.s32 @!p1 $0xFFFFFFF0  }
0x34f: {  	v1 =	vld @!p1 [tilespmem:$0x3638];
	_ =	sdelay $0x2  }
0x350: {  	s0 =	sshll.u32 @!p1 s11, $0x6  }
0x351: {  	s1 =	sshrl.u32 @!p1 s0, $0x2  }
0x352: {  	[tilespmem:s1+$0x3678] =	vst.add.f32.msk @!p1 $0xffff, v1  }
0x353: {  	s0 =	sshrl.u32 s0, $0x2;
	[tilespmem:s6+$0x3658] =	vst.msk $0x1, v0  }
0x354: {  	v0 =	vld [tilespmem:s0+$0x3678];
	_ =	sdelay $0x2  }
0x355: {  	s31 =	sshll.u32 s6, $0x6  }
0x356: {  	s0 =	sshra.s32 s31, $0x2  }
0x357: {  	s6 =	sadd.s32 $0x1, s6;
	[tilespmem:s0+$0x3678] =	vst v0  }
.LBB3_32:
0x358: {  	s11 =	sadd.s32 $0x1, s11  }
0x359: {  	p1 =	sne.s32 s11, $0x20  }
.Ltmp28:
0x35a: {  	_ = 	snop;
	(pc) =	sbr.rel @!p1 .LBB3_33-.Ltmp28, $1  }
0x35b: {  	_ =	sdelay $0x3  }
.LBB3_25:
0x35c: {  	v0 =	vld.msk [tilespmem:s11+$0x3658], $0x1;
	_ =	sdelay $0x4  }
0x35d: {  	(v2sf) =	vpush v0, $0x0;
	_ =	sdelay $0xe  }
0x35e: {  	s12 =	spop (v2sf)  }
0x35f: {  	p1 =	seq.s32 s12, $0xFFFFFFFF  }
.Ltmp29:
0x360: {  	_ = 	snop;
	(pc) =	sbr.rel @p1 .LBB3_32-.Ltmp29, $1  }
0x361: {  	_ =	sdelay $0x3  }
0x362: {  	p1 =	slt.s32 s6, $0x1  }
.Ltmp30:
0x363: {  	_ = 	snop;
	(pc) =	sbr.rel @p1 .LBB3_30-.Ltmp30, $1  }
0x364: {  	_ =	sdelay $0x3  }
0x365: {  	s13 =	simm.s32 $0x3658;
	p1 =	por $0x0, $0x0  }
0x366: {  	v1 =	vld.msk @!p1 [tilespmem:s13+$0x0], $0x1;
	_ =	sdelay $0x4  }
0x367: {  	(v2sf) =	vpush @!p1 v1, $0x0;
	_ =	sdelay $0xd  }
0x368: {  	p3 =	sne.s32 s6, $0x1  }
.Ltmp31:
0x369: {  	s0 =	spop @!p1 (v2sf);
	(pc) =	sbr.rel @!p3 .LBB3_29-.Ltmp31, $4  }
0x36a: {  	p2 =	seq.s32 @!p1 s12, s0  }
0x36b: {  	s14 =	simm.s32 $0x0;
	p2 =	por !p2, p1  }
0x36c: {  	s0 =	simm.s32 $0xFFFFFFFF;
	s14 =	simm.s32 @p2 $0xFFFFFFFF  }
0x36d: {  	s15 =	simm.s32 $0x1;
	s14 =	smov.u32 @p1 s0  }
.LBB3_28:
0x36e: {  	s0 =	smov.u32 s14;
	p1 =	sne.s32 s14, $0xFFFFFFFF  }
0x36f: {  	s13 =	sadd.s32 $0x1, s13;
	s14 =	smov.u32 s15;
	s15 =	sadd.s32 $0x1, s15  }
0x370: {  	p2 =	sne.s32 s6, s15;
	v1 =	vld.msk @!p1 [tilespmem:s13+$0x0], $0x1;
	_ =	sdelay $0x4  }
0x371: {  	(v2sf) =	vpush @!p1 v1, $0x0;
	_ =	sdelay $0xe  }
.Ltmp32:
0x372: {  	s1 =	spop @!p1 (v2sf);
	(pc) =	sbr.rel @p2 .LBB3_28-.Ltmp32, $4  }
0x373: {  	p3 =	seq.s32 @!p1 s12, s1  }
0x374: {  	p3 =	por !p3, p1  }
0x375: {  	s14 =	simm.s32 @p3 $0xFFFFFFFF  }
0x376: {  	s14 =	smov.u32 @p1 s0  }
.LBB3_29:
0x377: {  	p1 =	sne.s32 s14, $0xFFFFFFFF  }
.Ltmp33:
0x378: {  	_ = 	snop;
	(pc) =	sbr.rel @!p1 .LBB3_30-.Ltmp33, $1  }
0x379: {  	_ =	sdelay $0x3  }
0x37a: {  	s0 =	sshll.u32 s11, $0x4  }
0x37b: {  	s0 =	sand.u32 $0x3FFFFFF0, s0  }
0x37c: {  	v0 =	vld [tilespmem:s0+$0x3678]  }
.Ltmp34:
0x37d: {  	_ = 	snop;
	(pc) =	sbr.rel .LBB3_32-.Ltmp34, $4  }
0x37e: {  	_ = 	snop  }
0x37f: {  	s31 =	sshll.u32 s14, $0x6  }
0x380: {  	s0 =	sshra.s32 s31, $0x2  }
0x381: {  	[tilespmem:s0+$0x3678] =	vst.add.f32.msk $0xffff, v0  }
.LBB3_33:
0x382: {  	s0 =	simm.s32 $0x6;
	p1 =	seq.s32 s6, $0x0  }
0x383: {  	[sflag:s0] =	ssyncpa.u1 $0x1;
	v0 =	vimm.s32 @p1 $0xFFFFFFFF  }
0x384: {  	s9 =	sadd.s32 $0xFFFFFFFF, s6;
	[tilespmem:$0x3878] =	vst @p1 v0  }
0x385: {  	v0 =	vld.msk @!p1 [tilespmem:s9+$0x3658], $0x1;
	_ =	sdelay $0x1  }
0x386: {  	v1 =	vld.msk @!p1 [tilespmem:$0x3658], $0x1;
	_ =	sdelay $0x2  }
0x387: {  	p2 =	seq.s32 @!p1 s9, $0x0;
	v0 =	vbroadcast @!p1 v0, $0x0  }
0x388: {  	vm0 =	vmmov @!p1 $0x1;
	p2 =	por !p2, p1  }
0x389: {  	v1 =	vnsel @!p1 vm0, $0xFFFFFFFF, v1;
	vm0 =	vcmask @!p1 $0x308;
	v0 =	vpsel !p2, $0xFFFFFFFF, v0  }
0x38a: {  	p2 =	sne.s32 @!p1 s8, s7;
	v0 =	vsel @!p1 vm0, v1, v0  }
0x38b: {  	s0 =	simm.s32 @!p1 $0x3678;
	s1 =	simm.s32 @!p1 $0x0;
	p3 =	por !p2, p1;
	[tilespmem:$0x3878] =	vst @!p1 v0  }
0x38c: {  	[spmem:s1] =	stream.linear.scatter @!p1 [tilespmem:s0], [sflag:$0x1], $0x10, $0x38;
	[tilespmem:$0x1F0F8] =	vst v63  }
0x38d: {  	s0 =	sshll.u32 @!p3 s9, $0x6  }
0x38e: {  	s0 =	sshra.s32 @!p3 s0, $0x2  }
0x38f: {  	s1 =	simm.s32 @!p3 $0x10;
	s0 =	sadd.s32 @!p3 $0x3678, s0  }
0x390: {  	[spmem:s1] =	stream.linear.scatter @!p3 [tilespmem:s0], [sflag:$0x1], $0x10, $0x38;
	[tilespmem:$0x1F0F8] =	vst v63  }
0x391: {  	s0 =	simm.s32 @!p3 $0x1  }
0x392: {  	_ =	swait.ge @!p3 [sflag:s0], $0x20  }
0x393: {  	p1 =	por p2, p1;
	[sflag:s0] =	ssyncset.done @!p3 $0x0  }
0x394: {  	[sflag:s0] =	ssyncadd.s32 @!p3 $0xFFFFFFE0;
	s0 =	simm.s32 @!p1 $0x1  }
0x395: {  	_ =	swait.ge @!p1 [sflag:s0], $0x10  }
0x396: {  	s29 =	simm.s32 $0x3878;
	[sflag:s0] =	ssyncset.done @!p1 $0x0  }
0x397: {  	s30 =	simm.s32 $0x200;
	s31 =	simm.s32 $0x1;
	[sflag:s0] =	ssyncadd.s32 @!p1 $0xFFFFFFF0  }
0x398: {  	[spmem:s30] =	stream.linear.scatter [tilespmem:s29], [sflag:$0x1], $0x10, $0x38;
	[tilespmem:$0x1F0F8] =	vst v63  }
0x399: {  	_ =	swait.ge [sflag:s31], $0x10  }
0x39a: {  	[sflag:s31] =	ssyncset.done $0x0  }
0x39b: {  	p1 =	seq.s32 s17, $0x0;
	s8 =	rddreg [dreg:$0x1];
	[sflag:s31] =	ssyncadd.s32 $0xFFFFFFF0  }
0x39c: {  	s1 =	sshll.u32 @p1 s8, $0xE;
	s7 =	rddreg [dreg:$0x2]  }
0x39d: {  	s0 =	sadd.s32 @p1 $0x15C3C, s1;
	s1 =	sshll.u32 @p1 s7, $0x11  }
0x39e: {  	_ =	sfence.stream.spmem;
	s0 =	sor.u32 @p1 s1, s0  }
0x39f: {  	[sflag:s0] =	ssyncadd.remote.s32 @p1 $0x1;
	s0 =	simm.s32 @p1 $0x4  }
0x3a0: {  	s2 =	simm.s32 @!p1 $0x3C;
	s1 =	sand.u32 $0xFFFFFFFE, s8;
	_ =	swait.ge @p1 [sflag:s0], $0x6  }
0x3a1: {  	s4 =	simm.s32 @!p1 $0x0;
	s1 =	sadd.s32 @!p1 $0x4, s1;
	[sflag:s0] =	ssyncset.done @p1 $0x0  }
0x3a2: {  	s5 =	simm.s32 @!p1 $0x20;
	[sflag:s0] =	ssyncadd.s32 @p1 $0xFFFFFFFA;
	s0 =	sshll.u32 @!p1 s1, $0x1A  }
0x3a3: {  	s1 =	sshll.u32 @!p1 s1, $0xD;
	s0 =	sor.u32 @!p1 s0, s7;
	_ =	swait.eq @!p1 [sflag:s2], $0x1  }
0x3a4: {  	s1 =	sor.u32 @!p1 $0x1C04, s1;
	s2 =	simm.s32 @!p1 $0x1C03;
	s0 =	sor.u32 @!p1 $0x80004000, s0  }
0x3a5: {  	[spmem:s5], [sflag:s1] =	dma.general @!p1 [spmem:s4], [sflag:s2], length:$0x4, [dreg:$0x0], stride_count:$0x0, ici_dest:s0, dma_misc:DstOpCode:WRITE  }
0x3a6: {  	p2 =	slt.s32 s9, $0x2;
	s4 =	simm.s32 @!p1 $0x40;
	s5 =	simm.s32 @!p1 $0x42  }
0x3a7: {  	[spmem:s5], [sflag:s1] =	dma.general @!p1 [spmem:s4], [sflag:s2], length:$0x2, [dreg:$0x0], stride_count:$0x0, ici_dest:s0, dma_misc:DstOpCode:WRITE  }
.Ltmp35:
0x3a8: {  	s0 =	simm.s32 @!p1 $0x3;
	(pc) =	sbr.rel @p2 .LBB3_37-.Ltmp35, $4  }
0x3a9: {  	s1 =	sshll.u32 @!p1 s8, $0xE;
	_ =	swait.ge @!p1 [sflag:s0], $0x6  }
0x3aa: {  	s2 =	sshll.u32 @!p1 s7, $0x11;
	s1 =	sadd.s32 @!p1 $0x11C3C, s1;
	[sflag:s0] =	ssyncset.done @!p1 $0x0  }
0x3ab: {  	[sflag:s0] =	ssyncadd.s32 @!p1 $0xFFFFFFFA;
	s0 =	sor.u32 @!p1 s2, s1  }
0x3ac: {  	[sflag:s0] =	ssyncadd.remote.s32 @!p1 $0xFFFFFFFF;
	s0 =	simm.s32 $0x0  }
0x3ad: {  	s0 =	simm.s32 $0x3659  }
0x3ae: {  	v0 =	vld.msk [tilespmem:s0+$0x0], $0x1;
	_ =	sdelay $0x4  }
0x3af: {  	(v2sf) =	vpush v0, $0x0;
	_ =	sdelay $0xd  }
0x3b0: {  	s2 =	sadd.s32 $0xFFFFFFFE, s6  }
0x3b1: {  	s2 =	sadd.s32 $0xFFFFFFFF, s2;
	s0 =	spop (v2sf)  }
0x3b2: {  	p2 =	sne.s32 s2, $0x0;
	p1 =	sgt.u32 s0, $0x1869FE  }
.Ltmp36:
0x3b3: {  	s4 =	sand.u32 @!p1 $0x1FFFF8, s0;
	(pc) =	sbr.rel @!p2 .LBB3_36-.Ltmp36, $4  }
0x3b4: {  	s1 =	simm.s32 $0x3688;
	s0 =	sand.u32 @!p1 $0x7, s0;
	s4 =	sadd.s32 @!p1 s3, s4  }
0x3b5: {  	[hbm4b:s4+s0] =	stream.linear.scatter @!p1 [tilespmem:s1], [sflag:$0x5], $0x10, $0x38;
	[tilespmem:$0x1F0F8] =	vst v63  }
0x3b6: {  	s0 =	simm.s32 $0x0  }
0x3b7: {  	s6 =	simm.s32 $0x0;
	s7 =	simm.s32 $0x365A;
	s0 =	simm.s32 @!p1 $0x40  }
.LBB3_35:
0x3b8: {  	v0 =	vld.msk [tilespmem:s7+$0x0], $0x1;
	s2 =	sadd.s32 $0xFFFFFFFF, s2;
	s6 =	sadd.s32 s6, s0  }
0x3b9: {  	p1 =	sne.s32 s2, $0x0;
	_ =	sdelay $0x3  }
0x3ba: {  	(v2sf) =	vpush v0, $0x0;
	_ =	sdelay $0xe  }
.Ltmp37:
0x3bb: {  	s4 =	spop (v2sf);
	(pc) =	sbr.rel @p1 .LBB3_35-.Ltmp37, $4  }
0x3bc: {  	s0 =	simm.s32 $0x0;
	p2 =	sgt.u32 s4, $0x1869FE  }
0x3bd: {  	s1 =	sadd.s32 $0x10, s1;
	s0 =	simm.s32 @!p2 $0x40;
	s5 =	sand.u32 @!p2 $0x1FFFF8, s4  }
0x3be: {  	s7 =	sadd.s32 $0x1, s7;
	s4 =	sand.u32 @!p2 $0x7, s4;
	s5 =	sadd.s32 @!p2 s3, s5  }
0x3bf: {  	[hbm4b:s5+s4] =	stream.linear.scatter @!p2 [tilespmem:s1], [sflag:$0x5], $0x10, $0x38;
	[tilespmem:$0x1F0F8] =	vst v63  }
.LBB3_36:
0x3c0: {  	s0 =	sadd.s32 s6, s0  }
0x3c1: {  	s0 =	sshrl.u32 s0, $0x2  }
.LBB3_37:
0x3c2: {  	s1 =	simm.s32 $0x5  }
0x3c3: {  	_ =	swait.ge [sflag:s1], s0  }
0x3c4: {  	s31 =	ssub.s32 $0x0, s0;
	[sflag:s1] =	ssyncset.done $0x0  }
0x3c5: {  	[sflag:s1] =	ssyncadd.s32 s31  }
0x3c6: {  	[sflag:s1] =	ssyncpa.u1 $0x1  }
.LBB3_38:
0x3c7: {  	s0 =	sor.u32 s17, s16  }
0x3c8: {  	p1 =	sne.s32 s0, $0x0  }
.Ltmp38:
0x3c9: {  	_ = 	snop;
	(pc) =	sbr.rel @p1 .LBB3_53-.Ltmp38, $3  }
0x3ca: {  	_ =	sdelay $0x1  }
0x3cb: {  	[bflag:$0x0] =	sbarrier.arrive $0xFFFF  }
0x3cc: {  	_ =	sfence  }
0x3cd: {  	s0 =	simm.s32 $0x7  }
0x3ce: {  	s1 =	simm.s32 $0x200;
	s2 =	simm.s32 $0x3658;
	[sflag:s0] =	ssyncpa.u1 $0x0  }
0x3cf: {  	[tilespmem:s2], [sflag:$0x7] =	stream.linear.gather [spmem:s1], $0x20, $0x38;
	[tilespmem:$0x1F0F8] =	vst v63  }
0x3d0: {  	s30 =	simm.s32 $0x3678;
	s1 =	simm.s32 $0x0  }
0x3d1: {  	[tilespmem:s30], [sflag:$0x7] =	stream.linear.gather [spmem:s1], $0x200, $0x38;
	[tilespmem:$0x1F0F8] =	vst v63  }
.Ltmp39:
0x3d2: {  	_ = 	snop;
	(pc) =	sbr.rel .LBB3_40-.Ltmp39, $4  }
0x3d3: {  	_ =	swait.ge [sflag:s0], $0x220  }
0x3d4: {  	[sflag:s0] =	ssyncset.done $0x0  }
0x3d5: {  	s31 =	simm.s32 $0x8;
	[sflag:s0] =	ssyncadd.s32 $0xFFFFFDE0  }
0x3d6: {  	s2 =	simm.s32 $0x0;
	[sflag:s31] =	ssyncpa.u1 $0x0  }
.LBB3_45:
0x3d7: {  	p1 =	slt.u32 s4, $0x1869FF  }
0x3d8: {  	s0 =	sand.u32 @p1 $0x1FFFF8, s4  }
0x3d9: {  	s4 =	sand.u32 @p1 $0x7, s4;
	s5 =	simm.s32 @p1 $0x3638;
	s0 =	sadd.s32 @p1 s3, s0  }
0x3da: {  	[tilespmem:s5], [sflag:$0x8] =	stream.linear.gather @p1 [hbm4b:s0+s4], $0x10, $0x38;
	[tilespmem:$0x1F0F8] =	vst v63  }
0x3db: {  	s0 =	simm.s32 @p1 $0x8  }
0x3dc: {  	_ =	swait.ge @p1 [sflag:s0], $0x10  }
0x3dd: {  	[sflag:s0] =	ssyncset.done @p1 $0x0  }
0x3de: {  	[sflag:s0] =	ssyncadd.s32 @p1 $0xFFFFFFF0  }
0x3df: {  	v1 =	vld @p1 [tilespmem:$0x3638];
	_ =	sdelay $0x2  }
0x3e0: {  	s0 =	sshll.u32 @p1 s2, $0x6  }
0x3e1: {  	s5 =	sshll.u32 @!p1 s2, $0x6;
	s4 =	sshrl.u32 @p1 s0, $0x2  }
0x3e2: {  	s5 =	smov.u32 @p1 s0;
	[tilespmem:s4+$0x3678] =	vst.add.f32.msk @p1 $0xffff, v1  }
0x3e3: {  	s0 =	sshrl.u32 s5, $0x2;
	[tilespmem:s1+$0x3658] =	vst.msk $0x1, v0  }
0x3e4: {  	v0 =	vld [tilespmem:s0+$0x3678];
	_ =	sdelay $0x2  }
0x3e5: {  	s31 =	sshll.u32 s1, $0x6  }
0x3e6: {  	s0 =	sshra.s32 s31, $0x2  }
0x3e7: {  	s1 =	sadd.s32 $0x1, s1;
	[tilespmem:s0+$0x3678] =	vst v0  }
.LBB3_47:
0x3e8: {  	s2 =	sadd.s32 $0x1, s2  }
0x3e9: {  	p1 =	sne.s32 s2, $0x20  }
.Ltmp40:
0x3ea: {  	_ = 	snop;
	(pc) =	sbr.rel @!p1 .LBB3_48-.Ltmp40, $1  }
0x3eb: {  	_ =	sdelay $0x3  }
.LBB3_40:
0x3ec: {  	v0 =	vld.msk [tilespmem:s2+$0x3658], $0x1;
	_ =	sdelay $0x4  }
0x3ed: {  	(v2sf) =	vpush v0, $0x0;
	_ =	sdelay $0xe  }
0x3ee: {  	s4 =	spop (v2sf)  }
0x3ef: {  	p1 =	seq.s32 s4, $0xFFFFFFFF  }
.Ltmp41:
0x3f0: {  	_ = 	snop;
	(pc) =	sbr.rel @p1 .LBB3_47-.Ltmp41, $1  }
0x3f1: {  	_ =	sdelay $0x3  }
0x3f2: {  	p1 =	slt.s32 s1, $0x1  }
.Ltmp42:
0x3f3: {  	_ = 	snop;
	(pc) =	sbr.rel @p1 .LBB3_45-.Ltmp42, $1  }
0x3f4: {  	_ =	sdelay $0x3  }
0x3f5: {  	s5 =	simm.s32 $0x3658;
	p1 =	por $0x0, $0x0  }
0x3f6: {  	v1 =	vld.msk @!p1 [tilespmem:s5+$0x0], $0x1;
	_ =	sdelay $0x4  }
0x3f7: {  	(v2sf) =	vpush @!p1 v1, $0x0;
	_ =	sdelay $0xd  }
0x3f8: {  	p3 =	sne.s32 s1, $0x1  }
.Ltmp43:
0x3f9: {  	s0 =	spop @!p1 (v2sf);
	(pc) =	sbr.rel @!p3 .LBB3_44-.Ltmp43, $4  }
0x3fa: {  	p2 =	seq.s32 @!p1 s4, s0  }
0x3fb: {  	s6 =	simm.s32 $0x0;
	p2 =	por !p2, p1  }
0x3fc: {  	s0 =	simm.s32 $0xFFFFFFFF;
	s6 =	simm.s32 @p2 $0xFFFFFFFF  }
0x3fd: {  	s7 =	simm.s32 $0x1;
	s6 =	smov.u32 @p1 s0  }
.LBB3_43:
0x3fe: {  	s0 =	smov.u32 s6;
	p1 =	sne.s32 s6, $0xFFFFFFFF  }
0x3ff: {  	s5 =	sadd.s32 $0x1, s5;
	s6 =	smov.u32 s7;
	s7 =	sadd.s32 $0x1, s7  }
0x400: {  	p2 =	sne.s32 s1, s7;
	v1 =	vld.msk @!p1 [tilespmem:s5+$0x0], $0x1;
	_ =	sdelay $0x4  }
0x401: {  	(v2sf) =	vpush @!p1 v1, $0x0;
	_ =	sdelay $0xe  }
.Ltmp44:
0x402: {  	s8 =	spop @!p1 (v2sf);
	(pc) =	sbr.rel @p2 .LBB3_43-.Ltmp44, $4  }
0x403: {  	p3 =	seq.s32 @!p1 s4, s8  }
0x404: {  	p3 =	por !p3, p1  }
0x405: {  	s6 =	simm.s32 @p3 $0xFFFFFFFF  }
0x406: {  	s6 =	smov.u32 @p1 s0  }
.LBB3_44:
0x407: {  	p1 =	sne.s32 s6, $0xFFFFFFFF  }
.Ltmp45:
0x408: {  	_ = 	snop;
	(pc) =	sbr.rel @!p1 .LBB3_45-.Ltmp45, $1  }
0x409: {  	_ =	sdelay $0x3  }
0x40a: {  	s0 =	sshll.u32 s2, $0x4  }
0x40b: {  	s0 =	sand.u32 $0x3FFFFFF0, s0  }
0x40c: {  	v0 =	vld [tilespmem:s0+$0x3678]  }
.Ltmp46:
0x40d: {  	_ = 	snop;
	(pc) =	sbr.rel .LBB3_47-.Ltmp46, $4  }
0x40e: {  	_ = 	snop  }
0x40f: {  	s31 =	sshll.u32 s6, $0x6  }
0x410: {  	s0 =	sshra.s32 s31, $0x2  }
0x411: {  	[tilespmem:s0+$0x3678] =	vst.add.f32.msk $0xffff, v0  }
.LBB3_48:
0x412: {  	p1 =	slt.s32 s1, $0x1  }
.Ltmp47:
0x413: {  	_ = 	snop;
	(pc) =	sbr.rel @p1 .LBB3_52-.Ltmp47, $3  }
0x414: {  	_ =	sdelay $0x1  }
0x415: {  	s0 =	simm.s32 $0x8  }
0x416: {  	s2 =	simm.s32 $0x0;
	[sflag:s0] =	ssyncpa.u1 $0x1  }
0x417: {  	s0 =	simm.s32 $0x3658  }
0x418: {  	v0 =	vld.msk [tilespmem:s0+$0x0], $0x1;
	_ =	sdelay $0x4  }
0x419: {  	(v2sf) =	vpush v0, $0x0;
	_ =	sdelay $0xe  }
0x41a: {  	s1 =	sadd.s32 $0xFFFFFFFF, s1;
	s0 =	spop (v2sf)  }
0x41b: {  	p2 =	sne.s32 s1, $0x0;
	p1 =	sgt.u32 s0, $0x1869FE  }
.Ltmp48:
0x41c: {  	s5 =	sand.u32 @!p1 $0x1FFFF8, s0;
	(pc) =	sbr.rel @!p2 .LBB3_51-.Ltmp48, $4  }
0x41d: {  	s4 =	simm.s32 $0x3678;
	s0 =	sand.u32 @!p1 $0x7, s0;
	s5 =	sadd.s32 @!p1 s3, s5  }
0x41e: {  	[hbm4b:s5+s0] =	stream.linear.scatter @!p1 [tilespmem:s4], [sflag:$0x7], $0x10, $0x38;
	[tilespmem:$0x1F0F8] =	vst v63  }
0x41f: {  	s0 =	simm.s32 $0x0  }
0x420: {  	s5 =	simm.s32 $0x3659;
	s0 =	simm.s32 @!p1 $0x40  }
.LBB3_50:
0x421: {  	v0 =	vld.msk [tilespmem:s5+$0x0], $0x1;
	s1 =	sadd.s32 $0xFFFFFFFF, s1;
	s2 =	sadd.s32 s2, s0  }
0x422: {  	p1 =	sne.s32 s1, $0x0;
	_ =	sdelay $0x3  }
0x423: {  	(v2sf) =	vpush v0, $0x0;
	_ =	sdelay $0xe  }
.Ltmp49:
0x424: {  	s6 =	spop (v2sf);
	(pc) =	sbr.rel @p1 .LBB3_50-.Ltmp49, $4  }
0x425: {  	s0 =	simm.s32 $0x0;
	p2 =	sgt.u32 s6, $0x1869FE  }
0x426: {  	s4 =	sadd.s32 $0x10, s4;
	s0 =	simm.s32 @!p2 $0x40;
	s7 =	sand.u32 @!p2 $0x1FFFF8, s6  }
0x427: {  	s5 =	sadd.s32 $0x1, s5;
	s6 =	sand.u32 @!p2 $0x7, s6;
	s7 =	sadd.s32 @!p2 s3, s7  }
0x428: {  	[hbm4b:s7+s6] =	stream.linear.scatter @!p2 [tilespmem:s4], [sflag:$0x7], $0x10, $0x38;
	[tilespmem:$0x1F0F8] =	vst v63  }
.LBB3_51:
0x429: {  	s0 =	sadd.s32 s2, s0  }
0x42a: {  	s2 =	sshrl.u32 s0, $0x2  }
.LBB3_52:
0x42b: {  	s0 =	simm.s32 $0x7  }
0x42c: {  	_ =	swait.ge [sflag:s0], s2  }
0x42d: {  	s1 =	ssub.s32 $0x0, s2;
	[sflag:s0] =	ssyncset.done $0x0  }
0x42e: {  	[sflag:s0] =	ssyncadd.s32 s1  }
0x42f: {  	[sflag:s0] =	ssyncpa.u1 $0x1  }
.LBB3_53:
0x430: {  	_ =	sfence;
	s0 =	simm.s32 $0x1  }
0x431: {  	[sflag:s0] =	ssyncpa.u1 $0x1  }
0x432: {  	_ =	strace $0x90000053  }
0x433: {  	[bflag:$0x2] =	sbarrier.arrive $0xFFFF  }
0x434: {  	s0 =	rddreg [dreg:$0x3]  }
0x435: {  	s0 =	sadd.s32 @!p0 $0x100000, s0  }
0x436: {  	[sflag:s0] =	ssyncadd.tile.s32 @!p0 $0x1;
	_ =	shalt  }
.Lfunc_end3:
_tile_overlayer_lowered:
.L_overlay_start_3:
0x437: {  	(tag) =	ssettag $0x3  }
0x438: {  	s0 =	rddreg [dreg:$0x0];
	s2 =	stileid.u32  }
0x439: {  	s1 =	rddreg [dreg:$0x1];
	p0 =	sne.s32 s2, $0x0  }
0x43a: {  	s3 =	rddreg [dreg:$0x2];
	[bflag:$0x3] =	sbarrier.arrive $0xFFFF;
	s2 =	simm.s32 @!p0 $0x1C01  }
0x43b: {  	[timem:s3], [sflag:s2] =	dma.local @!p0 [hbm:s0], s1  }
0x43c: {  	s0 =	simm.s32 @!p0 $0x1  }
0x43d: {  	_ =	swait.ge @!p0 [sflag:s0], s1  }
0x43e: {  	s1 =	ssub.s32 @!p0 $0x0, s1;
	[sflag:s0] =	ssyncset.done @!p0 $0x0  }
0x43f: {  	[sflag:s0] =	ssyncadd.s32 @!p0 s1  }
0x440: {  	[bflag:$0x3] =	sbarrier.arrive $0xFFFF  }
0x441: {  	_ =	shalt  }

// kernel: scatter_offload_async_start.3
scs
__scs_entry_jumppad:
0x0: {  	(pc) =	sbr.rel $0x88, $3  }
0x1: {  	(tag) =	ssettag $0x0;
	lr =	simm.s32 $0x1  }
0x2: {  	[smem:$0x3F99] =	sst lr;
	_ =	strace $0xD0000000  }
0x3: {  	_ = 	snop  }
0x4: {  	_ = 	snop  }
0x5: {  	_ = 	snop  }
0x6: {  	_ = 	snop  }
0x7: {  	_ = 	snop  }
__scs_overlays_trampoline_lowered:
0x8: {  	[smem:$0x3FA8] =	sst s0  }
0x9: {  	[smem:$0x3FA9] =	sst s1  }
0xa: {  	[smem:$0x3FAA] =	sst s2  }
0xb: {  	[smem:$0x3FAB] =	sst s3  }
0xc: {  	[smem:$0x3FAC] =	sst s4  }
0xd: {  	[smem:$0x3FAD] =	sst s5  }
0xe: {  	[smem:$0x3FAE] =	sst s6  }
0xf: {  	[smem:$0x3FAF] =	sst s7  }
0x10: {  	[smem:$0x3FB0] =	sst s8  }
0x11: {  	[smem:$0x3FB1] =	sst s9;
	s0 =	simm.s32 @!p0 $0x0  }
0x12: {  	s1 =	sld [smem:$0x3F97];
	s0 =	simm.s32 @p0 $0x1  }
0x13: {  	[smem:$0x3FB2] =	sst s0;
	s0 =	simm.s32 @!p1 $0x0  }
0x14: {  	s2 =	sld [smem:$0x3F96];
	s0 =	simm.s32 @p1 $0x1  }
0x15: {  	[smem:$0x3FB3] =	sst s0;
	s0 =	simm.s32 @!p2 $0x0  }
0x16: {  	s3 =	sld [smem:$0x3FDB];
	s0 =	simm.s32 @p2 $0x1  }
0x17: {  	s4 =	simm.s32 $0x1BF5;
	[smem:$0x3FB5] =	sst s0  }
0x18: {  	s0 =	sld [smem:$0x3F98];
	_ =	swait.ge [sflag:s4], $0x0  }
0x19: {  	s7 =	sld [smem:$0x3F99]  }
0x1a: {  	s8 =	sadd.s32 $0xFFFFE003, lr  }
0x1b: {  	s9 =	sadd.s32 $0xFFFFFEF7, lr;
	s5 =	simm.s32 $0xFFFFFFFF;
	p2 =	slt.u32 s8, $0xFFFFF086  }
0x1c: {  	p1 =	slt.u32 s9, $0xF7A;
	s5 =	simm.s32 @!p2 $0x0  }
0x1d: {  	s5 =	simm.s32 @p1 $0x1;
	p0 =	seq.s32 s7, s2  }
0x1e: {  	s7 =	smul.u32 @!p0 $0xF7A, s2;
	p2 =	seq.s32 @!p0 s5, $0x0  }
0x1f: {  	s9 =	smul.u32 $0xF7A, s1;
	s8 =	simm.s32 @!p0 $0x1BF5;
	p2 =	por !p2, p0  }
0x20: {  	[sflag:s8] =	ssyncset.s32 @!p0 $0xFFFFF086;
	s6 =	sadd.s32 @!p0 s3, s7;
	s7 =	simm.s32 @!p0 $0x108  }
0x21: {  	s3 =	sadd.s32 s3, s9;
	s6 =	sadd.s32 @!p0 $0x88, s6;
	s7 =	simm.s32 @p2 $0x1082  }
0x22: {  	[simem:s7], [sflag:s8] =	dma.local @!p0 [hbm:s6], $0xF7A  }
0x23: {  	s9 =	sor.u32 $0xD0000000, s2;
	s6 =	simm.s32 $0x108;
	_ =	swait.ge @!p0 [sflag:s8], $0x0  }
0x24: {  	s3 =	sadd.s32 $0x88, s3;
	s6 =	simm.s32 @!p1 $0x1082;
	[sflag:s4] =	ssyncset.s32 $0xFFFFF086  }
0x25: {  	[simem:s6], [sflag:s4] =	dma.local [hbm:s3], $0xF7A  }
0x26: {  	[smem:$0x3F99] =	sst s1;
	(tag) =	ssettag s2;
	_ =	strace s9  }
0x27: {  	s1 =	sld [smem:$0x3FA9]  }
0x28: {  	s2 =	sld [smem:$0x3FAA]  }
0x29: {  	s4 =	sld [smem:$0x3FAC]  }
0x2a: {  	p0 =	seq.s32 s5, $0x0;
	s5 =	sld [smem:$0x3FAD]  }
0x2b: {  	s6 =	sld [smem:$0x3FAE]  }
0x2c: {  	s7 =	sld [smem:$0x3FAF]  }
0x2d: {  	s3 =	simm.s32 $0x108;
	s8 =	sld [smem:$0x3FB0]  }
0x2e: {  	s3 =	simm.s32 @!p0 $0x1082;
	s9 =	sld [smem:$0x3FB1]  }
0x2f: {  	lr =	sadd.s32 s0, s3;
	s0 =	sld [smem:$0x3FA8]  }
0x30: {  	s3 =	sld [smem:$0x3FAB]  }
0x31: {  	[smem:$0x3FB4] =	sst s10  }
0x32: {  	s10 =	sld [smem:$0x3FB2];
	_ =	sdelay $0x3  }
0x33: {  	p0 =	seq.s32 s10, $0x1;
	s10 =	sld [smem:$0x3FB4];
	_ =	sdelay $0x3  }
0x34: {  	[smem:$0x3FB4] =	sst s10  }
0x35: {  	s10 =	sld [smem:$0x3FB3];
	_ =	sdelay $0x3  }
0x36: {  	p1 =	seq.s32 s10, $0x1;
	s10 =	sld [smem:$0x3FB4];
	_ =	sdelay $0x3  }
0x37: {  	[smem:$0x3FB4] =	sst s10  }
0x38: {  	s10 =	sld [smem:$0x3FB5]  }
0x39: {  	_ = 	snop;
	(pc) =	sbr.ind lr, $3  }
0x3a: {  	_ = 	snop  }
0x3b: {  	_ = 	snop  }
0x3c: {  	p2 =	seq.s32 s10, $0x1;
	s10 =	sld [smem:$0x3FB4]  }
0x3d: {  	_ =	shalt  }
0x3e: {  	_ =	shalt  }
0x3f: {  	_ =	shalt  }
0x40: {  	_ =	shalt  }
0x41: {  	_ =	shalt  }
0x42: {  	_ =	shalt  }
0x43: {  	_ =	shalt  }
0x44: {  	_ =	shalt  }
0x45: {  	_ =	shalt  }
0x46: {  	_ =	shalt  }
0x47: {  	_ =	shalt  }
0x48: {  	_ =	shalt  }
0x49: {  	_ =	shalt  }
0x4a: {  	_ =	shalt  }
0x4b: {  	_ =	shalt  }
0x4c: {  	_ =	shalt  }
0x4d: {  	_ =	shalt  }
0x4e: {  	_ =	shalt  }
0x4f: {  	_ =	shalt  }
0x50: {  	_ =	shalt  }
0x51: {  	_ =	shalt  }
0x52: {  	_ =	shalt  }
0x53: {  	_ =	shalt  }
0x54: {  	_ =	shalt  }
0x55: {  	_ =	shalt  }
0x56: {  	_ =	shalt  }
0x57: {  	_ =	shalt  }
0x58: {  	_ =	shalt  }
0x59: {  	_ =	shalt  }
0x5a: {  	_ =	shalt  }
0x5b: {  	_ =	shalt  }
0x5c: {  	_ =	shalt  }
0x5d: {  	_ =	shalt  }
0x5e: {  	_ =	shalt  }
0x5f: {  	_ =	shalt  }
0x60: {  	_ =	shalt  }
0x61: {  	_ =	shalt  }
0x62: {  	_ =	shalt  }
0x63: {  	_ =	shalt  }
0x64: {  	_ =	shalt  }
0x65: {  	_ =	shalt  }
0x66: {  	_ =	shalt  }
0x67: {  	_ =	shalt  }
0x68: {  	_ =	shalt  }
0x69: {  	_ =	shalt  }
0x6a: {  	_ =	shalt  }
0x6b: {  	_ =	shalt  }
0x6c: {  	_ =	shalt  }
0x6d: {  	_ =	shalt  }
0x6e: {  	_ =	shalt  }
0x6f: {  	_ =	shalt  }
0x70: {  	_ =	shalt  }
0x71: {  	_ =	shalt  }
0x72: {  	_ =	shalt  }
0x73: {  	_ =	shalt  }
0x74: {  	_ =	shalt  }
0x75: {  	_ =	shalt  }
0x76: {  	_ =	shalt  }
0x77: {  	_ =	shalt  }
0x78: {  	_ =	shalt  }
0x79: {  	_ =	shalt  }
0x7a: {  	_ =	shalt  }
0x7b: {  	_ =	shalt  }
0x7c: {  	_ =	shalt  }
0x7d: {  	_ =	shalt  }
0x7e: {  	_ =	shalt  }
0x7f: {  	_ =	shalt  }
0x80: {  	_ =	shalt  }
0x81: {  	_ =	shalt  }
0x82: {  	_ =	shalt  }
0x83: {  	_ =	shalt  }
0x84: {  	_ =	shalt  }
0x85: {  	_ =	shalt  }
0x86: {  	_ =	shalt  }
0x87: {  	_ =	shalt  }
.Lfunc_end0:
.L_simem_size_0:
called_computation.3_lowered:
.L_overlay_start_0:
0x88: {  	s2 =	sld [smem:$0x3FD9]  }
0x89: {  	s3 =	sld [smem:$0x3FFE];
	_ =	sdelay $0x1  }
0x8a: {  	s1 =	srdreg.scid  }
0x8b: {  	s0 =	sand.u32 $0x1, s1  }
0x8c: {  	s17 =	sshll.u32 s0, $0xA;
	s2 =	sadd.s32 s3, s2  }
0x8d: {  	s2 =	sadd.s32 s2, s17  }
0x8e: {  	[smem:$0x3FC0] =	sst s2  }
0x8f: {  	_ = 	snop  }
0x90: {  	(tm) =	ssettm $0x1  }
0x91: {  	s18 =	sld [smem:$0x3FFB];
	_ =	sdelay $0x3  }
0x92: {  	_ =	strace s18  }
0x93: {  	s2 =	sld [smem:$0x3FFC];
	_ =	sdelay $0x3  }
0x94: {  	_ =	strace s2  }
0x95: {  	s2 =	sld [smem:$0x3FFD];
	_ =	sdelay $0x3  }
0x96: {  	_ =	strace s2  }
0x97: {  	_ =	strace $0x8FFFFFFF  }
0x98: {  	s19 =	sld [smem:$0x3FDB];
	_ =	sdelay $0x1  }
0x99: {  	s20 =	simm.s32 $_scs_section_size  }
0x9a: {  	s4 =	simm.s32 $_size__tile_overlayer_lowered;
	s5 =	simm.s32 $_tile_overlayer_lowered  }
0x9b: {  	s6 =	simm.s32 $0x1BFF;
	s21 =	sshll.u32 s5, $0x1;
	s3 =	sadd.s32 s20, s19  }
0x9c: {  	s22 =	simm.s32 $0x0;
	s4 =	sshll.u32 s4, $0x1;
	s5 =	sadd.s32 s21, s3  }
0x9d: {  	[timem:s22], [sflag:s6] =	dma.local [hbm:s5], s4  }
0x9e: {  	_ =	swait.ge [sflag:s6], s4  }
0x9f: {  	s4 =	ssub.s32 $0x0, s4;
	[sflag:s6] =	ssyncset.done $0x0  }
0xa0: {  	[sflag:s6] =	ssyncadd.s32 s4;
	_ =	sdelay $0x1  }
0xa1: {  	s23 =	simm.s32 $0x1B8B  }
0xa2: {  	_ =	swait.ge [sflag:s23], $0x1  }
0xa3: {  	[sflag:s23] =	ssyncset.done $0x0  }
0xa4: {  	[sflag:s23] =	ssyncadd.s32 $0xFFFFFFFF  }
0xa5: {  	s4 =	sld [smem:$0x0]  }
0xa6: {  	s5 =	sand.u32 $0xFFFFFFFE, s1  }
0xa7: {  	p0 =	sne.s32 s1, s5  }
0xa8: {  	s5 =	sshll.u32 @p0 s5, $0xE  }
0xa9: {  	s5 =	sadd.s32 @p0 $0x11B8D, s5;
	s6 =	sshll.u32 @p0 s4, $0x11  }
0xaa: {  	s5 =	sor.u32 @p0 s6, s5  }
0xab: {  	[sflag:s5] =	ssyncadd.remote.s32 @p0 $0x1;
	_ =	sdelay $0x1  }
0xac: {  	s5 =	simm.s32 @p0 $0x1B8D  }
0xad: {  	_ =	swait.eq @p0 [sflag:s5], $0x1  }
0xae: {  	[sflag:s5] =	ssyncadd.s32 @p0 $0xFFFFFFFF  }
0xaf: {  	s6 =	sshll.u32 @!p0 s1, $0xE  }
0xb0: {  	s6 =	sor.u32 @!p0 $0x4000, s6;
	s5 =	simm.s32 @!p0 $0x1B8D  }
0xb1: {  	s7 =	sshll.u32 @!p0 s4, $0x11;
	s6 =	sadd.s32 @!p0 $0x11B8D, s6;
	_ =	swait.eq @!p0 [sflag:s5], $0x1  }
0xb2: {  	[sflag:s5] =	ssyncadd.s32 @!p0 $0xFFFFFFFF;
	s5 =	sor.u32 @!p0 s7, s6  }
0xb3: {  	s25 =	simm.s32 $0x1B8E;
	s24 =	sld [smem:$0x3FFE];
	[sflag:s5] =	ssyncadd.remote.s32 @!p0 $0x1  }
0xb4: {  	s26 =	simm.s32 $execute0_lowered;
	[smem:$0x3FD2] =	sst s25  }
0xb5: {  	s6 =	sshll.u32 s26, $0x1;
	_ =	strace $0x8000004C;
	[dreg:$0x1] =	wrdreg $0xFFFFFFFF  }
0xb6: {  	s28 =	simm.s32 $_size_execute0_lowered;
	s3 =	sadd.s32 s3, s6;
	[dreg:$0x0] =	wrdreg $0x0  }
0xb7: {  	s6 =	sshll.u32 s28, $0x1;
	[dreg:$0x2] =	wrdreg s3  }
0xb8: {  	[dreg:$0x3] =	wrdreg s6  }
0xb9: {  	[dreg:$0x4] =	wrdreg $0xC0  }
0xba: {  	_ =	task [dreg:s22], $0x5FFFF  }
0xbb: {  	[dreg:$0x1] =	wrdreg $0xFFFFFFFF  }
0xbc: {  	[dreg:$0x0] =	wrdreg $0x60  }
0xbd: {  	[dreg:$0x2] =	wrdreg s24  }
0xbe: {  	[dreg:$0x3] =	wrdreg s1  }
0xbf: {  	[dreg:$0x4] =	wrdreg s4  }
0xc0: {  	[dreg:$0x5] =	wrdreg $0xE  }
0xc1: {  	_ =	task.clear_ibuf [dreg:s22], $0x6FFFF;
	_ =	strace $0x9000004C  }
0xc2: {  	s29 =	simm.s32 $0xE;
	_ =	strace $0x8000004E  }
0xc3: {  	_ =	swait.ge [sflag:s29], $0x1  }
0xc4: {  	[sflag:s29] =	ssyncadd.s32 $0xFFFFFFFF  }
0xc5: {  	_ =	strace $0x9000004E  }
0xc6: {  	_ =	sfence  }
0xc7: {  	s30 =	sld [smem:$0x0];
	_ =	sdelay $0x2  }
0xc8: {  	s31 =	sshll.u32 s1, $0xD;
	s1 =	sshrl.u32 s1, $0x2  }
0xc9: {  	s4 =	sand.u32 $0x4000, s31;
	s1 =	sadd.s32 s1, s30  }
0xca: {  	s0 =	sor.u32 s4, s0;
	s1 =	sshll.u32 s1, $0x11  }
0xcb: {  	s0 =	sor.u32 s1, s0  }
0xcc: {  	s0 =	sadd.s32 $0x8F2B, s0  }
0xcd: {  	[sflag:s0] =	ssyncadd.remote.s32 $0x1  }
0xce: {  	_ =	sfence.sel $0xFFFF  }
0xcf: {  	[dreg:$0x0] =	wrdreg $0xFFFFFFFF;
	(pc) =	sbr.abs _section_cstart, $3  }
0xd0: {  	[dreg:$0x1] =	wrdreg $0xFFFFFFFF  }
0xd1: {  	_ =	task.clear_ibuf [dreg:s22], $0x2FFFF;
	_ =	strace $0x9FFFFFFF  }
0xd2: {  	(tm) =	ssettm $0x7FFFFFFF  }
0xd3: {  	_ =	shalt  }
tec
execute0_lowered:
.L_overlay_start_1:
0x0: {  	(tag) =	ssettag $0x1  }
0x1: {  	s11 =	rddreg [dreg:$0x0]  }
0x2: {  	s2 =	rddreg [dreg:$0x1];
	_ =	strace $0x8000004D;
	s12 =	simm.s32 $0x1  }
0x3: {  	v0 =	vimm.s32 $0x0;
	[sflag:s12] =	ssyncpa.u1 $0x0  }
0x4: {  	[tilespmem:$0x28] =	vst v0  }
0x5: {  	[tilespmem:$0x38] =	vst v0  }
0x6: {  	[tilespmem:$0x48] =	vst v0  }
0x7: {  	[tilespmem:$0x58] =	vst v0  }
0x8: {  	[tilespmem:$0x68] =	vst v0  }
0x9: {  	[tilespmem:$0x78] =	vst v0  }
0xa: {  	[tilespmem:$0x88] =	vst v0  }
0xb: {  	[tilespmem:$0x98] =	vst v0  }
0xc: {  	[tilespmem:$0xA8] =	vst v0  }
0xd: {  	[tilespmem:$0xB8] =	vst v0  }
0xe: {  	[tilespmem:$0xC8] =	vst v0  }
0xf: {  	[tilespmem:$0xD8] =	vst v0  }
0x10: {  	[tilespmem:$0xE8] =	vst v0  }
0x11: {  	[tilespmem:$0xF8] =	vst v0  }
0x12: {  	[tilespmem:$0x108] =	vst v0  }
0x13: {  	[tilespmem:$0x118] =	vst v0  }
0x14: {  	[tilespmem:$0x128] =	vst v0  }
0x15: {  	[tilespmem:$0x138] =	vst v0  }
0x16: {  	[tilespmem:$0x148] =	vst v0  }
0x17: {  	[tilespmem:$0x158] =	vst v0  }
0x18: {  	[tilespmem:$0x168] =	vst v0  }
0x19: {  	[tilespmem:$0x178] =	vst v0  }
0x1a: {  	[tilespmem:$0x188] =	vst v0  }
0x1b: {  	[tilespmem:$0x198] =	vst v0  }
0x1c: {  	[tilespmem:$0x1A8] =	vst v0  }
0x1d: {  	[tilespmem:$0x1B8] =	vst v0  }
0x1e: {  	[tilespmem:$0x1C8] =	vst v0  }
0x1f: {  	[tilespmem:$0x1D8] =	vst v0  }
0x20: {  	[tilespmem:$0x1E8] =	vst v0  }
0x21: {  	[tilespmem:$0x1F8] =	vst v0  }
0x22: {  	[tilespmem:$0x208] =	vst v0  }
0x23: {  	[tilespmem:$0x218] =	vst v0  }
0x24: {  	[tilespmem:$0x228] =	vst v0  }
0x25: {  	[tilespmem:$0x238] =	vst v0  }
0x26: {  	[tilespmem:$0x248] =	vst v0  }
0x27: {  	[tilespmem:$0x258] =	vst v0  }
0x28: {  	[tilespmem:$0x268] =	vst v0  }
0x29: {  	[tilespmem:$0x278] =	vst v0  }
0x2a: {  	[tilespmem:$0x288] =	vst v0  }
0x2b: {  	[tilespmem:$0x298] =	vst v0  }
0x2c: {  	[tilespmem:$0x2A8] =	vst v0  }
0x2d: {  	[tilespmem:$0x2B8] =	vst v0  }
0x2e: {  	[tilespmem:$0x2C8] =	vst v0  }
0x2f: {  	[tilespmem:$0x2D8] =	vst v0  }
0x30: {  	[tilespmem:$0x2E8] =	vst v0  }
0x31: {  	[tilespmem:$0x2F8] =	vst v0  }
0x32: {  	[tilespmem:$0x308] =	vst v0  }
0x33: {  	[tilespmem:$0x318] =	vst v0  }
0x34: {  	[tilespmem:$0x328] =	vst v0  }
0x35: {  	[tilespmem:$0x338] =	vst v0  }
0x36: {  	[tilespmem:$0x348] =	vst v0  }
0x37: {  	[tilespmem:$0x358] =	vst v0  }
0x38: {  	[tilespmem:$0x368] =	vst v0  }
0x39: {  	[tilespmem:$0x378] =	vst v0  }
0x3a: {  	[tilespmem:$0x388] =	vst v0  }
0x3b: {  	[tilespmem:$0x398] =	vst v0  }
0x3c: {  	[tilespmem:$0x3A8] =	vst v0  }
0x3d: {  	[tilespmem:$0x3B8] =	vst v0  }
0x3e: {  	[tilespmem:$0x3C8] =	vst v0  }
0x3f: {  	[tilespmem:$0x3D8] =	vst v0  }
0x40: {  	[tilespmem:$0x3E8] =	vst v0  }
0x41: {  	[tilespmem:$0x3F8] =	vst v0  }
0x42: {  	[tilespmem:$0x408] =	vst v0  }
0x43: {  	[tilespmem:$0x418] =	vst v0  }
0x44: {  	[tilespmem:$0x428] =	vst v0  }
0x45: {  	[tilespmem:$0x438] =	vst v0  }
0x46: {  	[tilespmem:$0x448] =	vst v0  }
0x47: {  	[tilespmem:$0x458] =	vst v0  }
0x48: {  	[tilespmem:$0x468] =	vst v0  }
0x49: {  	[tilespmem:$0x478] =	vst v0  }
0x4a: {  	[tilespmem:$0x488] =	vst v0  }
0x4b: {  	[tilespmem:$0x498] =	vst v0  }
0x4c: {  	[tilespmem:$0x4A8] =	vst v0  }
0x4d: {  	[tilespmem:$0x4B8] =	vst v0  }
0x4e: {  	[tilespmem:$0x4C8] =	vst v0  }
0x4f: {  	[tilespmem:$0x4D8] =	vst v0  }
0x50: {  	[tilespmem:$0x4E8] =	vst v0  }
0x51: {  	[tilespmem:$0x4F8] =	vst v0  }
0x52: {  	[tilespmem:$0x508] =	vst v0  }
0x53: {  	[tilespmem:$0x518] =	vst v0  }
0x54: {  	[tilespmem:$0x528] =	vst v0  }
0x55: {  	[tilespmem:$0x538] =	vst v0  }
0x56: {  	[tilespmem:$0x548] =	vst v0  }
0x57: {  	[tilespmem:$0x558] =	vst v0  }
0x58: {  	[tilespmem:$0x568] =	vst v0  }
0x59: {  	[tilespmem:$0x578] =	vst v0  }
0x5a: {  	[tilespmem:$0x588] =	vst v0  }
0x5b: {  	[tilespmem:$0x598] =	vst v0  }
0x5c: {  	[tilespmem:$0x5A8] =	vst v0  }
0x5d: {  	[tilespmem:$0x5B8] =	vst v0  }
0x5e: {  	[tilespmem:$0x5C8] =	vst v0  }
0x5f: {  	[tilespmem:$0x5D8] =	vst v0  }
0x60: {  	[tilespmem:$0x5E8] =	vst v0  }
0x61: {  	[tilespmem:$0x5F8] =	vst v0  }
0x62: {  	[tilespmem:$0x608] =	vst v0  }
0x63: {  	[tilespmem:$0x618] =	vst v0  }
0x64: {  	[tilespmem:$0x628] =	vst v0  }
0x65: {  	[tilespmem:$0x638] =	vst v0  }
0x66: {  	[tilespmem:$0x648] =	vst v0  }
0x67: {  	[tilespmem:$0x658] =	vst v0  }
0x68: {  	[tilespmem:$0x668] =	vst v0  }
0x69: {  	[tilespmem:$0x678] =	vst v0  }
0x6a: {  	[tilespmem:$0x688] =	vst v0  }
0x6b: {  	[tilespmem:$0x698] =	vst v0  }
0x6c: {  	[tilespmem:$0x6A8] =	vst v0  }
0x6d: {  	[tilespmem:$0x6B8] =	vst v0  }
0x6e: {  	[tilespmem:$0x6C8] =	vst v0  }
0x6f: {  	[tilespmem:$0x6D8] =	vst v0  }
0x70: {  	[tilespmem:$0x6E8] =	vst v0  }
0x71: {  	[tilespmem:$0x6F8] =	vst v0  }
0x72: {  	[tilespmem:$0x708] =	vst v0  }
0x73: {  	[tilespmem:$0x718] =	vst v0  }
0x74: {  	[tilespmem:$0x728] =	vst v0  }
0x75: {  	[tilespmem:$0x738] =	vst v0  }
0x76: {  	[tilespmem:$0x748] =	vst v0  }
0x77: {  	[tilespmem:$0x758] =	vst v0  }
0x78: {  	[tilespmem:$0x768] =	vst v0  }
0x79: {  	[tilespmem:$0x778] =	vst v0  }
0x7a: {  	[tilespmem:$0x788] =	vst v0  }
0x7b: {  	[tilespmem:$0x798] =	vst v0  }
0x7c: {  	[tilespmem:$0x7A8] =	vst v0  }
0x7d: {  	[tilespmem:$0x7B8] =	vst v0  }
0x7e: {  	[tilespmem:$0x7C8] =	vst v0  }
0x7f: {  	[tilespmem:$0x7D8] =	vst v0  }
0x80: {  	[tilespmem:$0x7E8] =	vst v0  }
0x81: {  	[tilespmem:$0x7F8] =	vst v0  }
0x82: {  	[tilespmem:$0x808] =	vst v0  }
0x83: {  	[tilespmem:$0x818] =	vst v0  }
0x84: {  	[tilespmem:$0x828] =	vst v0  }
0x85: {  	[tilespmem:$0x838] =	vst v0  }
0x86: {  	[tilespmem:$0x848] =	vst v0  }
0x87: {  	[tilespmem:$0x858] =	vst v0  }
0x88: {  	[tilespmem:$0x868] =	vst v0  }
0x89: {  	[tilespmem:$0x878] =	vst v0  }
0x8a: {  	[tilespmem:$0x888] =	vst v0  }
0x8b: {  	[tilespmem:$0x898] =	vst v0  }
0x8c: {  	[tilespmem:$0x8A8] =	vst v0  }
0x8d: {  	[tilespmem:$0x8B8] =	vst v0  }
0x8e: {  	[tilespmem:$0x8C8] =	vst v0  }
0x8f: {  	[tilespmem:$0x8D8] =	vst v0  }
0x90: {  	[tilespmem:$0x8E8] =	vst v0  }
0x91: {  	[tilespmem:$0x8F8] =	vst v0  }
0x92: {  	[tilespmem:$0x908] =	vst v0  }
0x93: {  	[tilespmem:$0x918] =	vst v0  }
0x94: {  	[tilespmem:$0x928] =	vst v0  }
0x95: {  	[tilespmem:$0x938] =	vst v0  }
0x96: {  	[tilespmem:$0x948] =	vst v0  }
0x97: {  	[tilespmem:$0x958] =	vst v0  }
0x98: {  	[tilespmem:$0x968] =	vst v0  }
0x99: {  	[tilespmem:$0x978] =	vst v0  }
0x9a: {  	[tilespmem:$0x988] =	vst v0  }
0x9b: {  	[tilespmem:$0x998] =	vst v0  }
0x9c: {  	[tilespmem:$0x9A8] =	vst v0  }
0x9d: {  	[tilespmem:$0x9B8] =	vst v0  }
0x9e: {  	[tilespmem:$0x9C8] =	vst v0  }
0x9f: {  	[tilespmem:$0x9D8] =	vst v0  }
0xa0: {  	[tilespmem:$0x9E8] =	vst v0  }
0xa1: {  	[tilespmem:$0x9F8] =	vst v0  }
0xa2: {  	[tilespmem:$0xA08] =	vst v0  }
0xa3: {  	[tilespmem:$0xA18] =	vst v0  }
0xa4: {  	[tilespmem:$0xA28] =	vst v0  }
0xa5: {  	[tilespmem:$0xA38] =	vst v0  }
0xa6: {  	[tilespmem:$0xA48] =	vst v0  }
0xa7: {  	[tilespmem:$0xA58] =	vst v0  }
0xa8: {  	[tilespmem:$0xA68] =	vst v0  }
0xa9: {  	[tilespmem:$0xA78] =	vst v0  }
0xaa: {  	[tilespmem:$0xA88] =	vst v0  }
0xab: {  	[tilespmem:$0xA98] =	vst v0  }
0xac: {  	[tilespmem:$0xAA8] =	vst v0  }
0xad: {  	[tilespmem:$0xAB8] =	vst v0  }
0xae: {  	[tilespmem:$0xAC8] =	vst v0  }
0xaf: {  	[tilespmem:$0xAD8] =	vst v0  }
0xb0: {  	[tilespmem:$0xAE8] =	vst v0  }
0xb1: {  	[tilespmem:$0xAF8] =	vst v0  }
0xb2: {  	[tilespmem:$0xB08] =	vst v0  }
0xb3: {  	[tilespmem:$0xB18] =	vst v0  }
0xb4: {  	[tilespmem:$0xB28] =	vst v0  }
0xb5: {  	[tilespmem:$0xB38] =	vst v0  }
0xb6: {  	[tilespmem:$0xB48] =	vst v0  }
0xb7: {  	[tilespmem:$0xB58] =	vst v0  }
0xb8: {  	[tilespmem:$0xB68] =	vst v0  }
0xb9: {  	[tilespmem:$0xB78] =	vst v0  }
0xba: {  	[tilespmem:$0xB88] =	vst v0  }
0xbb: {  	[tilespmem:$0xB98] =	vst v0  }
0xbc: {  	[tilespmem:$0xBA8] =	vst v0  }
0xbd: {  	[tilespmem:$0xBB8] =	vst v0  }
0xbe: {  	[tilespmem:$0xBC8] =	vst v0  }
0xbf: {  	[tilespmem:$0xBD8] =	vst v0  }
0xc0: {  	[tilespmem:$0xBE8] =	vst v0  }
0xc1: {  	[tilespmem:$0xBF8] =	vst v0  }
0xc2: {  	[tilespmem:$0xC08] =	vst v0  }
0xc3: {  	[tilespmem:$0xC18] =	vst v0  }
0xc4: {  	[tilespmem:$0xC28] =	vst v0  }
0xc5: {  	[tilespmem:$0xC38] =	vst v0  }
0xc6: {  	[tilespmem:$0xC48] =	vst v0  }
0xc7: {  	[tilespmem:$0xC58] =	vst v0  }
0xc8: {  	[tilespmem:$0xC68] =	vst v0  }
0xc9: {  	[tilespmem:$0xC78] =	vst v0  }
0xca: {  	[tilespmem:$0xC88] =	vst v0  }
0xcb: {  	[tilespmem:$0xC98] =	vst v0  }
0xcc: {  	[tilespmem:$0xCA8] =	vst v0  }
0xcd: {  	[tilespmem:$0xCB8] =	vst v0  }
0xce: {  	[tilespmem:$0xCC8] =	vst v0  }
0xcf: {  	[tilespmem:$0xCD8] =	vst v0  }
0xd0: {  	[tilespmem:$0xCE8] =	vst v0  }
0xd1: {  	[tilespmem:$0xCF8] =	vst v0  }
0xd2: {  	[tilespmem:$0xD08] =	vst v0  }
0xd3: {  	[tilespmem:$0xD18] =	vst v0  }
0xd4: {  	[tilespmem:$0xD28] =	vst v0  }
0xd5: {  	[tilespmem:$0xD38] =	vst v0  }
0xd6: {  	[tilespmem:$0xD48] =	vst v0  }
0xd7: {  	[tilespmem:$0xD58] =	vst v0  }
0xd8: {  	[tilespmem:$0xD68] =	vst v0  }
0xd9: {  	[tilespmem:$0xD78] =	vst v0  }
0xda: {  	[tilespmem:$0xD88] =	vst v0  }
0xdb: {  	[tilespmem:$0xD98] =	vst v0  }
0xdc: {  	[tilespmem:$0xDA8] =	vst v0  }
0xdd: {  	[tilespmem:$0xDB8] =	vst v0  }
0xde: {  	[tilespmem:$0xDC8] =	vst v0  }
0xdf: {  	[tilespmem:$0xDD8] =	vst v0  }
0xe0: {  	[tilespmem:$0xDE8] =	vst v0  }
0xe1: {  	[tilespmem:$0xDF8] =	vst v0  }
0xe2: {  	[tilespmem:$0xE08] =	vst v0  }
0xe3: {  	[tilespmem:$0xE18] =	vst v0  }
0xe4: {  	[tilespmem:$0xE28] =	vst v0  }
0xe5: {  	[tilespmem:$0xE38] =	vst v0  }
0xe6: {  	[tilespmem:$0xE48] =	vst v0  }
0xe7: {  	[tilespmem:$0xE58] =	vst v0  }
0xe8: {  	[tilespmem:$0xE68] =	vst v0  }
0xe9: {  	[tilespmem:$0xE78] =	vst v0  }
0xea: {  	[tilespmem:$0xE88] =	vst v0  }
0xeb: {  	[tilespmem:$0xE98] =	vst v0  }
0xec: {  	[tilespmem:$0xEA8] =	vst v0  }
0xed: {  	[tilespmem:$0xEB8] =	vst v0  }
0xee: {  	[tilespmem:$0xEC8] =	vst v0  }
0xef: {  	[tilespmem:$0xED8] =	vst v0  }
0xf0: {  	[tilespmem:$0xEE8] =	vst v0  }
0xf1: {  	[tilespmem:$0xEF8] =	vst v0  }
0xf2: {  	[tilespmem:$0xF08] =	vst v0  }
0xf3: {  	[tilespmem:$0xF18] =	vst v0  }
0xf4: {  	[tilespmem:$0xF28] =	vst v0  }
0xf5: {  	[tilespmem:$0xF38] =	vst v0  }
0xf6: {  	[tilespmem:$0xF48] =	vst v0  }
0xf7: {  	[tilespmem:$0xF58] =	vst v0  }
0xf8: {  	[tilespmem:$0xF68] =	vst v0  }
0xf9: {  	[tilespmem:$0xF78] =	vst v0  }
0xfa: {  	[tilespmem:$0xF88] =	vst v0  }
0xfb: {  	[tilespmem:$0xF98] =	vst v0  }
0xfc: {  	[tilespmem:$0xFA8] =	vst v0  }
0xfd: {  	[tilespmem:$0xFB8] =	vst v0  }
0xfe: {  	[tilespmem:$0xFC8] =	vst v0  }
0xff: {  	[tilespmem:$0xFD8] =	vst v0  }
0x100: {  	[tilespmem:$0xFE8] =	vst v0  }
0x101: {  	[tilespmem:$0xFF8] =	vst v0  }
0x102: {  	[tilespmem:$0x1028] =	vst v0  }
0x103: {  	[tilespmem:$0x10E8] =	vst v0  }
0x104: {  	[tilespmem:$0x1048] =	vst v0  }
0x105: {  	[tilespmem:$0x1068] =	vst v0  }
0x106: {  	[tilespmem:$0x1B28] =	vst v0  }
0x107: {  	[tilespmem:$0x1B18] =	vst v0  }
0x108: {  	[tilespmem:$0x1B08] =	vst v0  }
0x109: {  	[tilespmem:$0x1AF8] =	vst v0  }
0x10a: {  	[tilespmem:$0x1AE8] =	vst v0  }
0x10b: {  	[tilespmem:$0x1AD8] =	vst v0  }
0x10c: {  	[tilespmem:$0x1AC8] =	vst v0  }
0x10d: {  	[tilespmem:$0x1AB8] =	vst v0  }
0x10e: {  	[tilespmem:$0x1AA8] =	vst v0  }
0x10f: {  	[tilespmem:$0x1A98] =	vst v0  }
0x110: {  	[tilespmem:$0x1A88] =	vst v0  }
0x111: {  	[tilespmem:$0x1A78] =	vst v0  }
0x112: {  	[tilespmem:$0x1A68] =	vst v0  }
0x113: {  	[tilespmem:$0x1A58] =	vst v0  }
0x114: {  	[tilespmem:$0x1A48] =	vst v0  }
0x115: {  	[tilespmem:$0x1A38] =	vst v0  }
0x116: {  	[tilespmem:$0x1A28] =	vst v0  }
0x117: {  	[tilespmem:$0x1A18] =	vst v0  }
0x118: {  	[tilespmem:$0x1A08] =	vst v0  }
0x119: {  	[tilespmem:$0x19F8] =	vst v0  }
0x11a: {  	[tilespmem:$0x19E8] =	vst v0  }
0x11b: {  	[tilespmem:$0x19D8] =	vst v0  }
0x11c: {  	[tilespmem:$0x19C8] =	vst v0  }
0x11d: {  	[tilespmem:$0x19B8] =	vst v0  }
0x11e: {  	[tilespmem:$0x19A8] =	vst v0  }
0x11f: {  	[tilespmem:$0x1998] =	vst v0  }
0x120: {  	[tilespmem:$0x1988] =	vst v0  }
0x121: {  	[tilespmem:$0x1978] =	vst v0  }
0x122: {  	[tilespmem:$0x1968] =	vst v0  }
0x123: {  	[tilespmem:$0x1958] =	vst v0  }
0x124: {  	[tilespmem:$0x1948] =	vst v0  }
0x125: {  	[tilespmem:$0x1938] =	vst v0  }
0x126: {  	[tilespmem:$0x1928] =	vst v0  }
0x127: {  	[tilespmem:$0x1918] =	vst v0  }
0x128: {  	[tilespmem:$0x1908] =	vst v0  }
0x129: {  	[tilespmem:$0x18F8] =	vst v0  }
0x12a: {  	[tilespmem:$0x18E8] =	vst v0  }
0x12b: {  	[tilespmem:$0x18D8] =	vst v0  }
0x12c: {  	[tilespmem:$0x18C8] =	vst v0  }
0x12d: {  	[tilespmem:$0x18B8] =	vst v0  }
0x12e: {  	[tilespmem:$0x18A8] =	vst v0  }
0x12f: {  	[tilespmem:$0x1898] =	vst v0  }
0x130: {  	[tilespmem:$0x1888] =	vst v0  }
0x131: {  	[tilespmem:$0x1878] =	vst v0  }
0x132: {  	[tilespmem:$0x1868] =	vst v0  }
0x133: {  	[tilespmem:$0x1858] =	vst v0  }
0x134: {  	[tilespmem:$0x1848] =	vst v0  }
0x135: {  	[tilespmem:$0x1838] =	vst v0  }
0x136: {  	[tilespmem:$0x1828] =	vst v0  }
0x137: {  	[tilespmem:$0x1818] =	vst v0  }
0x138: {  	[tilespmem:$0x1808] =	vst v0  }
0x139: {  	[tilespmem:$0x17F8] =	vst v0  }
0x13a: {  	[tilespmem:$0x17E8] =	vst v0  }
0x13b: {  	[tilespmem:$0x17D8] =	vst v0  }
0x13c: {  	[tilespmem:$0x17C8] =	vst v0  }
0x13d: {  	[tilespmem:$0x17B8] =	vst v0  }
0x13e: {  	[tilespmem:$0x17A8] =	vst v0  }
0x13f: {  	[tilespmem:$0x1798] =	vst v0  }
0x140: {  	[tilespmem:$0x1788] =	vst v0  }
0x141: {  	[tilespmem:$0x1778] =	vst v0  }
0x142: {  	[tilespmem:$0x1768] =	vst v0  }
0x143: {  	[tilespmem:$0x1758] =	vst v0  }
0x144: {  	[tilespmem:$0x1748] =	vst v0  }
0x145: {  	[tilespmem:$0x1738] =	vst v0  }
0x146: {  	[tilespmem:$0x1728] =	vst v0  }
0x147: {  	[tilespmem:$0x1718] =	vst v0  }
0x148: {  	[tilespmem:$0x1708] =	vst v0  }
0x149: {  	[tilespmem:$0x16F8] =	vst v0  }
0x14a: {  	[tilespmem:$0x16E8] =	vst v0  }
0x14b: {  	[tilespmem:$0x16D8] =	vst v0  }
0x14c: {  	[tilespmem:$0x16C8] =	vst v0  }
0x14d: {  	[tilespmem:$0x16B8] =	vst v0  }
0x14e: {  	[tilespmem:$0x16A8] =	vst v0  }
0x14f: {  	[tilespmem:$0x1698] =	vst v0  }
0x150: {  	[tilespmem:$0x1688] =	vst v0  }
0x151: {  	[tilespmem:$0x1678] =	vst v0  }
0x152: {  	[tilespmem:$0x1668] =	vst v0  }
0x153: {  	[tilespmem:$0x1658] =	vst v0  }
0x154: {  	[tilespmem:$0x1648] =	vst v0  }
0x155: {  	[tilespmem:$0x1638] =	vst v0  }
0x156: {  	[tilespmem:$0x1628] =	vst v0  }
0x157: {  	[tilespmem:$0x1618] =	vst v0  }
0x158: {  	[tilespmem:$0x1608] =	vst v0  }
0x159: {  	[tilespmem:$0x15F8] =	vst v0  }
0x15a: {  	[tilespmem:$0x15E8] =	vst v0  }
0x15b: {  	[tilespmem:$0x15D8] =	vst v0  }
0x15c: {  	[tilespmem:$0x15C8] =	vst v0  }
0x15d: {  	[tilespmem:$0x15B8] =	vst v0  }
0x15e: {  	[tilespmem:$0x15A8] =	vst v0  }
0x15f: {  	[tilespmem:$0x1598] =	vst v0  }
0x160: {  	[tilespmem:$0x1588] =	vst v0  }
0x161: {  	[tilespmem:$0x1578] =	vst v0  }
0x162: {  	[tilespmem:$0x1568] =	vst v0  }
0x163: {  	[tilespmem:$0x1558] =	vst v0  }
0x164: {  	[tilespmem:$0x1548] =	vst v0  }
0x165: {  	[tilespmem:$0x1538] =	vst v0  }
0x166: {  	[tilespmem:$0x1528] =	vst v0  }
0x167: {  	[tilespmem:$0x1518] =	vst v0  }
0x168: {  	[tilespmem:$0x1508] =	vst v0  }
0x169: {  	[tilespmem:$0x14F8] =	vst v0  }
0x16a: {  	[tilespmem:$0x14E8] =	vst v0  }
0x16b: {  	[tilespmem:$0x14D8] =	vst v0  }
0x16c: {  	[tilespmem:$0x14C8] =	vst v0  }
0x16d: {  	[tilespmem:$0x14B8] =	vst v0  }
0x16e: {  	[tilespmem:$0x14A8] =	vst v0  }
0x16f: {  	[tilespmem:$0x1498] =	vst v0  }
0x170: {  	[tilespmem:$0x1488] =	vst v0  }
0x171: {  	[tilespmem:$0x1478] =	vst v0  }
0x172: {  	[tilespmem:$0x1468] =	vst v0  }
0x173: {  	[tilespmem:$0x1458] =	vst v0  }
0x174: {  	[tilespmem:$0x1448] =	vst v0  }
0x175: {  	[tilespmem:$0x1438] =	vst v0  }
0x176: {  	[tilespmem:$0x1428] =	vst v0  }
0x177: {  	[tilespmem:$0x1418] =	vst v0  }
0x178: {  	[tilespmem:$0x1408] =	vst v0  }
0x179: {  	[tilespmem:$0x13F8] =	vst v0  }
0x17a: {  	[tilespmem:$0x13E8] =	vst v0  }
0x17b: {  	[tilespmem:$0x13D8] =	vst v0  }
0x17c: {  	[tilespmem:$0x13C8] =	vst v0  }
0x17d: {  	[tilespmem:$0x13B8] =	vst v0  }
0x17e: {  	[tilespmem:$0x13A8] =	vst v0  }
0x17f: {  	[tilespmem:$0x1398] =	vst v0  }
0x180: {  	[tilespmem:$0x1388] =	vst v0  }
0x181: {  	[tilespmem:$0x1378] =	vst v0  }
0x182: {  	[tilespmem:$0x1368] =	vst v0  }
0x183: {  	[tilespmem:$0x1358] =	vst v0  }
0x184: {  	[tilespmem:$0x1348] =	vst v0  }
0x185: {  	[tilespmem:$0x1338] =	vst v0  }
0x186: {  	[tilespmem:$0x1328] =	vst v0  }
0x187: {  	[tilespmem:$0x1318] =	vst v0  }
0x188: {  	[tilespmem:$0x1308] =	vst v0  }
0x189: {  	[tilespmem:$0x12F8] =	vst v0  }
0x18a: {  	[tilespmem:$0x12E8] =	vst v0  }
0x18b: {  	[tilespmem:$0x12D8] =	vst v0  }
0x18c: {  	[tilespmem:$0x12C8] =	vst v0  }
0x18d: {  	[tilespmem:$0x12B8] =	vst v0  }
0x18e: {  	[tilespmem:$0x12A8] =	vst v0  }
0x18f: {  	[tilespmem:$0x1298] =	vst v0  }
0x190: {  	[tilespmem:$0x1288] =	vst v0  }
0x191: {  	[tilespmem:$0x1278] =	vst v0  }
0x192: {  	[tilespmem:$0x1268] =	vst v0  }
0x193: {  	[tilespmem:$0x1258] =	vst v0  }
0x194: {  	[tilespmem:$0x1248] =	vst v0  }
0x195: {  	[tilespmem:$0x1238] =	vst v0  }
0x196: {  	[tilespmem:$0x1228] =	vst v0  }
0x197: {  	[tilespmem:$0x1218] =	vst v0  }
0x198: {  	[tilespmem:$0x1208] =	vst v0  }
0x199: {  	[tilespmem:$0x11F8] =	vst v0  }
0x19a: {  	[tilespmem:$0x11E8] =	vst v0  }
0x19b: {  	[tilespmem:$0x11D8] =	vst v0  }
0x19c: {  	[tilespmem:$0x11C8] =	vst v0  }
0x19d: {  	[tilespmem:$0x11B8] =	vst v0  }
0x19e: {  	[tilespmem:$0x11A8] =	vst v0  }
0x19f: {  	[tilespmem:$0x1198] =	vst v0  }
0x1a0: {  	[tilespmem:$0x1188] =	vst v0  }
0x1a1: {  	[tilespmem:$0x1178] =	vst v0  }
0x1a2: {  	[tilespmem:$0x1168] =	vst v0  }
0x1a3: {  	[tilespmem:$0x1158] =	vst v0  }
0x1a4: {  	[tilespmem:$0x1148] =	vst v0  }
0x1a5: {  	[tilespmem:$0x1138] =	vst v0  }
0x1a6: {  	s4 =	stileid.u32;
	[tilespmem:$0x1128] =	vst v0  }
0x1a7: {  	s0 =	smul.u32 $0xE7, s4;
	[tilespmem:$0x1118] =	vst v0  }
0x1a8: {  	s1 =	smin.u32 s4, $0x8;
	[tilespmem:$0x1108] =	vst v0  }
0x1a9: {  	[tilespmem:$0x10F8] =	vst v0;
	s0 =	sadd.s32 s1, s0  }
0x1aa: {  	p0 =	slt.u32 s4, $0x8;
	[tilespmem:$0x10C8] =	vst v0;
	s1 =	simm.s32 $0x18780;
	s6 =	smul.u32 $0x1B0, s0  }
0x1ab: {  	s1 =	simm.s32 @!p0 $0x185D0;
	[tilespmem:$0x10D8] =	vst v0  }
0x1ac: {  	[tilespmem:$0x10B8] =	vst v0;
	s0 =	sadd.s32 s1, s6  }
0x1ad: {  	s3 =	simm.s32 $0x2;
	[tilespmem:$0x1038] =	vst v0;
	s7 =	smin.u32 s0, $0x186A00  }
0x1ae: {  	s8 =	simm.s32 $0x9;
	s10 =	simm.s32 $0xA;
	[tilespmem:$0x10A8] =	vst v0;
	s0 =	ssub.s32 s7, s6  }
0x1af: {  	s30 =	simm.s32 $0xB;
	s16 =	simm.s32 $0x0;
	[tilespmem:$0x1098] =	vst v0;
	p0 =	sgt.s32 s0, $0x0  }
0x1b0: {  	p4 =	por $0x0, $0x0;
	s17 =	simm.s32 $0xC;
	[tilespmem:$0x1088] =	vst v0;
	s0 =	simm.s32 @!p0 $0x0  }
0x1b1: {  	s21 =	simm.s32 $0x0;
	s18 =	simm.s32 $0x0;
	[tilespmem:$0x1078] =	vst v0;
	s29 =	smulhi.u32 $0x4BDA12F7, s0  }
0x1b2: {  	s20 =	simm.s32 $0x0;
	s2 =	sand.u32 $0x1, s2;
	s31 =	sshll.u32 s4, $0x5;
	[tilespmem:$0x1058] =	vst v0  }
0x1b3: {  	[dreg:$0x5] =	wrdreg s2;
	s2 =	smul.u32 $0x30D40, s2;
	[tilespmem:$0x1018] =	vst v0;
	s1 =	sshrl.u32 s29, $0x7  }
0x1b4: {  	[tilespmem:$0x1008] =	vst v0;
	[sflag:s3] =	ssyncpa.u1 $0x0;
	v0 =	vimm.s32 $0xFFFFFFFF;
	s3 =	sadd.s32 $0x65B8800, s11;
	s5 =	smul.u32 $0x1B0, s1  }
.Ltmp0:
0x1b5: {  	[dreg:$0x4] =	wrdreg s31;
	[tilespmem:$0x3648] =	vst v0;
	[sflag:s8] =	ssyncpa.u1 $0x0;
	(pc) =	sbr.rel .LBB2_1-.Ltmp0, $4  }
0x1b6: {  	s2 =	sadd.s32 s2, s11;
	[sflag:s10] =	ssyncpa.u1 $0x0;
	p0 =	sne.s32 s0, s5  }
0x1b7: {  	s11 =	sadd.s32 $0x34E4800, s11;
	[sflag:s30] =	ssyncpa.u1 $0x0;
	s12 =	simm.s32 @!p0 $0x0  }
0x1b8: {  	s13 =	sadd.s32 $0x2D2C00, s2;
	s14 =	sadd.s32 $0x271000, s2;
	s12 =	sadd.s32 s12, s1  }
0x1b9: {  	v0 =	vlaneseq.u32;
	s19 =	smov.u32 s6;
	p0 =	por $0x1, $0x1;
	s15 =	sadd.s32 $0x1, s12  }
.LBB2_18:
0x1ba: {  	s0 =	simm.s32 $0x2  }
0x1bb: {  	_ =	swait.ge [sflag:s0], $0x0  }
0x1bc: {  	[sflag:s0] =	ssyncset.done $0x0;
	s0 =	simm.s32 $0x0  }
.LBB2_19:
0x1bd: {  	_ =	swait.ge [sflag:s17], s0  }
0x1be: {  	s31 =	ssub.s32 $0x0, s0;
	v1 =	vmov s23;
	vm0 =	veq.s32 v0, $0x0;
	[sflag:s17] =	ssyncset.done $0x0  }
0x1bf: {  	vm15 =	veq.s32 v0, $0x2;
	v1 =	vsel vm0, s28, v1;
	[sflag:s17] =	ssyncadd.s32 s31  }
0x1c0: {  	v1 =	vsel vm15, s21, v1;
	[sflag:s17] =	ssyncpa.u1 $0x1  }
0x1c1: {  	[tilespmem:$0x3648] =	vst v1  }
.LBB2_20:
0x1c2: {  	s0 =	sadd.s32 $0x1B0, s19  }
0x1c3: {  	s1 =	smov.u32 s6;
	p1 =	slt.s32 s0, s7  }
0x1c4: {  	s1 =	smov.u32 @p1 s0;
	p1 =	sne.s32 s20, s15  }
.Ltmp1:
0x1c5: {  	_ = 	snop;
	(pc) =	sbr.rel @!p1 .LBB2_21-.Ltmp1, $4  }
0x1c6: {  	_ = 	snop  }
0x1c7: {  	s21 =	smov.u32 s18  }
0x1c8: {  	s31 =	sadd.s32 $0x1, s20;
	s18 =	smov.u32 s19;
	p0 =	por !p0, !p0  }
0x1c9: {  	p4 =	por !p4, !p4;
	s20 =	smov.u32 s31;
	s19 =	smov.u32 s1  }
.LBB2_1:
0x1ca: {  	p2 =	sge.u32 s20, s12  }
0x1cb: {  	s0 =	smulhi.u32 @!p2 $0xAAAAAAAB, s20  }
0x1cc: {  	s1 =	smov.u32 s19;
	p3 =	sgt.s32 @!p2 s19, $0x186850  }
0x1cd: {  	s2 =	sshra.s32 @!p2 s19, $0x1F;
	p3 =	por !p3, p2;
	s0 =	sshrl.u32 @!p2 s0, $0x1  }
0x1ce: {  	s2 =	sand.u32 @!p2 s2, s19;
	s1 =	simm.s32 @p3 $0x186850;
	s0 =	smul.u32 @!p2 $0x3, s0  }
0x1cf: {  	s1 =	ssub.s32 @!p2 s1, s2  }
0x1d0: {  	s23 =	sadd.s32 $0xFFFFFFFF, s20;
	s1 =	sadd.s32 @!p2 $0xFFE797B0, s1;
	s0 =	ssub.s32 @!p2 s20, s0  }
0x1d1: {  	s2 =	sshll.u32 @!p2 s1, $0x2;
	p3 =	sgt.s32 @!p2 s1, $0x1AF;
	s0 =	smul.u32 @!p2 $0x6C0, s0  }
0x1d2: {  	s5 =	sand.u32 @!p2 $0x7, s19;
	s1 =	ssub.s32 @!p2 $0x6C0, s2;
	p3 =	por !p3, p2  }
0x1d3: {  	s2 =	sshrl.u32 @!p2 s19, $0x3;
	s1 =	sshrl.u32 @!p2 s1, $0x2;
	s0 =	sshrl.u32 @!p2 s0, $0x2  }
0x1d4: {  	s2 =	sadd.s32 @!p2 s2, s13;
	s1 =	simm.s32 @!p3 $0x0;
	s0 =	sadd.s32 @!p2 $0x3888, s0  }
0x1d5: {  	[tilespmem:s0], [sflag:$0xA] =	stream.linear.gather @!p2 [hbm4b:s2+s5], s1, $0x38;
	[tilespmem:$0x1F0F8] =	vst v63  }
0x1d6: {  	p2 =	sge.u32 s23, s12  }
0x1d7: {  	p3 =	sgt.s32 @!p2 s18, $0x186850  }
0x1d8: {  	s0 =	smov.u32 s18;
	s1 =	sshra.s32 @!p2 s18, $0x1F;
	p3 =	por !p3, p2  }
0x1d9: {  	s1 =	sand.u32 @!p2 s1, s18;
	s0 =	simm.s32 @p3 $0x186850  }
0x1da: {  	s0 =	ssub.s32 @!p2 s0, s1  }
0x1db: {  	s0 =	sadd.s32 @!p2 $0xFFE797B0, s0  }
0x1dc: {  	s1 =	sshll.u32 @!p2 s0, $0x2  }
0x1dd: {  	p3 =	sgt.s32 @!p2 s0, $0x1AF;
	s0 =	ssub.s32 @!p2 $0x6C0, s1  }
0x1de: {  	s22 =	ssub.s32 @!p2 $0x186A00, s18;
	p3 =	por !p3, p2;
	s0 =	sshrl.u32 @!p2 s0, $0x2  }
0x1df: {  	s1 =	sand.u32 @!p2 $0x1, s23;
	s0 =	simm.s32 @!p3 $0x0;
	p3 =	slt.s32 @!p2 s22, $0x1  }
0x1e0: {  	s2 =	simm.s32 @!p2 $0xA;
	s1 =	smul.u32 @!p2 $0x6C0, s1;
	p3 =	por p2, p3  }
.Ltmp2:
0x1e1: {  	_ =	swait.ge @!p2 [sflag:s2], s0;
	(pc) =	sbr.rel @p3 .LBB2_7-.Ltmp2, $4  }
0x1e2: {  	s5 =	ssub.s32 @!p2 $0x0, s0;
	[sflag:s2] =	ssyncset.done @!p2 $0x0  }
0x1e3: {  	s1 =	sshrl.u32 @!p2 s1, $0x2;
	[sflag:s2] =	ssyncadd.s32 @!p2 s5;
	s2 =	sshrl.u32 @!p2 s18, $0x3  }
0x1e4: {  	s1 =	sadd.s32 @!p2 $0x3D98, s1;
	s5 =	sand.u32 @!p2 $0x7, s18;
	s2 =	sadd.s32 @!p2 s2, s14  }
0x1e5: {  	[tilespmem:s1], [sflag:$0xB] =	stream.linear.gather @!p2 [hbm4b:s2+s5], s0, $0x38;
	[tilespmem:$0x1F0F8] =	vst v63  }
0x1e6: {  	s0 =	smulhi.u32 $0xAAAAAAAB, s23;
	_ =	sdelay $0x1  }
0x1e7: {  	s0 =	sshrl.u32 s0, $0x1  }
0x1e8: {  	s0 =	smul.u32 $0x3, s0;
	_ =	sdelay $0x1  }
0x1e9: {  	s0 =	ssub.s32 s23, s0  }
0x1ea: {  	s1 =	simm.s32 $0x1;
	s0 =	smul.u32 $0x6C0, s0  }
.Ltmp3:
0x1eb: {  	s1 =	simm.s32 @!p0 $0x0;
	(pc) =	sbr.rel .LBB2_4-.Ltmp3, $4  }
0x1ec: {  	s1 =	smul.u32 $0x36000, s1  }
0x1ed: {  	p3 =	slt.s32 @!p2 s22, $0x1B0;
	s0 =	sshrl.u32 s0, $0x2  }
0x1ee: {  	p2 =	por !p3, p2;
	s1 =	sshrl.u32 s1, $0x2;
	s0 =	sadd.s32 $0x3888, s0  }
0x1ef: {  	s24 =	simm.s32 $0x0;
	s22 =	simm.s32 @p2 $0x1B0;
	s23 =	sadd.s32 $0x40F8, s1;
	v1 =	vmov s0  }
.LBB2_3:
0x1f0: {  	p2 =	sge.s32 s24, s22  }
.Ltmp4:
0x1f1: {  	_ = 	snop;
	(pc) =	sbr.rel @p2 .LBB2_7-.Ltmp4, $2  }
0x1f2: {  	_ =	sdelay $0x2  }
0x1f3: {  	s23 =	sadd.s32 $0x800, s23  }
.LBB2_4:
0x1f4: {  	p2 =	sle.s32 s22, s24  }
.Ltmp5:
0x1f5: {  	_ = 	snop;
	(pc) =	sbr.rel @p2 .LBB2_3-.Ltmp5, $2  }
0x1f6: {  	_ =	sdelay $0x2  }
0x1f7: {  	s0 =	smov.u32 s24;
	s24 =	sadd.s32 $0x10, s24  }
0x1f8: {  	s1 =	ssub.s32 s22, s0  }
0x1f9: {  	p2 =	slt.s32 s1, $0x10  }
0x1fa: {  	s1 =	simm.s32 @!p2 $0x10  }
0x1fb: {  	v2 =	vmov s1  }
0x1fc: {  	vm0 =	vgt.s32 v2, v0;
	_ =	sdelay $0x5  }
0x1fd: {  	v2 =	vld.idx.msk [tilespmem:v1+s0+$0x0 ss:$0x1], vm0;
	_ =	sdelay $0x2  }
0x1fe: {  	p2 =	slt.s32 s24, s22;
	s1 =	smov.u32 s22  }
0x1ff: {  	s2 =	smov.u32 s23;
	s25 =	simm.s32 $0x0;
	s1 =	smov.u32 @p2 s24  }
.LBB2_6:
0x200: {  	(v2sf) =	vpush v2, s25;
	_ =	sdelay $0xc  }
0x201: {  	s25 =	sadd.s32 $0x1, s25  }
0x202: {  	s31 =	sadd.s32 s25, s0  }
0x203: {  	p2 =	slt.s32 s31, s1;
	s5 =	spop (v2sf)  }
.Ltmp6:
0x204: {  	s5 =	sshll.u32 s5, $0x4;
	(pc) =	sbr.rel @p2 .LBB2_6-.Ltmp6, $4  }
0x205: {  	s5 =	sand.u32 $0x1FFFFFF0, s5  }
0x206: {  	s5 =	sadd.s32 s11, s5  }
0x207: {  	[tilespmem:s2], [sflag:$0x9] =	stream.linear.gather [hbm4b:s5+s16], $0x10, $0x38;
	[tilespmem:$0x1F0F8] =	vst v63  }
0x208: {  	s2 =	sadd.s32 $0x80, s2  }
.Ltmp7:
0x209: {  	_ = 	snop;
	(pc) =	sbr.rel .LBB2_3-.Ltmp7, $1  }
0x20a: {  	_ =	sdelay $0x3  }
.LBB2_7:
0x20b: {  	p2 =	slt.u32 s20, $0x2  }
.Ltmp8:
0x20c: {  	_ = 	snop;
	(pc) =	sbr.rel @p2 .LBB2_20-.Ltmp8, $1  }
0x20d: {  	_ =	sdelay $0x3  }
0x20e: {  	p2 =	sgt.s32 s21, $0x186850  }
0x20f: {  	s0 =	smov.u32 s21;
	s1 =	sshra.s32 s21, $0x1F;
	s2 =	ssub.s32 $0x186A00, s21  }
0x210: {  	s0 =	simm.s32 @!p2 $0x186850;
	s1 =	sand.u32 s1, s21;
	p2 =	slt.s32 s2, $0x1B0  }
0x211: {  	s0 =	ssub.s32 s0, s1;
	s2 =	simm.s32 @!p2 $0x1B0  }
0x212: {  	s0 =	sadd.s32 $0xFFE797B0, s0;
	s24 =	sshll.u32 s2, $0x4  }
0x213: {  	s28 =	simm.s32 $0x9;
	s25 =	sshll.u32 s0, $0x2;
	s1 =	sand.u32 $0x3FFFFFF0, s24  }
0x214: {  	p2 =	sgt.s32 s0, $0x1AF;
	s26 =	ssub.s32 $0x6C0, s25;
	_ =	swait.ge [sflag:s28], s1  }
0x215: {  	s1 =	ssub.s32 $0x0, s1;
	[sflag:s28] =	ssyncset.done $0x0;
	s0 =	sshrl.u32 s26, $0x2  }
0x216: {  	s30 =	simm.s32 $0xB;
	[sflag:s28] =	ssyncadd.s32 s1;
	s0 =	simm.s32 @p2 $0x0  }
0x217: {  	_ =	swait.ge [sflag:s30], s0  }
0x218: {  	s0 =	ssub.s32 $0x0, s0;
	[sflag:s30] =	ssyncset.done $0x0  }
0x219: {  	[sflag:s30] =	ssyncadd.s32 s0  }
0x21a: {  	v1 =	vld [tilespmem:$0x3648];
	_ =	sdelay $0x4  }
0x21b: {  	(v2sf) =	vpush v1, $0x0  }
0x21c: {  	(v2sf) =	vpush v1, $0x1  }
0x21d: {  	(v2sf) =	vpush v1, $0x2;
	_ =	sdelay $0x3  }
0x21e: {  	s0 =	sadd.s32 $0x1B0, s21  }
0x21f: {  	s1 =	ssub.s32 $0x30D400, s21;
	p2 =	slt.s32 s7, s0  }
0x220: {  	s0 =	smov.u32 @p2 s7;
	p2 =	sgt.s32 s1, $0x0  }
0x221: {  	s25 =	ssub.s32 s0, s21;
	s1 =	simm.s32 @!p2 $0x0  }
0x222: {  	p2 =	slt.s32 s1, s25  }
0x223: {  	s25 =	smov.u32 @p2 s1  }
0x224: {  	s24 =	simm.s32 $0x1;
	p2 =	slt.s32 s25, $0x1  }
.Ltmp9:
0x225: {  	s24 =	simm.s32 @!p4 $0x0;
	(pc) =	sbr.rel @p2 .LBB2_12-.Ltmp9, $4  }
0x226: {  	s31 =	smul.u32 $0x6C0, s24  }
0x227: {  	s26 =	spop (v2sf)  }
0x228: {  	s0 =	sshrl.u32 s31, $0x2;
	s29 =	spop (v2sf)  }
0x229: {  	s22 =	sadd.s32 $0x3D98, s0;
	s21 =	spop (v2sf)  }
0x22a: {  	s0 =	smin.u32 s25, $0x10  }
0x22b: {  	v1 =	vmov s0  }
0x22c: {  	p3 =	sgt.s32 s25, $0x10;
	vm1 =	vgt.u32 v1, v0  }
.Ltmp10:
0x22d: {  	_ = 	snop;
	(pc) =	sbr.rel @!p3 .LBB2_11-.Ltmp10, $2  }
0x22e: {  	_ =	sdelay $0x2  }
0x22f: {  	s23 =	simm.s32 $0x10;
	s28 =	sadd.s32 $0xFFFFFFF0, s25;
	s0 =	smov.u32 s22;
	vm0 =	vmmov vm1  }
.LBB2_10:
0x230: {  	s1 =	smin.u32 s28, $0x10;
	s23 =	sadd.s32 $0x10, s23;
	v1 =	vld.msk [tilespmem:s0+$0x0 ss:$0x1], vm1  }
0x231: {  	v2 =	vmov s1;
	p3 =	slt.s32 s23, s25  }
0x232: {  	vm1 =	vgt.u32 v2, v0  }
.Ltmp11:
0x233: {  	(pc) =	sbr.rel @p3 .LBB2_10-.Ltmp11, $3  }
0x234: {  	_ =	sdelay $0x1  }
0x235: {  	v1 =	vshll.u32 v1, $0x4  }
0x236: {  	s28 =	sadd.s32 $0xFFFFFFF0, s28;
	[tilespmem:s0+$0x0] =	vst.msk vm0, v1;
	s0 =	sadd.s32 $0x10, s0;
	vm0 =	vmmov vm1  }
.LBB2_11:
0x237: {  	_ =	sdelay $0x4  }
0x238: {  	v1 =	vld.msk [tilespmem:s0+$0x0 ss:$0x1], vm1;
	_ =	sdelay $0x4  }
0x239: {  	v1 =	vshll.u32 v1, $0x4  }
0x23a: {  	[tilespmem:s0+$0x0] =	vst.msk vm0, v1  }
.LBB2_12:
0x23b: {  	s0 =	sand.u32 $0x1, s20  }
0x23c: {  	s1 =	smul.u32 $0x1B0, s0  }
0x23d: {  	p3 =	sne.s32 s29, $0xFFFFFFFF  }
0x23e: {  	v1 =	vld.msk @!p3 [tilespmem:s1+$0x3D98], $0x1;
	_ =	sdelay $0x4  }
0x23f: {  	(v2sf) =	vpush @!p3 v1, $0x0;
	_ =	sdelay $0x9  }
0x240: {  	s0 =	smul.u32 $0xD800, s0;
	_ =	sdelay $0x1  }
0x241: {  	v1 =	vld @!p3 [tilespmem:s0+$0x40F8]  }
.Ltmp12:
0x242: {  	_ = 	snop;
	(pc) =	sbr.rel @p2 .LBB2_18-.Ltmp12, $4  }
0x243: {  	_ = 	snop  }
0x244: {  	s28 =	spop @!p3 (v2sf)  }
0x245: {  	s21 =	simm.s32 @!p3 $0x0;
	s23 =	smov.u32 s28  }
0x246: {  	[tilespmem:$0x28] =	vst @!p3 v1;
	[sflag:s17] =	ssyncpa.u1 $0x0;
	s28 =	smov.u32 @p3 s26;
	s23 =	smov.u32 @p3 s29  }
0x247: {  	v1 =	vld.msk [tilespmem:s22+$0x0], $0x1;
	_ =	sdelay $0x4  }
0x248: {  	(v2sf) =	vpush v1, $0x0;
	_ =	sdelay $0xe  }
0x249: {  	s0 =	simm.s32 @!p4 $0x0;
	s26 =	smul.u32 $0x36000, s24;
	s31 =	spop (v2sf)  }
0x24a: {  	s29 =	ssub.s32 $0x0, s25;
	s0 =	simm.s32 @p4 $0x1;
	p2 =	seq.s32 s28, s31  }
0x24b: {  	s1 =	smov.u32 s28;
	[smem:$0x7FD] =	sst s0;
	p3 =	sgt.s32 @!p2 s28, $0x0  }
0x24c: {  	s0 =	sshrl.u32 s26, $0x2;
	s26 =	sadd.s32 $0x1, s29;
	p3 =	por !p3, p2  }
0x24d: {  	s1 =	simm.s32 @p3 $0x0;
	p3 =	seq.s32 s26, $0x0  }
.Ltmp13:
0x24e: {  	_ = 	snop;
	(pc) =	sbr.rel @p3 .LBB2_15-.Ltmp13, $4  }
0x24f: {  	s25 =	simm.s32 $0x0  }
0x250: {  	s24 =	sadd.s32 $0x40F8, s0;
	s0 =	simm.s32 @!p2 $0x1;
	s2 =	smin.u32 @!p2 s1, $0x1869FE  }
0x251: {  	s30 =	sadd.s32 $0x1, s22;
	s0 =	smov.u32 @p2 s25;
	s5 =	sand.u32 @!p2 $0x1FFFF8, s2  }
0x252: {  	s1 =	simm.s32 @!p2 $0x1B38;
	s2 =	sand.u32 @!p2 $0x7, s2;
	s5 =	sadd.s32 @!p2 s3, s5  }
.LBB2_14:
0x253: {  	s4 =	smov.u32 s0  }
0x254: {  	[tilespmem:s1], [sflag:$0x2] =	stream.linear.gather @!p2 [hbm4b:s5+s2], $0x10, $0x38;
	[tilespmem:$0x1F0F8] =	vst v63  }
0x255: {  	s26 =	sadd.s32 $0x1, s26;
	s2 =	smov.u32 s31;
	v1 =	vld.msk [tilespmem:s30+$0x0], $0x1  }
0x256: {  	p3 =	seq.s32 s26, $0x0;
	_ =	sdelay $0x3  }
0x257: {  	(v2sf) =	vpush v1, $0x0;
	_ =	sdelay $0xe  }
0x258: {  	s31 =	spop (v2sf)  }
0x259: {  	p2 =	seq.s32 s2, s31  }
0x25a: {  	p4 =	sgt.s32 @!p2 s2, $0x0;
	s1 =	sshll.u32 @!p2 s0, $0x6;
	s0 =	sadd.s32 @!p2 $0x1, s0  }
.Ltmp14:
0x25b: {  	p4 =	por !p4, p2;
	s1 =	sshra.s32 @!p2 s1, $0x2;
	(pc) =	sbr.rel @!p3 .LBB2_14-.Ltmp14, $4  }
0x25c: {  	s0 =	smov.u32 @p2 s4;
	s2 =	simm.s32 @p4 $0x0;
	s1 =	sadd.s32 @!p2 $0x1B38, s1  }
0x25d: {  	s2 =	smin.u32 @!p2 s2, $0x1869FE  }
0x25e: {  	s4 =	sand.u32 @!p2 $0x1FFFF8, s2;
	s2 =	sand.u32 @!p2 $0x7, s2  }
0x25f: {  	s30 =	sadd.s32 $0x1, s30;
	s5 =	sadd.s32 @!p2 s3, s4  }
.LBB2_15:
0x260: {  	[tilespmem:s1], [sflag:$0x2] =	stream.linear.gather @!p2 [hbm4b:s5+s2], $0x10, $0x38;
	[tilespmem:$0x1F0F8] =	vst v63  }
0x261: {  	s0 =	sshll.u32 s0, $0x4  }
0x262: {  	s31 =	simm.s32 $0x2;
	s0 =	sand.u32 $0x3FFFFFF0, s0  }
0x263: {  	_ =	swait.ge [sflag:s31], s0  }
0x264: {  	s0 =	ssub.s32 $0x0, s0;
	[sflag:s31] =	ssyncset.done $0x0  }
0x265: {  	[sflag:s31] =	ssyncadd.s32 s0  }
0x266: {  	v1 =	vld.msk [tilespmem:s22+$0x0], $0x1;
	_ =	sdelay $0x4  }
0x267: {  	(v2sf) =	vpush v1, $0x0;
	_ =	sdelay $0xe  }
0x268: {  	s26 =	spop (v2sf)  }
0x269: {  	p2 =	sne.s32 s28, s26  }
0x26a: {  	p4 =	sne.s32 @p2 s28, s23  }
0x26b: {  	p3 =	por !p4, !p2  }
0x26c: {  	s0 =	sshll.u32 @!p3 s21, $0x6;
	s1 =	simm.s32 @!p3 $0x0  }
0x26d: {  	s0 =	sshra.s32 @!p3 s0, $0x2;
	v1 =	vld @!p3 [tilespmem:s1+$0x1B38]  }
0x26e: {  	v2 =	vld @!p3 [tilespmem:s0+$0x28];
	_ =	sdelay $0x1  }
0x26f: {  	p5 =	sgt.u32 @!p3 s28, $0x1869FE  }
0x270: {  	p6 =	por @p2 p5, !p4  }
0x271: {  	p1 =	por p6, !p2;
	p6 =	por p4, !p2  }
0x272: {  	s2 =	sadd.s32 @!p3 $0x28, s0;
	s1 =	sand.u32 @!p1 $0x1FFFF8, s28;
	s4 =	sshll.u32 @!p6 s21, $0x6;
	v1 =	vmax.f32 @!p3 v1, v2  }
0x273: {  	s28 =	sand.u32 @!p1 $0x7, s28;
	s1 =	sadd.s32 @!p1 s3, s1;
	[tilespmem:s0+$0x28] =	vst @!p3 v1;
	s0 =	sshra.s32 @!p6 s4, $0x2  }
0x274: {  	[hbm4b:s1+s28] =	stream.linear.scatter @!p1 [tilespmem:s2], [sflag:$0xC], $0x10, $0x38;
	[tilespmem:$0x1F0F8] =	vst v63  }
0x275: {  	s5 =	rddreg [dreg:$0x4];
	s0 =	sadd.s32 @!p6 $0x28, s0;
	s1 =	simm.s32 @!p6 $0x1  }
0x276: {  	[spmem:s5] =	stream.linear.scatter @!p6 [tilespmem:s0], [sflag:$0x1], $0x10, $0x38;
	[tilespmem:$0x1F0F8] =	vst v63  }
0x277: {  	s0 =	sadd.s32 @p2 $0x1, s21;
	_ =	swait.ge @!p6 [sflag:s1], $0x10  }
0x278: {  	s2 =	sshrl.u32 @p2 s0, $0x4;
	[sflag:s1] =	ssyncset.done @!p6 $0x0  }
0x279: {  	s2 =	smulhi.u32 @p2 $0x97B425F, s2;
	[sflag:s1] =	ssyncadd.s32 @!p6 $0xFFFFFFF0  }
0x27a: {  	v1 =	vld @p2 [tilespmem:s24+$0x0]  }
0x27b: {  	s28 =	sadd.s32 $0x1, s29;
	p1 =	por @p2 !p5, !p4;
	s1 =	smul.u32 @p2 $0x1B0, s2  }
0x27c: {  	p1 =	por !p1, !p2;
	p6 =	seq.s32 s28, $0x0  }
.Ltmp15:
0x27d: {  	s2 =	simm.s32 @!p3 $0x0;
	s1 =	ssub.s32 @p2 s0, s1;
	(pc) =	sbr.rel @p6 .LBB2_17-.Ltmp15, $4  }
0x27e: {  	s2 =	simm.s32 @!p1 $0x40;
	s4 =	sshll.u32 @p2 s1, $0x4  }
0x27f: {  	s29 =	simm.s32 $0x0;
	s0 =	sshll.u32 @!p2 s21, $0x6;
	s2 =	sadd.s32 @!p3 $0x0, s2;
	[tilespmem:s4+$0x28] =	vst @p2 v1  }
0x280: {  	s5 =	simm.s32 @p2 $0x1;
	s2 =	smov.u32 @p3 s25;
	s0 =	sshra.s32 @!p2 s0, $0x2;
	v1 =	vld @!p2 [tilespmem:s24+$0x0]  }
0x281: {  	s29 =	smov.u32 @p2 s5;
	s21 =	smov.u32 @p2 s1;
	s25 =	smov.u32 @p2 s2;
	v2 =	vld @!p2 [tilespmem:s0+$0x28]  }
.LBB2_16:
0x282: {  	_ =	sdelay $0x3  }
0x283: {  	v1 =	vmax.f32 @!p2 v1, v2  }
0x284: {  	s22 =	sadd.s32 $0x1, s22;
	[tilespmem:s0+$0x28] =	vst @!p2 v1  }
0x285: {  	v1 =	vld.msk [tilespmem:s22+$0x0], $0x1;
	_ =	sdelay $0x4  }
0x286: {  	(v2sf) =	vpush v1, $0x0;
	_ =	sdelay $0xe  }
0x287: {  	s30 =	smov.u32 s26;
	s26 =	spop (v2sf)  }
0x288: {  	p2 =	sne.s32 s30, s26  }
0x289: {  	p5 =	sne.s32 @p2 s30, s23  }
0x28a: {  	s0 =	sadd.s32 @p2 $0x1, s21;
	p4 =	por !p5, !p2  }
0x28b: {  	s31 =	sshll.u32 @!p2 s21, $0x6;
	s2 =	sadd.s32 @p2 $0x1, s29;
	s4 =	sshll.u32 @!p4 s29, $0x6  }
0x28c: {  	s1 =	sshrl.u32 @p2 s0, $0x4;
	s5 =	sshll.u32 @!p4 s21, $0x6;
	s4 =	sshra.s32 @!p4 s4, $0x2  }
0x28d: {  	p1 =	sgt.u32 @!p4 s30, $0x1869FE;
	s1 =	smulhi.u32 @p2 $0x97B425F, s1;
	s5 =	sshra.s32 @!p4 s5, $0x2;
	v1 =	vld @!p4 [tilespmem:s4+$0x1B38]  }
0x28e: {  	s8 =	simm.s32 @!p4 $0x0;
	s29 =	smov.u32 @p2 s2;
	p6 =	por @p2 p1, !p5;
	v2 =	vld @!p4 [tilespmem:s5+$0x28]  }
0x28f: {  	p1 =	por @p2 !p1, !p5;
	p5 =	por p5, !p2;
	s4 =	sadd.s32 @!p4 $0x28, s5  }
0x290: {  	p6 =	por p6, !p2;
	p1 =	por !p1, !p2;
	s1 =	smul.u32 @p2 $0x1B0, s1  }
0x291: {  	s10 =	sshll.u32 @!p5 s21, $0x6;
	s9 =	sand.u32 @!p6 $0x1FFFF8, s30;
	s8 =	simm.s32 @!p1 $0x40  }
0x292: {  	s30 =	sand.u32 @!p6 $0x7, s30;
	s9 =	sadd.s32 @!p6 s3, s9;
	s2 =	sadd.s32 @!p4 s8, s25  }
0x293: {  	s8 =	rddreg [dreg:$0x4];
	s0 =	ssub.s32 @p2 s0, s1;
	s2 =	smov.u32 @p4 s25;
	v1 =	vmax.f32 @!p4 v1, v2  }
0x294: {  	s1 =	sshll.u32 @p2 s0, $0x4;
	s25 =	smov.u32 @p2 s2;
	s2 =	sshra.s32 @!p5 s10, $0x2;
	[tilespmem:s5+$0x28] =	vst @!p4 v1  }
0x295: {  	[hbm4b:s9+s30] =	stream.linear.scatter @!p6 [tilespmem:s4], [sflag:$0xC], $0x10, $0x38;
	[tilespmem:$0x1F0F8] =	vst v63  }
0x296: {  	s21 =	smov.u32 @p2 s0;
	s0 =	sadd.s32 @!p5 $0x28, s2;
	s2 =	simm.s32 @!p5 $0x1  }
0x297: {  	[spmem:s8] =	stream.linear.scatter @!p5 [tilespmem:s0], [sflag:$0x1], $0x10, $0x38;
	[tilespmem:$0x1F0F8] =	vst v63  }
0x298: {  	_ =	swait.ge @!p5 [sflag:s2], $0x10  }
0x299: {  	[sflag:s2] =	ssyncset.done @!p5 $0x0  }
0x29a: {  	s24 =	sadd.s32 $0x80, s24;
	[sflag:s2] =	ssyncadd.s32 @!p5 $0xFFFFFFF0  }
0x29b: {  	v1 =	vld @p2 [tilespmem:s24+$0x0]  }
0x29c: {  	s28 =	sadd.s32 $0x1, s28  }
0x29d: {  	p3 =	seq.s32 s28, $0x0  }
.Ltmp16:
0x29e: {  	_ = 	snop;
	(pc) =	sbr.rel @!p3 .LBB2_16-.Ltmp16, $4  }
0x29f: {  	_ = 	snop  }
0x2a0: {  	[tilespmem:s1+$0x28] =	vst @p2 v1  }
0x2a1: {  	s0 =	sshra.s32 @!p2 s31, $0x2;
	v1 =	vld @!p2 [tilespmem:s24+$0x0]  }
0x2a2: {  	v2 =	vld @!p2 [tilespmem:s0+$0x28]  }
.LBB2_17:
0x2a3: {  	_ = 	snop  }
.Ltmp17:
0x2a4: {  	_ = 	snop;
	(pc) =	sbr.rel .LBB2_19-.Ltmp17, $3  }
0x2a5: {  	s1 =	sld [smem:$0x7FD];
	_ =	sdelay $0x1  }
0x2a6: {  	v1 =	vmax.f32 @!p2 v1, v2  }
0x2a7: {  	s28 =	smov.u32 s26;
	p4 =	seq.s32 s1, $0x1;
	[tilespmem:s0+$0x28] =	vst @!p2 v1;
	s0 =	sshrl.u32 s25, $0x2  }
.LBB2_21:
0x2a8: {  	_ =	sfence.sel $0x180000  }
0x2a9: {  	s0 =	simm.s32 $0x9;
	[bflag:$0x0] =	sbarrier.arrive $0xFFFF  }
0x2aa: {  	s24 =	simm.s32 $0xA;
	[sflag:s0] =	ssyncpa.u1 $0x1  }
0x2ab: {  	s25 =	simm.s32 $0xB;
	[sflag:s24] =	ssyncpa.u1 $0x1  }
0x2ac: {  	s26 =	simm.s32 $0x2;
	[sflag:s25] =	ssyncpa.u1 $0x1  }
0x2ad: {  	[sflag:s26] =	ssyncpa.u1 $0x1  }
0x2ae: {  	v0 =	vld [tilespmem:$0x3648];
	_ =	sdelay $0x4  }
0x2af: {  	(v2sf) =	vpush v0, $0x0  }
0x2b0: {  	(v2sf) =	vpush v0, $0x1;
	_ =	sdelay $0x1  }
0x2b1: {  	(v2sf) =	vpush v0, $0x2;
	_ =	sdelay $0xb  }
0x2b2: {  	s0 =	spop (v2sf)  }
0x2b3: {  	s1 =	spop (v2sf)  }
0x2b4: {  	s2 =	smov.u32 s0;
	p0 =	sne.s32 s0, s1  }
0x2b5: {  	s4 =	spop (v2sf);
	s2 =	simm.s32 @!p0 $0xFFFFFFFF  }
0x2b6: {  	v2 =	vimm.s32 $0x1;
	v3 =	vlaneseq.u32;
	p0 =	seq.s32 s4, $0xFFFFFFFF;
	v1 =	vmov s2  }
0x2b7: {  	s16 =	stileid.u32;
	v0 =	vperm.xlane v0, v2;
	p1 =	sne.s32 @!p0 s0, s1;
	v1 =	vperm.xlane v1, v3  }
0x2b8: {  	vm0 =	vcmask $0x3F04;
	s6 =	simm.s32 $0x3648;
	s0 =	simm.s32 @!p0 $0x1;
	p1 =	por !p1, p0  }
0x2b9: {  	s2 =	sshll.u32 s16, $0x1;
	s1 =	sshll.u32 @!p0 s4, $0x6;
	s0 =	simm.s32 @p1 $0x0;
	v0 =	vsel vm0, v1, v0  }
0x2ba: {  	s5 =	sor.u32 $0x200, s2;
	s1 =	sshra.s32 @!p0 s1, $0x2;
	s0 =	sor.u32 @!p0 s0, s2;
	[tilespmem:$0x3648] =	vst v0  }
0x2bb: {  	[spmem:s5] =	stream.linear.scatter [tilespmem:s6], [sflag:$0x1], $0x2, $0x38;
	[tilespmem:$0x1F0F8] =	vst v63  }
0x2bc: {  	s1 =	sadd.s32 @!p0 $0x28, s1;
	s0 =	sshll.u32 @!p0 s0, $0x4  }
0x2bd: {  	[spmem:s0] =	stream.linear.scatter @!p0 [tilespmem:s1], [sflag:$0x1], $0x10, $0x38;
	[tilespmem:$0x1F0F8] =	vst v63  }
0x2be: {  	s0 =	simm.s32 @!p0 $0x12  }
0x2bf: {  	s28 =	simm.s32 $0x1;
	s0 =	simm.s32 @p0 $0x2  }
0x2c0: {  	_ =	swait.ge [sflag:s28], s0  }
0x2c1: {  	s0 =	ssub.s32 $0x0, s0;
	[sflag:s28] =	ssyncset.done $0x0  }
0x2c2: {  	p0 =	sne.s32 s16, $0x0;
	[sflag:s28] =	ssyncadd.s32 s0  }
.Ltmp18:
0x2c3: {  	_ =	sfence.stream.spmem;
	(pc) =	sbr.rel @p0 .LBB2_38-.Ltmp18, $4  }
0x2c4: {  	s29 =	simm.s32 $0x3;
	[bflag:$0x0] =	sbarrier.arrive $0xFFFF  }
0x2c5: {  	s30 =	simm.s32 $0x4;
	[sflag:s29] =	ssyncpa.u1 $0x1  }
0x2c6: {  	s31 =	simm.s32 $0x3C;
	[sflag:s30] =	ssyncpa.u1 $0x1  }
0x2c7: {  	s17 =	rddreg [dreg:$0x5];
	[sflag:s31] =	ssyncpa.u1 $0x1  }
0x2c8: {  	_ =	sfence.stream.spmem;
	s0 =	simm.s32 $0x5  }
0x2c9: {  	s1 =	simm.s32 $0x200;
	s2 =	simm.s32 $0x3658;
	[sflag:s0] =	ssyncpa.u1 $0x0  }
0x2ca: {  	[tilespmem:s2], [sflag:$0x5] =	stream.linear.gather [spmem:s1], $0x20, $0x38;
	[tilespmem:$0x1F0F8] =	vst v63  }
0x2cb: {  	s26 =	simm.s32 $0x0;
	s28 =	simm.s32 $0x3678  }
0x2cc: {  	[tilespmem:s28], [sflag:$0x5] =	stream.linear.gather [spmem:s26], $0x200, $0x38;
	[tilespmem:$0x1F0F8] =	vst v63  }
0x2cd: {  	_ =	swait.ge [sflag:s0], $0x220  }
0x2ce: {  	[sflag:s0] =	ssyncset.done $0x0  }
0x2cf: {  	s29 =	simm.s32 $0x0;
	[sflag:s0] =	ssyncadd.s32 $0xFFFFFDE0  }
0x2d0: {  	v0 =	vld.msk [tilespmem:s29+$0x3658], $0x1;
	_ =	sdelay $0x1  }
0x2d1: {  	s30 =	simm.s32 $0x1  }
0x2d2: {  	v1 =	vld.msk [tilespmem:s30+$0x3658], $0x1;
	_ =	sdelay $0x1  }
0x2d3: {  	(v2sf) =	vpush v0, $0x0;
	_ =	sdelay $0x2  }
0x2d4: {  	(v2sf) =	vpush v1, $0x0;
	_ =	sdelay $0x2  }
0x2d5: {  	s31 =	simm.s32 $0x2  }
0x2d6: {  	v0 =	vld.msk [tilespmem:s31+$0x3658], $0x1;
	_ =	sdelay $0x2  }
0x2d7: {  	s6 =	simm.s32 $0xFFFFFFFF;
	s1 =	simm.s32 $0xFFFFFFFF;
	s0 =	simm.s32 $0xC  }
.LBB2_23:
0x2d8: {  	s2 =	smov.u32 s6;
	s4 =	smov.u32 s1  }
0x2d9: {  	s1 =	sshra.s32 s0, $0x2;
	p1 =	sne.s32 s0, $0x7C;
	s0 =	sadd.s32 $0x4, s0;
	(v2sf) =	vpush v0, $0x0  }
0x2da: {  	v0 =	vld.msk [tilespmem:s1+$0x3658], $0x1  }
.Ltmp19:
0x2db: {  	(pc) =	sbr.rel @p1 .LBB2_23-.Ltmp19, $4  }
0x2dc: {  	s6 =	spop (v2sf)  }
0x2dd: {  	p2 =	sne.s32 s4, $0xFFFFFFFF;
	s1 =	smov.u32 s6  }
0x2de: {  	p3 =	seq.s32 s6, $0xFFFFFFFF;
	s1 =	smov.u32 @p2 s4  }
0x2df: {  	s6 =	smov.u32 @p3 s2;
	s1 =	smov.u32 @p3 s4  }
0x2e0: {  	(v2sf) =	vpush v0, $0x0;
	_ =	sdelay $0x8  }
0x2e1: {  	s0 =	spop (v2sf)  }
0x2e2: {  	p1 =	sne.s32 s1, $0xFFFFFFFF;
	s2 =	smov.u32 s0  }
0x2e3: {  	s9 =	simm.s32 $0x6;
	p2 =	seq.s32 s0, $0xFFFFFFFF;
	s2 =	smov.u32 @p1 s1  }
0x2e4: {  	s10 =	simm.s32 $0x3638;
	s2 =	smov.u32 @p2 s1;
	s1 =	spop (v2sf)  }
0x2e5: {  	s0 =	smov.u32 @p2 s6;
	p1 =	sne.s32 s2, $0xFFFFFFFF;
	s4 =	smov.u32 s1  }
.Ltmp20:
0x2e6: {  	p2 =	seq.s32 s1, $0xFFFFFFFF;
	s4 =	smov.u32 @p1 s2;
	(pc) =	sbr.rel .LBB2_25-.Ltmp20, $4  }
0x2e7: {  	s11 =	simm.s32 $0x0;
	s4 =	smov.u32 @p2 s2;
	s7 =	spop (v2sf)  }
0x2e8: {  	[sflag:s9] =	ssyncpa.u1 $0x0;
	p1 =	sne.s32 s4, $0xFFFFFFFF;
	s8 =	smov.u32 s7  }
0x2e9: {  	s1 =	smov.u32 @p2 s0;
	p2 =	seq.s32 s7, $0xFFFFFFFF;
	s8 =	smov.u32 @p1 s4  }
0x2ea: {  	s6 =	simm.s32 $0x0;
	s7 =	smov.u32 @p2 s1;
	s8 =	smov.u32 @p2 s4  }
.LBB2_30:
0x2eb: {  	p1 =	sgt.u32 s12, $0x1869FE  }
0x2ec: {  	p2 =	seq.s32 @!p1 s12, s8  }
0x2ed: {  	p1 =	por p1, p2  }
0x2ee: {  	p2 =	sne.s32 @!p1 s12, s7  }
0x2ef: {  	p1 =	por p1, !p2  }
0x2f0: {  	s0 =	sshll.u32 @p1 s11, $0x6  }
0x2f1: {  	s0 =	sand.u32 @!p1 $0x1FFFF8, s12  }
0x2f2: {  	s1 =	sand.u32 @!p1 $0x7, s12;
	s0 =	sadd.s32 @!p1 s3, s0  }
0x2f3: {  	[tilespmem:s10], [sflag:$0x6] =	stream.linear.gather @!p1 [hbm4b:s0+s1], $0x10, $0x38;
	[tilespmem:$0x1F0F8] =	vst v63  }
0x2f4: {  	_ =	swait.ge @!p1 [sflag:s9], $0x10  }
0x2f5: {  	[sflag:s9] =	ssyncset.done @!p1 $0x0  }
0x2f6: {  	s0 =	sshll.u32 @!p1 s11, $0x6;
	[sflag:s9] =	ssyncadd.s32 @!p1 $0xFFFFFFF0  }
0x2f7: {  	s1 =	sshrl.u32 @!p1 s0, $0x2;
	v1 =	vld @!p1 [tilespmem:$0x3638]  }
0x2f8: {  	v2 =	vld @!p1 [tilespmem:s1+$0x3678];
	_ =	sdelay $0x4  }
0x2f9: {  	v1 =	vmax.f32 @!p1 v1, v2  }
0x2fa: {  	[tilespmem:s1+$0x3678] =	vst @!p1 v1  }
0x2fb: {  	s0 =	sshrl.u32 s0, $0x2;
	[tilespmem:s6+$0x3658] =	vst.msk $0x1, v0  }
0x2fc: {  	v0 =	vld [tilespmem:s0+$0x3678];
	_ =	sdelay $0x2  }
0x2fd: {  	s31 =	sshll.u32 s6, $0x6  }
0x2fe: {  	s0 =	sshra.s32 s31, $0x2  }
0x2ff: {  	s6 =	sadd.s32 $0x1, s6;
	[tilespmem:s0+$0x3678] =	vst v0  }
.LBB2_32:
0x300: {  	s11 =	sadd.s32 $0x1, s11  }
0x301: {  	p1 =	sne.s32 s11, $0x20  }
.Ltmp21:
0x302: {  	_ = 	snop;
	(pc) =	sbr.rel @!p1 .LBB2_33-.Ltmp21, $1  }
0x303: {  	_ =	sdelay $0x3  }
.LBB2_25:
0x304: {  	v0 =	vld.msk [tilespmem:s11+$0x3658], $0x1;
	_ =	sdelay $0x4  }
0x305: {  	(v2sf) =	vpush v0, $0x0;
	_ =	sdelay $0xe  }
0x306: {  	s12 =	spop (v2sf)  }
0x307: {  	p1 =	seq.s32 s12, $0xFFFFFFFF  }
.Ltmp22:
0x308: {  	_ = 	snop;
	(pc) =	sbr.rel @p1 .LBB2_32-.Ltmp22, $1  }
0x309: {  	_ =	sdelay $0x3  }
0x30a: {  	p1 =	slt.s32 s6, $0x1  }
.Ltmp23:
0x30b: {  	_ = 	snop;
	(pc) =	sbr.rel @p1 .LBB2_30-.Ltmp23, $1  }
0x30c: {  	_ =	sdelay $0x3  }
0x30d: {  	s13 =	simm.s32 $0x3658;
	p1 =	por $0x0, $0x0  }
0x30e: {  	v1 =	vld.msk @!p1 [tilespmem:s13+$0x0], $0x1;
	_ =	sdelay $0x4  }
0x30f: {  	(v2sf) =	vpush @!p1 v1, $0x0;
	_ =	sdelay $0xd  }
0x310: {  	p3 =	sne.s32 s6, $0x1  }
.Ltmp24:
0x311: {  	s0 =	spop @!p1 (v2sf);
	(pc) =	sbr.rel @!p3 .LBB2_29-.Ltmp24, $4  }
0x312: {  	p2 =	seq.s32 @!p1 s12, s0  }
0x313: {  	s14 =	simm.s32 $0x0;
	p2 =	por !p2, p1  }
0x314: {  	s0 =	simm.s32 $0xFFFFFFFF;
	s14 =	simm.s32 @p2 $0xFFFFFFFF  }
0x315: {  	s15 =	simm.s32 $0x1;
	s14 =	smov.u32 @p1 s0  }
.LBB2_28:
0x316: {  	s0 =	smov.u32 s14;
	p1 =	sne.s32 s14, $0xFFFFFFFF  }
0x317: {  	s13 =	sadd.s32 $0x1, s13;
	s14 =	smov.u32 s15;
	s15 =	sadd.s32 $0x1, s15  }
0x318: {  	p2 =	sne.s32 s6, s15;
	v1 =	vld.msk @!p1 [tilespmem:s13+$0x0], $0x1;
	_ =	sdelay $0x4  }
0x319: {  	(v2sf) =	vpush @!p1 v1, $0x0;
	_ =	sdelay $0xe  }
.Ltmp25:
0x31a: {  	s1 =	spop @!p1 (v2sf);
	(pc) =	sbr.rel @p2 .LBB2_28-.Ltmp25, $4  }
0x31b: {  	p3 =	seq.s32 @!p1 s12, s1  }
0x31c: {  	p3 =	por !p3, p1  }
0x31d: {  	s14 =	simm.s32 @p3 $0xFFFFFFFF  }
0x31e: {  	s14 =	smov.u32 @p1 s0  }
.LBB2_29:
0x31f: {  	p1 =	sne.s32 s14, $0xFFFFFFFF  }
.Ltmp26:
0x320: {  	_ = 	snop;
	(pc) =	sbr.rel @!p1 .LBB2_30-.Ltmp26, $1  }
0x321: {  	_ =	sdelay $0x3  }
0x322: {  	s0 =	sshll.u32 s11, $0x4  }
0x323: {  	s1 =	sshll.u32 s14, $0x6;
	s0 =	sand.u32 $0x3FFFFFF0, s0  }
0x324: {  	s31 =	sshra.s32 s1, $0x2;
	v0 =	vld [tilespmem:s0+$0x3678]  }
0x325: {  	v1 =	vld [tilespmem:s31+$0x3678];
	_ =	sdelay $0x1  }
.Ltmp27:
0x326: {  	_ = 	snop;
	(pc) =	sbr.rel .LBB2_32-.Ltmp27, $3  }
0x327: {  	_ =	sdelay $0x1  }
0x328: {  	v0 =	vmax.f32 v0, v1  }
0x329: {  	[tilespmem:s31+$0x3678] =	vst v0  }
.LBB2_33:
0x32a: {  	s0 =	simm.s32 $0x6;
	p1 =	seq.s32 s6, $0x0  }
0x32b: {  	[sflag:s0] =	ssyncpa.u1 $0x1;
	v0 =	vimm.s32 @p1 $0xFFFFFFFF  }
0x32c: {  	s9 =	sadd.s32 $0xFFFFFFFF, s6;
	[tilespmem:$0x3878] =	vst @p1 v0  }
0x32d: {  	v0 =	vld.msk @!p1 [tilespmem:s9+$0x3658], $0x1;
	_ =	sdelay $0x1  }
0x32e: {  	v1 =	vld.msk @!p1 [tilespmem:$0x3658], $0x1;
	_ =	sdelay $0x2  }
0x32f: {  	p2 =	seq.s32 @!p1 s9, $0x0;
	v0 =	vbroadcast @!p1 v0, $0x0  }
0x330: {  	vm0 =	vmmov @!p1 $0x1;
	p2 =	por !p2, p1  }
0x331: {  	v1 =	vnsel @!p1 vm0, $0xFFFFFFFF, v1;
	vm0 =	vcmask @!p1 $0x308;
	v0 =	vpsel !p2, $0xFFFFFFFF, v0  }
0x332: {  	p2 =	sne.s32 @!p1 s8, s7;
	v0 =	vsel @!p1 vm0, v1, v0  }
0x333: {  	s0 =	simm.s32 @!p1 $0x3678;
	s1 =	simm.s32 @!p1 $0x0;
	p3 =	por !p2, p1;
	[tilespmem:$0x3878] =	vst @!p1 v0  }
0x334: {  	[spmem:s1] =	stream.linear.scatter @!p1 [tilespmem:s0], [sflag:$0x1], $0x10, $0x38;
	[tilespmem:$0x1F0F8] =	vst v63  }
0x335: {  	s0 =	sshll.u32 @!p3 s9, $0x6  }
0x336: {  	s0 =	sshra.s32 @!p3 s0, $0x2  }
0x337: {  	s1 =	simm.s32 @!p3 $0x10;
	s0 =	sadd.s32 @!p3 $0x3678, s0  }
0x338: {  	[spmem:s1] =	stream.linear.scatter @!p3 [tilespmem:s0], [sflag:$0x1], $0x10, $0x38;
	[tilespmem:$0x1F0F8] =	vst v63  }
0x339: {  	s0 =	simm.s32 @!p3 $0x1  }
0x33a: {  	_ =	swait.ge @!p3 [sflag:s0], $0x20  }
0x33b: {  	p1 =	por p2, p1;
	[sflag:s0] =	ssyncset.done @!p3 $0x0  }
0x33c: {  	[sflag:s0] =	ssyncadd.s32 @!p3 $0xFFFFFFE0;
	s0 =	simm.s32 @!p1 $0x1  }
0x33d: {  	_ =	swait.ge @!p1 [sflag:s0], $0x10  }
0x33e: {  	s29 =	simm.s32 $0x3878;
	[sflag:s0] =	ssyncset.done @!p1 $0x0  }
0x33f: {  	s30 =	simm.s32 $0x200;
	s31 =	simm.s32 $0x1;
	[sflag:s0] =	ssyncadd.s32 @!p1 $0xFFFFFFF0  }
0x340: {  	[spmem:s30] =	stream.linear.scatter [tilespmem:s29], [sflag:$0x1], $0x10, $0x38;
	[tilespmem:$0x1F0F8] =	vst v63  }
0x341: {  	_ =	swait.ge [sflag:s31], $0x10  }
0x342: {  	[sflag:s31] =	ssyncset.done $0x0  }
0x343: {  	p1 =	seq.s32 s17, $0x0;
	s8 =	rddreg [dreg:$0x1];
	[sflag:s31] =	ssyncadd.s32 $0xFFFFFFF0  }
0x344: {  	s1 =	sshll.u32 @p1 s8, $0xE;
	s7 =	rddreg [dreg:$0x2]  }
0x345: {  	s0 =	sadd.s32 @p1 $0x15C3C, s1;
	s1 =	sshll.u32 @p1 s7, $0x11  }
0x346: {  	_ =	sfence.stream.spmem;
	s0 =	sor.u32 @p1 s1, s0  }
0x347: {  	[sflag:s0] =	ssyncadd.remote.s32 @p1 $0x1;
	s0 =	simm.s32 @p1 $0x4  }
0x348: {  	s2 =	simm.s32 @!p1 $0x3C;
	s1 =	sand.u32 $0xFFFFFFFE, s8;
	_ =	swait.ge @p1 [sflag:s0], $0x6  }
0x349: {  	s4 =	simm.s32 @!p1 $0x0;
	s1 =	sadd.s32 @!p1 $0x4, s1;
	[sflag:s0] =	ssyncset.done @p1 $0x0  }
0x34a: {  	s5 =	simm.s32 @!p1 $0x20;
	[sflag:s0] =	ssyncadd.s32 @p1 $0xFFFFFFFA;
	s0 =	sshll.u32 @!p1 s1, $0x1A  }
0x34b: {  	s1 =	sshll.u32 @!p1 s1, $0xD;
	s0 =	sor.u32 @!p1 s0, s7;
	_ =	swait.eq @!p1 [sflag:s2], $0x1  }
0x34c: {  	s1 =	sor.u32 @!p1 $0x1C04, s1;
	s2 =	simm.s32 @!p1 $0x1C03;
	s0 =	sor.u32 @!p1 $0x80004000, s0  }
0x34d: {  	[spmem:s5], [sflag:s1] =	dma.general @!p1 [spmem:s4], [sflag:s2], length:$0x4, [dreg:$0x0], stride_count:$0x0, ici_dest:s0, dma_misc:DstOpCode:WRITE  }
0x34e: {  	p2 =	slt.s32 s9, $0x2;
	s4 =	simm.s32 @!p1 $0x40;
	s5 =	simm.s32 @!p1 $0x42  }
0x34f: {  	[spmem:s5], [sflag:s1] =	dma.general @!p1 [spmem:s4], [sflag:s2], length:$0x2, [dreg:$0x0], stride_count:$0x0, ici_dest:s0, dma_misc:DstOpCode:WRITE  }
.Ltmp28:
0x350: {  	s0 =	simm.s32 @!p1 $0x3;
	(pc) =	sbr.rel @p2 .LBB2_37-.Ltmp28, $4  }
0x351: {  	s1 =	sshll.u32 @!p1 s8, $0xE;
	_ =	swait.ge @!p1 [sflag:s0], $0x6  }
0x352: {  	s2 =	sshll.u32 @!p1 s7, $0x11;
	s1 =	sadd.s32 @!p1 $0x11C3C, s1;
	[sflag:s0] =	ssyncset.done @!p1 $0x0  }
0x353: {  	[sflag:s0] =	ssyncadd.s32 @!p1 $0xFFFFFFFA;
	s0 =	sor.u32 @!p1 s2, s1  }
0x354: {  	[sflag:s0] =	ssyncadd.remote.s32 @!p1 $0xFFFFFFFF;
	s0 =	simm.s32 $0x0  }
0x355: {  	s0 =	simm.s32 $0x3659  }
0x356: {  	v0 =	vld.msk [tilespmem:s0+$0x0], $0x1;
	_ =	sdelay $0x4  }
0x357: {  	(v2sf) =	vpush v0, $0x0;
	_ =	sdelay $0xd  }
0x358: {  	s2 =	sadd.s32 $0xFFFFFFFE, s6  }
0x359: {  	s2 =	sadd.s32 $0xFFFFFFFF, s2;
	s0 =	spop (v2sf)  }
0x35a: {  	p2 =	sne.s32 s2, $0x0;
	p1 =	sgt.u32 s0, $0x1869FE  }
.Ltmp29:
0x35b: {  	s4 =	sand.u32 @!p1 $0x1FFFF8, s0;
	(pc) =	sbr.rel @!p2 .LBB2_36-.Ltmp29, $4  }
0x35c: {  	s1 =	simm.s32 $0x3688;
	s0 =	sand.u32 @!p1 $0x7, s0;
	s4 =	sadd.s32 @!p1 s3, s4  }
0x35d: {  	[hbm4b:s4+s0] =	stream.linear.scatter @!p1 [tilespmem:s1], [sflag:$0x5], $0x10, $0x38;
	[tilespmem:$0x1F0F8] =	vst v63  }
0x35e: {  	s0 =	simm.s32 $0x0  }
0x35f: {  	s6 =	simm.s32 $0x0;
	s7 =	simm.s32 $0x365A;
	s0 =	simm.s32 @!p1 $0x40  }
.LBB2_35:
0x360: {  	v0 =	vld.msk [tilespmem:s7+$0x0], $0x1;
	s2 =	sadd.s32 $0xFFFFFFFF, s2;
	s6 =	sadd.s32 s6, s0  }
0x361: {  	p1 =	sne.s32 s2, $0x0;
	_ =	sdelay $0x3  }
0x362: {  	(v2sf) =	vpush v0, $0x0;
	_ =	sdelay $0xe  }
.Ltmp30:
0x363: {  	s4 =	spop (v2sf);
	(pc) =	sbr.rel @p1 .LBB2_35-.Ltmp30, $4  }
0x364: {  	s0 =	simm.s32 $0x0;
	p2 =	sgt.u32 s4, $0x1869FE  }
0x365: {  	s1 =	sadd.s32 $0x10, s1;
	s0 =	simm.s32 @!p2 $0x40;
	s5 =	sand.u32 @!p2 $0x1FFFF8, s4  }
0x366: {  	s7 =	sadd.s32 $0x1, s7;
	s4 =	sand.u32 @!p2 $0x7, s4;
	s5 =	sadd.s32 @!p2 s3, s5  }
0x367: {  	[hbm4b:s5+s4] =	stream.linear.scatter @!p2 [tilespmem:s1], [sflag:$0x5], $0x10, $0x38;
	[tilespmem:$0x1F0F8] =	vst v63  }
.LBB2_36:
0x368: {  	s0 =	sadd.s32 s6, s0  }
0x369: {  	s0 =	sshrl.u32 s0, $0x2  }
.LBB2_37:
0x36a: {  	s1 =	simm.s32 $0x5  }
0x36b: {  	_ =	swait.ge [sflag:s1], s0  }
0x36c: {  	s31 =	ssub.s32 $0x0, s0;
	[sflag:s1] =	ssyncset.done $0x0  }
0x36d: {  	[sflag:s1] =	ssyncadd.s32 s31  }
0x36e: {  	[sflag:s1] =	ssyncpa.u1 $0x1  }
.LBB2_38:
0x36f: {  	s0 =	sor.u32 s17, s16  }
0x370: {  	p1 =	sne.s32 s0, $0x0  }
.Ltmp31:
0x371: {  	_ = 	snop;
	(pc) =	sbr.rel @p1 .LBB2_53-.Ltmp31, $3  }
0x372: {  	_ =	sdelay $0x1  }
0x373: {  	[bflag:$0x0] =	sbarrier.arrive $0xFFFF  }
0x374: {  	_ =	sfence  }
0x375: {  	s0 =	simm.s32 $0x7  }
0x376: {  	s1 =	simm.s32 $0x200;
	s2 =	simm.s32 $0x3658;
	[sflag:s0] =	ssyncpa.u1 $0x0  }
0x377: {  	[tilespmem:s2], [sflag:$0x7] =	stream.linear.gather [spmem:s1], $0x20, $0x38;
	[tilespmem:$0x1F0F8] =	vst v63  }
0x378: {  	s30 =	simm.s32 $0x3678;
	s1 =	simm.s32 $0x0  }
0x379: {  	[tilespmem:s30], [sflag:$0x7] =	stream.linear.gather [spmem:s1], $0x200, $0x38;
	[tilespmem:$0x1F0F8] =	vst v63  }
.Ltmp32:
0x37a: {  	_ = 	snop;
	(pc) =	sbr.rel .LBB2_40-.Ltmp32, $4  }
0x37b: {  	_ =	swait.ge [sflag:s0], $0x220  }
0x37c: {  	[sflag:s0] =	ssyncset.done $0x0  }
0x37d: {  	s31 =	simm.s32 $0x8;
	[sflag:s0] =	ssyncadd.s32 $0xFFFFFDE0  }
0x37e: {  	s2 =	simm.s32 $0x0;
	[sflag:s31] =	ssyncpa.u1 $0x0  }
.LBB2_45:
0x37f: {  	p1 =	slt.u32 s4, $0x1869FF  }
0x380: {  	s0 =	sand.u32 @p1 $0x1FFFF8, s4  }
0x381: {  	s4 =	sand.u32 @p1 $0x7, s4;
	s5 =	simm.s32 @p1 $0x3638;
	s0 =	sadd.s32 @p1 s3, s0  }
0x382: {  	[tilespmem:s5], [sflag:$0x8] =	stream.linear.gather @p1 [hbm4b:s0+s4], $0x10, $0x38;
	[tilespmem:$0x1F0F8] =	vst v63  }
0x383: {  	s0 =	simm.s32 @p1 $0x8  }
0x384: {  	_ =	swait.ge @p1 [sflag:s0], $0x10  }
0x385: {  	[sflag:s0] =	ssyncset.done @p1 $0x0  }
0x386: {  	[sflag:s0] =	ssyncadd.s32 @p1 $0xFFFFFFF0;
	s0 =	sshll.u32 @p1 s2, $0x6  }
0x387: {  	v1 =	vld @p1 [tilespmem:$0x3638];
	s4 =	sshrl.u32 @p1 s0, $0x2  }
0x388: {  	v2 =	vld @p1 [tilespmem:s4+$0x3678];
	_ =	sdelay $0x4  }
0x389: {  	s5 =	sshll.u32 @!p1 s2, $0x6;
	v1 =	vmax.f32 @p1 v1, v2  }
0x38a: {  	s5 =	smov.u32 @p1 s0;
	[tilespmem:s4+$0x3678] =	vst @p1 v1  }
0x38b: {  	s0 =	sshrl.u32 s5, $0x2;
	[tilespmem:s1+$0x3658] =	vst.msk $0x1, v0  }
0x38c: {  	v0 =	vld [tilespmem:s0+$0x3678];
	_ =	sdelay $0x2  }
0x38d: {  	s31 =	sshll.u32 s1, $0x6  }
0x38e: {  	s0 =	sshra.s32 s31, $0x2  }
0x38f: {  	s1 =	sadd.s32 $0x1, s1;
	[tilespmem:s0+$0x3678] =	vst v0  }
.LBB2_47:
0x390: {  	s2 =	sadd.s32 $0x1, s2  }
0x391: {  	p1 =	sne.s32 s2, $0x20  }
.Ltmp33:
0x392: {  	_ = 	snop;
	(pc) =	sbr.rel @!p1 .LBB2_48-.Ltmp33, $1  }
0x393: {  	_ =	sdelay $0x3  }
.LBB2_40:
0x394: {  	v0 =	vld.msk [tilespmem:s2+$0x3658], $0x1;
	_ =	sdelay $0x4  }
0x395: {  	(v2sf) =	vpush v0, $0x0;
	_ =	sdelay $0xe  }
0x396: {  	s4 =	spop (v2sf)  }
0x397: {  	p1 =	seq.s32 s4, $0xFFFFFFFF  }
.Ltmp34:
0x398: {  	_ = 	snop;
	(pc) =	sbr.rel @p1 .LBB2_47-.Ltmp34, $1  }
0x399: {  	_ =	sdelay $0x3  }
0x39a: {  	p1 =	slt.s32 s1, $0x1  }
.Ltmp35:
0x39b: {  	_ = 	snop;
	(pc) =	sbr.rel @p1 .LBB2_45-.Ltmp35, $1  }
0x39c: {  	_ =	sdelay $0x3  }
0x39d: {  	s5 =	simm.s32 $0x3658;
	p1 =	por $0x0, $0x0  }
0x39e: {  	v1 =	vld.msk @!p1 [tilespmem:s5+$0x0], $0x1;
	_ =	sdelay $0x4  }
0x39f: {  	(v2sf) =	vpush @!p1 v1, $0x0;
	_ =	sdelay $0xd  }
0x3a0: {  	p3 =	sne.s32 s1, $0x1  }
.Ltmp36:
0x3a1: {  	s0 =	spop @!p1 (v2sf);
	(pc) =	sbr.rel @!p3 .LBB2_44-.Ltmp36, $4  }
0x3a2: {  	p2 =	seq.s32 @!p1 s4, s0  }
0x3a3: {  	s6 =	simm.s32 $0x0;
	p2 =	por !p2, p1  }
0x3a4: {  	s0 =	simm.s32 $0xFFFFFFFF;
	s6 =	simm.s32 @p2 $0xFFFFFFFF  }
0x3a5: {  	s7 =	simm.s32 $0x1;
	s6 =	smov.u32 @p1 s0  }
.LBB2_43:
0x3a6: {  	s0 =	smov.u32 s6;
	p1 =	sne.s32 s6, $0xFFFFFFFF  }
0x3a7: {  	s5 =	sadd.s32 $0x1, s5;
	s6 =	smov.u32 s7;
	s7 =	sadd.s32 $0x1, s7  }
0x3a8: {  	p2 =	sne.s32 s1, s7;
	v1 =	vld.msk @!p1 [tilespmem:s5+$0x0], $0x1;
	_ =	sdelay $0x4  }
0x3a9: {  	(v2sf) =	vpush @!p1 v1, $0x0;
	_ =	sdelay $0xe  }
.Ltmp37:
0x3aa: {  	s8 =	spop @!p1 (v2sf);
	(pc) =	sbr.rel @p2 .LBB2_43-.Ltmp37, $4  }
0x3ab: {  	p3 =	seq.s32 @!p1 s4, s8  }
0x3ac: {  	p3 =	por !p3, p1  }
0x3ad: {  	s6 =	simm.s32 @p3 $0xFFFFFFFF  }
0x3ae: {  	s6 =	smov.u32 @p1 s0  }
.LBB2_44:
0x3af: {  	p1 =	sne.s32 s6, $0xFFFFFFFF  }
.Ltmp38:
0x3b0: {  	_ = 	snop;
	(pc) =	sbr.rel @!p1 .LBB2_45-.Ltmp38, $1  }
0x3b1: {  	_ =	sdelay $0x3  }
0x3b2: {  	s0 =	sshll.u32 s2, $0x4  }
0x3b3: {  	s4 =	sshll.u32 s6, $0x6;
	s0 =	sand.u32 $0x3FFFFFF0, s0  }
0x3b4: {  	s31 =	sshra.s32 s4, $0x2;
	v0 =	vld [tilespmem:s0+$0x3678]  }
0x3b5: {  	v1 =	vld [tilespmem:s31+$0x3678];
	_ =	sdelay $0x1  }
.Ltmp39:
0x3b6: {  	_ = 	snop;
	(pc) =	sbr.rel .LBB2_47-.Ltmp39, $3  }
0x3b7: {  	_ =	sdelay $0x1  }
0x3b8: {  	v0 =	vmax.f32 v0, v1  }
0x3b9: {  	[tilespmem:s31+$0x3678] =	vst v0  }
.LBB2_48:
0x3ba: {  	p1 =	slt.s32 s1, $0x1  }
.Ltmp40:
0x3bb: {  	_ = 	snop;
	(pc) =	sbr.rel @p1 .LBB2_52-.Ltmp40, $3  }
0x3bc: {  	_ =	sdelay $0x1  }
0x3bd: {  	s0 =	simm.s32 $0x8  }
0x3be: {  	s2 =	simm.s32 $0x0;
	[sflag:s0] =	ssyncpa.u1 $0x1  }
0x3bf: {  	s0 =	simm.s32 $0x3658  }
0x3c0: {  	v0 =	vld.msk [tilespmem:s0+$0x0], $0x1;
	_ =	sdelay $0x4  }
0x3c1: {  	(v2sf) =	vpush v0, $0x0;
	_ =	sdelay $0xe  }
0x3c2: {  	s1 =	sadd.s32 $0xFFFFFFFF, s1;
	s0 =	spop (v2sf)  }
0x3c3: {  	p2 =	sne.s32 s1, $0x0;
	p1 =	sgt.u32 s0, $0x1869FE  }
.Ltmp41:
0x3c4: {  	s5 =	sand.u32 @!p1 $0x1FFFF8, s0;
	(pc) =	sbr.rel @!p2 .LBB2_51-.Ltmp41, $4  }
0x3c5: {  	s4 =	simm.s32 $0x3678;
	s0 =	sand.u32 @!p1 $0x7, s0;
	s5 =	sadd.s32 @!p1 s3, s5  }
0x3c6: {  	[hbm4b:s5+s0] =	stream.linear.scatter @!p1 [tilespmem:s4], [sflag:$0x7], $0x10, $0x38;
	[tilespmem:$0x1F0F8] =	vst v63  }
0x3c7: {  	s0 =	simm.s32 $0x0  }
0x3c8: {  	s5 =	simm.s32 $0x3659;
	s0 =	simm.s32 @!p1 $0x40  }
.LBB2_50:
0x3c9: {  	v0 =	vld.msk [tilespmem:s5+$0x0], $0x1;
	s1 =	sadd.s32 $0xFFFFFFFF, s1;
	s2 =	sadd.s32 s2, s0  }
0x3ca: {  	p1 =	sne.s32 s1, $0x0;
	_ =	sdelay $0x3  }
0x3cb: {  	(v2sf) =	vpush v0, $0x0;
	_ =	sdelay $0xe  }
.Ltmp42:
0x3cc: {  	s6 =	spop (v2sf);
	(pc) =	sbr.rel @p1 .LBB2_50-.Ltmp42, $4  }
0x3cd: {  	s0 =	simm.s32 $0x0;
	p2 =	sgt.u32 s6, $0x1869FE  }
0x3ce: {  	s4 =	sadd.s32 $0x10, s4;
	s0 =	simm.s32 @!p2 $0x40;
	s7 =	sand.u32 @!p2 $0x1FFFF8, s6  }
0x3cf: {  	s5 =	sadd.s32 $0x1, s5;
	s6 =	sand.u32 @!p2 $0x7, s6;
	s7 =	sadd.s32 @!p2 s3, s7  }
0x3d0: {  	[hbm4b:s7+s6] =	stream.linear.scatter @!p2 [tilespmem:s4], [sflag:$0x7], $0x10, $0x38;
	[tilespmem:$0x1F0F8] =	vst v63  }
.LBB2_51:
0x3d1: {  	s0 =	sadd.s32 s2, s0  }
0x3d2: {  	s2 =	sshrl.u32 s0, $0x2  }
.LBB2_52:
0x3d3: {  	s0 =	simm.s32 $0x7  }
0x3d4: {  	_ =	swait.ge [sflag:s0], s2  }
0x3d5: {  	s1 =	ssub.s32 $0x0, s2;
	[sflag:s0] =	ssyncset.done $0x0  }
0x3d6: {  	[sflag:s0] =	ssyncadd.s32 s1  }
0x3d7: {  	[sflag:s0] =	ssyncpa.u1 $0x1  }
.LBB2_53:
0x3d8: {  	_ =	sfence;
	s0 =	simm.s32 $0x1  }
0x3d9: {  	[sflag:s0] =	ssyncpa.u1 $0x1  }
0x3da: {  	_ =	strace $0x9000004D  }
0x3db: {  	[bflag:$0x2] =	sbarrier.arrive $0xFFFF  }
0x3dc: {  	s0 =	rddreg [dreg:$0x3]  }
0x3dd: {  	s0 =	sadd.s32 @!p0 $0x100000, s0  }
0x3de: {  	[sflag:s0] =	ssyncadd.tile.s32 @!p0 $0x1;
	_ =	shalt  }
.Lfunc_end2:
_tile_overlayer_lowered:
.L_overlay_start_2:
0x3df: {  	(tag) =	ssettag $0x2  }
0x3e0: {  	s0 =	rddreg [dreg:$0x0];
	s2 =	stileid.u32  }
0x3e1: {  	s1 =	rddreg [dreg:$0x1];
	p0 =	sne.s32 s2, $0x0  }
0x3e2: {  	s3 =	rddreg [dreg:$0x2];
	[bflag:$0x3] =	sbarrier.arrive $0xFFFF;
	s2 =	simm.s32 @!p0 $0x1C01  }
0x3e3: {  	[timem:s3], [sflag:s2] =	dma.local @!p0 [hbm:s0], s1  }
0x3e4: {  	s0 =	simm.s32 @!p0 $0x1  }
0x3e5: {  	_ =	swait.ge @!p0 [sflag:s0], s1  }
0x3e6: {  	s1 =	ssub.s32 @!p0 $0x0, s1;
	[sflag:s0] =	ssyncset.done @!p0 $0x0  }
0x3e7: {  	[sflag:s0] =	ssyncadd.s32 @!p0 s1  }
0x3e8: {  	[bflag:$0x3] =	sbarrier.arrive $0xFFFF  }
0x3e9: {  	_ =	shalt  }

// kernel: scatter_offload_async_start
scs
__scs_entry_jumppad:
0x0: {  	(pc) =	sbr.rel $0x88, $3  }
0x1: {  	(tag) =	ssettag $0x0;
	lr =	simm.s32 $0x1  }
0x2: {  	[smem:$0x3F99] =	sst lr;
	_ =	strace $0xD0000000  }
0x3: {  	_ = 	snop  }
0x4: {  	_ = 	snop  }
0x5: {  	_ = 	snop  }
0x6: {  	_ = 	snop  }
0x7: {  	_ = 	snop  }
__scs_overlays_trampoline_lowered:
0x8: {  	[smem:$0x3FA8] =	sst s0  }
0x9: {  	[smem:$0x3FA9] =	sst s1  }
0xa: {  	[smem:$0x3FAA] =	sst s2  }
0xb: {  	[smem:$0x3FAB] =	sst s3  }
0xc: {  	[smem:$0x3FAC] =	sst s4  }
0xd: {  	[smem:$0x3FAD] =	sst s5  }
0xe: {  	[smem:$0x3FAE] =	sst s6  }
0xf: {  	[smem:$0x3FAF] =	sst s7  }
0x10: {  	[smem:$0x3FB0] =	sst s8  }
0x11: {  	[smem:$0x3FB1] =	sst s9;
	s0 =	simm.s32 @!p0 $0x0  }
0x12: {  	s1 =	sld [smem:$0x3F97];
	s0 =	simm.s32 @p0 $0x1  }
0x13: {  	[smem:$0x3FB2] =	sst s0;
	s0 =	simm.s32 @!p1 $0x0  }
0x14: {  	s2 =	sld [smem:$0x3F96];
	s0 =	simm.s32 @p1 $0x1  }
0x15: {  	[smem:$0x3FB3] =	sst s0;
	s0 =	simm.s32 @!p2 $0x0  }
0x16: {  	s3 =	sld [smem:$0x3FDB];
	s0 =	simm.s32 @p2 $0x1  }
0x17: {  	s4 =	simm.s32 $0x1BF5;
	[smem:$0x3FB5] =	sst s0  }
0x18: {  	s0 =	sld [smem:$0x3F98];
	_ =	swait.ge [sflag:s4], $0x0  }
0x19: {  	s7 =	sld [smem:$0x3F99]  }
0x1a: {  	s8 =	sadd.s32 $0xFFFFE003, lr  }
0x1b: {  	s9 =	sadd.s32 $0xFFFFFEF7, lr;
	s5 =	simm.s32 $0xFFFFFFFF;
	p2 =	slt.u32 s8, $0xFFFFF086  }
0x1c: {  	p1 =	slt.u32 s9, $0xF7A;
	s5 =	simm.s32 @!p2 $0x0  }
0x1d: {  	s5 =	simm.s32 @p1 $0x1;
	p0 =	seq.s32 s7, s2  }
0x1e: {  	s7 =	smul.u32 @!p0 $0xF7A, s2;
	p2 =	seq.s32 @!p0 s5, $0x0  }
0x1f: {  	s9 =	smul.u32 $0xF7A, s1;
	s8 =	simm.s32 @!p0 $0x1BF5;
	p2 =	por !p2, p0  }
0x20: {  	[sflag:s8] =	ssyncset.s32 @!p0 $0xFFFFF086;
	s6 =	sadd.s32 @!p0 s3, s7;
	s7 =	simm.s32 @!p0 $0x108  }
0x21: {  	s3 =	sadd.s32 s3, s9;
	s6 =	sadd.s32 @!p0 $0x88, s6;
	s7 =	simm.s32 @p2 $0x1082  }
0x22: {  	[simem:s7], [sflag:s8] =	dma.local @!p0 [hbm:s6], $0xF7A  }
0x23: {  	s9 =	sor.u32 $0xD0000000, s2;
	s6 =	simm.s32 $0x108;
	_ =	swait.ge @!p0 [sflag:s8], $0x0  }
0x24: {  	s3 =	sadd.s32 $0x88, s3;
	s6 =	simm.s32 @!p1 $0x1082;
	[sflag:s4] =	ssyncset.s32 $0xFFFFF086  }
0x25: {  	[simem:s6], [sflag:s4] =	dma.local [hbm:s3], $0xF7A  }
0x26: {  	[smem:$0x3F99] =	sst s1;
	(tag) =	ssettag s2;
	_ =	strace s9  }
0x27: {  	s1 =	sld [smem:$0x3FA9]  }
0x28: {  	s2 =	sld [smem:$0x3FAA]  }
0x29: {  	s4 =	sld [smem:$0x3FAC]  }
0x2a: {  	p0 =	seq.s32 s5, $0x0;
	s5 =	sld [smem:$0x3FAD]  }
0x2b: {  	s6 =	sld [smem:$0x3FAE]  }
0x2c: {  	s7 =	sld [smem:$0x3FAF]  }
0x2d: {  	s3 =	simm.s32 $0x108;
	s8 =	sld [smem:$0x3FB0]  }
0x2e: {  	s3 =	simm.s32 @!p0 $0x1082;
	s9 =	sld [smem:$0x3FB1]  }
0x2f: {  	lr =	sadd.s32 s0, s3;
	s0 =	sld [smem:$0x3FA8]  }
0x30: {  	s3 =	sld [smem:$0x3FAB]  }
0x31: {  	[smem:$0x3FB4] =	sst s10  }
0x32: {  	s10 =	sld [smem:$0x3FB2];
	_ =	sdelay $0x3  }
0x33: {  	p0 =	seq.s32 s10, $0x1;
	s10 =	sld [smem:$0x3FB4];
	_ =	sdelay $0x3  }
0x34: {  	[smem:$0x3FB4] =	sst s10  }
0x35: {  	s10 =	sld [smem:$0x3FB3];
	_ =	sdelay $0x3  }
0x36: {  	p1 =	seq.s32 s10, $0x1;
	s10 =	sld [smem:$0x3FB4];
	_ =	sdelay $0x3  }
0x37: {  	[smem:$0x3FB4] =	sst s10  }
0x38: {  	s10 =	sld [smem:$0x3FB5]  }
0x39: {  	_ = 	snop;
	(pc) =	sbr.ind lr, $3  }
0x3a: {  	_ = 	snop  }
0x3b: {  	_ = 	snop  }
0x3c: {  	p2 =	seq.s32 s10, $0x1;
	s10 =	sld [smem:$0x3FB4]  }
0x3d: {  	_ =	shalt  }
0x3e: {  	_ =	shalt  }
0x3f: {  	_ =	shalt  }
0x40: {  	_ =	shalt  }
0x41: {  	_ =	shalt  }
0x42: {  	_ =	shalt  }
0x43: {  	_ =	shalt  }
0x44: {  	_ =	shalt  }
0x45: {  	_ =	shalt  }
0x46: {  	_ =	shalt  }
0x47: {  	_ =	shalt  }
0x48: {  	_ =	shalt  }
0x49: {  	_ =	shalt  }
0x4a: {  	_ =	shalt  }
0x4b: {  	_ =	shalt  }
0x4c: {  	_ =	shalt  }
0x4d: {  	_ =	shalt  }
0x4e: {  	_ =	shalt  }
0x4f: {  	_ =	shalt  }
0x50: {  	_ =	shalt  }
0x51: {  	_ =	shalt  }
0x52: {  	_ =	shalt  }
0x53: {  	_ =	shalt  }
0x54: {  	_ =	shalt  }
0x55: {  	_ =	shalt  }
0x56: {  	_ =	shalt  }
0x57: {  	_ =	shalt  }
0x58: {  	_ =	shalt  }
0x59: {  	_ =	shalt  }
0x5a: {  	_ =	shalt  }
0x5b: {  	_ =	shalt  }
0x5c: {  	_ =	shalt  }
0x5d: {  	_ =	shalt  }
0x5e: {  	_ =	shalt  }
0x5f: {  	_ =	shalt  }
0x60: {  	_ =	shalt  }
0x61: {  	_ =	shalt  }
0x62: {  	_ =	shalt  }
0x63: {  	_ =	shalt  }
0x64: {  	_ =	shalt  }
0x65: {  	_ =	shalt  }
0x66: {  	_ =	shalt  }
0x67: {  	_ =	shalt  }
0x68: {  	_ =	shalt  }
0x69: {  	_ =	shalt  }
0x6a: {  	_ =	shalt  }
0x6b: {  	_ =	shalt  }
0x6c: {  	_ =	shalt  }
0x6d: {  	_ =	shalt  }
0x6e: {  	_ =	shalt  }
0x6f: {  	_ =	shalt  }
0x70: {  	_ =	shalt  }
0x71: {  	_ =	shalt  }
0x72: {  	_ =	shalt  }
0x73: {  	_ =	shalt  }
0x74: {  	_ =	shalt  }
0x75: {  	_ =	shalt  }
0x76: {  	_ =	shalt  }
0x77: {  	_ =	shalt  }
0x78: {  	_ =	shalt  }
0x79: {  	_ =	shalt  }
0x7a: {  	_ =	shalt  }
0x7b: {  	_ =	shalt  }
0x7c: {  	_ =	shalt  }
0x7d: {  	_ =	shalt  }
0x7e: {  	_ =	shalt  }
0x7f: {  	_ =	shalt  }
0x80: {  	_ =	shalt  }
0x81: {  	_ =	shalt  }
0x82: {  	_ =	shalt  }
0x83: {  	_ =	shalt  }
0x84: {  	_ =	shalt  }
0x85: {  	_ =	shalt  }
0x86: {  	_ =	shalt  }
0x87: {  	_ =	shalt  }
.Lfunc_end0:
.L_simem_size_0:
called_computation_lowered:
.L_overlay_start_0:
0x88: {  	s0 =	sld [smem:$0x3FD9]  }
0x89: {  	s1 =	sld [smem:$0x3FFE];
	_ =	sdelay $0x3  }
0x8a: {  	s0 =	sadd.s32 s1, s0  }
0x8b: {  	[smem:$0x3FC0] =	sst s0  }
0x8c: {  	_ = 	snop  }
0x8d: {  	(tm) =	ssettm $0x1  }
0x8e: {  	s15 =	sld [smem:$0x3FFB];
	_ =	sdelay $0x3  }
0x8f: {  	_ =	strace s15  }
0x90: {  	s0 =	sld [smem:$0x3FFC];
	_ =	sdelay $0x3  }
0x91: {  	_ =	strace s0  }
0x92: {  	s0 =	sld [smem:$0x3FFD];
	_ =	sdelay $0x3  }
0x93: {  	_ =	strace s0  }
0x94: {  	_ =	strace $0x8FFFFFFF  }
0x95: {  	s16 =	sld [smem:$0x3FDB];
	_ =	sdelay $0x1  }
0x96: {  	s17 =	simm.s32 $_scs_section_size  }
0x97: {  	s2 =	simm.s32 $_size__tile_overlayer_lowered;
	s3 =	simm.s32 $_tile_overlayer_lowered  }
0x98: {  	s20 =	simm.s32 $0x1BFF;
	s19 =	sshll.u32 s3, $0x1;
	s0 =	sadd.s32 s17, s16  }
0x99: {  	s4 =	simm.s32 $0x0;
	s18 =	sshll.u32 s2, $0x1;
	s2 =	sadd.s32 s19, s0  }
0x9a: {  	[timem:s4], [sflag:s20] =	dma.local [hbm:s2], s18  }
0x9b: {  	_ =	swait.ge [sflag:s20], s18  }
0x9c: {  	s1 =	ssub.s32 $0x0, s18;
	[sflag:s20] =	ssyncset.done $0x0  }
0x9d: {  	[sflag:s20] =	ssyncadd.s32 s1;
	_ =	sdelay $0x1  }
0x9e: {  	s21 =	simm.s32 $0x1B8B  }
0x9f: {  	_ =	swait.ge [sflag:s21], $0x1  }
0xa0: {  	[sflag:s21] =	ssyncset.done $0x0  }
0xa1: {  	s23 =	simm.s32 $0x1B8E;
	s22 =	sld [smem:$0x3FFE];
	[sflag:s21] =	ssyncadd.s32 $0xFFFFFFFF  }
0xa2: {  	s24 =	simm.s32 $execute0_lowered;
	[smem:$0x3FD2] =	sst s23  }
0xa3: {  	s2 =	sshll.u32 s24, $0x1;
	_ =	strace $0x80000049;
	[dreg:$0x1] =	wrdreg $0xFFFFFFFF  }
0xa4: {  	s25 =	simm.s32 $_size_execute0_lowered;
	s0 =	sadd.s32 s0, s2;
	[dreg:$0x0] =	wrdreg $0x0  }
0xa5: {  	s2 =	sshll.u32 s25, $0x1;
	[dreg:$0x2] =	wrdreg s0  }
0xa6: {  	[dreg:$0x3] =	wrdreg s2  }
0xa7: {  	[dreg:$0x4] =	wrdreg $0xC0  }
0xa8: {  	_ =	task [dreg:s4], $0x5FFFF  }
0xa9: {  	[dreg:$0x1] =	wrdreg $0xFFFFFFFF  }
0xaa: {  	[dreg:$0x0] =	wrdreg $0x60  }
0xab: {  	[dreg:$0x2] =	wrdreg s22  }
0xac: {  	[dreg:$0x3] =	wrdreg $0x9  }
0xad: {  	_ =	task.clear_ibuf [dreg:s4], $0x4FFFF;
	_ =	strace $0x90000049  }
0xae: {  	s26 =	simm.s32 $0x9;
	_ =	strace $0x8000004B  }
0xaf: {  	_ =	swait.ge [sflag:s26], $0x1  }
0xb0: {  	[sflag:s26] =	ssyncadd.s32 $0xFFFFFFFF  }
0xb1: {  	_ =	strace $0x9000004B  }
0xb2: {  	_ =	sfence  }
0xb3: {  	s28 =	sld [smem:$0x0];
	_ =	sdelay $0x1  }
0xb4: {  	s29 =	srdreg.scid  }
0xb5: {  	s30 =	sshll.u32 s29, $0xD;
	s31 =	sshrl.u32 s29, $0x2  }
0xb6: {  	s1 =	sand.u32 $0x1, s29;
	s2 =	sand.u32 $0x4000, s30;
	s0 =	sadd.s32 s31, s28  }
0xb7: {  	s1 =	sor.u32 s2, s1;
	s0 =	sshll.u32 s0, $0x11  }
0xb8: {  	s0 =	sor.u32 s0, s1  }
0xb9: {  	s0 =	sadd.s32 $0x8F2B, s0  }
0xba: {  	[sflag:s0] =	ssyncadd.remote.s32 $0x1  }
0xbb: {  	_ =	sfence.sel $0xFFFF  }
0xbc: {  	[dreg:$0x0] =	wrdreg $0xFFFFFFFF;
	(pc) =	sbr.abs _section_cstart, $3  }
0xbd: {  	[dreg:$0x1] =	wrdreg $0xFFFFFFFF  }
0xbe: {  	_ =	task.clear_ibuf [dreg:s4], $0x2FFFF;
	_ =	strace $0x9FFFFFFF  }
0xbf: {  	(tm) =	ssettm $0x7FFFFFFF  }
tec
execute0_lowered:
.L_overlay_start_1:
0x0: {  	(tag) =	ssettag $0x1  }
0x1: {  	s8 =	rddreg [dreg:$0x0]  }
0x2: {  	s0 =	rddreg [dreg:$0x1];
	_ =	strace $0x8000004A;
	s2 =	simm.s32 $0x1  }
0x3: {  	v1 =	vimm.s32 $0xFFFFFFFF;
	[sflag:s2] =	ssyncpa.u1 $0x0  }
0x4: {  	[tilespmem:$0x10] =	vst v1  }
0x5: {  	v0 =	vimm.f32 $0.0e+00;
	[tilespmem:$0x20] =	vst v1  }
0x6: {  	[tilespmem:$0x30] =	vst v0  }
0x7: {  	[tilespmem:$0x40] =	vst v0  }
0x8: {  	[tilespmem:$0x50] =	vst v0  }
0x9: {  	s3 =	simm.s32 $0x2;
	s5 =	simm.s32 $0x7;
	[tilespmem:$0x60] =	vst v1  }
0xa: {  	s7 =	simm.s32 $0x8;
	s10 =	simm.s32 $0x9;
	s14 =	simm.s32 $0x0;
	[tilespmem:$0x70] =	vst v1  }
0xb: {  	s15 =	simm.s32 $0xFF;
	p0 =	por $0x0, $0x0;
	s16 =	simm.s32 $0xFFFFC280;
	[tilespmem:$0x80] =	vst v1  }
0xc: {  	s17 =	simm.s32 $0xFFFFFFFE;
	s18 =	simm.s32 $0xF;
	s19 =	simm.s32 $0x30;
	v1 =	vimm.s32 $0x0;
	[tilespmem:$0xB0] =	vst v0  }
0xd: {  	s22 =	simm.s32 $0x0;
	s20 =	simm.s32 $0x0;
	s1 =	sadd.s32 $0x3F8000, s8;
	[tilespmem:$0x90] =	vst v1  }
.Ltmp0:
0xe: {  	[tilespmem:$0xA0] =	vst v1;
	[sflag:s3] =	ssyncpa.u1 $0x0;
	s3 =	stileid.u32;
	(pc) =	sbr.rel .LBB2_1-.Ltmp0, $4  }
0xf: {  	s4 =	sadd.s32 $0x396400, s8;
	s6 =	smul.u32 $0x30D40, s3;
	[sflag:s5] =	ssyncpa.u1 $0x0  }
0x10: {  	s8 =	sadd.s32 $0x334800, s8;
	s12 =	sshllo.u32 s3, $0x1;
	[sflag:s7] =	ssyncpa.u1 $0x0  }
0x11: {  	vm0 =	vmmov $0xffff;
	v2 =	vlaneseq.u32;
	s9 =	sadd.s32 $0x30D40, s6;
	[sflag:s10] =	ssyncpa.u1 $0x0;
	s10 =	sshll.u32 s3, $0x1  }
0x12: {  	vm1 =	vmxor vm1, vm1;
	vm2 =	vmmov $0x1;
	vm3 =	vcmask $0x3F3C;
	s21 =	smov.u32 s6;
	s11 =	sor.u32 $0x81, s10;
	s13 =	sor.u32 $0x80, s10  }
.LBB2_10:
0x13: {  	p1 =	slt.u32 s20, $0x3  }
0x14: {  	s22 =	simm.s32 @!p1 $0x2  }
0x15: {  	_ =	swait.ge @!p1 [sflag:s22], $0x1F40  }
0x16: {  	[sflag:s22] =	ssyncset.done @!p1 $0x0  }
0x17: {  	[sflag:s22] =	ssyncadd.s32 @!p1 $0xFFFFE0C0;
	s22 =	simm.s32 @!p1 $0x9  }
0x18: {  	_ =	swait.ge @!p1 [sflag:s22], $0x10  }
0x19: {  	s23 =	sadd.s32 $0x1F40, s21;
	s24 =	smov.u32 s6;
	[sflag:s22] =	ssyncset.done @!p1 $0x0  }
0x1a: {  	s20 =	sadd.s32 $0x1, s20;
	[sflag:s22] =	ssyncadd.s32 @!p1 $0xFFFFFFF0;
	p1 =	slt.s32 s23, s9  }
0x1b: {  	s24 =	smov.u32 @p1 s23;
	p1 =	sne.s32 s20, $0x1C  }
.Ltmp1:
0x1c: {  	_ = 	snop;
	(pc) =	sbr.rel @!p1 .LBB2_11-.Ltmp1, $3  }
0x1d: {  	_ =	sdelay $0x1  }
0x1e: {  	s15 =	sadd.s32 $0x1, s15;
	p0 =	por !p0, !p0;
	s16 =	sadd.s32 $0x1F40, s16  }
0x1f: {  	s17 =	sadd.s32 $0x1, s17;
	s22 =	smov.u32 s21;
	s21 =	smov.u32 s24  }
.LBB2_1:
0x20: {  	p1 =	sgt.u32 s20, $0x18  }
0x21: {  	s23 =	smul.u32 @!p1 $0xAB, s20;
	_ =	sdelay $0x1  }
0x22: {  	s23 =	sshrl.u32 @!p1 s23, $0x9  }
0x23: {  	s23 =	sand.u32 @!p1 $0x7F, s23  }
0x24: {  	s23 =	smul.u32 @!p1 $0x3, s23;
	_ =	sdelay $0x1  }
0x25: {  	s23 =	ssub.s32 @!p1 s20, s23  }
0x26: {  	s23 =	sand.u32 @!p1 $0xFF, s23  }
0x27: {  	s23 =	smul.u32 @!p1 $0x7D00, s23;
	_ =	sdelay $0x1  }
0x28: {  	s24 =	sshrl.u32 @!p1 s21, $0x3;
	s23 =	sshrl.u32 @!p1 s23, $0x2  }
0x29: {  	s25 =	sand.u32 @!p1 $0x7, s21;
	s24 =	sadd.s32 @!p1 s4, s24;
	s23 =	sadd.s32 @!p1 $0x100, s23  }
0x2a: {  	[tilespmem:s23], [sflag:$0x7] =	stream.linear.gather @!p1 [hbm4b:s24+s25], $0x1F40, $0x38;
	[tilespmem:$0x11A60] =	vst v63  }
0x2b: {  	s23 =	sadd.s32 $0xFFFFFFFF, s20  }
0x2c: {  	p1 =	sgt.u32 s23, $0x18  }
.Ltmp2:
0x2d: {  	_ = 	snop;
	(pc) =	sbr.rel @p1 .LBB2_5-.Ltmp2, $1  }
0x2e: {  	_ =	sdelay $0x3  }
0x2f: {  	s24 =	smul.u32 $0xAB, s23;
	_ =	sdelay $0x1  }
0x30: {  	s24 =	sshrl.u32 s24, $0x9  }
0x31: {  	s24 =	sand.u32 $0x7F, s24  }
0x32: {  	s24 =	smul.u32 $0x3, s24;
	_ =	sdelay $0x1  }
0x33: {  	s24 =	ssub.s32 s23, s24  }
0x34: {  	s24 =	sand.u32 $0xFF, s24  }
0x35: {  	s24 =	smul.u32 $0x7D00, s24  }
0x36: {  	_ =	swait.ge [sflag:s5], $0x1F40  }
0x37: {  	[sflag:s5] =	ssyncset.done $0x0;
	s24 =	sshrl.u32 s24, $0x2  }
0x38: {  	[sflag:s5] =	ssyncadd.s32 $0xFFFFE0C0;
	(ifvalue) =	ssetifvalue $0xFFFFFFFF;
	v3 =	vld.msk [tilespmem:s24+$0x100 ss:$0x1], $0xffff  }
0x39: {  	s29 =	sand.u32 $0xFF, s15  }
0x3a: {  	s25 =	smulhi.u32 $0x55555556, s29  }
0x3b: {  	p1 =	sne.s32 s20, $0x1  }
0x3c: {  	v4 =	vimm.s32 @!p1 $0x0;
	s25 =	smul.u32 $0x17700, s25  }
0x3d: {  	s24 =	smul.u32 $0x7D00, s29;
	v4 =	vperm.xlane @!p1 v3, v4  }
0x3e: {  	s26 =	sshll.u32 s20, $0x4;
	vm4 =	vlt.u32 v3, $0x18800  }
0x3f: {  	s30 =	sand.u32 $0x10, s26;
	s24 =	ssub.s32 s24, s25;
	v3 =	vnsel vm4, $0xFFFFFFFE, v3;
	vm4 =	vlt.u32 @!p1 v4, $0x18800  }
0x40: {  	s24 =	sshra.s32 s24, $0x2;
	[tilespmem:s30+$0x60] =	vst v3;
	v3 =	vnsel @!p1 vm4, $0xFFFFFFFE, v4  }
0x41: {  	s28 =	sadd.s32 $0x2030, s24;
	[tilespmem:$0x80] =	vst @!p1 v3  }
0x42: {  	v3 =	vld.msk [tilespmem:s28+$0x0 ss:$0x1], $0xffff;
	_ =	sdelay $0x4  }
0x43: {  	(xrf1) =	vunique.msk.u32 $0xffff, v3;
	_ =	sdelay $0xd  }
0x44: {  	v4 =	vimm.s32 $0xFFFFFFFF;
	v5, _, _ =	vpop (xrf1)  }
0x45: {  	vm5 =	vne.s32 v3, v4;
	vm4 =	veq.s32 v5, v2  }
0x46: {  	vm6 =	vlt.u32 v3, $0x18800;
	vm4 =	vmand vm5, vm4  }
0x47: {  	vm4 =	vmand vm6, vm4  }
0x48: {  	v4 =	vnsel vm4, $0xFFFFFFFF, v3  }
0x49: {  	s31 =	sand.u32 $0x1, s23  }
0x4a: {  	s23 =	simm.s32 $0x1F40;
	p1 =	seq.s32 s31, $0x1  }
0x4b: {  	s23 =	simm.s32 @!p1 $0x0  }
0x4c: {  	s24 =	sadd.s32 $0x7DF0, s23;
	(ifvalue) =	ssetifvalue $0xFFFFFFFF  }
0x4d: {  	v3 =	vperm.xlane v3, v1;
	[tilespmem:s24], [sflag:$0x8] =	stream.indirect_vreg.gather [hbm4b:s1+s14], $0x1, v4, vm0, $0x4038;
	v4 =	vnsel vm6, $0xFFFFFFFE, v4;
	[tilespmem:$0x11A60] =	vst v63  }
0x4e: {  	s25 =	simm.s32 $0x0;
	s26 =	sadd.s32 $0xFFFFFFF0, s28;
	[tilespmem:s28+$0x0] =	vst v4  }
.LBB2_3:
0x4f: {  	v4 =	vld.msk [tilespmem:s26+$0x0 ss:$0x1], $0xffff;
	s25 =	sadd.s32 $0x10, s25;
	v5 =	vmov v3;
	s28 =	smov.u32 s26  }
0x50: {  	p1 =	slt.u32 s25, $0x1F30;
	_ =	sdelay $0x4  }
0x51: {  	v3 =	vperm.xlane v4, v1;
	(xrf1) =	vunique.msk.u32 $0xffff, v4;
	_ =	sdelay $0xd  }
0x52: {  	v6, _, _ =	vpop (xrf1)  }
0x53: {  	vm5 =	vne.s32 v4, v5;
	vm4 =	veq.s32 v6, v2  }
0x54: {  	vm6 =	vlt.u32 v4, $0x18800;
	vm4 =	vmand vm5, vm4  }
0x55: {  	vm4 =	vmand vm6, vm4  }
0x56: {  	v4 =	vnsel vm4, $0xFFFFFFFF, v4  }
.Ltmp3:
0x57: {  	v5 =	vnsel vm6, $0xFFFFFFFE, v4;
	(pc) =	sbr.rel @p1 .LBB2_3-.Ltmp3, $3  }
0x58: {  	_ =	sdelay $0x1  }
0x59: {  	s26 =	sadd.s32 $0xFFFFFFF0, s26;
	s24 =	sadd.s32 $0xFFFFFFF0, s24;
	(ifvalue) =	ssetifvalue $0xFFFFFFFF  }
0x5a: {  	[tilespmem:s24], [sflag:$0x8] =	stream.indirect_vreg.gather [hbm4b:s1+s14], $0x1, v4, vm0, $0x4038;
	[tilespmem:s28+$0x0] =	vst v5  }
0x5b: {  	s22 =	sshrl.u32 s22, $0x3  }
0x5c: {  	s23 =	sadd.s32 $0x9D40, s23;
	s22 =	sadd.s32 s8, s22  }
0x5d: {  	[tilespmem:s23], [sflag:$0x8] =	stream.linear.gather [hbm:s22], $0x1F40, $0x38;
	[tilespmem:$0x11A60] =	vst v63  }
.LBB2_5:
0x5e: {  	p1 =	sgt.u32 s20, $0x1B  }
.Ltmp4:
0x5f: {  	_ = 	snop;
	(pc) =	sbr.rel @p1 .LBB2_7-.Ltmp4, $1  }
0x60: {  	_ =	sdelay $0x3  }
0x61: {  	s22 =	sshll.u32 s2, s20  }
0x62: {  	s22 =	sand.u32 $0x8000003, s22  }
0x63: {  	p1 =	sne.s32 s22, $0x0  }
.Ltmp5:
0x64: {  	_ = 	snop;
	(pc) =	sbr.rel @p1 .LBB2_10-.Ltmp5, $1  }
0x65: {  	_ =	sdelay $0x3  }
.LBB2_7:
0x66: {  	s22 =	sadd.s32 $0xFFFFFFFE, s20  }
0x67: {  	s23 =	smulhi.u32 $0xAAAAAAAB, s22;
	_ =	sdelay $0x1  }
0x68: {  	s23 =	sshrl.u32 s23, $0x1  }
0x69: {  	s23 =	smul.u32 $0x3, s23;
	_ =	sdelay $0x1  }
0x6a: {  	s22 =	ssub.s32 s22, s23  }
0x6b: {  	_ =	swait.ge [sflag:s7], $0x3E80;
	s26 =	smul.u32 $0x1F40, s22  }
0x6c: {  	p1 =	sne.s32 s20, $0x1A;
	[sflag:s7] =	ssyncset.done $0x0  }
0x6d: {  	[sflag:s7] =	ssyncadd.s32 $0xFFFFC180;
	s22 =	sadd.s32 @!p1 $0x203F, s26  }
0x6e: {  	[spmem:s11] =	stream.linear.scatter @!p1 [tilespmem:s22], [sflag:$0x1], $0x1, $0x38;
	[tilespmem:$0x11A60] =	vst v63  }
0x6f: {  	s22 =	simm.s32 @!p1 $0x1  }
0x70: {  	_ =	swait.ge @!p1 [sflag:s22], $0x1  }
0x71: {  	s25 =	sshll.u32 s20, $0x4;
	[sflag:s22] =	ssyncset.done @!p1 $0x0  }
0x72: {  	[sflag:s22] =	ssyncadd.s32 @!p1 $0xFFFFFFFF;
	s22 =	sand.u32 $0x10, s25  }
0x73: {  	v4 =	vld [tilespmem:s22+$0x10];
	s28 =	sxor.u32 $0x10, s22  }
0x74: {  	v5 =	vld [tilespmem:s28+$0x60]  }
0x75: {  	v3 =	vld [tilespmem:$0x80];
	_ =	sdelay $0x2  }
0x76: {  	(v2sf) =	vpush v4, $0x0  }
0x77: {  	(v2sf) =	vpush v5, $0x0  }
0x78: {  	(v2sf) =	vpush v3, $0x0;
	_ =	sdelay $0xc  }
0x79: {  	s23 =	spop (v2sf)  }
0x7a: {  	s25 =	spop (v2sf)  }
0x7b: {  	s24 =	spop (v2sf)  }
0x7c: {  	p2 =	seq.s32 s23, s25;
	p3 =	seq.s32 s24, s23  }
0x7d: {  	p3 =	por p2, p3  }
0x7e: {  	s23 =	sand.u32 $0x1, s20;
	v4 =	vpsel p3, $0xFFFFFFFF, v4  }
0x7f: {  	s25 =	smul.u32 $0x1F40, s23;
	[tilespmem:s22+$0x10] =	vst.msk $0x1, v4  }
0x80: {  	v4 =	vld [tilespmem:$0x30]  }
0x81: {  	v5 =	vld [tilespmem:s25+$0x9D40]  }
0x82: {  	v6 =	vld [tilespmem:s22+$0x40];
	_ =	sdelay $0x3  }
0x83: {  	vm4 =	vmmov vm1;
	v5 =	vadd.f32 v5, v4  }
0x84: {  	vm5 =	vmmov vm2;
	vm4 =	vmmov @p2 vm2;
	s23 =	sshll.u32 s23, $0x4;
	v4 =	vadd.f32 v6, v4  }
0x85: {  	vm5 =	vmmov @p3 vm1;
	s23 =	sor.u32 $0x11A40, s23;
	[tilespmem:s25+$0x9D40] =	vst.msk vm4, v5  }
0x86: {  	[tilespmem:s23+$0x0] =	vst.msk vm5, v4  }
0x87: {  	v4 =	vld [tilespmem:s25+$0x7DF0];
	_ =	sdelay $0x3  }
0x88: {  	v5 =	vimm.f32 $0.0e+00  }
0x89: {  	v4 =	vshift.insert v4, v5, s18  }
0x8a: {  	s29 =	sor.u32 $0x40, s28  }
0x8b: {  	[tilespmem:s29+$0x0] =	vst.msk $0x1, v4  }
0x8c: {  	[tilespmem:s25+$0x7DFF] =	vst.msk $0x1, v5  }
0x8d: {  	v4 =	vld [tilespmem:s26+$0x2030];
	_ =	sdelay $0x1  }
0x8e: {  	s29 =	smulhi.u32 $0xAAAAAAAB, s17;
	s26 =	simm.s32 $0x1  }
0x8f: {  	s26 =	simm.s32 @!p0 $0x0  }
0x90: {  	s29 =	sshrl.u32 s29, $0x1;
	s26 =	smul.u32 $0x7D00, s26  }
0x91: {  	s29 =	smul.u32 $0xFFFE8900, s29;
	v4 =	vshift.insert v4, v1, s18  }
0x92: {  	s30 =	sshrl.u32 s26, $0x2  }
0x93: {  	s29 =	sshra.s32 s29, $0x2;
	s26 =	sadd.s32 $0x9D40, s30;
	[tilespmem:s28+$0x10] =	vst.msk $0x1, v4  }
0x94: {  	s31 =	sadd.s32 s29, s16;
	v6 =	vld [tilespmem:s26+$0x0]  }
0x95: {  	v7 =	vld [tilespmem:s31+$0x0];
	_ =	sdelay $0x3  }
0x96: {  	v5 =	vadd.f32 v6, v5  }
0x97: {  	vm4 =	vne.s32 v7, $0xFFFFFFFF  }
0x98: {  	(xrf2) =	vadd.seg.scan.f32 vm4, v5;
	_ =	sdelay $0x3  }
0x99: {  	s28 =	sadd.s32 $0x5EC0, s30;
	v5 =	vperm.xlane v4, v1  }
0x9a: {  	v6 =	vld [tilespmem:s28+$0x0]  }
0x9b: {  	vm5 =	veq.s32 v7, v3;
	vm6 =	veq.s32 v7, v5  }
0x9c: {  	vm7 =	vgt.u32 v7, $0xFFFFFFFD;
	vm6 =	vmor vm6, vm5  }
0x9d: {  	vm6 =	vmor vm6, vm7  }
0x9e: {  	v9 =	vld [tilespmem:$0xA0];
	v7 =	vsel vm6, $0xFFFFFFFF, v7  }
0x9f: {  	v10 =	vld [tilespmem:$0x90];
	v6 =	vsel vm5, $0x0, v6;
	v8, _, _ =	vpop (xrf2)  }
0xa0: {  	v6 =	vadd.f32 v8, v6  }
0xa1: {  	s29 =	sadd.s32 $0xDBC0, s30  }
0xa2: {  	vm4 =	vmand vm4, vm3;
	[tilespmem:s29+$0x0] =	vst v6;
	(ifvalue) =	ssetifvalue $0xFFFFFFFF  }
0xa3: {  	vm6 =	veq.s32 v9, $0x1;
	[hbm4b:s1+s14] =	stream.indirect_vreg.scatter [tilespmem:s29], [sflag:$0x2], $0x1, v7, vm0, $0x4038;
	v7 =	vsel vm4, $0x0, v8;
	[tilespmem:$0x11A60] =	vst v63  }
0xa4: {  	s30 =	simm.s32 $0x0;
	s31 =	sadd.s32 $0x10, s31;
	vm4 =	vmor vm6, vm5;
	v6 =	vsel vm5, v8, v10;
	v7 =	vshift.insert v7, v0, s18  }
.LBB2_8:
0xa5: {  	v8 =	vld [tilespmem:s31+$0x0];
	s26 =	sadd.s32 $0x10, s26  }
0xa6: {  	s28 =	sadd.s32 $0x10, s28;
	v9 =	vld [tilespmem:s26+$0x0]  }
0xa7: {  	s30 =	sadd.s32 $0x10, s30;
	v10 =	vld [tilespmem:s28+$0x0]  }
0xa8: {  	p2 =	slt.u32 s30, $0x1F30;
	_ =	sdelay $0x2  }
0xa9: {  	v7 =	vadd.f32 v9, v7  }
0xaa: {  	vm5 =	vne.s32 v8, $0xFFFFFFFF  }
0xab: {  	vm6 =	vmand vm5, vm3;
	(xrf2) =	vadd.seg.scan.f32 vm5, v7;
	_ =	sdelay $0x5  }
0xac: {  	vm7 =	veq.s32 v8, v5;
	vm5 =	veq.s32 v8, v3  }
0xad: {  	vm8 =	vgt.u32 v8, $0xFFFFFFFD;
	vm4 =	vmor vm4, vm5;
	vm7 =	vmor vm7, vm5  }
0xae: {  	vm7 =	vmor vm7, vm8  }
0xaf: {  	v8 =	vsel vm7, $0xFFFFFFFF, v8  }
.Ltmp6:
0xb0: {  	v7 =	vsel vm5, $0x0, v10;
	v9, _, _ =	vpop (xrf2);
	(pc) =	sbr.rel @p2 .LBB2_8-.Ltmp6, $4  }
0xb1: {  	v6 =	vsel vm5, v9, v6;
	v10 =	vadd.f32 v9, v7;
	v7 =	vsel vm6, $0x0, v9  }
0xb2: {  	s29 =	sadd.s32 $0x10, s29;
	v7 =	vshift.insert v7, v0, s18  }
0xb3: {  	s31 =	sadd.s32 $0x10, s31;
	[tilespmem:s29+$0x0] =	vst v10;
	(ifvalue) =	ssetifvalue $0xFFFFFFFF  }
0xb4: {  	[hbm4b:s1+s14] =	stream.indirect_vreg.scatter [tilespmem:s29], [sflag:$0x2], $0x1, v8, vm0, $0x4038;
	[tilespmem:$0x11A60] =	vst v63  }
0xb5: {  	v3 =	vld [tilespmem:s25+$0xFAF0];
	_ =	sdelay $0x4  }
0xb6: {  	v3 =	vshift.insert v3, v0, s18;
	_ =	sdelay $0x1  }
0xb7: {  	[tilespmem:s19+$0x0] =	vst.msk $0x1, v3  }
0xb8: {  	v3 =	vsel vm4, $0x1, v1;
	[tilespmem:$0x90] =	vst v6  }
0xb9: {  	s25 =	sadd.s32 @!p1 $0xFAFF, s25;
	[tilespmem:$0xA0] =	vst v3  }
0xba: {  	[spmem:s12] =	stream.linear.scatter @!p1 [tilespmem:s25], [sflag:$0x1], $0x1, $0x38;
	[tilespmem:$0x11A60] =	vst v63  }
0xbb: {  	s25 =	simm.s32 @!p1 $0x1  }
0xbc: {  	v3 =	vmctz.xlane @!p1 vm4;
	_ =	swait.ge @!p1 [sflag:s25], $0x1  }
0xbd: {  	(v2sf) =	vpush @!p1 v4, $0x0  }
0xbe: {  	(v2sf) =	vpush @!p1 v3, $0x0;
	_ =	sdelay $0xd  }
0xbf: {  	s26 =	spop @!p1 (v2sf)  }
0xc0: {  	s28 =	spop @!p1 (v2sf)  }
0xc1: {  	p2 =	sne.s32 @!p1 s24, s26;
	p3 =	slt.s32 @!p1 s28, $0xF  }
0xc2: {  	[sflag:s25] =	ssyncset.done @!p1 $0x0;
	p2 =	por p2, p1;
	p3 =	por !p3, p1  }
0xc3: {  	[sflag:s25] =	ssyncadd.s32 @!p1 $0xFFFFFFFF;
	v3 =	vimm.s32 @!p2 $0xFFFFFFFF;
	s28 =	simm.s32 @p3 $0xF  }
0xc4: {  	[tilespmem:$0x80] =	vst @!p2 v3;
	s24 =	sadd.s32 @!p1 $0x90, s28  }
0xc5: {  	[spmem:s10] =	stream.linear.scatter @!p1 [tilespmem:s24], [sflag:$0x1], $0x1, $0x38;
	[tilespmem:$0x11A60] =	vst v63  }
0xc6: {  	_ =	swait.ge @!p1 [sflag:s25], $0x1  }
0xc7: {  	[sflag:s25] =	ssyncset.done @!p1 $0x0  }
0xc8: {  	s24 =	simm.s32 @!p1 $0x80;
	[sflag:s25] =	ssyncadd.s32 @!p1 $0xFFFFFFFF  }
0xc9: {  	[spmem:s13] =	stream.linear.scatter @!p1 [tilespmem:s24], [sflag:$0x1], $0x1, $0x38;
	[tilespmem:$0x11A60] =	vst v63  }
0xca: {  	_ =	swait.ge @!p1 [sflag:s25], $0x1  }
0xcb: {  	[sflag:s25] =	ssyncset.done @!p1 $0x0  }
0xcc: {  	[sflag:s25] =	ssyncadd.s32 @!p1 $0xFFFFFFFF;
	(ifvalue) =	ssetifvalue $0xFFFFFFFF;
	v3 =	vld [tilespmem:s22+$0x10];
	_ =	sdelay $0x3  }
.Ltmp7:
0xcd: {  	_ = 	snop;
	(pc) =	sbr.rel .LBB2_10-.Ltmp7, $3  }
0xce: {  	_ =	sdelay $0x1  }
0xcf: {  	(ifvalue) =	ssetifvalue $0xFFFFFFFF  }
0xd0: {  	[hbm4b:s1+s14] =	stream.indirect_vreg.scatter [tilespmem:s23], [sflag:$0x9], $0x1, v3, vm0, $0x4038;
	[tilespmem:$0x11A60] =	vst v63  }
.LBB2_11:
0xd1: {  	_ =	sfence.sel $0x180000  }
0xd2: {  	s2 =	simm.s32 $0x7;
	[bflag:$0x0] =	sbarrier.arrive $0xFFFF  }
0xd3: {  	s26 =	simm.s32 $0x8;
	[sflag:s2] =	ssyncpa.u1 $0x1  }
0xd4: {  	s28 =	simm.s32 $0x9;
	[sflag:s26] =	ssyncpa.u1 $0x1  }
0xd5: {  	[sflag:s28] =	ssyncpa.u1 $0x1  }
0xd6: {  	_ =	sfence.stream.spmem  }
0xd7: {  	s29 =	simm.s32 $0x3;
	[bflag:$0x0] =	sbarrier.arrive $0xFFFF  }
0xd8: {  	s30 =	simm.s32 $0x4;
	[sflag:s29] =	ssyncpa.u1 $0x1  }
0xd9: {  	s31 =	simm.s32 $0x3C;
	[sflag:s30] =	ssyncpa.u1 $0x1  }
0xda: {  	p0 =	sne.s32 s3, $0x0;
	[sflag:s31] =	ssyncpa.u1 $0x1  }
0xdb: {  	s0 =	simm.s32 @p0 $0x1;
	_ =	sfence @p0  }
0xdc: {  	[sflag:s0] =	ssyncpa.u1 @p0 $0x1;
	s0 =	simm.s32 @p0 $0x2  }
0xdd: {  	[sflag:s0] =	ssyncpa.u1 @p0 $0x1  }
0xde: {  	_ =	strace @p0 $0x9000004A  }
0xdf: {  	[bflag:$0x2] =	sbarrier.arrive @p0 $0xFFFF  }
0xe0: {  	_ =	shalt @p0  }
.LBB2_12:
0xe1: {  	_ =	sfence.stream.spmem;
	s4 =	simm.s32 $0x5  }
0xe2: {  	s2 =	simm.s32 $0x80;
	s3 =	simm.s32 $0xC0;
	[sflag:s4] =	ssyncpa.u1 $0x0  }
0xe3: {  	[tilespmem:s3], [sflag:$0x5] =	stream.linear.gather [spmem:s2], $0x20, $0x38;
	[tilespmem:$0x11A60] =	vst v63  }
0xe4: {  	s2 =	simm.s32 $0x0;
	s3 =	simm.s32 $0xE0  }
0xe5: {  	[tilespmem:s3], [sflag:$0x5] =	stream.linear.gather [spmem:s2], $0x20, $0x38;
	[tilespmem:$0x11A60] =	vst v63  }
.Ltmp8:
0xe6: {  	_ = 	snop;
	(pc) =	sbr.rel .LBB2_13-.Ltmp8, $4  }
0xe7: {  	_ =	swait.ge [sflag:s4], $0x40  }
0xe8: {  	[sflag:s4] =	ssyncset.done $0x0  }
0xe9: {  	s31 =	simm.s32 $0x6;
	[sflag:s4] =	ssyncadd.s32 $0xFFFFFFC0  }
0xea: {  	s4 =	simm.s32 $0x0;
	[sflag:s31] =	ssyncpa.u1 $0x0  }
.LBB2_18:
0xeb: {  	p0 =	sgt.u32 s5, $0x187FF  }
0xec: {  	s6 =	sshrl.u32 @!p0 s5, $0x3  }
0xed: {  	s5 =	sand.u32 @!p0 $0x7, s5;
	s7 =	simm.s32 @!p0 $0xB0;
	s6 =	sadd.s32 @!p0 s1, s6  }
0xee: {  	[tilespmem:s7], [sflag:$0x6] =	stream.linear.gather @!p0 [hbm4b:s6+s5], $0x1, $0x38;
	[tilespmem:$0x11A60] =	vst v63  }
0xef: {  	s5 =	simm.s32 @!p0 $0x6  }
0xf0: {  	_ =	swait.ge @!p0 [sflag:s5], $0x1  }
0xf1: {  	[sflag:s5] =	ssyncset.done @!p0 $0x0  }
0xf2: {  	[sflag:s5] =	ssyncadd.s32 @!p0 $0xFFFFFFFF  }
0xf3: {  	v2 =	vmov @!p0 s4;
	v1 =	vld.msk @!p0 [tilespmem:$0xB0], $0x1;
	_ =	sdelay $0x3  }
0xf4: {  	s5 =	simm.s32 @!p0 $0xE0  }
0xf5: {  	[tilespmem:v2+s5+$0x0], v1 =	vst.idx.ret.add.f32.msk @!p0 $0x1, v1  }
0xf6: {  	[tilespmem:s2+$0xC0] =	vst.msk $0x1, v0  }
0xf7: {  	v0 =	vld.msk [tilespmem:s4+$0xE0], $0x1;
	_ =	sdelay $0x4  }
0xf8: {  	[tilespmem:s2+$0xE0] =	vst.msk $0x1, v0;
	s2 =	sadd.s32 $0x1, s2  }
.LBB2_20:
0xf9: {  	s4 =	sadd.s32 $0x1, s4  }
0xfa: {  	p0 =	sne.s32 s4, $0x20  }
.Ltmp9:
0xfb: {  	_ = 	snop;
	(pc) =	sbr.rel @!p0 .LBB2_21-.Ltmp9, $1  }
0xfc: {  	_ =	sdelay $0x3  }
.LBB2_13:
0xfd: {  	v0 =	vld.msk [tilespmem:s4+$0xC0], $0x1;
	_ =	sdelay $0x4  }
0xfe: {  	(v2sf) =	vpush v0, $0x0;
	_ =	sdelay $0xe  }
0xff: {  	s5 =	spop (v2sf)  }
0x100: {  	p0 =	seq.s32 s5, $0xFFFFFFFF  }
.Ltmp10:
0x101: {  	_ = 	snop;
	(pc) =	sbr.rel @p0 .LBB2_20-.Ltmp10, $1  }
0x102: {  	_ =	sdelay $0x3  }
0x103: {  	p0 =	slt.s32 s2, $0x1  }
.Ltmp11:
0x104: {  	_ = 	snop;
	(pc) =	sbr.rel @p0 .LBB2_18-.Ltmp11, $1  }
0x105: {  	_ =	sdelay $0x3  }
0x106: {  	s6 =	simm.s32 $0xC0;
	p0 =	por $0x0, $0x0  }
0x107: {  	v1 =	vld.msk @!p0 [tilespmem:s6+$0x0], $0x1;
	_ =	sdelay $0x4  }
0x108: {  	(v2sf) =	vpush @!p0 v1, $0x0;
	_ =	sdelay $0xd  }
0x109: {  	p2 =	sne.s32 s2, $0x1  }
.Ltmp12:
0x10a: {  	s7 =	spop @!p0 (v2sf);
	(pc) =	sbr.rel @!p2 .LBB2_17-.Ltmp12, $4  }
0x10b: {  	p1 =	seq.s32 @!p0 s5, s7  }
0x10c: {  	s7 =	simm.s32 $0x0;
	p1 =	por !p1, p0  }
0x10d: {  	s9 =	simm.s32 $0xFFFFFFFF;
	s7 =	simm.s32 @p1 $0xFFFFFFFF  }
0x10e: {  	s8 =	simm.s32 $0x1;
	s7 =	smov.u32 @p0 s9  }
.LBB2_16:
0x10f: {  	s9 =	smov.u32 s7;
	p0 =	sne.s32 s7, $0xFFFFFFFF  }
0x110: {  	s6 =	sadd.s32 $0x1, s6;
	s7 =	smov.u32 s8;
	s8 =	sadd.s32 $0x1, s8  }
0x111: {  	p1 =	sne.s32 s2, s8;
	v1 =	vld.msk @!p0 [tilespmem:s6+$0x0], $0x1;
	_ =	sdelay $0x4  }
0x112: {  	(v2sf) =	vpush @!p0 v1, $0x0;
	_ =	sdelay $0xe  }
.Ltmp13:
0x113: {  	s10 =	spop @!p0 (v2sf);
	(pc) =	sbr.rel @p1 .LBB2_16-.Ltmp13, $4  }
0x114: {  	p2 =	seq.s32 @!p0 s5, s10  }
0x115: {  	p2 =	por !p2, p0  }
0x116: {  	s7 =	simm.s32 @p2 $0xFFFFFFFF  }
0x117: {  	s7 =	smov.u32 @p0 s9  }
.LBB2_17:
0x118: {  	p0 =	sne.s32 s7, $0xFFFFFFFF  }
.Ltmp14:
0x119: {  	_ = 	snop;
	(pc) =	sbr.rel @!p0 .LBB2_18-.Ltmp14, $1  }
0x11a: {  	_ =	sdelay $0x3  }
0x11b: {  	v0 =	vld.msk [tilespmem:s4+$0xE0], $0x1;
	v1 =	vmov s7  }
.Ltmp15:
0x11c: {  	_ = 	snop;
	(pc) =	sbr.rel .LBB2_20-.Ltmp15, $2  }
0x11d: {  	_ =	sdelay $0x2  }
0x11e: {  	[tilespmem:v1+s3+$0x0], v0 =	vst.idx.ret.add.f32.msk $0x1, v0  }
.LBB2_21:
0x11f: {  	p0 =	slt.s32 s2, $0x1  }
.Ltmp16:
0x120: {  	_ = 	snop;
	(pc) =	sbr.rel @p0 .LBB2_25-.Ltmp16, $3  }
0x121: {  	_ =	sdelay $0x1  }
0x122: {  	s3 =	simm.s32 $0x6  }
0x123: {  	[sflag:s3] =	ssyncpa.u1 $0x1;
	s3 =	simm.s32 $0x0  }
0x124: {  	s4 =	simm.s32 $0xC0  }
0x125: {  	v0 =	vld.msk [tilespmem:s4+$0x0], $0x1;
	_ =	sdelay $0x4  }
0x126: {  	(v2sf) =	vpush v0, $0x0;
	_ =	sdelay $0xe  }
0x127: {  	s2 =	sadd.s32 $0xFFFFFFFF, s2;
	s5 =	spop (v2sf)  }
0x128: {  	p1 =	sne.s32 s2, $0x0;
	p0 =	sgt.u32 s5, $0x187FF  }
.Ltmp17:
0x129: {  	s6 =	sshrl.u32 @!p0 s5, $0x3;
	(pc) =	sbr.rel @!p1 .LBB2_24-.Ltmp17, $4  }
0x12a: {  	s4 =	simm.s32 $0xE0;
	s5 =	sand.u32 @!p0 $0x7, s5;
	s6 =	sadd.s32 @!p0 s1, s6  }
0x12b: {  	[hbm4b:s6+s5] =	stream.linear.scatter @!p0 [tilespmem:s4], [sflag:$0x5], $0x1, $0x38;
	[tilespmem:$0x11A60] =	vst v63  }
0x12c: {  	s6 =	simm.s32 $0x0  }
0x12d: {  	s5 =	simm.s32 $0xC1;
	s6 =	simm.s32 @!p0 $0x4  }
.LBB2_23:
0x12e: {  	v0 =	vld.msk [tilespmem:s5+$0x0], $0x1;
	s2 =	sadd.s32 $0xFFFFFFFF, s2;
	s3 =	sadd.s32 s3, s6  }
0x12f: {  	p0 =	sne.s32 s2, $0x0;
	_ =	sdelay $0x3  }
0x130: {  	(v2sf) =	vpush v0, $0x0;
	_ =	sdelay $0xe  }
.Ltmp18:
0x131: {  	s7 =	spop (v2sf);
	(pc) =	sbr.rel @p0 .LBB2_23-.Ltmp18, $4  }
0x132: {  	s6 =	simm.s32 $0x0;
	p1 =	sgt.u32 s7, $0x187FF  }
0x133: {  	s4 =	sadd.s32 $0x1, s4;
	s6 =	simm.s32 @!p1 $0x4;
	s8 =	sshrl.u32 @!p1 s7, $0x3  }
0x134: {  	s5 =	sadd.s32 $0x1, s5;
	s7 =	sand.u32 @!p1 $0x7, s7;
	s8 =	sadd.s32 @!p1 s1, s8  }
0x135: {  	[hbm4b:s8+s7] =	stream.linear.scatter @!p1 [tilespmem:s4], [sflag:$0x5], $0x1, $0x38;
	[tilespmem:$0x11A60] =	vst v63  }
.LBB2_24:
0x136: {  	s1 =	sadd.s32 s3, s6  }
0x137: {  	s3 =	sshrl.u32 s1, $0x2  }
.LBB2_25:
0x138: {  	s1 =	simm.s32 $0x5  }
0x139: {  	_ =	swait.ge [sflag:s1], s3  }
0x13a: {  	s2 =	ssub.s32 $0x0, s3;
	[sflag:s1] =	ssyncset.done $0x0  }
0x13b: {  	[sflag:s1] =	ssyncadd.s32 s2  }
0x13c: {  	[sflag:s1] =	ssyncpa.u1 $0x1  }
0x13d: {  	s30 =	simm.s32 $0x1;
	_ =	sfence  }
0x13e: {  	s31 =	simm.s32 $0x2;
	[sflag:s30] =	ssyncpa.u1 $0x1  }
0x13f: {  	[sflag:s31] =	ssyncpa.u1 $0x1  }
0x140: {  	_ =	strace $0x9000004A  }
0x141: {  	s0 =	sadd.s32 $0x100000, s0;
	[bflag:$0x2] =	sbarrier.arrive $0xFFFF  }
0x142: {  	[sflag:s0] =	ssyncadd.tile.s32 $0x1;
	_ =	shalt  }
.Lfunc_end2:
_tile_overlayer_lowered:
.L_overlay_start_2:
0x143: {  	(tag) =	ssettag $0x2  }
0x144: {  	s0 =	rddreg [dreg:$0x0];
	s2 =	stileid.u32  }
0x145: {  	s1 =	rddreg [dreg:$0x1];
	p0 =	sne.s32 s2, $0x0  }
0x146: {  	s3 =	rddreg [dreg:$0x2];
	[bflag:$0x3] =	sbarrier.arrive $0xFFFF;
	s2 =	simm.s32 @!p0 $0x1C01  }
0x147: {  	[timem:s3], [sflag:s2] =	dma.local @!p0 [hbm:s0], s1  }
0x148: {  	s0 =	simm.s32 @!p0 $0x1  }
0x149: {  	_ =	swait.ge @!p0 [sflag:s0], s1  }
0x14a: {  	s1 =	ssub.s32 @!p0 $0x0, s1;
	[sflag:s0] =	ssyncset.done @!p0 $0x0  }
0x14b: {  	[sflag:s0] =	ssyncadd.s32 @!p0 s1  }
0x14c: {  	[bflag:$0x3] =	sbarrier.arrive $0xFFFF  }
0x14d: {  	_ =	shalt  }

</sc_bundles>
